<compile_context>
chip_gen: v7x
topology: tpu7x:2x2x1
jax: 0.10.2.dev20260603
libtpu: 0.0.44.dev20260713+nightly
codegen_flags: <defaults>
</compile_context>

<pallas_src>
import functools

import jax
import jax.numpy as jnp
from jax import lax
from jax.experimental import pallas as pl
from jax.experimental.pallas import tpu as pltpu
from jax.experimental.pallas import tpu_sc as plsc

N = 10000
E = 320000
G = 64
H = 256
OUT = 120
SLOPE = (1.0 / 8.0 + 1.0 / 3.0) / 2.0

TILES = 16
EB = 64
CH = 16
NBUF = 4
STEPS = 320
E_PAD = TILES * EB * STEPS
STEPS1 = 160
E_PAD1 = 2 * TILES * EB * STEPS1
AGG_ROWS = 10240
DUMMY = N + 8
ZSTRIPE = AGG_ROWS // TILES
OSTRIPE = 624
OLAST = N - 15 * OSTRIPE


def _make_sc_agg(mode):
    steps = STEPS if mode == "feat" else STEPS1
    mesh = plsc.VectorSubcoreMesh(core_axis_name="c", subcore_axis_name="s")

    @functools.partial(
        pl.kernel,
        mesh=mesh,
        out_type=jax.ShapeDtypeStruct((2, N, 128), jnp.float32),
        scratch_types=[
            pltpu.VMEM((CH, EB), jnp.int32),
            pltpu.VMEM((CH, EB), jnp.int32),
            pltpu.VMEM((EB, 128), jnp.float32),
            pltpu.VMEM((EB, 128), jnp.float32),
            pltpu.VMEM((EB, 128), jnp.float32),
            pltpu.VMEM((EB, 128), jnp.float32),
            pltpu.VMEM_SHARED((AGG_ROWS, 128), jnp.float32),
            pltpu.SemaphoreType.DMA,
            pltpu.SemaphoreType.DMA,
            pltpu.SemaphoreType.DMA,
            pltpu.SemaphoreType.DMA,
        ],
    )
    def k(xs_hbm, src_hbm, dst_hbm, out_hbm, src_v, dst_v, rows_0, rows_1,
          rows_2, rows_3, agg_sh, sem_0, sem_1, sem_2, sem_3):
        rows = (rows_0, rows_1, rows_2, rows_3)
        sems = (sem_0, sem_1, sem_2, sem_3)
        rows_v = rows_0
        c = lax.axis_index("c")
        s = lax.axis_index("s")
        Dh = 128

        zero = jnp.zeros((16,), jnp.float32)

        def zb(i, carry):
            r = i // (Dh // 16)
            col = (i % (Dh // 16)) * 16
            rows_v[r, pl.ds(col, 16)] = zero
            return carry

        lax.fori_loop(0, EB * Dh // 16, zb, 0)

        base = s * ZSTRIPE
        for kk in range(ZSTRIPE // EB):
            pltpu.sync_copy(rows_v, agg_sh.at[pl.ds(base + kk * EB, EB)])
        plsc.subcore_barrier()

        def chunk(ci, carry):
            if mode == "feat":
                pltpu.sync_copy(src_hbm.at[c, s, pl.ds(ci * CH, CH)], src_v)
                pltpu.sync_copy(dst_hbm.at[s, pl.ds(ci * CH, CH)], dst_v)
            else:
                pltpu.sync_copy(src_hbm.at[c, s, pl.ds(ci * CH, CH)], src_v)
                pltpu.sync_copy(dst_hbm.at[c, s, pl.ds(ci * CH, CH)], dst_v)

            for p in range(NBUF - 1):
                pltpu.async_copy(xs_hbm.at[src_v.at[p]], rows[p], sems[p])

            def body(j, carry2):
                for slot in range(NBUF):
                    @pl.when(j % NBUF == slot)
                    def _(slot=slot):
                        pltpu.make_async_copy(xs_hbm.at[src_v.at[j]],
                                              rows[slot], sems[slot]).wait()
                        nxt = j + NBUF - 1
                        ns = (slot + NBUF - 1) % NBUF

                        @pl.when(nxt < CH)
                        def _():
                            pltpu.async_copy(xs_hbm.at[src_v.at[nxt]],
                                             rows[ns], sems[ns])

                        pltpu.sync_copy(rows[slot], agg_sh.at[dst_v.at[j]],
                                        add=True)

                return carry2

            lax.fori_loop(0, CH, body, 0)
            return carry

        lax.fori_loop(0, steps // CH, chunk, 0)
        plsc.subcore_barrier()

        @pl.when(s < 15)
        def _():
            pltpu.sync_copy(agg_sh.at[pl.ds(s * OSTRIPE, OSTRIPE)],
                            out_hbm.at[c, pl.ds(s * OSTRIPE, OSTRIPE)])

        @pl.when(s == 15)
        def _():
            pltpu.sync_copy(agg_sh.at[pl.ds(15 * OSTRIPE, OLAST)],
                            out_hbm.at[c, pl.ds(15 * OSTRIPE, OLAST)])

    return k


_sc_agg_edge = _make_sc_agg("edge")
_sc_agg_feat = _make_sc_agg("feat")


def _mlp_call(xs, ag, W1, b1, W2, b2, first=False):
    D = W1.shape[0]
    BN = 1000
    grid = (N // BN,)

    def body(x_ref, a_ref, w1_ref, b1_ref, w2_ref, b2_ref, y_ref):
        if first:
            h = x_ref[...] + a_ref[0] + a_ref[1]
        else:
            xb = jnp.concatenate([x_ref[0], x_ref[1]], axis=1)
            ab = jnp.concatenate([a_ref[0], a_ref[1]], axis=1)
            h = xb + ab
        t = jnp.maximum(
            jnp.dot(h, w1_ref[...], preferred_element_type=jnp.float32)
            + b1_ref[...], 0.0)
        o = jnp.dot(t, w2_ref[...], preferred_element_type=jnp.float32) \
            + b2_ref[...]
        o = jnp.where(o >= 0, o, o * SLOPE)
        y_ref[0] = o[:, :H // 2]
        y_ref[1] = o[:, H // 2:]

    x_spec = (pl.BlockSpec((BN, 128), lambda i: (i, 0)) if first
              else pl.BlockSpec((2, BN, 128), lambda i: (0, i, 0)))
    return pl.pallas_call(
        body,
        grid=grid,
        in_specs=[
            x_spec,
            pl.BlockSpec((2, BN, 128), lambda i: (0, i, 0)),
            pl.BlockSpec((D, H), lambda i: (0, 0)),
            pl.BlockSpec((1, H), lambda i: (0, 0)),
            pl.BlockSpec((H, H), lambda i: (0, 0)),
            pl.BlockSpec((1, H), lambda i: (0, 0)),
        ],
        out_specs=pl.BlockSpec((2, BN, H // 2), lambda i: (0, i, 0)),
        out_shape=jax.ShapeDtypeStruct((2, N, H // 2), jnp.float32),
    )(xs, ag, W1, b1.reshape(1, H), W2, b2.reshape(1, H))


def _final_call(xs, batch2d, lin_W, lin_b, ln_g, ln_b, p1_W, p1_b, p2_W, p2_b):
    BN = 1000
    GRID = N // BN

    def body(x_ref, b_ref, linW_ref, linb_ref, lng_ref, lnb_ref,
             p1W_ref, p1b_ref, p2W_ref, p2b_ref, z_ref, pooled, cnt):
        i = pl.program_id(0)
        xb = jnp.concatenate([x_ref[0], x_ref[1]], axis=1)
        oh = (b_ref[...] == lax.broadcasted_iota(jnp.int32, (BN, G), 1)
              ).astype(jnp.float32)
        pooled_blk = lax.dot_general(
            oh, xb, (((0,), (0,)), ((), ())),
            preferred_element_type=jnp.float32)
        cnt_blk = lax.dot_general(
            oh, jnp.ones((BN, 8), jnp.float32), (((0,), (0,)), ((), ())),
            preferred_element_type=jnp.float32)

        @pl.when(i == 0)
        def _():
            pooled[...] = pooled_blk
            cnt[...] = cnt_blk

        @pl.when(i > 0)
        def _():
            pooled[...] += pooled_blk
            cnt[...] += cnt_blk

        @pl.when(i == GRID - 1)
        def _():
            p = jnp.dot(pooled[...], linW_ref[...],
                        preferred_element_type=jnp.float32) \
                + cnt[...][:, :1] * linb_ref[...]
            mu = jnp.mean(p, axis=1, keepdims=True)
            var = jnp.mean((p - mu) ** 2, axis=1, keepdims=True)
            hh = (p - mu) / jnp.sqrt(var + 1e-5) * lng_ref[...] + lnb_ref[...]
            a = jnp.dot(hh, p1W_ref[...],
                        preferred_element_type=jnp.float32) + p1b_ref[...]
            a = jnp.where(a >= 0, a, a * SLOPE)
            z_ref[...] = jnp.dot(a, p2W_ref[...],
                                 preferred_element_type=jnp.float32) \
                + p2b_ref[...]

    return pl.pallas_call(
        body,
        grid=(GRID,),
        in_specs=[
            pl.BlockSpec((2, BN, H // 2), lambda i: (0, i, 0)),
            pl.BlockSpec((BN, 1), lambda i: (i, 0)),
            pl.BlockSpec((H, OUT), lambda i: (0, 0)),
            pl.BlockSpec((1, OUT), lambda i: (0, 0)),
            pl.BlockSpec((1, OUT), lambda i: (0, 0)),
            pl.BlockSpec((1, OUT), lambda i: (0, 0)),
            pl.BlockSpec((OUT, 256), lambda i: (0, 0)),
            pl.BlockSpec((1, 256), lambda i: (0, 0)),
            pl.BlockSpec((256, OUT), lambda i: (0, 0)),
            pl.BlockSpec((1, OUT), lambda i: (0, 0)),
        ],
        out_specs=pl.BlockSpec((G, OUT), lambda i: (0, 0)),
        out_shape=jax.ShapeDtypeStruct((G, OUT), jnp.float32),
        scratch_shapes=[
            pltpu.VMEM((G, 256), jnp.float32),
            pltpu.VMEM((G, 8), jnp.float32),
        ],
    )(xs, batch2d, lin_W, lin_b.reshape(1, OUT), ln_g.reshape(1, OUT),
      ln_b.reshape(1, OUT), p1_W, p1_b.reshape(1, 256), p2_W,
      p2_b.reshape(1, OUT))


def kernel(x, edge_index, batch,
           gin1_W1, gin1_b1, gin1_W2, gin1_b2,
           gin2_W1, gin2_b1, gin2_W2, gin2_b2,
           gin3_W1, gin3_b1, gin3_W2, gin3_b2,
           gin4_W1, gin4_b1, gin4_W2, gin4_b2,
           gin5_W1, gin5_b1, gin5_W2, gin5_b2,
           lin_W, lin_b, ln_g, ln_b,
           p1_W, p1_b, p2_W, p2_b):
    src = edge_index[0]
    dst = edge_index[1]
    pad1 = E_PAD1 - E
    src1 = jnp.concatenate([src, jnp.zeros((pad1,), jnp.int32)])
    dst1 = jnp.concatenate([dst, jnp.full((pad1,), DUMMY, jnp.int32)])
    src1 = src1.reshape(2, TILES, STEPS1, EB)
    dst1 = dst1.reshape(2, TILES, STEPS1, EB)
    pad = E_PAD - E
    src_p = jnp.concatenate([src, jnp.zeros((pad,), jnp.int32)])
    dst_p = jnp.concatenate([dst, jnp.full((pad,), DUMMY, jnp.int32)])
    src2 = jnp.stack([src_p, src_p + N]).reshape(2, TILES, STEPS, EB)
    dst2 = dst_p.reshape(TILES, STEPS, EB)

    ag = _sc_agg_edge(x, src1, dst1)
    xs = _mlp_call(x, ag, gin1_W1, gin1_b1, gin1_W2, gin1_b2, first=True)

    for (W1, b1, W2, b2) in ((gin2_W1, gin2_b1, gin2_W2, gin2_b2),
                             (gin3_W1, gin3_b1, gin3_W2, gin3_b2),
                             (gin4_W1, gin4_b1, gin4_W2, gin4_b2),
                             (gin5_W1, gin5_b1, gin5_W2, gin5_b2)):
        ag = _sc_agg_feat(xs.reshape(2 * N, 128), src2, dst2)
        xs = _mlp_call(xs, ag, W1, b1, W2, b2)

    return _final_call(xs, batch.reshape(N, 1), lin_W, lin_b, ln_g, ln_b,
                       p1_W, p1_b, p2_W, p2_b)

# --- scband reference (transcript-rebuilt; emitter-appended) ---
"""Pipeline reference for scband-graphcl-82145544503554 (READ-ONLY COPY).

The authoritative reference and input builder live on the scoring server;
editing this copy changes nothing except your own understanding.
"""

import jax, jax.numpy as jnp
import numpy as np

N = 10000
E = 320000
D_IN = 128
H = 256
OUT = 120
G = 64
SLOPE = (1.0 / 8.0 + 1.0 / 3.0) / 2.0  # RReLU eval-mode negative slope

FLOAT_KEYS = ["x"] + [f"gin{i}_{n}" for i in range(1, 6) for n in ["W1", "b1", "W2", "b2"]] + [
    "lin_W", "lin_b", "ln_g", "ln_b", "p1_W", "p1_b", "p2_W", "p2_b"]


def rrelu(x):
    return jnp.where(x >= 0, x, x * SLOPE)


def setup_inputs(seed: int = 0) -> dict:
    key = jax.random.key(seed)
    ks = iter(jax.random.split(key, 40))
    inp = {}
    inp["x"] = jax.random.normal(next(ks), (N, D_IN), dtype=jnp.float32)
    inp["edge_index"] = jax.random.randint(next(ks), (2, E), 0, N, dtype=jnp.int32)
    inp["batch"] = jnp.sort(jax.random.randint(next(ks), (N,), 0, G, dtype=jnp.int32))
    for i in range(1, 6):
        din = D_IN if i == 1 else H
        inp[f"gin{i}_W1"] = jax.random.normal(next(ks), (din, H), dtype=jnp.float32) * 0.05
        inp[f"gin{i}_b1"] = jnp.zeros((H,), dtype=jnp.float32)
        inp[f"gin{i}_W2"] = jax.random.normal(next(ks), (H, H), dtype=jnp.float32) * 0.05
        inp[f"gin{i}_b2"] = jnp.zeros((H,), dtype=jnp.float32)
    inp["lin_W"] = jax.random.normal(next(ks), (H, OUT), dtype=jnp.float32) * 0.05
    inp["lin_b"] = jnp.zeros((OUT,), dtype=jnp.float32)
    inp["ln_g"] = jnp.ones((OUT,), dtype=jnp.float32)
    inp["ln_b"] = jnp.zeros((OUT,), dtype=jnp.float32)
    inp["p1_W"] = jax.random.normal(next(ks), (OUT, 256), dtype=jnp.float32) * 0.05
    inp["p1_b"] = jnp.zeros((256,), dtype=jnp.float32)
    inp["p2_W"] = jax.random.normal(next(ks), (256, OUT), dtype=jnp.float32) * 0.05
    inp["p2_b"] = jnp.zeros((OUT,), dtype=jnp.float32)
    return inp


def _forward(p):
    x = p["x"]
    src = p["edge_index"][0]
    dst = p["edge_index"][1]
    batch = p["batch"]
    # 5 x GINConv (eps=0): h_i = MLP(x_i + sum_{j->i} x_j), MLP = Linear-ReLU-Linear, then RReLU
    for i in range(1, 6):
        agg = jax.ops.segment_sum(x[src], dst, num_segments=N)
        h = x + agg
        h = jnp.maximum(h @ p[f"gin{i}_W1"] + p[f"gin{i}_b1"], 0.0) @ p[f"gin{i}_W2"] + p[f"gin{i}_b2"]
        x = rrelu(h)
    # final node-level linear
    x = x @ p["lin_W"] + p["lin_b"]
    # global_add_pool over per-graph segments
    pooled = jax.ops.segment_sum(x, batch, num_segments=G)
    # LayerNorm(out_dim)
    mu = pooled.mean(axis=-1, keepdims=True)
    var = pooled.var(axis=-1, keepdims=True)
    h = (pooled - mu) / jnp.sqrt(var + 1e-5) * p["ln_g"] + p["ln_b"]
    # projection head: Linear -> RReLU -> (Dropout=id in eval) -> Linear
    z = rrelu(h @ p["p1_W"] + p["p1_b"]) @ p["p2_W"] + p["p2_b"]
    return z


def reference(x, edge_index, batch,
              gin1_W1, gin1_b1, gin1_W2, gin1_b2,
              gin2_W1, gin2_b1, gin2_W2, gin2_b2,
              gin3_W1, gin3_b1, gin3_W2, gin3_b2,
              gin4_W1, gin4_b1, gin4_W2, gin4_b2,
              gin5_W1, gin5_b1, gin5_W2, gin5_b2,
              lin_W, lin_b, ln_g, ln_b,
              p1_W, p1_b, p2_W, p2_b):
    return _forward(dict(locals()))

if __name__ == "__main__":
    import jax
    _d = setup_inputs()
    print(jax.jit(kernel)(*tuple(_d.values())))

</pallas_src>

<mosaic_0001>
#map = affine_map<(d0, d1) -> (0, 0)>
#map1 = affine_map<(d0, d1) -> (0, 0, 0, 0)>
#map2 = affine_map<(d0, d1) -> (0, 0, 0)>
module attributes {stable_mosaic.version = 14 : i64} {
  func.func @k(%arg0: i32, %arg1: i32, %arg2: memref<10000x128xf32, #tpu.memory_space<hbm>>, %arg3: memref<2x16x160x64xi32, #tpu.memory_space<hbm>>, %arg4: memref<2x16x160x64xi32, #tpu.memory_space<hbm>>, %arg5: memref<2x10000x128xf32, #tpu.memory_space<hbm>>, %arg6: memref<16x64xi32, #tpu.memory_space<vmem>>, %arg7: memref<16x64xi32, #tpu.memory_space<vmem>>, %arg8: memref<64x128xf32, #tpu.memory_space<vmem>>, %arg9: memref<64x128xf32, #tpu.memory_space<vmem>>, %arg10: memref<64x128xf32, #tpu.memory_space<vmem>>, %arg11: memref<64x128xf32, #tpu.memory_space<vmem>>, %arg12: memref<10240x128xf32, #tpu.memory_space<vmem_shared>>, %arg13: memref<!tpu.dma_semaphore, #tpu.memory_space<semaphore_mem>>, %arg14: memref<!tpu.dma_semaphore, #tpu.memory_space<semaphore_mem>>, %arg15: memref<!tpu.dma_semaphore, #tpu.memory_space<semaphore_mem>>, %arg16: memref<!tpu.dma_semaphore, #tpu.memory_space<semaphore_mem>>) attributes {dimension_semantics = [#tpu.dimension_semantics<core_parallel>, #tpu.dimension_semantics<subcore_parallel>], iteration_bounds = array<i64: 2, 16>, scalar_prefetch = 0 : i64, scratch_operands = 11 : i64, tpu.core_type = #tpu.core_type<sc_vector_subcore>, window_params = [{transform_indices = #map}, {transform_indices = #map1}, {transform_indices = #map1}, {transform_indices = #map2}]} {
    %broadcast_in_dim3A = arith.constant 0.000000e+00 : f32
    %broadcast_in_dim3A_0 = vector.broadcast %broadcast_in_dim3A : f32 to vector<16xf32>
    %scan3A = arith.constant 0 : i32
    %scan3A_1 = arith.constant 0 : i32
    %scan3A_2 = arith.constant 512 : i32
    %scan3A_3 = arith.addi %scan3A_1, %scan3A_2 : i32
    %scan3A_4 = arith.constant 1 : i32
    scf.for %scan3A_39 = %scan3A_1 to %scan3A_3 step %scan3A_4  : i32 {
      %jit3A = arith.constant 8 : i32
      %div3A = arith.divsi %scan3A_39, %jit3A : i32
      %sign3A = arith.constant 0 : i32
      %sign3A_40 = arith.cmpi sgt, %scan3A_39, %sign3A : i32
      %sign3A_41 = arith.extui %sign3A_40 : i1 to i32
      %sign3A_42 = arith.constant 0 : i32
      %sign3A_43 = arith.cmpi slt, %scan3A_39, %sign3A_42 : i32
      %sign3A_44 = arith.extui %sign3A_43 : i1 to i32
      %sign3A_45 = arith.subi %sign3A_41, %sign3A_44 : i32
      %sign3A_46 = arith.constant 0 : i32
      %sign3A_47 = arith.cmpi sgt, %jit3A, %sign3A_46 : i32
      %sign3A_48 = arith.extui %sign3A_47 : i1 to i32
      %sign3A_49 = arith.constant 0 : i32
      %sign3A_50 = arith.cmpi slt, %jit3A, %sign3A_49 : i32
      %sign3A_51 = arith.extui %sign3A_50 : i1 to i32
      %sign3A_52 = arith.subi %sign3A_48, %sign3A_51 : i32
      %ne3A = arith.cmpi ne, %sign3A_45, %sign3A_52 : i32
      %rem3A = arith.remsi %scan3A_39, %jit3A : i32
      %ne3A_53 = arith.constant 0 : i32
      %ne3A_54 = arith.cmpi ne, %rem3A, %ne3A_53 : i32
      %and3A = arith.andi %ne3A, %ne3A_54 : i1
      %sub3A = arith.constant 1 : i32
      %sub3A_55 = arith.subi %div3A, %sub3A : i32
      %select_n3A = arith.select %and3A, %sub3A_55, %div3A : i32
      %jit3A_56 = arith.constant 8 : i32
      %eq3A_57 = arith.constant 0 : i32
      %eq3A_58 = arith.cmpi eq, %jit3A_56, %eq3A_57 : i32
      %jit3A_59 = arith.constant 1 : i32
      %select_n3A_60 = arith.select %eq3A_58, %jit3A_59, %jit3A_56 : i32
      %rem3A_61 = arith.remsi %scan3A_39, %select_n3A_60 : i32
      %ne3A_62 = arith.constant 0 : i32
      %ne3A_63 = arith.cmpi ne, %rem3A_61, %ne3A_62 : i32
      %lt3A_64 = arith.constant 0 : i32
      %lt3A_65 = arith.cmpi slt, %rem3A_61, %lt3A_64 : i32
      %lt3A_66 = arith.constant 0 : i32
      %lt3A_67 = arith.cmpi slt, %select_n3A_60, %lt3A_66 : i32
      %ne3A_68 = arith.xori %lt3A_65, %lt3A_67 : i1
      %and3A_69 = arith.andi %ne3A_68, %ne3A_63 : i1
      %add3A_70 = arith.addi %rem3A_61, %select_n3A_60 : i32
      %select_n3A_71 = arith.select %and3A_69, %add3A_70, %rem3A_61 : i32
      %mul3A_72 = arith.constant 16 : i32
      %mul3A_73 = arith.muli %select_n3A_71, %mul3A_72 : i32
      %swap3A = arith.index_cast %select_n3A : i32 to index
      %swap3A_74 = arith.index_cast %mul3A_73 : i32 to index
      %swap3A_75 = tpu.vector_load %arg8[%swap3A, %swap3A_74] {strides = array<i32>} : memref<64x128xf32, #tpu.memory_space<vmem>>, vector<1x16xf32>,
      %swap3A_76 = vector.shape_cast %swap3A_75 : vector<1x16xf32> to vector<16xf32>
      %swap3A_77 = vector.shape_cast %broadcast_in_dim3A_0 : vector<16xf32> to vector<1x16xf32>
      tpu.vector_store %arg8[%swap3A, %swap3A_74], %swap3A_77 {strides = array<i32>} : memref<64x128xf32, #tpu.memory_space<vmem>>, vector<1x16xf32>,
    }
    %scan3A_5 = arith.constant 512 : i32
    %mul3A = arith.constant 640 : i32
    %mul3A_6 = arith.muli %arg1, %mul3A : i32
    %add3A = arith.constant 0 : i32
    %add3A_7 = arith.addi %mul3A_6, %add3A : i32
    "tpu.region"() ({
      %run_scoped3A = tpu.sem_alloc : memref<!tpu.dma_semaphore, #tpu.memory_space<semaphore_mem>>
      %dma_start3A = arith.constant 0 : i32
      %dma_start3A_39 = tpu.memref_slice %arg12[%add3A_7, %dma_start3A] : memref<10240x128xf32, #tpu.memory_space<vmem_shared>> -> memref<64x128xf32, #tpu.memory_space<vmem_shared>>
      %dma_start3A_40 = arith.constant 0 : i32
      %dma_start3A_41 = tpu.memref_slice %arg12[%add3A_7, %dma_start3A_40] : memref<10240x128xf32, #tpu.memory_space<vmem_shared>> -> memref<64x128xf32, #tpu.memory_space<vmem_shared>>
      tpu.enqueue_dma source(%arg8 : memref<64x128xf32, #tpu.memory_space<vmem>>) target(%dma_start3A_41 : memref<64x128xf32, #tpu.memory_space<vmem_shared>>) target_semaphore(%run_scoped3A : memref<!tpu.dma_semaphore, #tpu.memory_space<semaphore_mem>>)
      %dma_wait3A = arith.constant 0 : i32
      %dma_wait3A_42 = tpu.memref_slice %arg12[%add3A_7, %dma_wait3A] : memref<10240x128xf32, #tpu.memory_space<vmem_shared>> -> memref<64x128xf32, #tpu.memory_space<vmem_shared>>
      %dma_wait3A_43 = arith.constant 0 : i32
      %dma_wait3A_44 = tpu.memref_slice %arg12[%add3A_7, %dma_wait3A_43] : memref<10240x128xf32, #tpu.memory_space<vmem_shared>> -> memref<64x128xf32, #tpu.memory_space<vmem_shared>>
      tpu.wait_dma2 semaphore(%run_scoped3A : memref<!tpu.dma_semaphore, #tpu.memory_space<semaphore_mem>>) src(%arg8 : memref<64x128xf32, #tpu.memory_space<vmem>>) dst(%dma_wait3A_44 : memref<64x128xf32, #tpu.memory_space<vmem_shared>>)
      tpu.yield
    }) : () -> ()
    %add3A_8 = arith.constant 64 : i32
    %add3A_9 = arith.addi %mul3A_6, %add3A_8 : i32
    "tpu.region"() ({
      %run_scoped3A = tpu.sem_alloc : memref<!tpu.dma_semaphore, #tpu.memory_space<semaphore_mem>>
      %dma_start3A = arith.constant 0 : i32
      %dma_start3A_39 = tpu.memref_slice %arg12[%add3A_9, %dma_start3A] : memref<10240x128xf32, #tpu.memory_space<vmem_shared>> -> memref<64x128xf32, #tpu.memory_space<vmem_shared>>
      %dma_start3A_40 = arith.constant 0 : i32
      %dma_start3A_41 = tpu.memref_slice %arg12[%add3A_9, %dma_start3A_40] : memref<10240x128xf32, #tpu.memory_space<vmem_shared>> -> memref<64x128xf32, #tpu.memory_space<vmem_shared>>
      tpu.enqueue_dma source(%arg8 : memref<64x128xf32, #tpu.memory_space<vmem>>) target(%dma_start3A_41 : memref<64x128xf32, #tpu.memory_space<vmem_shared>>) target_semaphore(%run_scoped3A : memref<!tpu.dma_semaphore, #tpu.memory_space<semaphore_mem>>)
      %dma_wait3A = arith.constant 0 : i32
      %dma_wait3A_42 = tpu.memref_slice %arg12[%add3A_9, %dma_wait3A] : memref<10240x128xf32, #tpu.memory_space<vmem_shared>> -> memref<64x128xf32, #tpu.memory_space<vmem_shared>>
      %dma_wait3A_43 = arith.constant 0 : i32
      %dma_wait3A_44 = tpu.memref_slice %arg12[%add3A_9, %dma_wait3A_43] : memref<10240x128xf32, #tpu.memory_space<vmem_shared>> -> memref<64x128xf32, #tpu.memory_space<vmem_shared>>
      tpu.wait_dma2 semaphore(%run_scoped3A : memref<!tpu.dma_semaphore, #tpu.memory_space<semaphore_mem>>) src(%arg8 : memref<64x128xf32, #tpu.memory_space<vmem>>) dst(%dma_wait3A_44 : memref<64x128xf32, #tpu.memory_space<vmem_shared>>)
      tpu.yield
    }) : () -> ()
    %add3A_10 = arith.constant 128 : i32
    %add3A_11 = arith.addi %mul3A_6, %add3A_10 : i32
    "tpu.region"() ({
      %run_scoped3A = tpu.sem_alloc : memref<!tpu.dma_semaphore, #tpu.memory_space<semaphore_mem>>
      %dma_start3A = arith.constant 0 : i32
      %dma_start3A_39 = tpu.memref_slice %arg12[%add3A_11, %dma_start3A] : memref<10240x128xf32, #tpu.memory_space<vmem_shared>> -> memref<64x128xf32, #tpu.memory_space<vmem_shared>>
      %dma_start3A_40 = arith.constant 0 : i32
      %dma_start3A_41 = tpu.memref_slice %arg12[%add3A_11, %dma_start3A_40] : memref<10240x128xf32, #tpu.memory_space<vmem_shared>> -> memref<64x128xf32, #tpu.memory_space<vmem_shared>>
      tpu.enqueue_dma source(%arg8 : memref<64x128xf32, #tpu.memory_space<vmem>>) target(%dma_start3A_41 : memref<64x128xf32, #tpu.memory_space<vmem_shared>>) target_semaphore(%run_scoped3A : memref<!tpu.dma_semaphore, #tpu.memory_space<semaphore_mem>>)
      %dma_wait3A = arith.constant 0 : i32
      %dma_wait3A_42 = tpu.memref_slice %arg12[%add3A_11, %dma_wait3A] : memref<10240x128xf32, #tpu.memory_space<vmem_shared>> -> memref<64x128xf32, #tpu.memory_space<vmem_shared>>
      %dma_wait3A_43 = arith.constant 0 : i32
      %dma_wait3A_44 = tpu.memref_slice %arg12[%add3A_11, %dma_wait3A_43] : memref<10240x128xf32, #tpu.memory_space<vmem_shared>> -> memref<64x128xf32, #tpu.memory_space<vmem_shared>>
      tpu.wait_dma2 semaphore(%run_scoped3A : memref<!tpu.dma_semaphore, #tpu.memory_space<semaphore_mem>>) src(%arg8 : memref<64x128xf32, #tpu.memory_space<vmem>>) dst(%dma_wait3A_44 : memref<64x128xf32, #tpu.memory_space<vmem_shared>>)
      tpu.yield
    }) : () -> ()
    %add3A_12 = arith.constant 192 : i32
    %add3A_13 = arith.addi %mul3A_6, %add3A_12 : i32
    "tpu.region"() ({
      %run_scoped3A = tpu.sem_alloc : memref<!tpu.dma_semaphore, #tpu.memory_space<semaphore_mem>>
      %dma_start3A = arith.constant 0 : i32
      %dma_start3A_39 = tpu.memref_slice %arg12[%add3A_13, %dma_start3A] : memref<10240x128xf32, #tpu.memory_space<vmem_shared>> -> memref<64x128xf32, #tpu.memory_space<vmem_shared>>
      %dma_start3A_40 = arith.constant 0 : i32
      %dma_start3A_41 = tpu.memref_slice %arg12[%add3A_13, %dma_start3A_40] : memref<10240x128xf32, #tpu.memory_space<vmem_shared>> -> memref<64x128xf32, #tpu.memory_space<vmem_shared>>
      tpu.enqueue_dma source(%arg8 : memref<64x128xf32, #tpu.memory_space<vmem>>) target(%dma_start3A_41 : memref<64x128xf32, #tpu.memory_space<vmem_shared>>) target_semaphore(%run_scoped3A : memref<!tpu.dma_semaphore, #tpu.memory_space<semaphore_mem>>)
      %dma_wait3A = arith.constant 0 : i32
      %dma_wait3A_42 = tpu.memref_slice %arg12[%add3A_13, %dma_wait3A] : memref<10240x128xf32, #tpu.memory_space<vmem_shared>> -> memref<64x128xf32, #tpu.memory_space<vmem_shared>>
      %dma_wait3A_43 = arith.constant 0 : i32
      %dma_wait3A_44 = tpu.memref_slice %arg12[%add3A_13, %dma_wait3A_43] : memref<10240x128xf32, #tpu.memory_space<vmem_shared>> -> memref<64x128xf32, #tpu.memory_space<vmem_shared>>
      tpu.wait_dma2 semaphore(%run_scoped3A : memref<!tpu.dma_semaphore, #tpu.memory_space<semaphore_mem>>) src(%arg8 : memref<64x128xf32, #tpu.memory_space<vmem>>) dst(%dma_wait3A_44 : memref<64x128xf32, #tpu.memory_space<vmem_shared>>)
      tpu.yield
    }) : () -> ()
    %add3A_14 = arith.constant 256 : i32
    %add3A_15 = arith.addi %mul3A_6, %add3A_14 : i32
    "tpu.region"() ({
      %run_scoped3A = tpu.sem_alloc : memref<!tpu.dma_semaphore, #tpu.memory_space<semaphore_mem>>
      %dma_start3A = arith.constant 0 : i32
      %dma_start3A_39 = tpu.memref_slice %arg12[%add3A_15, %dma_start3A] : memref<10240x128xf32, #tpu.memory_space<vmem_shared>> -> memref<64x128xf32, #tpu.memory_space<vmem_shared>>
      %dma_start3A_40 = arith.constant 0 : i32
      %dma_start3A_41 = tpu.memref_slice %arg12[%add3A_15, %dma_start3A_40] : memref<10240x128xf32, #tpu.memory_space<vmem_shared>> -> memref<64x128xf32, #tpu.memory_space<vmem_shared>>
      tpu.enqueue_dma source(%arg8 : memref<64x128xf32, #tpu.memory_space<vmem>>) target(%dma_start3A_41 : memref<64x128xf32, #tpu.memory_space<vmem_shared>>) target_semaphore(%run_scoped3A : memref<!tpu.dma_semaphore, #tpu.memory_space<semaphore_mem>>)
      %dma_wait3A = arith.constant 0 : i32
      %dma_wait3A_42 = tpu.memref_slice %arg12[%add3A_15, %dma_wait3A] : memref<10240x128xf32, #tpu.memory_space<vmem_shared>> -> memref<64x128xf32, #tpu.memory_space<vmem_shared>>
      %dma_wait3A_43 = arith.constant 0 : i32
      %dma_wait3A_44 = tpu.memref_slice %arg12[%add3A_15, %dma_wait3A_43] : memref<10240x128xf32, #tpu.memory_space<vmem_shared>> -> memref<64x128xf32, #tpu.memory_space<vmem_shared>>
      tpu.wait_dma2 semaphore(%run_scoped3A : memref<!tpu.dma_semaphore, #tpu.memory_space<semaphore_mem>>) src(%arg8 : memref<64x128xf32, #tpu.memory_space<vmem>>) dst(%dma_wait3A_44 : memref<64x128xf32, #tpu.memory_space<vmem_shared>>)
      tpu.yield
    }) : () -> ()
    %add3A_16 = arith.constant 320 : i32
    %add3A_17 = arith.addi %mul3A_6, %add3A_16 : i32
    "tpu.region"() ({
      %run_scoped3A = tpu.sem_alloc : memref<!tpu.dma_semaphore, #tpu.memory_space<semaphore_mem>>
      %dma_start3A = arith.constant 0 : i32
      %dma_start3A_39 = tpu.memref_slice %arg12[%add3A_17, %dma_start3A] : memref<10240x128xf32, #tpu.memory_space<vmem_shared>> -> memref<64x128xf32, #tpu.memory_space<vmem_shared>>
      %dma_start3A_40 = arith.constant 0 : i32
      %dma_start3A_41 = tpu.memref_slice %arg12[%add3A_17, %dma_start3A_40] : memref<10240x128xf32, #tpu.memory_space<vmem_shared>> -> memref<64x128xf32, #tpu.memory_space<vmem_shared>>
      tpu.enqueue_dma source(%arg8 : memref<64x128xf32, #tpu.memory_space<vmem>>) target(%dma_start3A_41 : memref<64x128xf32, #tpu.memory_space<vmem_shared>>) target_semaphore(%run_scoped3A : memref<!tpu.dma_semaphore, #tpu.memory_space<semaphore_mem>>)
      %dma_wait3A = arith.constant 0 : i32
      %dma_wait3A_42 = tpu.memref_slice %arg12[%add3A_17, %dma_wait3A] : memref<10240x128xf32, #tpu.memory_space<vmem_shared>> -> memref<64x128xf32, #tpu.memory_space<vmem_shared>>
      %dma_wait3A_43 = arith.constant 0 : i32
      %dma_wait3A_44 = tpu.memref_slice %arg12[%add3A_17, %dma_wait3A_43] : memref<10240x128xf32, #tpu.memory_space<vmem_shared>> -> memref<64x128xf32, #tpu.memory_space<vmem_shared>>
      tpu.wait_dma2 semaphore(%run_scoped3A : memref<!tpu.dma_semaphore, #tpu.memory_space<semaphore_mem>>) src(%arg8 : memref<64x128xf32, #tpu.memory_space<vmem>>) dst(%dma_wait3A_44 : memref<64x128xf32, #tpu.memory_space<vmem_shared>>)
      tpu.yield
    }) : () -> ()
    %add3A_18 = arith.constant 384 : i32
    %add3A_19 = arith.addi %mul3A_6, %add3A_18 : i32
    "tpu.region"() ({
      %run_scoped3A = tpu.sem_alloc : memref<!tpu.dma_semaphore, #tpu.memory_space<semaphore_mem>>
      %dma_start3A = arith.constant 0 : i32
      %dma_start3A_39 = tpu.memref_slice %arg12[%add3A_19, %dma_start3A] : memref<10240x128xf32, #tpu.memory_space<vmem_shared>> -> memref<64x128xf32, #tpu.memory_space<vmem_shared>>
      %dma_start3A_40 = arith.constant 0 : i32
      %dma_start3A_41 = tpu.memref_slice %arg12[%add3A_19, %dma_start3A_40] : memref<10240x128xf32, #tpu.memory_space<vmem_shared>> -> memref<64x128xf32, #tpu.memory_space<vmem_shared>>
      tpu.enqueue_dma source(%arg8 : memref<64x128xf32, #tpu.memory_space<vmem>>) target(%dma_start3A_41 : memref<64x128xf32, #tpu.memory_space<vmem_shared>>) target_semaphore(%run_scoped3A : memref<!tpu.dma_semaphore, #tpu.memory_space<semaphore_mem>>)
      %dma_wait3A = arith.constant 0 : i32
      %dma_wait3A_42 = tpu.memref_slice %arg12[%add3A_19, %dma_wait3A] : memref<10240x128xf32, #tpu.memory_space<vmem_shared>> -> memref<64x128xf32, #tpu.memory_space<vmem_shared>>
      %dma_wait3A_43 = arith.constant 0 : i32
      %dma_wait3A_44 = tpu.memref_slice %arg12[%add3A_19, %dma_wait3A_43] : memref<10240x128xf32, #tpu.memory_space<vmem_shared>> -> memref<64x128xf32, #tpu.memory_space<vmem_shared>>
      tpu.wait_dma2 semaphore(%run_scoped3A : memref<!tpu.dma_semaphore, #tpu.memory_space<semaphore_mem>>) src(%arg8 : memref<64x128xf32, #tpu.memory_space<vmem>>) dst(%dma_wait3A_44 : memref<64x128xf32, #tpu.memory_space<vmem_shared>>)
      tpu.yield
    }) : () -> ()
    %add3A_20 = arith.constant 448 : i32
    %add3A_21 = arith.addi %mul3A_6, %add3A_20 : i32
    "tpu.region"() ({
      %run_scoped3A = tpu.sem_alloc : memref<!tpu.dma_semaphore, #tpu.memory_space<semaphore_mem>>
      %dma_start3A = arith.constant 0 : i32
      %dma_start3A_39 = tpu.memref_slice %arg12[%add3A_21, %dma_start3A] : memref<10240x128xf32, #tpu.memory_space<vmem_shared>> -> memref<64x128xf32, #tpu.memory_space<vmem_shared>>
      %dma_start3A_40 = arith.constant 0 : i32
      %dma_start3A_41 = tpu.memref_slice %arg12[%add3A_21, %dma_start3A_40] : memref<10240x128xf32, #tpu.memory_space<vmem_shared>> -> memref<64x128xf32, #tpu.memory_space<vmem_shared>>
      tpu.enqueue_dma source(%arg8 : memref<64x128xf32, #tpu.memory_space<vmem>>) target(%dma_start3A_41 : memref<64x128xf32, #tpu.memory_space<vmem_shared>>) target_semaphore(%run_scoped3A : memref<!tpu.dma_semaphore, #tpu.memory_space<semaphore_mem>>)
      %dma_wait3A = arith.constant 0 : i32
      %dma_wait3A_42 = tpu.memref_slice %arg12[%add3A_21, %dma_wait3A] : memref<10240x128xf32, #tpu.memory_space<vmem_shared>> -> memref<64x128xf32, #tpu.memory_space<vmem_shared>>
      %dma_wait3A_43 = arith.constant 0 : i32
      %dma_wait3A_44 = tpu.memref_slice %arg12[%add3A_21, %dma_wait3A_43] : memref<10240x128xf32, #tpu.memory_space<vmem_shared>> -> memref<64x128xf32, #tpu.memory_space<vmem_shared>>
      tpu.wait_dma2 semaphore(%run_scoped3A : memref<!tpu.dma_semaphore, #tpu.memory_space<semaphore_mem>>) src(%arg8 : memref<64x128xf32, #tpu.memory_space<vmem>>) dst(%dma_wait3A_44 : memref<64x128xf32, #tpu.memory_space<vmem_shared>>)
      tpu.yield
    }) : () -> ()
    %add3A_22 = arith.constant 512 : i32
    %add3A_23 = arith.addi %mul3A_6, %add3A_22 : i32
    "tpu.region"() ({
      %run_scoped3A = tpu.sem_alloc : memref<!tpu.dma_semaphore, #tpu.memory_space<semaphore_mem>>
      %dma_start3A = arith.constant 0 : i32
      %dma_start3A_39 = tpu.memref_slice %arg12[%add3A_23, %dma_start3A] : memref<10240x128xf32, #tpu.memory_space<vmem_shared>> -> memref<64x128xf32, #tpu.memory_space<vmem_shared>>
      %dma_start3A_40 = arith.constant 0 : i32
      %dma_start3A_41 = tpu.memref_slice %arg12[%add3A_23, %dma_start3A_40] : memref<10240x128xf32, #tpu.memory_space<vmem_shared>> -> memref<64x128xf32, #tpu.memory_space<vmem_shared>>
      tpu.enqueue_dma source(%arg8 : memref<64x128xf32, #tpu.memory_space<vmem>>) target(%dma_start3A_41 : memref<64x128xf32, #tpu.memory_space<vmem_shared>>) target_semaphore(%run_scoped3A : memref<!tpu.dma_semaphore, #tpu.memory_space<semaphore_mem>>)
      %dma_wait3A = arith.constant 0 : i32
      %dma_wait3A_42 = tpu.memref_slice %arg12[%add3A_23, %dma_wait3A] : memref<10240x128xf32, #tpu.memory_space<vmem_shared>> -> memref<64x128xf32, #tpu.memory_space<vmem_shared>>
      %dma_wait3A_43 = arith.constant 0 : i32
      %dma_wait3A_44 = tpu.memref_slice %arg12[%add3A_23, %dma_wait3A_43] : memref<10240x128xf32, #tpu.memory_space<vmem_shared>> -> memref<64x128xf32, #tpu.memory_space<vmem_shared>>
      tpu.wait_dma2 semaphore(%run_scoped3A : memref<!tpu.dma_semaphore, #tpu.memory_space<semaphore_mem>>) src(%arg8 : memref<64x128xf32, #tpu.memory_space<vmem>>) dst(%dma_wait3A_44 : memref<64x128xf32, #tpu.memory_space<vmem_shared>>)
      tpu.yield
    }) : () -> ()
    %add3A_24 = arith.constant 576 : i32
    %add3A_25 = arith.addi %mul3A_6, %add3A_24 : i32
    "tpu.region"() ({
      %run_scoped3A = tpu.sem_alloc : memref<!tpu.dma_semaphore, #tpu.memory_space<semaphore_mem>>
      %dma_start3A = arith.constant 0 : i32
      %dma_start3A_39 = tpu.memref_slice %arg12[%add3A_25, %dma_start3A] : memref<10240x128xf32, #tpu.memory_space<vmem_shared>> -> memref<64x128xf32, #tpu.memory_space<vmem_shared>>
      %dma_start3A_40 = arith.constant 0 : i32
      %dma_start3A_41 = tpu.memref_slice %arg12[%add3A_25, %dma_start3A_40] : memref<10240x128xf32, #tpu.memory_space<vmem_shared>> -> memref<64x128xf32, #tpu.memory_space<vmem_shared>>
      tpu.enqueue_dma source(%arg8 : memref<64x128xf32, #tpu.memory_space<vmem>>) target(%dma_start3A_41 : memref<64x128xf32, #tpu.memory_space<vmem_shared>>) target_semaphore(%run_scoped3A : memref<!tpu.dma_semaphore, #tpu.memory_space<semaphore_mem>>)
      %dma_wait3A = arith.constant 0 : i32
      %dma_wait3A_42 = tpu.memref_slice %arg12[%add3A_25, %dma_wait3A] : memref<10240x128xf32, #tpu.memory_space<vmem_shared>> -> memref<64x128xf32, #tpu.memory_space<vmem_shared>>
      %dma_wait3A_43 = arith.constant 0 : i32
      %dma_wait3A_44 = tpu.memref_slice %arg12[%add3A_25, %dma_wait3A_43] : memref<10240x128xf32, #tpu.memory_space<vmem_shared>> -> memref<64x128xf32, #tpu.memory_space<vmem_shared>>
      tpu.wait_dma2 semaphore(%run_scoped3A : memref<!tpu.dma_semaphore, #tpu.memory_space<semaphore_mem>>) src(%arg8 : memref<64x128xf32, #tpu.memory_space<vmem>>) dst(%dma_wait3A_44 : memref<64x128xf32, #tpu.memory_space<vmem_shared>>)
      tpu.yield
    }) : () -> ()
    %barrier3A = arith.constant 0 : index
    tpu.barrier barrier_id(%barrier3A)
    %scan3A_26 = arith.constant 0 : i32
    %scan3A_27 = arith.constant 0 : i32
    %scan3A_28 = arith.constant 10 : i32
    %scan3A_29 = arith.addi %scan3A_27, %scan3A_28 : i32
    %scan3A_30 = arith.constant 1 : i32
    scf.for %scan3A_39 = %scan3A_27 to %scan3A_29 step %scan3A_30  : i32 {
      %mul3A_40 = arith.constant 16 : i32
      %mul3A_41 = arith.muli %scan3A_39, %mul3A_40 : i32
      "tpu.region"() ({
        %run_scoped3A = tpu.sem_alloc : memref<!tpu.dma_semaphore, #tpu.memory_space<semaphore_mem>>
        %dma_start3A_70 = arith.constant 0 : i32
        %dma_start3A_71 = tpu.memref_slice %arg3[%arg0, %arg1, %mul3A_41, %dma_start3A_70] : memref<2x16x160x64xi32, #tpu.memory_space<hbm>> -> memref<1x1x16x64xi32, #tpu.memory_space<hbm>>
        %dma_start3A_72 = tpu.memref_squeeze %dma_start3A_71 : memref<1x1x16x64xi32, #tpu.memory_space<hbm>> -> memref<16x64xi32, #tpu.memory_space<hbm>>
        %dma_start3A_73 = arith.constant 0 : i32
        %dma_start3A_74 = tpu.memref_slice %arg3[%arg0, %arg1, %mul3A_41, %dma_start3A_73] : memref<2x16x160x64xi32, #tpu.memory_space<hbm>> -> memref<1x1x16x64xi32, #tpu.memory_space<hbm>>
        %dma_start3A_75 = tpu.memref_squeeze %dma_start3A_74 : memref<1x1x16x64xi32, #tpu.memory_space<hbm>> -> memref<16x64xi32, #tpu.memory_space<hbm>>
        tpu.enqueue_dma source(%dma_start3A_75 : memref<16x64xi32, #tpu.memory_space<hbm>>) target(%arg6 : memref<16x64xi32, #tpu.memory_space<vmem>>) target_semaphore(%run_scoped3A : memref<!tpu.dma_semaphore, #tpu.memory_space<semaphore_mem>>)
        %dma_wait3A = arith.constant 0 : i32
        %dma_wait3A_76 = tpu.memref_slice %arg3[%arg0, %arg1, %mul3A_41, %dma_wait3A] : memref<2x16x160x64xi32, #tpu.memory_space<hbm>> -> memref<1x1x16x64xi32, #tpu.memory_space<hbm>>
        %dma_wait3A_77 = tpu.memref_squeeze %dma_wait3A_76 : memref<1x1x16x64xi32, #tpu.memory_space<hbm>> -> memref<16x64xi32, #tpu.memory_space<hbm>>
        %dma_wait3A_78 = arith.constant 0 : i32
        %dma_wait3A_79 = tpu.memref_slice %arg3[%arg0, %arg1, %mul3A_41, %dma_wait3A_78] : memref<2x16x160x64xi32, #tpu.memory_space<hbm>> -> memref<1x1x16x64xi32, #tpu.memory_space<hbm>>
        %dma_wait3A_80 = tpu.memref_squeeze %dma_wait3A_79 : memref<1x1x16x64xi32, #tpu.memory_space<hbm>> -> memref<16x64xi32, #tpu.memory_space<hbm>>
        tpu.wait_dma2 semaphore(%run_scoped3A : memref<!tpu.dma_semaphore, #tpu.memory_space<semaphore_mem>>) src(%dma_wait3A_80 : memref<16x64xi32, #tpu.memory_space<hbm>>) dst(%arg6 : memref<16x64xi32, #tpu.memory_space<vmem>>)
        tpu.yield
      }) : () -> ()
      %mul3A_42 = arith.constant 16 : i32
      %mul3A_43 = arith.muli %scan3A_39, %mul3A_42 : i32
      "tpu.region"() ({
        %run_scoped3A = tpu.sem_alloc : memref<!tpu.dma_semaphore, #tpu.memory_space<semaphore_mem>>
        %dma_start3A_70 = arith.constant 0 : i32
        %dma_start3A_71 = tpu.memref_slice %arg4[%arg0, %arg1, %mul3A_43, %dma_start3A_70] : memref<2x16x160x64xi32, #tpu.memory_space<hbm>> -> memref<1x1x16x64xi32, #tpu.memory_space<hbm>>
        %dma_start3A_72 = tpu.memref_squeeze %dma_start3A_71 : memref<1x1x16x64xi32, #tpu.memory_space<hbm>> -> memref<16x64xi32, #tpu.memory_space<hbm>>
        %dma_start3A_73 = arith.constant 0 : i32
        %dma_start3A_74 = tpu.memref_slice %arg4[%arg0, %arg1, %mul3A_43, %dma_start3A_73] : memref<2x16x160x64xi32, #tpu.memory_space<hbm>> -> memref<1x1x16x64xi32, #tpu.memory_space<hbm>>
        %dma_start3A_75 = tpu.memref_squeeze %dma_start3A_74 : memref<1x1x16x64xi32, #tpu.memory_space<hbm>> -> memref<16x64xi32, #tpu.memory_space<hbm>>
        tpu.enqueue_dma source(%dma_start3A_75 : memref<16x64xi32, #tpu.memory_space<hbm>>) target(%arg7 : memref<16x64xi32, #tpu.memory_space<vmem>>) target_semaphore(%run_scoped3A : memref<!tpu.dma_semaphore, #tpu.memory_space<semaphore_mem>>)
        %dma_wait3A = arith.constant 0 : i32
        %dma_wait3A_76 = tpu.memref_slice %arg4[%arg0, %arg1, %mul3A_43, %dma_wait3A] : memref<2x16x160x64xi32, #tpu.memory_space<hbm>> -> memref<1x1x16x64xi32, #tpu.memory_space<hbm>>
        %dma_wait3A_77 = tpu.memref_squeeze %dma_wait3A_76 : memref<1x1x16x64xi32, #tpu.memory_space<hbm>> -> memref<16x64xi32, #tpu.memory_space<hbm>>
        %dma_wait3A_78 = arith.constant 0 : i32
        %dma_wait3A_79 = tpu.memref_slice %arg4[%arg0, %arg1, %mul3A_43, %dma_wait3A_78] : memref<2x16x160x64xi32, #tpu.memory_space<hbm>> -> memref<1x1x16x64xi32, #tpu.memory_space<hbm>>
        %dma_wait3A_80 = tpu.memref_squeeze %dma_wait3A_79 : memref<1x1x16x64xi32, #tpu.memory_space<hbm>> -> memref<16x64xi32, #tpu.memory_space<hbm>>
        tpu.wait_dma2 semaphore(%run_scoped3A : memref<!tpu.dma_semaphore, #tpu.memory_space<semaphore_mem>>) src(%dma_wait3A_80 : memref<16x64xi32, #tpu.memory_space<hbm>>) dst(%arg7 : memref<16x64xi32, #tpu.memory_space<vmem>>)
        tpu.yield
      }) : () -> ()
      %dma_start3A = arith.constant 0 : i32
      %dma_start3A_44 = arith.constant 0 : i32
      %dma_start3A_45 = tpu.memref_slice %arg6[%dma_start3A, %dma_start3A_44] : memref<16x64xi32, #tpu.memory_space<vmem>> -> memref<1x64xi32, #tpu.memory_space<vmem>>
      %dma_start3A_46 = tpu.memref_squeeze %dma_start3A_45 : memref<1x64xi32, #tpu.memory_space<vmem>> -> memref<64xi32, #tpu.memory_space<vmem>>
      %dma_start3A_47 = arith.constant 0 : i32
      %dma_start3A_48 = arith.constant 0 : i32
      %dma_start3A_49 = tpu.memref_slice %arg2[%dma_start3A_47, %dma_start3A_48] : memref<10000x128xf32, #tpu.memory_space<hbm>> -> memref<10000x128xf32, #tpu.memory_space<hbm>>
      tpu.enqueue_indirect_dma source(%dma_start3A_49 : memref<10000x128xf32, #tpu.memory_space<hbm>>) target(%arg8 : memref<64x128xf32, #tpu.memory_space<vmem>>) offsets(%dma_start3A_46 : memref<64xi32, #tpu.memory_space<vmem>>) semaphore(%arg13 : memref<!tpu.dma_semaphore, #tpu.memory_space<semaphore_mem>>)
      %dma_start3A_50 = arith.constant 1 : i32
      %dma_start3A_51 = arith.constant 0 : i32
      %dma_start3A_52 = tpu.memref_slice %arg6[%dma_start3A_50, %dma_start3A_51] : memref<16x64xi32, #tpu.memory_space<vmem>> -> memref<1x64xi32, #tpu.memory_space<vmem>>
      %dma_start3A_53 = tpu.memref_squeeze %dma_start3A_52 : memref<1x64xi32, #tpu.memory_space<vmem>> -> memref<64xi32, #tpu.memory_space<vmem>>
      %dma_start3A_54 = arith.constant 0 : i32
      %dma_start3A_55 = arith.constant 0 : i32
      %dma_start3A_56 = tpu.memref_slice %arg2[%dma_start3A_54, %dma_start3A_55] : memref<10000x128xf32, #tpu.memory_space<hbm>> -> memref<10000x128xf32, #tpu.memory_space<hbm>>
      tpu.enqueue_indirect_dma source(%dma_start3A_56 : memref<10000x128xf32, #tpu.memory_space<hbm>>) target(%arg9 : memref<64x128xf32, #tpu.memory_space<vmem>>) offsets(%dma_start3A_53 : memref<64xi32, #tpu.memory_space<vmem>>) semaphore(%arg14 : memref<!tpu.dma_semaphore, #tpu.memory_space<semaphore_mem>>)
      %dma_start3A_57 = arith.constant 2 : i32
      %dma_start3A_58 = arith.constant 0 : i32
      %dma_start3A_59 = tpu.memref_slice %arg6[%dma_start3A_57, %dma_start3A_58] : memref<16x64xi32, #tpu.memory_space<vmem>> -> memref<1x64xi32, #tpu.memory_space<vmem>>
      %dma_start3A_60 = tpu.memref_squeeze %dma_start3A_59 : memref<1x64xi32, #tpu.memory_space<vmem>> -> memref<64xi32, #tpu.memory_space<vmem>>
      %dma_start3A_61 = arith.constant 0 : i32
      %dma_start3A_62 = arith.constant 0 : i32
      %dma_start3A_63 = tpu.memref_slice %arg2[%dma_start3A_61, %dma_start3A_62] : memref<10000x128xf32, #tpu.memory_space<hbm>> -> memref<10000x128xf32, #tpu.memory_space<hbm>>
      tpu.enqueue_indirect_dma source(%dma_start3A_63 : memref<10000x128xf32, #tpu.memory_space<hbm>>) target(%arg10 : memref<64x128xf32, #tpu.memory_space<vmem>>) offsets(%dma_start3A_60 : memref<64xi32, #tpu.memory_space<vmem>>) semaphore(%arg15 : memref<!tpu.dma_semaphore, #tpu.memory_space<semaphore_mem>>)
      %scan3A_64 = arith.constant 0 : i32
      %scan3A_65 = arith.constant 0 : i32
      %scan3A_66 = arith.constant 16 : i32
      %scan3A_67 = arith.addi %scan3A_65, %scan3A_66 : i32
      %scan3A_68 = arith.constant 1 : i32
      scf.for %scan3A_70 = %scan3A_65 to %scan3A_67 step %scan3A_68  : i32 {
        %jit3A = arith.constant 4 : i32
        %eq3A_71 = arith.constant 0 : i32
        %eq3A_72 = arith.cmpi eq, %jit3A, %eq3A_71 : i32
        %jit3A_73 = arith.constant 1 : i32
        %select_n3A = arith.select %eq3A_72, %jit3A_73, %jit3A : i32
        %rem3A = arith.remsi %scan3A_70, %select_n3A : i32
        %ne3A = arith.constant 0 : i32
        %ne3A_74 = arith.cmpi ne, %rem3A, %ne3A : i32
        %lt3A_75 = arith.constant 0 : i32
        %lt3A_76 = arith.cmpi slt, %rem3A, %lt3A_75 : i32
        %lt3A_77 = arith.constant 0 : i32
        %lt3A_78 = arith.cmpi slt, %select_n3A, %lt3A_77 : i32
        %ne3A_79 = arith.xori %lt3A_76, %lt3A_78 : i1
        %and3A = arith.andi %ne3A_79, %ne3A_74 : i1
        %add3A_80 = arith.addi %rem3A, %select_n3A : i32
        %select_n3A_81 = arith.select %and3A, %add3A_80, %rem3A : i32
        %eq3A_82 = arith.constant 0 : i32
        %eq3A_83 = arith.cmpi eq, %select_n3A_81, %eq3A_82 : i32
        %convert_element_type3A_84 = arith.extui %eq3A_83 : i1 to i32
        %cond3A_85 = arith.constant 0 : i32
        %cond3A_86 = arith.cmpi ne, %convert_element_type3A_84, %cond3A_85 : i32
        scf.if %cond3A_86 {
          %dma_wait3A = arith.constant 0 : i32
          %dma_wait3A_150 = tpu.memref_slice %arg6[%scan3A_70, %dma_wait3A] : memref<16x64xi32, #tpu.memory_space<vmem>> -> memref<1x64xi32, #tpu.memory_space<vmem>>
          %dma_wait3A_151 = tpu.memref_squeeze %dma_wait3A_150 : memref<1x64xi32, #tpu.memory_space<vmem>> -> memref<64xi32, #tpu.memory_space<vmem>>
          %dma_wait3A_152 = arith.constant 0 : i32
          %dma_wait3A_153 = arith.constant 0 : i32
          %dma_wait3A_154 = tpu.memref_slice %arg2[%dma_wait3A_152, %dma_wait3A_153] : memref<10000x128xf32, #tpu.memory_space<hbm>> -> memref<10000x128xf32, #tpu.memory_space<hbm>>
          tpu.wait_indirect_dma semaphore(%arg13 : memref<!tpu.dma_semaphore, #tpu.memory_space<semaphore_mem>>) src(%dma_wait3A_154 : memref<10000x128xf32, #tpu.memory_space<hbm>>) dst(%arg8 : memref<64x128xf32, #tpu.memory_space<vmem>>)
          %add3A_155 = arith.constant 4 : i32
          %add3A_156 = arith.addi %scan3A_70, %add3A_155 : i32
          %sub3A = arith.constant 1 : i32
          %sub3A_157 = arith.subi %add3A_156, %sub3A : i32
          %lt3A_158 = arith.constant 16 : i32
          %lt3A_159 = arith.cmpi slt, %sub3A_157, %lt3A_158 : i32
          %convert_element_type3A_160 = arith.extui %lt3A_159 : i1 to i32
          %cond3A_161 = arith.constant 0 : i32
          %cond3A_162 = arith.cmpi ne, %convert_element_type3A_160, %cond3A_161 : i32
          scf.if %cond3A_162 {
            %dma_start3A_163 = arith.constant 0 : i32
            %dma_start3A_164 = tpu.memref_slice %arg6[%sub3A_157, %dma_start3A_163] : memref<16x64xi32, #tpu.memory_space<vmem>> -> memref<1x64xi32, #tpu.memory_space<vmem>>
            %dma_start3A_165 = tpu.memref_squeeze %dma_start3A_164 : memref<1x64xi32, #tpu.memory_space<vmem>> -> memref<64xi32, #tpu.memory_space<vmem>>
            %dma_start3A_166 = arith.constant 0 : i32
            %dma_start3A_167 = arith.constant 0 : i32
            %dma_start3A_168 = tpu.memref_slice %arg2[%dma_start3A_166, %dma_start3A_167] : memref<10000x128xf32, #tpu.memory_space<hbm>> -> memref<10000x128xf32, #tpu.memory_space<hbm>>
            tpu.enqueue_indirect_dma source(%dma_start3A_168 : memref<10000x128xf32, #tpu.memory_space<hbm>>) target(%arg11 : memref<64x128xf32, #tpu.memory_space<vmem>>) offsets(%dma_start3A_165 : memref<64xi32, #tpu.memory_space<vmem>>) semaphore(%arg16 : memref<!tpu.dma_semaphore, #tpu.memory_space<semaphore_mem>>)
          } else {
          }
          "tpu.region"() ({
            %run_scoped3A = tpu.sem_alloc : memref<!tpu.dma_semaphore, #tpu.memory_space<semaphore_mem>>
            %dma_start3A_163 = arith.constant 0 : i32
            %dma_start3A_164 = tpu.memref_slice %arg7[%scan3A_70, %dma_start3A_163] : memref<16x64xi32, #tpu.memory_space<vmem>> -> memref<1x64xi32, #tpu.memory_space<vmem>>
            %dma_start3A_165 = tpu.memref_squeeze %dma_start3A_164 : memref<1x64xi32, #tpu.memory_space<vmem>> -> memref<64xi32, #tpu.memory_space<vmem>>
            %dma_start3A_166 = arith.constant 0 : i32
            %dma_start3A_167 = arith.constant 0 : i32
            %dma_start3A_168 = tpu.memref_slice %arg12[%dma_start3A_166, %dma_start3A_167] : memref<10240x128xf32, #tpu.memory_space<vmem_shared>> -> memref<10240x128xf32, #tpu.memory_space<vmem_shared>>
            tpu.enqueue_indirect_dma source(%arg8 : memref<64x128xf32, #tpu.memory_space<vmem>>) target(%dma_start3A_168 : memref<10240x128xf32, #tpu.memory_space<vmem_shared>>) offsets(%dma_start3A_165 : memref<64xi32, #tpu.memory_space<vmem>>) semaphore(%run_scoped3A : memref<!tpu.dma_semaphore, #tpu.memory_space<semaphore_mem>>) {add = true}
            %dma_wait3A_169 = arith.constant 0 : i32
            %dma_wait3A_170 = tpu.memref_slice %arg7[%scan3A_70, %dma_wait3A_169] : memref<16x64xi32, #tpu.memory_space<vmem>> -> memref<1x64xi32, #tpu.memory_space<vmem>>
            %dma_wait3A_171 = tpu.memref_squeeze %dma_wait3A_170 : memref<1x64xi32, #tpu.memory_space<vmem>> -> memref<64xi32, #tpu.memory_space<vmem>>
            %dma_wait3A_172 = arith.constant 0 : i32
            %dma_wait3A_173 = arith.constant 0 : i32
            %dma_wait3A_174 = tpu.memref_slice %arg12[%dma_wait3A_172, %dma_wait3A_173] : memref<10240x128xf32, #tpu.memory_space<vmem_shared>> -> memref<10240x128xf32, #tpu.memory_space<vmem_shared>>
            tpu.wait_indirect_dma semaphore(%run_scoped3A : memref<!tpu.dma_semaphore, #tpu.memory_space<semaphore_mem>>) src(%arg8 : memref<64x128xf32, #tpu.memory_space<vmem>>) dst(%dma_wait3A_174 : memref<10240x128xf32, #tpu.memory_space<vmem_shared>>)
            tpu.yield
          }) : () -> ()
        } else {
        }
        %jit3A_87 = arith.constant 4 : i32
        %eq3A_88 = arith.constant 0 : i32
        %eq3A_89 = arith.cmpi eq, %jit3A_87, %eq3A_88 : i32
        %jit3A_90 = arith.constant 1 : i32
        %select_n3A_91 = arith.select %eq3A_89, %jit3A_90, %jit3A_87 : i32
        %rem3A_92 = arith.remsi %scan3A_70, %select_n3A_91 : i32
        %ne3A_93 = arith.constant 0 : i32
        %ne3A_94 = arith.cmpi ne, %rem3A_92, %ne3A_93 : i32
        %lt3A_95 = arith.constant 0 : i32
        %lt3A_96 = arith.cmpi slt, %rem3A_92, %lt3A_95 : i32
        %lt3A_97 = arith.constant 0 : i32
        %lt3A_98 = arith.cmpi slt, %select_n3A_91, %lt3A_97 : i32
        %ne3A_99 = arith.xori %lt3A_96, %lt3A_98 : i1
        %and3A_100 = arith.andi %ne3A_99, %ne3A_94 : i1
        %add3A_101 = arith.addi %rem3A_92, %select_n3A_91 : i32
        %select_n3A_102 = arith.select %and3A_100, %add3A_101, %rem3A_92 : i32
        %eq3A_103 = arith.constant 1 : i32
        %eq3A_104 = arith.cmpi eq, %select_n3A_102, %eq3A_103 : i32
        %convert_element_type3A_105 = arith.extui %eq3A_104 : i1 to i32
        %cond3A_106 = arith.constant 0 : i32
        %cond3A_107 = arith.cmpi ne, %convert_element_type3A_105, %cond3A_106 : i32
        scf.if %cond3A_107 {
          %dma_wait3A = arith.constant 0 : i32
          %dma_wait3A_150 = tpu.memref_slice %arg6[%scan3A_70, %dma_wait3A] : memref<16x64xi32, #tpu.memory_space<vmem>> -> memref<1x64xi32, #tpu.memory_space<vmem>>
          %dma_wait3A_151 = tpu.memref_squeeze %dma_wait3A_150 : memref<1x64xi32, #tpu.memory_space<vmem>> -> memref<64xi32, #tpu.memory_space<vmem>>
          %dma_wait3A_152 = arith.constant 0 : i32
          %dma_wait3A_153 = arith.constant 0 : i32
          %dma_wait3A_154 = tpu.memref_slice %arg2[%dma_wait3A_152, %dma_wait3A_153] : memref<10000x128xf32, #tpu.memory_space<hbm>> -> memref<10000x128xf32, #tpu.memory_space<hbm>>
          tpu.wait_indirect_dma semaphore(%arg14 : memref<!tpu.dma_semaphore, #tpu.memory_space<semaphore_mem>>) src(%dma_wait3A_154 : memref<10000x128xf32, #tpu.memory_space<hbm>>) dst(%arg9 : memref<64x128xf32, #tpu.memory_space<vmem>>)
          %add3A_155 = arith.constant 4 : i32
          %add3A_156 = arith.addi %scan3A_70, %add3A_155 : i32
          %sub3A = arith.constant 1 : i32
          %sub3A_157 = arith.subi %add3A_156, %sub3A : i32
          %lt3A_158 = arith.constant 16 : i32
          %lt3A_159 = arith.cmpi slt, %sub3A_157, %lt3A_158 : i32
          %convert_element_type3A_160 = arith.extui %lt3A_159 : i1 to i32
          %cond3A_161 = arith.constant 0 : i32
          %cond3A_162 = arith.cmpi ne, %convert_element_type3A_160, %cond3A_161 : i32
          scf.if %cond3A_162 {
            %dma_start3A_163 = arith.constant 0 : i32
            %dma_start3A_164 = tpu.memref_slice %arg6[%sub3A_157, %dma_start3A_163] : memref<16x64xi32, #tpu.memory_space<vmem>> -> memref<1x64xi32, #tpu.memory_space<vmem>>
            %dma_start3A_165 = tpu.memref_squeeze %dma_start3A_164 : memref<1x64xi32, #tpu.memory_space<vmem>> -> memref<64xi32, #tpu.memory_space<vmem>>
            %dma_start3A_166 = arith.constant 0 : i32
            %dma_start3A_167 = arith.constant 0 : i32
            %dma_start3A_168 = tpu.memref_slice %arg2[%dma_start3A_166, %dma_start3A_167] : memref<10000x128xf32, #tpu.memory_space<hbm>> -> memref<10000x128xf32, #tpu.memory_space<hbm>>
            tpu.enqueue_indirect_dma source(%dma_start3A_168 : memref<10000x128xf32, #tpu.memory_space<hbm>>) target(%arg8 : memref<64x128xf32, #tpu.memory_space<vmem>>) offsets(%dma_start3A_165 : memref<64xi32, #tpu.memory_space<vmem>>) semaphore(%arg13 : memref<!tpu.dma_semaphore, #tpu.memory_space<semaphore_mem>>)
          } else {
          }
          "tpu.region"() ({
            %run_scoped3A = tpu.sem_alloc : memref<!tpu.dma_semaphore, #tpu.memory_space<semaphore_mem>>
            %dma_start3A_163 = arith.constant 0 : i32
            %dma_start3A_164 = tpu.memref_slice %arg7[%scan3A_70, %dma_start3A_163] : memref<16x64xi32, #tpu.memory_space<vmem>> -> memref<1x64xi32, #tpu.memory_space<vmem>>
            %dma_start3A_165 = tpu.memref_squeeze %dma_start3A_164 : memref<1x64xi32, #tpu.memory_space<vmem>> -> memref<64xi32, #tpu.memory_space<vmem>>
            %dma_start3A_166 = arith.constant 0 : i32
            %dma_start3A_167 = arith.constant 0 : i32
            %dma_start3A_168 = tpu.memref_slice %arg12[%dma_start3A_166, %dma_start3A_167] : memref<10240x128xf32, #tpu.memory_space<vmem_shared>> -> memref<10240x128xf32, #tpu.memory_space<vmem_shared>>
            tpu.enqueue_indirect_dma source(%arg9 : memref<64x128xf32, #tpu.memory_space<vmem>>) target(%dma_start3A_168 : memref<10240x128xf32, #tpu.memory_space<vmem_shared>>) offsets(%dma_start3A_165 : memref<64xi32, #tpu.memory_space<vmem>>) semaphore(%run_scoped3A : memref<!tpu.dma_semaphore, #tpu.memory_space<semaphore_mem>>) {add = true}
            %dma_wait3A_169 = arith.constant 0 : i32
            %dma_wait3A_170 = tpu.memref_slice %arg7[%scan3A_70, %dma_wait3A_169] : memref<16x64xi32, #tpu.memory_space<vmem>> -> memref<1x64xi32, #tpu.memory_space<vmem>>
            %dma_wait3A_171 = tpu.memref_squeeze %dma_wait3A_170 : memref<1x64xi32, #tpu.memory_space<vmem>> -> memref<64xi32, #tpu.memory_space<vmem>>
            %dma_wait3A_172 = arith.constant 0 : i32
            %dma_wait3A_173 = arith.constant 0 : i32
            %dma_wait3A_174 = tpu.memref_slice %arg12[%dma_wait3A_172, %dma_wait3A_173] : memref<10240x128xf32, #tpu.memory_space<vmem_shared>> -> memref<10240x128xf32, #tpu.memory_space<vmem_shared>>
            tpu.wait_indirect_dma semaphore(%run_scoped3A : memref<!tpu.dma_semaphore, #tpu.memory_space<semaphore_mem>>) src(%arg9 : memref<64x128xf32, #tpu.memory_space<vmem>>) dst(%dma_wait3A_174 : memref<10240x128xf32, #tpu.memory_space<vmem_shared>>)
            tpu.yield
          }) : () -> ()
        } else {
        }
        %jit3A_108 = arith.constant 4 : i32
        %eq3A_109 = arith.constant 0 : i32
        %eq3A_110 = arith.cmpi eq, %jit3A_108, %eq3A_109 : i32
        %jit3A_111 = arith.constant 1 : i32
        %select_n3A_112 = arith.select %eq3A_110, %jit3A_111, %jit3A_108 : i32
        %rem3A_113 = arith.remsi %scan3A_70, %select_n3A_112 : i32
        %ne3A_114 = arith.constant 0 : i32
        %ne3A_115 = arith.cmpi ne, %rem3A_113, %ne3A_114 : i32
        %lt3A_116 = arith.constant 0 : i32
        %lt3A_117 = arith.cmpi slt, %rem3A_113, %lt3A_116 : i32
        %lt3A_118 = arith.constant 0 : i32
        %lt3A_119 = arith.cmpi slt, %select_n3A_112, %lt3A_118 : i32
        %ne3A_120 = arith.xori %lt3A_117, %lt3A_119 : i1
        %and3A_121 = arith.andi %ne3A_120, %ne3A_115 : i1
        %add3A_122 = arith.addi %rem3A_113, %select_n3A_112 : i32
        %select_n3A_123 = arith.select %and3A_121, %add3A_122, %rem3A_113 : i32
        %eq3A_124 = arith.constant 2 : i32
        %eq3A_125 = arith.cmpi eq, %select_n3A_123, %eq3A_124 : i32
        %convert_element_type3A_126 = arith.extui %eq3A_125 : i1 to i32
        %cond3A_127 = arith.constant 0 : i32
        %cond3A_128 = arith.cmpi ne, %convert_element_type3A_126, %cond3A_127 : i32
        scf.if %cond3A_128 {
          %dma_wait3A = arith.constant 0 : i32
          %dma_wait3A_150 = tpu.memref_slice %arg6[%scan3A_70, %dma_wait3A] : memref<16x64xi32, #tpu.memory_space<vmem>> -> memref<1x64xi32, #tpu.memory_space<vmem>>
          %dma_wait3A_151 = tpu.memref_squeeze %dma_wait3A_150 : memref<1x64xi32, #tpu.memory_space<vmem>> -> memref<64xi32, #tpu.memory_space<vmem>>
          %dma_wait3A_152 = arith.constant 0 : i32
          %dma_wait3A_153 = arith.constant 0 : i32
          %dma_wait3A_154 = tpu.memref_slice %arg2[%dma_wait3A_152, %dma_wait3A_153] : memref<10000x128xf32, #tpu.memory_space<hbm>> -> memref<10000x128xf32, #tpu.memory_space<hbm>>
          tpu.wait_indirect_dma semaphore(%arg15 : memref<!tpu.dma_semaphore, #tpu.memory_space<semaphore_mem>>) src(%dma_wait3A_154 : memref<10000x128xf32, #tpu.memory_space<hbm>>) dst(%arg10 : memref<64x128xf32, #tpu.memory_space<vmem>>)
          %add3A_155 = arith.constant 4 : i32
          %add3A_156 = arith.addi %scan3A_70, %add3A_155 : i32
          %sub3A = arith.constant 1 : i32
          %sub3A_157 = arith.subi %add3A_156, %sub3A : i32
          %lt3A_158 = arith.constant 16 : i32
          %lt3A_159 = arith.cmpi slt, %sub3A_157, %lt3A_158 : i32
          %convert_element_type3A_160 = arith.extui %lt3A_159 : i1 to i32
          %cond3A_161 = arith.constant 0 : i32
          %cond3A_162 = arith.cmpi ne, %convert_element_type3A_160, %cond3A_161 : i32
          scf.if %cond3A_162 {
            %dma_start3A_163 = arith.constant 0 : i32
            %dma_start3A_164 = tpu.memref_slice %arg6[%sub3A_157, %dma_start3A_163] : memref<16x64xi32, #tpu.memory_space<vmem>> -> memref<1x64xi32, #tpu.memory_space<vmem>>
            %dma_start3A_165 = tpu.memref_squeeze %dma_start3A_164 : memref<1x64xi32, #tpu.memory_space<vmem>> -> memref<64xi32, #tpu.memory_space<vmem>>
            %dma_start3A_166 = arith.constant 0 : i32
            %dma_start3A_167 = arith.constant 0 : i32
            %dma_start3A_168 = tpu.memref_slice %arg2[%dma_start3A_166, %dma_start3A_167] : memref<10000x128xf32, #tpu.memory_space<hbm>> -> memref<10000x128xf32, #tpu.memory_space<hbm>>
            tpu.enqueue_indirect_dma source(%dma_start3A_168 : memref<10000x128xf32, #tpu.memory_space<hbm>>) target(%arg9 : memref<64x128xf32, #tpu.memory_space<vmem>>) offsets(%dma_start3A_165 : memref<64xi32, #tpu.memory_space<vmem>>) semaphore(%arg14 : memref<!tpu.dma_semaphore, #tpu.memory_space<semaphore_mem>>)
          } else {
          }
          "tpu.region"() ({
            %run_scoped3A = tpu.sem_alloc : memref<!tpu.dma_semaphore, #tpu.memory_space<semaphore_mem>>
            %dma_start3A_163 = arith.constant 0 : i32
            %dma_start3A_164 = tpu.memref_slice %arg7[%scan3A_70, %dma_start3A_163] : memref<16x64xi32, #tpu.memory_space<vmem>> -> memref<1x64xi32, #tpu.memory_space<vmem>>
            %dma_start3A_165 = tpu.memref_squeeze %dma_start3A_164 : memref<1x64xi32, #tpu.memory_space<vmem>> -> memref<64xi32, #tpu.memory_space<vmem>>
            %dma_start3A_166 = arith.constant 0 : i32
            %dma_start3A_167 = arith.constant 0 : i32
            %dma_start3A_168 = tpu.memref_slice %arg12[%dma_start3A_166, %dma_start3A_167] : memref<10240x128xf32, #tpu.memory_space<vmem_shared>> -> memref<10240x128xf32, #tpu.memory_space<vmem_shared>>
            tpu.enqueue_indirect_dma source(%arg10 : memref<64x128xf32, #tpu.memory_space<vmem>>) target(%dma_start3A_168 : memref<10240x128xf32, #tpu.memory_space<vmem_shared>>) offsets(%dma_start3A_165 : memref<64xi32, #tpu.memory_space<vmem>>) semaphore(%run_scoped3A : memref<!tpu.dma_semaphore, #tpu.memory_space<semaphore_mem>>) {add = true}
            %dma_wait3A_169 = arith.constant 0 : i32
            %dma_wait3A_170 = tpu.memref_slice %arg7[%scan3A_70, %dma_wait3A_169] : memref<16x64xi32, #tpu.memory_space<vmem>> -> memref<1x64xi32, #tpu.memory_space<vmem>>
            %dma_wait3A_171 = tpu.memref_squeeze %dma_wait3A_170 : memref<1x64xi32, #tpu.memory_space<vmem>> -> memref<64xi32, #tpu.memory_space<vmem>>
            %dma_wait3A_172 = arith.constant 0 : i32
            %dma_wait3A_173 = arith.constant 0 : i32
            %dma_wait3A_174 = tpu.memref_slice %arg12[%dma_wait3A_172, %dma_wait3A_173] : memref<10240x128xf32, #tpu.memory_space<vmem_shared>> -> memref<10240x128xf32, #tpu.memory_space<vmem_shared>>
            tpu.wait_indirect_dma semaphore(%run_scoped3A : memref<!tpu.dma_semaphore, #tpu.memory_space<semaphore_mem>>) src(%arg10 : memref<64x128xf32, #tpu.memory_space<vmem>>) dst(%dma_wait3A_174 : memref<10240x128xf32, #tpu.memory_space<vmem_shared>>)
            tpu.yield
          }) : () -> ()
        } else {
        }
        %jit3A_129 = arith.constant 4 : i32
        %eq3A_130 = arith.constant 0 : i32
        %eq3A_131 = arith.cmpi eq, %jit3A_129, %eq3A_130 : i32
        %jit3A_132 = arith.constant 1 : i32
        %select_n3A_133 = arith.select %eq3A_131, %jit3A_132, %jit3A_129 : i32
        %rem3A_134 = arith.remsi %scan3A_70, %select_n3A_133 : i32
        %ne3A_135 = arith.constant 0 : i32
        %ne3A_136 = arith.cmpi ne, %rem3A_134, %ne3A_135 : i32
        %lt3A_137 = arith.constant 0 : i32
        %lt3A_138 = arith.cmpi slt, %rem3A_134, %lt3A_137 : i32
        %lt3A_139 = arith.constant 0 : i32
        %lt3A_140 = arith.cmpi slt, %select_n3A_133, %lt3A_139 : i32
        %ne3A_141 = arith.xori %lt3A_138, %lt3A_140 : i1
        %and3A_142 = arith.andi %ne3A_141, %ne3A_136 : i1
        %add3A_143 = arith.addi %rem3A_134, %select_n3A_133 : i32
        %select_n3A_144 = arith.select %and3A_142, %add3A_143, %rem3A_134 : i32
        %eq3A_145 = arith.constant 3 : i32
        %eq3A_146 = arith.cmpi eq, %select_n3A_144, %eq3A_145 : i32
        %convert_element_type3A_147 = arith.extui %eq3A_146 : i1 to i32
        %cond3A_148 = arith.constant 0 : i32
        %cond3A_149 = arith.cmpi ne, %convert_element_type3A_147, %cond3A_148 : i32
        scf.if %cond3A_149 {
          %dma_wait3A = arith.constant 0 : i32
          %dma_wait3A_150 = tpu.memref_slice %arg6[%scan3A_70, %dma_wait3A] : memref<16x64xi32, #tpu.memory_space<vmem>> -> memref<1x64xi32, #tpu.memory_space<vmem>>
          %dma_wait3A_151 = tpu.memref_squeeze %dma_wait3A_150 : memref<1x64xi32, #tpu.memory_space<vmem>> -> memref<64xi32, #tpu.memory_space<vmem>>
          %dma_wait3A_152 = arith.constant 0 : i32
          %dma_wait3A_153 = arith.constant 0 : i32
          %dma_wait3A_154 = tpu.memref_slice %arg2[%dma_wait3A_152, %dma_wait3A_153] : memref<10000x128xf32, #tpu.memory_space<hbm>> -> memref<10000x128xf32, #tpu.memory_space<hbm>>
          tpu.wait_indirect_dma semaphore(%arg16 : memref<!tpu.dma_semaphore, #tpu.memory_space<semaphore_mem>>) src(%dma_wait3A_154 : memref<10000x128xf32, #tpu.memory_space<hbm>>) dst(%arg11 : memref<64x128xf32, #tpu.memory_space<vmem>>)
          %add3A_155 = arith.constant 4 : i32
          %add3A_156 = arith.addi %scan3A_70, %add3A_155 : i32
          %sub3A = arith.constant 1 : i32
          %sub3A_157 = arith.subi %add3A_156, %sub3A : i32
          %lt3A_158 = arith.constant 16 : i32
          %lt3A_159 = arith.cmpi slt, %sub3A_157, %lt3A_158 : i32
          %convert_element_type3A_160 = arith.extui %lt3A_159 : i1 to i32
          %cond3A_161 = arith.constant 0 : i32
          %cond3A_162 = arith.cmpi ne, %convert_element_type3A_160, %cond3A_161 : i32
          scf.if %cond3A_162 {
            %dma_start3A_163 = arith.constant 0 : i32
            %dma_start3A_164 = tpu.memref_slice %arg6[%sub3A_157, %dma_start3A_163] : memref<16x64xi32, #tpu.memory_space<vmem>> -> memref<1x64xi32, #tpu.memory_space<vmem>>
            %dma_start3A_165 = tpu.memref_squeeze %dma_start3A_164 : memref<1x64xi32, #tpu.memory_space<vmem>> -> memref<64xi32, #tpu.memory_space<vmem>>
            %dma_start3A_166 = arith.constant 0 : i32
            %dma_start3A_167 = arith.constant 0 : i32
            %dma_start3A_168 = tpu.memref_slice %arg2[%dma_start3A_166, %dma_start3A_167] : memref<10000x128xf32, #tpu.memory_space<hbm>> -> memref<10000x128xf32, #tpu.memory_space<hbm>>
            tpu.enqueue_indirect_dma source(%dma_start3A_168 : memref<10000x128xf32, #tpu.memory_space<hbm>>) target(%arg10 : memref<64x128xf32, #tpu.memory_space<vmem>>) offsets(%dma_start3A_165 : memref<64xi32, #tpu.memory_space<vmem>>) semaphore(%arg15 : memref<!tpu.dma_semaphore, #tpu.memory_space<semaphore_mem>>)
          } else {
          }
          "tpu.region"() ({
            %run_scoped3A = tpu.sem_alloc : memref<!tpu.dma_semaphore, #tpu.memory_space<semaphore_mem>>
            %dma_start3A_163 = arith.constant 0 : i32
            %dma_start3A_164 = tpu.memref_slice %arg7[%scan3A_70, %dma_start3A_163] : memref<16x64xi32, #tpu.memory_space<vmem>> -> memref<1x64xi32, #tpu.memory_space<vmem>>
            %dma_start3A_165 = tpu.memref_squeeze %dma_start3A_164 : memref<1x64xi32, #tpu.memory_space<vmem>> -> memref<64xi32, #tpu.memory_space<vmem>>
            %dma_start3A_166 = arith.constant 0 : i32
            %dma_start3A_167 = arith.constant 0 : i32
            %dma_start3A_168 = tpu.memref_slice %arg12[%dma_start3A_166, %dma_start3A_167] : memref<10240x128xf32, #tpu.memory_space<vmem_shared>> -> memref<10240x128xf32, #tpu.memory_space<vmem_shared>>
            tpu.enqueue_indirect_dma source(%arg11 : memref<64x128xf32, #tpu.memory_space<vmem>>) target(%dma_start3A_168 : memref<10240x128xf32, #tpu.memory_space<vmem_shared>>) offsets(%dma_start3A_165 : memref<64xi32, #tpu.memory_space<vmem>>) semaphore(%run_scoped3A : memref<!tpu.dma_semaphore, #tpu.memory_space<semaphore_mem>>) {add = true}
            %dma_wait3A_169 = arith.constant 0 : i32
            %dma_wait3A_170 = tpu.memref_slice %arg7[%scan3A_70, %dma_wait3A_169] : memref<16x64xi32, #tpu.memory_space<vmem>> -> memref<1x64xi32, #tpu.memory_space<vmem>>
            %dma_wait3A_171 = tpu.memref_squeeze %dma_wait3A_170 : memref<1x64xi32, #tpu.memory_space<vmem>> -> memref<64xi32, #tpu.memory_space<vmem>>
            %dma_wait3A_172 = arith.constant 0 : i32
            %dma_wait3A_173 = arith.constant 0 : i32
            %dma_wait3A_174 = tpu.memref_slice %arg12[%dma_wait3A_172, %dma_wait3A_173] : memref<10240x128xf32, #tpu.memory_space<vmem_shared>> -> memref<10240x128xf32, #tpu.memory_space<vmem_shared>>
            tpu.wait_indirect_dma semaphore(%run_scoped3A : memref<!tpu.dma_semaphore, #tpu.memory_space<semaphore_mem>>) src(%arg11 : memref<64x128xf32, #tpu.memory_space<vmem>>) dst(%dma_wait3A_174 : memref<10240x128xf32, #tpu.memory_space<vmem_shared>>)
            tpu.yield
          }) : () -> ()
        } else {
        }
      }
      %scan3A_69 = arith.constant 16 : i32
    }
    %scan3A_31 = arith.constant 10 : i32
    %barrier3A_32 = arith.constant 0 : index
    tpu.barrier barrier_id(%barrier3A_32)
    %lt3A = arith.constant 15 : i32
    %lt3A_33 = arith.cmpi slt, %arg1, %lt3A : i32
    %convert_element_type3A = arith.extui %lt3A_33 : i1 to i32
    %cond3A = arith.constant 0 : i32
    %cond3A_34 = arith.cmpi ne, %convert_element_type3A, %cond3A : i32
    scf.if %cond3A_34 {
      %mul3A_39 = arith.constant 624 : i32
      %mul3A_40 = arith.muli %arg1, %mul3A_39 : i32
      %mul3A_41 = arith.constant 624 : i32
      %mul3A_42 = arith.muli %arg1, %mul3A_41 : i32
      "tpu.region"() ({
        %run_scoped3A = tpu.sem_alloc : memref<!tpu.dma_semaphore, #tpu.memory_space<semaphore_mem>>
        %dma_start3A = arith.constant 0 : i32
        %dma_start3A_43 = tpu.memref_slice %arg5[%arg0, %mul3A_42, %dma_start3A] : memref<2x10000x128xf32, #tpu.memory_space<hbm>> -> memref<1x624x128xf32, #tpu.memory_space<hbm>>
        %dma_start3A_44 = tpu.memref_squeeze %dma_start3A_43 : memref<1x624x128xf32, #tpu.memory_space<hbm>> -> memref<624x128xf32, #tpu.memory_space<hbm>>
        %dma_start3A_45 = arith.constant 0 : i32
        %dma_start3A_46 = tpu.memref_slice %arg12[%mul3A_40, %dma_start3A_45] : memref<10240x128xf32, #tpu.memory_space<vmem_shared>> -> memref<624x128xf32, #tpu.memory_space<vmem_shared>>
        tpu.enqueue_dma source(%dma_start3A_46 : memref<624x128xf32, #tpu.memory_space<vmem_shared>>) target(%dma_start3A_44 : memref<624x128xf32, #tpu.memory_space<hbm>>) target_semaphore(%run_scoped3A : memref<!tpu.dma_semaphore, #tpu.memory_space<semaphore_mem>>)
        %dma_wait3A = arith.constant 0 : i32
        %dma_wait3A_47 = tpu.memref_slice %arg5[%arg0, %mul3A_42, %dma_wait3A] : memref<2x10000x128xf32, #tpu.memory_space<hbm>> -> memref<1x624x128xf32, #tpu.memory_space<hbm>>
        %dma_wait3A_48 = tpu.memref_squeeze %dma_wait3A_47 : memref<1x624x128xf32, #tpu.memory_space<hbm>> -> memref<624x128xf32, #tpu.memory_space<hbm>>
        %dma_wait3A_49 = arith.constant 0 : i32
        %dma_wait3A_50 = tpu.memref_slice %arg12[%mul3A_40, %dma_wait3A_49] : memref<10240x128xf32, #tpu.memory_space<vmem_shared>> -> memref<624x128xf32, #tpu.memory_space<vmem_shared>>
        tpu.wait_dma2 semaphore(%run_scoped3A : memref<!tpu.dma_semaphore, #tpu.memory_space<semaphore_mem>>) src(%dma_wait3A_50 : memref<624x128xf32, #tpu.memory_space<vmem_shared>>) dst(%dma_wait3A_48 : memref<624x128xf32, #tpu.memory_space<hbm>>)
        tpu.yield
      }) : () -> ()
    } else {
    }
    %eq3A = arith.constant 15 : i32
    %eq3A_35 = arith.cmpi eq, %arg1, %eq3A : i32
    %convert_element_type3A_36 = arith.extui %eq3A_35 : i1 to i32
    %cond3A_37 = arith.constant 0 : i32
    %cond3A_38 = arith.cmpi ne, %convert_element_type3A_36, %cond3A_37 : i32
    scf.if %cond3A_38 {
      "tpu.region"() ({
        %run_scoped3A = tpu.sem_alloc : memref<!tpu.dma_semaphore, #tpu.memory_space<semaphore_mem>>
        %dma_start3A = arith.constant 9360 : i32
        %dma_start3A_39 = arith.constant 0 : i32
        %dma_start3A_40 = tpu.memref_slice %arg5[%arg0, %dma_start3A, %dma_start3A_39] : memref<2x10000x128xf32, #tpu.memory_space<hbm>> -> memref<1x640x128xf32, #tpu.memory_space<hbm>>
        %dma_start3A_41 = tpu.memref_squeeze %dma_start3A_40 : memref<1x640x128xf32, #tpu.memory_space<hbm>> -> memref<640x128xf32, #tpu.memory_space<hbm>>
        %dma_start3A_42 = arith.constant 9360 : i32
        %dma_start3A_43 = arith.constant 0 : i32
        %dma_start3A_44 = tpu.memref_slice %arg12[%dma_start3A_42, %dma_start3A_43] : memref<10240x128xf32, #tpu.memory_space<vmem_shared>> -> memref<640x128xf32, #tpu.memory_space<vmem_shared>>
        tpu.enqueue_dma source(%dma_start3A_44 : memref<640x128xf32, #tpu.memory_space<vmem_shared>>) target(%dma_start3A_41 : memref<640x128xf32, #tpu.memory_space<hbm>>) target_semaphore(%run_scoped3A : memref<!tpu.dma_semaphore, #tpu.memory_space<semaphore_mem>>)
        %dma_wait3A = arith.constant 9360 : i32
        %dma_wait3A_45 = arith.constant 0 : i32
        %dma_wait3A_46 = tpu.memref_slice %arg5[%arg0, %dma_wait3A, %dma_wait3A_45] : memref<2x10000x128xf32, #tpu.memory_space<hbm>> -> memref<1x640x128xf32, #tpu.memory_space<hbm>>
        %dma_wait3A_47 = tpu.memref_squeeze %dma_wait3A_46 : memref<1x640x128xf32, #tpu.memory_space<hbm>> -> memref<640x128xf32, #tpu.memory_space<hbm>>
        %dma_wait3A_48 = arith.constant 9360 : i32
        %dma_wait3A_49 = arith.constant 0 : i32
        %dma_wait3A_50 = tpu.memref_slice %arg12[%dma_wait3A_48, %dma_wait3A_49] : memref<10240x128xf32, #tpu.memory_space<vmem_shared>> -> memref<640x128xf32, #tpu.memory_space<vmem_shared>>
        tpu.wait_dma2 semaphore(%run_scoped3A : memref<!tpu.dma_semaphore, #tpu.memory_space<semaphore_mem>>) src(%dma_wait3A_50 : memref<640x128xf32, #tpu.memory_space<vmem_shared>>) dst(%dma_wait3A_47 : memref<640x128xf32, #tpu.memory_space<hbm>>)
        tpu.yield
      }) : () -> ()
    } else {
    }
    return
  }
}

#map = affine_map<(d0, d1) -> (0, 0)>
#map1 = affine_map<(d0, d1) -> (0, 0, 0, 0)>
#map2 = affine_map<(d0, d1) -> (0, 0, 0)>
module attributes {stable_mosaic.version = 14 : i64} {
  func.func @k(%arg0: i32, %arg1: i32, %arg2: memref<20000x128xf32, #tpu.memory_space<hbm>>, %arg3: memref<2x16x320x64xi32, #tpu.memory_space<hbm>>, %arg4: memref<16x320x64xi32, #tpu.memory_space<hbm>>, %arg5: memref<2x10000x128xf32, #tpu.memory_space<hbm>>, %arg6: memref<16x64xi32, #tpu.memory_space<vmem>>, %arg7: memref<16x64xi32, #tpu.memory_space<vmem>>, %arg8: memref<64x128xf32, #tpu.memory_space<vmem>>, %arg9: memref<64x128xf32, #tpu.memory_space<vmem>>, %arg10: memref<64x128xf32, #tpu.memory_space<vmem>>, %arg11: memref<64x128xf32, #tpu.memory_space<vmem>>, %arg12: memref<10240x128xf32, #tpu.memory_space<vmem_shared>>, %arg13: memref<!tpu.dma_semaphore, #tpu.memory_space<semaphore_mem>>, %arg14: memref<!tpu.dma_semaphore, #tpu.memory_space<semaphore_mem>>, %arg15: memref<!tpu.dma_semaphore, #tpu.memory_space<semaphore_mem>>, %arg16: memref<!tpu.dma_semaphore, #tpu.memory_space<semaphore_mem>>) attributes {dimension_semantics = [#tpu.dimension_semantics<core_parallel>, #tpu.dimension_semantics<subcore_parallel>], iteration_bounds = array<i64: 2, 16>, scalar_prefetch = 0 : i64, scratch_operands = 11 : i64, tpu.core_type = #tpu.core_type<sc_vector_subcore>, window_params = [{transform_indices = #map}, {transform_indices = #map1}, {transform_indices = #map2}, {transform_indices = #map2}]} {
    %broadcast_in_dim3A = arith.constant 0.000000e+00 : f32
    %broadcast_in_dim3A_0 = vector.broadcast %broadcast_in_dim3A : f32 to vector<16xf32>
    %scan3A = arith.constant 0 : i32
    %scan3A_1 = arith.constant 0 : i32
    %scan3A_2 = arith.constant 512 : i32
    %scan3A_3 = arith.addi %scan3A_1, %scan3A_2 : i32
    %scan3A_4 = arith.constant 1 : i32
    scf.for %scan3A_39 = %scan3A_1 to %scan3A_3 step %scan3A_4  : i32 {
      %jit3A = arith.constant 8 : i32
      %div3A = arith.divsi %scan3A_39, %jit3A : i32
      %sign3A = arith.constant 0 : i32
      %sign3A_40 = arith.cmpi sgt, %scan3A_39, %sign3A : i32
      %sign3A_41 = arith.extui %sign3A_40 : i1 to i32
      %sign3A_42 = arith.constant 0 : i32
      %sign3A_43 = arith.cmpi slt, %scan3A_39, %sign3A_42 : i32
      %sign3A_44 = arith.extui %sign3A_43 : i1 to i32
      %sign3A_45 = arith.subi %sign3A_41, %sign3A_44 : i32
      %sign3A_46 = arith.constant 0 : i32
      %sign3A_47 = arith.cmpi sgt, %jit3A, %sign3A_46 : i32
      %sign3A_48 = arith.extui %sign3A_47 : i1 to i32
      %sign3A_49 = arith.constant 0 : i32
      %sign3A_50 = arith.cmpi slt, %jit3A, %sign3A_49 : i32
      %sign3A_51 = arith.extui %sign3A_50 : i1 to i32
      %sign3A_52 = arith.subi %sign3A_48, %sign3A_51 : i32
      %ne3A = arith.cmpi ne, %sign3A_45, %sign3A_52 : i32
      %rem3A = arith.remsi %scan3A_39, %jit3A : i32
      %ne3A_53 = arith.constant 0 : i32
      %ne3A_54 = arith.cmpi ne, %rem3A, %ne3A_53 : i32
      %and3A = arith.andi %ne3A, %ne3A_54 : i1
      %sub3A = arith.constant 1 : i32
      %sub3A_55 = arith.subi %div3A, %sub3A : i32
      %select_n3A = arith.select %and3A, %sub3A_55, %div3A : i32
      %jit3A_56 = arith.constant 8 : i32
      %eq3A_57 = arith.constant 0 : i32
      %eq3A_58 = arith.cmpi eq, %jit3A_56, %eq3A_57 : i32
      %jit3A_59 = arith.constant 1 : i32
      %select_n3A_60 = arith.select %eq3A_58, %jit3A_59, %jit3A_56 : i32
      %rem3A_61 = arith.remsi %scan3A_39, %select_n3A_60 : i32
      %ne3A_62 = arith.constant 0 : i32
      %ne3A_63 = arith.cmpi ne, %rem3A_61, %ne3A_62 : i32
      %lt3A_64 = arith.constant 0 : i32
      %lt3A_65 = arith.cmpi slt, %rem3A_61, %lt3A_64 : i32
      %lt3A_66 = arith.constant 0 : i32
      %lt3A_67 = arith.cmpi slt, %select_n3A_60, %lt3A_66 : i32
      %ne3A_68 = arith.xori %lt3A_65, %lt3A_67 : i1
      %and3A_69 = arith.andi %ne3A_68, %ne3A_63 : i1
      %add3A_70 = arith.addi %rem3A_61, %select_n3A_60 : i32
      %select_n3A_71 = arith.select %and3A_69, %add3A_70, %rem3A_61 : i32
      %mul3A_72 = arith.constant 16 : i32
      %mul3A_73 = arith.muli %select_n3A_71, %mul3A_72 : i32
      %swap3A = arith.index_cast %select_n3A : i32 to index
      %swap3A_74 = arith.index_cast %mul3A_73 : i32 to index
      %swap3A_75 = tpu.vector_load %arg8[%swap3A, %swap3A_74] {strides = array<i32>} : memref<64x128xf32, #tpu.memory_space<vmem>>, vector<1x16xf32>,
      %swap3A_76 = vector.shape_cast %swap3A_75 : vector<1x16xf32> to vector<16xf32>
      %swap3A_77 = vector.shape_cast %broadcast_in_dim3A_0 : vector<16xf32> to vector<1x16xf32>
      tpu.vector_store %arg8[%swap3A, %swap3A_74], %swap3A_77 {strides = array<i32>} : memref<64x128xf32, #tpu.memory_space<vmem>>, vector<1x16xf32>,
    }
    %scan3A_5 = arith.constant 512 : i32
    %mul3A = arith.constant 640 : i32
    %mul3A_6 = arith.muli %arg1, %mul3A : i32
    %add3A = arith.constant 0 : i32
    %add3A_7 = arith.addi %mul3A_6, %add3A : i32
    "tpu.region"() ({
      %run_scoped3A = tpu.sem_alloc : memref<!tpu.dma_semaphore, #tpu.memory_space<semaphore_mem>>
      %dma_start3A = arith.constant 0 : i32
      %dma_start3A_39 = tpu.memref_slice %arg12[%add3A_7, %dma_start3A] : memref<10240x128xf32, #tpu.memory_space<vmem_shared>> -> memref<64x128xf32, #tpu.memory_space<vmem_shared>>
      %dma_start3A_40 = arith.constant 0 : i32
      %dma_start3A_41 = tpu.memref_slice %arg12[%add3A_7, %dma_start3A_40] : memref<10240x128xf32, #tpu.memory_space<vmem_shared>> -> memref<64x128xf32, #tpu.memory_space<vmem_shared>>
      tpu.enqueue_dma source(%arg8 : memref<64x128xf32, #tpu.memory_space<vmem>>) target(%dma_start3A_41 : memref<64x128xf32, #tpu.memory_space<vmem_shared>>) target_semaphore(%run_scoped3A : memref<!tpu.dma_semaphore, #tpu.memory_space<semaphore_mem>>)
      %dma_wait3A = arith.constant 0 : i32
      %dma_wait3A_42 = tpu.memref_slice %arg12[%add3A_7, %dma_wait3A] : memref<10240x128xf32, #tpu.memory_space<vmem_shared>> -> memref<64x128xf32, #tpu.memory_space<vmem_shared>>
      %dma_wait3A_43 = arith.constant 0 : i32
      %dma_wait3A_44 = tpu.memref_slice %arg12[%add3A_7, %dma_wait3A_43] : memref<10240x128xf32, #tpu.memory_space<vmem_shared>> -> memref<64x128xf32, #tpu.memory_space<vmem_shared>>
      tpu.wait_dma2 semaphore(%run_scoped3A : memref<!tpu.dma_semaphore, #tpu.memory_space<semaphore_mem>>) src(%arg8 : memref<64x128xf32, #tpu.memory_space<vmem>>) dst(%dma_wait3A_44 : memref<64x128xf32, #tpu.memory_space<vmem_shared>>)
      tpu.yield
    }) : () -> ()
    %add3A_8 = arith.constant 64 : i32
    %add3A_9 = arith.addi %mul3A_6, %add3A_8 : i32
    "tpu.region"() ({
      %run_scoped3A = tpu.sem_alloc : memref<!tpu.dma_semaphore, #tpu.memory_space<semaphore_mem>>
      %dma_start3A = arith.constant 0 : i32
      %dma_start3A_39 = tpu.memref_slice %arg12[%add3A_9, %dma_start3A] : memref<10240x128xf32, #tpu.memory_space<vmem_shared>> -> memref<64x128xf32, #tpu.memory_space<vmem_shared>>
      %dma_start3A_40 = arith.constant 0 : i32
      %dma_start3A_41 = tpu.memref_slice %arg12[%add3A_9, %dma_start3A_40] : memref<10240x128xf32, #tpu.memory_space<vmem_shared>> -> memref<64x128xf32, #tpu.memory_space<vmem_shared>>
      tpu.enqueue_dma source(%arg8 : memref<64x128xf32, #tpu.memory_space<vmem>>) target(%dma_start3A_41 : memref<64x128xf32, #tpu.memory_space<vmem_shared>>) target_semaphore(%run_scoped3A : memref<!tpu.dma_semaphore, #tpu.memory_space<semaphore_mem>>)
      %dma_wait3A = arith.constant 0 : i32
      %dma_wait3A_42 = tpu.memref_slice %arg12[%add3A_9, %dma_wait3A] : memref<10240x128xf32, #tpu.memory_space<vmem_shared>> -> memref<64x128xf32, #tpu.memory_space<vmem_shared>>
      %dma_wait3A_43 = arith.constant 0 : i32
      %dma_wait3A_44 = tpu.memref_slice %arg12[%add3A_9, %dma_wait3A_43] : memref<10240x128xf32, #tpu.memory_space<vmem_shared>> -> memref<64x128xf32, #tpu.memory_space<vmem_shared>>
      tpu.wait_dma2 semaphore(%run_scoped3A : memref<!tpu.dma_semaphore, #tpu.memory_space<semaphore_mem>>) src(%arg8 : memref<64x128xf32, #tpu.memory_space<vmem>>) dst(%dma_wait3A_44 : memref<64x128xf32, #tpu.memory_space<vmem_shared>>)
      tpu.yield
    }) : () -> ()
    %add3A_10 = arith.constant 128 : i32
    %add3A_11 = arith.addi %mul3A_6, %add3A_10 : i32
    "tpu.region"() ({
      %run_scoped3A = tpu.sem_alloc : memref<!tpu.dma_semaphore, #tpu.memory_space<semaphore_mem>>
      %dma_start3A = arith.constant 0 : i32
      %dma_start3A_39 = tpu.memref_slice %arg12[%add3A_11, %dma_start3A] : memref<10240x128xf32, #tpu.memory_space<vmem_shared>> -> memref<64x128xf32, #tpu.memory_space<vmem_shared>>
      %dma_start3A_40 = arith.constant 0 : i32
      %dma_start3A_41 = tpu.memref_slice %arg12[%add3A_11, %dma_start3A_40] : memref<10240x128xf32, #tpu.memory_space<vmem_shared>> -> memref<64x128xf32, #tpu.memory_space<vmem_shared>>
      tpu.enqueue_dma source(%arg8 : memref<64x128xf32, #tpu.memory_space<vmem>>) target(%dma_start3A_41 : memref<64x128xf32, #tpu.memory_space<vmem_shared>>) target_semaphore(%run_scoped3A : memref<!tpu.dma_semaphore, #tpu.memory_space<semaphore_mem>>)
      %dma_wait3A = arith.constant 0 : i32
      %dma_wait3A_42 = tpu.memref_slice %arg12[%add3A_11, %dma_wait3A] : memref<10240x128xf32, #tpu.memory_space<vmem_shared>> -> memref<64x128xf32, #tpu.memory_space<vmem_shared>>
      %dma_wait3A_43 = arith.constant 0 : i32
      %dma_wait3A_44 = tpu.memref_slice %arg12[%add3A_11, %dma_wait3A_43] : memref<10240x128xf32, #tpu.memory_space<vmem_shared>> -> memref<64x128xf32, #tpu.memory_space<vmem_shared>>
      tpu.wait_dma2 semaphore(%run_scoped3A : memref<!tpu.dma_semaphore, #tpu.memory_space<semaphore_mem>>) src(%arg8 : memref<64x128xf32, #tpu.memory_space<vmem>>) dst(%dma_wait3A_44 : memref<64x128xf32, #tpu.memory_space<vmem_shared>>)
      tpu.yield
    }) : () -> ()
    %add3A_12 = arith.constant 192 : i32
    %add3A_13 = arith.addi %mul3A_6, %add3A_12 : i32
    "tpu.region"() ({
      %run_scoped3A = tpu.sem_alloc : memref<!tpu.dma_semaphore, #tpu.memory_space<semaphore_mem>>
      %dma_start3A = arith.constant 0 : i32
      %dma_start3A_39 = tpu.memref_slice %arg12[%add3A_13, %dma_start3A] : memref<10240x128xf32, #tpu.memory_space<vmem_shared>> -> memref<64x128xf32, #tpu.memory_space<vmem_shared>>
      %dma_start3A_40 = arith.constant 0 : i32
      %dma_start3A_41 = tpu.memref_slice %arg12[%add3A_13, %dma_start3A_40] : memref<10240x128xf32, #tpu.memory_space<vmem_shared>> -> memref<64x128xf32, #tpu.memory_space<vmem_shared>>
      tpu.enqueue_dma source(%arg8 : memref<64x128xf32, #tpu.memory_space<vmem>>) target(%dma_start3A_41 : memref<64x128xf32, #tpu.memory_space<vmem_shared>>) target_semaphore(%run_scoped3A : memref<!tpu.dma_semaphore, #tpu.memory_space<semaphore_mem>>)
      %dma_wait3A = arith.constant 0 : i32
      %dma_wait3A_42 = tpu.memref_slice %arg12[%add3A_13, %dma_wait3A] : memref<10240x128xf32, #tpu.memory_space<vmem_shared>> -> memref<64x128xf32, #tpu.memory_space<vmem_shared>>
      %dma_wait3A_43 = arith.constant 0 : i32
      %dma_wait3A_44 = tpu.memref_slice %arg12[%add3A_13, %dma_wait3A_43] : memref<10240x128xf32, #tpu.memory_space<vmem_shared>> -> memref<64x128xf32, #tpu.memory_space<vmem_shared>>
      tpu.wait_dma2 semaphore(%run_scoped3A : memref<!tpu.dma_semaphore, #tpu.memory_space<semaphore_mem>>) src(%arg8 : memref<64x128xf32, #tpu.memory_space<vmem>>) dst(%dma_wait3A_44 : memref<64x128xf32, #tpu.memory_space<vmem_shared>>)
      tpu.yield
    }) : () -> ()
    %add3A_14 = arith.constant 256 : i32
    %add3A_15 = arith.addi %mul3A_6, %add3A_14 : i32
    "tpu.region"() ({
      %run_scoped3A = tpu.sem_alloc : memref<!tpu.dma_semaphore, #tpu.memory_space<semaphore_mem>>
      %dma_start3A = arith.constant 0 : i32
      %dma_start3A_39 = tpu.memref_slice %arg12[%add3A_15, %dma_start3A] : memref<10240x128xf32, #tpu.memory_space<vmem_shared>> -> memref<64x128xf32, #tpu.memory_space<vmem_shared>>
      %dma_start3A_40 = arith.constant 0 : i32
      %dma_start3A_41 = tpu.memref_slice %arg12[%add3A_15, %dma_start3A_40] : memref<10240x128xf32, #tpu.memory_space<vmem_shared>> -> memref<64x128xf32, #tpu.memory_space<vmem_shared>>
      tpu.enqueue_dma source(%arg8 : memref<64x128xf32, #tpu.memory_space<vmem>>) target(%dma_start3A_41 : memref<64x128xf32, #tpu.memory_space<vmem_shared>>) target_semaphore(%run_scoped3A : memref<!tpu.dma_semaphore, #tpu.memory_space<semaphore_mem>>)
      %dma_wait3A = arith.constant 0 : i32
      %dma_wait3A_42 = tpu.memref_slice %arg12[%add3A_15, %dma_wait3A] : memref<10240x128xf32, #tpu.memory_space<vmem_shared>> -> memref<64x128xf32, #tpu.memory_space<vmem_shared>>
      %dma_wait3A_43 = arith.constant 0 : i32
      %dma_wait3A_44 = tpu.memref_slice %arg12[%add3A_15, %dma_wait3A_43] : memref<10240x128xf32, #tpu.memory_space<vmem_shared>> -> memref<64x128xf32, #tpu.memory_space<vmem_shared>>
      tpu.wait_dma2 semaphore(%run_scoped3A : memref<!tpu.dma_semaphore, #tpu.memory_space<semaphore_mem>>) src(%arg8 : memref<64x128xf32, #tpu.memory_space<vmem>>) dst(%dma_wait3A_44 : memref<64x128xf32, #tpu.memory_space<vmem_shared>>)
      tpu.yield
    }) : () -> ()
    %add3A_16 = arith.constant 320 : i32
    %add3A_17 = arith.addi %mul3A_6, %add3A_16 : i32
    "tpu.region"() ({
      %run_scoped3A = tpu.sem_alloc : memref<!tpu.dma_semaphore, #tpu.memory_space<semaphore_mem>>
      %dma_start3A = arith.constant 0 : i32
      %dma_start3A_39 = tpu.memref_slice %arg12[%add3A_17, %dma_start3A] : memref<10240x128xf32, #tpu.memory_space<vmem_shared>> -> memref<64x128xf32, #tpu.memory_space<vmem_shared>>
      %dma_start3A_40 = arith.constant 0 : i32
      %dma_start3A_41 = tpu.memref_slice %arg12[%add3A_17, %dma_start3A_40] : memref<10240x128xf32, #tpu.memory_space<vmem_shared>> -> memref<64x128xf32, #tpu.memory_space<vmem_shared>>
      tpu.enqueue_dma source(%arg8 : memref<64x128xf32, #tpu.memory_space<vmem>>) target(%dma_start3A_41 : memref<64x128xf32, #tpu.memory_space<vmem_shared>>) target_semaphore(%run_scoped3A : memref<!tpu.dma_semaphore, #tpu.memory_space<semaphore_mem>>)
      %dma_wait3A = arith.constant 0 : i32
      %dma_wait3A_42 = tpu.memref_slice %arg12[%add3A_17, %dma_wait3A] : memref<10240x128xf32, #tpu.memory_space<vmem_shared>> -> memref<64x128xf32, #tpu.memory_space<vmem_shared>>
      %dma_wait3A_43 = arith.constant 0 : i32
      %dma_wait3A_44 = tpu.memref_slice %arg12[%add3A_17, %dma_wait3A_43] : memref<10240x128xf32, #tpu.memory_space<vmem_shared>> -> memref<64x128xf32, #tpu.memory_space<vmem_shared>>
      tpu.wait_dma2 semaphore(%run_scoped3A : memref<!tpu.dma_semaphore, #tpu.memory_space<semaphore_mem>>) src(%arg8 : memref<64x128xf32, #tpu.memory_space<vmem>>) dst(%dma_wait3A_44 : memref<64x128xf32, #tpu.memory_space<vmem_shared>>)
      tpu.yield
    }) : () -> ()
    %add3A_18 = arith.constant 384 : i32
    %add3A_19 = arith.addi %mul3A_6, %add3A_18 : i32
    "tpu.region"() ({
      %run_scoped3A = tpu.sem_alloc : memref<!tpu.dma_semaphore, #tpu.memory_space<semaphore_mem>>
      %dma_start3A = arith.constant 0 : i32
      %dma_start3A_39 = tpu.memref_slice %arg12[%add3A_19, %dma_start3A] : memref<10240x128xf32, #tpu.memory_space<vmem_shared>> -> memref<64x128xf32, #tpu.memory_space<vmem_shared>>
      %dma_start3A_40 = arith.constant 0 : i32
      %dma_start3A_41 = tpu.memref_slice %arg12[%add3A_19, %dma_start3A_40] : memref<10240x128xf32, #tpu.memory_space<vmem_shared>> -> memref<64x128xf32, #tpu.memory_space<vmem_shared>>
      tpu.enqueue_dma source(%arg8 : memref<64x128xf32, #tpu.memory_space<vmem>>) target(%dma_start3A_41 : memref<64x128xf32, #tpu.memory_space<vmem_shared>>) target_semaphore(%run_scoped3A : memref<!tpu.dma_semaphore, #tpu.memory_space<semaphore_mem>>)
      %dma_wait3A = arith.constant 0 : i32
      %dma_wait3A_42 = tpu.memref_slice %arg12[%add3A_19, %dma_wait3A] : memref<10240x128xf32, #tpu.memory_space<vmem_shared>> -> memref<64x128xf32, #tpu.memory_space<vmem_shared>>
      %dma_wait3A_43 = arith.constant 0 : i32
      %dma_wait3A_44 = tpu.memref_slice %arg12[%add3A_19, %dma_wait3A_43] : memref<10240x128xf32, #tpu.memory_space<vmem_shared>> -> memref<64x128xf32, #tpu.memory_space<vmem_shared>>
      tpu.wait_dma2 semaphore(%run_scoped3A : memref<!tpu.dma_semaphore, #tpu.memory_space<semaphore_mem>>) src(%arg8 : memref<64x128xf32, #tpu.memory_space<vmem>>) dst(%dma_wait3A_44 : memref<64x128xf32, #tpu.memory_space<vmem_shared>>)
      tpu.yield
    }) : () -> ()
    %add3A_20 = arith.constant 448 : i32
    %add3A_21 = arith.addi %mul3A_6, %add3A_20 : i32
    "tpu.region"() ({
      %run_scoped3A = tpu.sem_alloc : memref<!tpu.dma_semaphore, #tpu.memory_space<semaphore_mem>>
      %dma_start3A = arith.constant 0 : i32
      %dma_start3A_39 = tpu.memref_slice %arg12[%add3A_21, %dma_start3A] : memref<10240x128xf32, #tpu.memory_space<vmem_shared>> -> memref<64x128xf32, #tpu.memory_space<vmem_shared>>
      %dma_start3A_40 = arith.constant 0 : i32
      %dma_start3A_41 = tpu.memref_slice %arg12[%add3A_21, %dma_start3A_40] : memref<10240x128xf32, #tpu.memory_space<vmem_shared>> -> memref<64x128xf32, #tpu.memory_space<vmem_shared>>
      tpu.enqueue_dma source(%arg8 : memref<64x128xf32, #tpu.memory_space<vmem>>) target(%dma_start3A_41 : memref<64x128xf32, #tpu.memory_space<vmem_shared>>) target_semaphore(%run_scoped3A : memref<!tpu.dma_semaphore, #tpu.memory_space<semaphore_mem>>)
      %dma_wait3A = arith.constant 0 : i32
      %dma_wait3A_42 = tpu.memref_slice %arg12[%add3A_21, %dma_wait3A] : memref<10240x128xf32, #tpu.memory_space<vmem_shared>> -> memref<64x128xf32, #tpu.memory_space<vmem_shared>>
      %dma_wait3A_43 = arith.constant 0 : i32
      %dma_wait3A_44 = tpu.memref_slice %arg12[%add3A_21, %dma_wait3A_43] : memref<10240x128xf32, #tpu.memory_space<vmem_shared>> -> memref<64x128xf32, #tpu.memory_space<vmem_shared>>
      tpu.wait_dma2 semaphore(%run_scoped3A : memref<!tpu.dma_semaphore, #tpu.memory_space<semaphore_mem>>) src(%arg8 : memref<64x128xf32, #tpu.memory_space<vmem>>) dst(%dma_wait3A_44 : memref<64x128xf32, #tpu.memory_space<vmem_shared>>)
      tpu.yield
    }) : () -> ()
    %add3A_22 = arith.constant 512 : i32
    %add3A_23 = arith.addi %mul3A_6, %add3A_22 : i32
    "tpu.region"() ({
      %run_scoped3A = tpu.sem_alloc : memref<!tpu.dma_semaphore, #tpu.memory_space<semaphore_mem>>
      %dma_start3A = arith.constant 0 : i32
      %dma_start3A_39 = tpu.memref_slice %arg12[%add3A_23, %dma_start3A] : memref<10240x128xf32, #tpu.memory_space<vmem_shared>> -> memref<64x128xf32, #tpu.memory_space<vmem_shared>>
      %dma_start3A_40 = arith.constant 0 : i32
      %dma_start3A_41 = tpu.memref_slice %arg12[%add3A_23, %dma_start3A_40] : memref<10240x128xf32, #tpu.memory_space<vmem_shared>> -> memref<64x128xf32, #tpu.memory_space<vmem_shared>>
      tpu.enqueue_dma source(%arg8 : memref<64x128xf32, #tpu.memory_space<vmem>>) target(%dma_start3A_41 : memref<64x128xf32, #tpu.memory_space<vmem_shared>>) target_semaphore(%run_scoped3A : memref<!tpu.dma_semaphore, #tpu.memory_space<semaphore_mem>>)
      %dma_wait3A = arith.constant 0 : i32
      %dma_wait3A_42 = tpu.memref_slice %arg12[%add3A_23, %dma_wait3A] : memref<10240x128xf32, #tpu.memory_space<vmem_shared>> -> memref<64x128xf32, #tpu.memory_space<vmem_shared>>
      %dma_wait3A_43 = arith.constant 0 : i32
      %dma_wait3A_44 = tpu.memref_slice %arg12[%add3A_23, %dma_wait3A_43] : memref<10240x128xf32, #tpu.memory_space<vmem_shared>> -> memref<64x128xf32, #tpu.memory_space<vmem_shared>>
      tpu.wait_dma2 semaphore(%run_scoped3A : memref<!tpu.dma_semaphore, #tpu.memory_space<semaphore_mem>>) src(%arg8 : memref<64x128xf32, #tpu.memory_space<vmem>>) dst(%dma_wait3A_44 : memref<64x128xf32, #tpu.memory_space<vmem_shared>>)
      tpu.yield
    }) : () -> ()
    %add3A_24 = arith.constant 576 : i32
    %add3A_25 = arith.addi %mul3A_6, %add3A_24 : i32
    "tpu.region"() ({
      %run_scoped3A = tpu.sem_alloc : memref<!tpu.dma_semaphore, #tpu.memory_space<semaphore_mem>>
      %dma_start3A = arith.constant 0 : i32
      %dma_start3A_39 = tpu.memref_slice %arg12[%add3A_25, %dma_start3A] : memref<10240x128xf32, #tpu.memory_space<vmem_shared>> -> memref<64x128xf32, #tpu.memory_space<vmem_shared>>
      %dma_start3A_40 = arith.constant 0 : i32
      %dma_start3A_41 = tpu.memref_slice %arg12[%add3A_25, %dma_start3A_40] : memref<10240x128xf32, #tpu.memory_space<vmem_shared>> -> memref<64x128xf32, #tpu.memory_space<vmem_shared>>
      tpu.enqueue_dma source(%arg8 : memref<64x128xf32, #tpu.memory_space<vmem>>) target(%dma_start3A_41 : memref<64x128xf32, #tpu.memory_space<vmem_shared>>) target_semaphore(%run_scoped3A : memref<!tpu.dma_semaphore, #tpu.memory_space<semaphore_mem>>)
      %dma_wait3A = arith.constant 0 : i32
      %dma_wait3A_42 = tpu.memref_slice %arg12[%add3A_25, %dma_wait3A] : memref<10240x128xf32, #tpu.memory_space<vmem_shared>> -> memref<64x128xf32, #tpu.memory_space<vmem_shared>>
      %dma_wait3A_43 = arith.constant 0 : i32
      %dma_wait3A_44 = tpu.memref_slice %arg12[%add3A_25, %dma_wait3A_43] : memref<10240x128xf32, #tpu.memory_space<vmem_shared>> -> memref<64x128xf32, #tpu.memory_space<vmem_shared>>
      tpu.wait_dma2 semaphore(%run_scoped3A : memref<!tpu.dma_semaphore, #tpu.memory_space<semaphore_mem>>) src(%arg8 : memref<64x128xf32, #tpu.memory_space<vmem>>) dst(%dma_wait3A_44 : memref<64x128xf32, #tpu.memory_space<vmem_shared>>)
      tpu.yield
    }) : () -> ()
    %barrier3A = arith.constant 0 : index
    tpu.barrier barrier_id(%barrier3A)
    %scan3A_26 = arith.constant 0 : i32
    %scan3A_27 = arith.constant 0 : i32
    %scan3A_28 = arith.constant 20 : i32
    %scan3A_29 = arith.addi %scan3A_27, %scan3A_28 : i32
    %scan3A_30 = arith.constant 1 : i32
    scf.for %scan3A_39 = %scan3A_27 to %scan3A_29 step %scan3A_30  : i32 {
      %mul3A_40 = arith.constant 16 : i32
      %mul3A_41 = arith.muli %scan3A_39, %mul3A_40 : i32
      "tpu.region"() ({
        %run_scoped3A = tpu.sem_alloc : memref<!tpu.dma_semaphore, #tpu.memory_space<semaphore_mem>>
        %dma_start3A_70 = arith.constant 0 : i32
        %dma_start3A_71 = tpu.memref_slice %arg3[%arg0, %arg1, %mul3A_41, %dma_start3A_70] : memref<2x16x320x64xi32, #tpu.memory_space<hbm>> -> memref<1x1x16x64xi32, #tpu.memory_space<hbm>>
        %dma_start3A_72 = tpu.memref_squeeze %dma_start3A_71 : memref<1x1x16x64xi32, #tpu.memory_space<hbm>> -> memref<16x64xi32, #tpu.memory_space<hbm>>
        %dma_start3A_73 = arith.constant 0 : i32
        %dma_start3A_74 = tpu.memref_slice %arg3[%arg0, %arg1, %mul3A_41, %dma_start3A_73] : memref<2x16x320x64xi32, #tpu.memory_space<hbm>> -> memref<1x1x16x64xi32, #tpu.memory_space<hbm>>
        %dma_start3A_75 = tpu.memref_squeeze %dma_start3A_74 : memref<1x1x16x64xi32, #tpu.memory_space<hbm>> -> memref<16x64xi32, #tpu.memory_space<hbm>>
        tpu.enqueue_dma source(%dma_start3A_75 : memref<16x64xi32, #tpu.memory_space<hbm>>) target(%arg6 : memref<16x64xi32, #tpu.memory_space<vmem>>) target_semaphore(%run_scoped3A : memref<!tpu.dma_semaphore, #tpu.memory_space<semaphore_mem>>)
        %dma_wait3A = arith.constant 0 : i32
        %dma_wait3A_76 = tpu.memref_slice %arg3[%arg0, %arg1, %mul3A_41, %dma_wait3A] : memref<2x16x320x64xi32, #tpu.memory_space<hbm>> -> memref<1x1x16x64xi32, #tpu.memory_space<hbm>>
        %dma_wait3A_77 = tpu.memref_squeeze %dma_wait3A_76 : memref<1x1x16x64xi32, #tpu.memory_space<hbm>> -> memref<16x64xi32, #tpu.memory_space<hbm>>
        %dma_wait3A_78 = arith.constant 0 : i32
        %dma_wait3A_79 = tpu.memref_slice %arg3[%arg0, %arg1, %mul3A_41, %dma_wait3A_78] : memref<2x16x320x64xi32, #tpu.memory_space<hbm>> -> memref<1x1x16x64xi32, #tpu.memory_space<hbm>>
        %dma_wait3A_80 = tpu.memref_squeeze %dma_wait3A_79 : memref<1x1x16x64xi32, #tpu.memory_space<hbm>> -> memref<16x64xi32, #tpu.memory_space<hbm>>
        tpu.wait_dma2 semaphore(%run_scoped3A : memref<!tpu.dma_semaphore, #tpu.memory_space<semaphore_mem>>) src(%dma_wait3A_80 : memref<16x64xi32, #tpu.memory_space<hbm>>) dst(%arg6 : memref<16x64xi32, #tpu.memory_space<vmem>>)
        tpu.yield
      }) : () -> ()
      %mul3A_42 = arith.constant 16 : i32
      %mul3A_43 = arith.muli %scan3A_39, %mul3A_42 : i32
      "tpu.region"() ({
        %run_scoped3A = tpu.sem_alloc : memref<!tpu.dma_semaphore, #tpu.memory_space<semaphore_mem>>
        %dma_start3A_70 = arith.constant 0 : i32
        %dma_start3A_71 = tpu.memref_slice %arg4[%arg1, %mul3A_43, %dma_start3A_70] : memref<16x320x64xi32, #tpu.memory_space<hbm>> -> memref<1x16x64xi32, #tpu.memory_space<hbm>>
        %dma_start3A_72 = tpu.memref_squeeze %dma_start3A_71 : memref<1x16x64xi32, #tpu.memory_space<hbm>> -> memref<16x64xi32, #tpu.memory_space<hbm>>
        %dma_start3A_73 = arith.constant 0 : i32
        %dma_start3A_74 = tpu.memref_slice %arg4[%arg1, %mul3A_43, %dma_start3A_73] : memref<16x320x64xi32, #tpu.memory_space<hbm>> -> memref<1x16x64xi32, #tpu.memory_space<hbm>>
        %dma_start3A_75 = tpu.memref_squeeze %dma_start3A_74 : memref<1x16x64xi32, #tpu.memory_space<hbm>> -> memref<16x64xi32, #tpu.memory_space<hbm>>
        tpu.enqueue_dma source(%dma_start3A_75 : memref<16x64xi32, #tpu.memory_space<hbm>>) target(%arg7 : memref<16x64xi32, #tpu.memory_space<vmem>>) target_semaphore(%run_scoped3A : memref<!tpu.dma_semaphore, #tpu.memory_space<semaphore_mem>>)
        %dma_wait3A = arith.constant 0 : i32
        %dma_wait3A_76 = tpu.memref_slice %arg4[%arg1, %mul3A_43, %dma_wait3A] : memref<16x320x64xi32, #tpu.memory_space<hbm>> -> memref<1x16x64xi32, #tpu.memory_space<hbm>>
        %dma_wait3A_77 = tpu.memref_squeeze %dma_wait3A_76 : memref<1x16x64xi32, #tpu.memory_space<hbm>> -> memref<16x64xi32, #tpu.memory_space<hbm>>
        %dma_wait3A_78 = arith.constant 0 : i32
        %dma_wait3A_79 = tpu.memref_slice %arg4[%arg1, %mul3A_43, %dma_wait3A_78] : memref<16x320x64xi32, #tpu.memory_space<hbm>> -> memref<1x16x64xi32, #tpu.memory_space<hbm>>
        %dma_wait3A_80 = tpu.memref_squeeze %dma_wait3A_79 : memref<1x16x64xi32, #tpu.memory_space<hbm>> -> memref<16x64xi32, #tpu.memory_space<hbm>>
        tpu.wait_dma2 semaphore(%run_scoped3A : memref<!tpu.dma_semaphore, #tpu.memory_space<semaphore_mem>>) src(%dma_wait3A_80 : memref<16x64xi32, #tpu.memory_space<hbm>>) dst(%arg7 : memref<16x64xi32, #tpu.memory_space<vmem>>)
        tpu.yield
      }) : () -> ()
      %dma_start3A = arith.constant 0 : i32
      %dma_start3A_44 = arith.constant 0 : i32
      %dma_start3A_45 = tpu.memref_slice %arg6[%dma_start3A, %dma_start3A_44] : memref<16x64xi32, #tpu.memory_space<vmem>> -> memref<1x64xi32, #tpu.memory_space<vmem>>
      %dma_start3A_46 = tpu.memref_squeeze %dma_start3A_45 : memref<1x64xi32, #tpu.memory_space<vmem>> -> memref<64xi32, #tpu.memory_space<vmem>>
      %dma_start3A_47 = arith.constant 0 : i32
      %dma_start3A_48 = arith.constant 0 : i32
      %dma_start3A_49 = tpu.memref_slice %arg2[%dma_start3A_47, %dma_start3A_48] : memref<20000x128xf32, #tpu.memory_space<hbm>> -> memref<20000x128xf32, #tpu.memory_space<hbm>>
      tpu.enqueue_indirect_dma source(%dma_start3A_49 : memref<20000x128xf32, #tpu.memory_space<hbm>>) target(%arg8 : memref<64x128xf32, #tpu.memory_space<vmem>>) offsets(%dma_start3A_46 : memref<64xi32, #tpu.memory_space<vmem>>) semaphore(%arg13 : memref<!tpu.dma_semaphore, #tpu.memory_space<semaphore_mem>>)
      %dma_start3A_50 = arith.constant 1 : i32
      %dma_start3A_51 = arith.constant 0 : i32
      %dma_start3A_52 = tpu.memref_slice %arg6[%dma_start3A_50, %dma_start3A_51] : memref<16x64xi32, #tpu.memory_space<vmem>> -> memref<1x64xi32, #tpu.memory_space<vmem>>
      %dma_start3A_53 = tpu.memref_squeeze %dma_start3A_52 : memref<1x64xi32, #tpu.memory_space<vmem>> -> memref<64xi32, #tpu.memory_space<vmem>>
      %dma_start3A_54 = arith.constant 0 : i32
      %dma_start3A_55 = arith.constant 0 : i32
      %dma_start3A_56 = tpu.memref_slice %arg2[%dma_start3A_54, %dma_start3A_55] : memref<20000x128xf32, #tpu.memory_space<hbm>> -> memref<20000x128xf32, #tpu.memory_space<hbm>>
      tpu.enqueue_indirect_dma source(%dma_start3A_56 : memref<20000x128xf32, #tpu.memory_space<hbm>>) target(%arg9 : memref<64x128xf32, #tpu.memory_space<vmem>>) offsets(%dma_start3A_53 : memref<64xi32, #tpu.memory_space<vmem>>) semaphore(%arg14 : memref<!tpu.dma_semaphore, #tpu.memory_space<semaphore_mem>>)
      %dma_start3A_57 = arith.constant 2 : i32
      %dma_start3A_58 = arith.constant 0 : i32
      %dma_start3A_59 = tpu.memref_slice %arg6[%dma_start3A_57, %dma_start3A_58] : memref<16x64xi32, #tpu.memory_space<vmem>> -> memref<1x64xi32, #tpu.memory_space<vmem>>
      %dma_start3A_60 = tpu.memref_squeeze %dma_start3A_59 : memref<1x64xi32, #tpu.memory_space<vmem>> -> memref<64xi32, #tpu.memory_space<vmem>>
      %dma_start3A_61 = arith.constant 0 : i32
      %dma_start3A_62 = arith.constant 0 : i32
      %dma_start3A_63 = tpu.memref_slice %arg2[%dma_start3A_61, %dma_start3A_62] : memref<20000x128xf32, #tpu.memory_space<hbm>> -> memref<20000x128xf32, #tpu.memory_space<hbm>>
      tpu.enqueue_indirect_dma source(%dma_start3A_63 : memref<20000x128xf32, #tpu.memory_space<hbm>>) target(%arg10 : memref<64x128xf32, #tpu.memory_space<vmem>>) offsets(%dma_start3A_60 : memref<64xi32, #tpu.memory_space<vmem>>) semaphore(%arg15 : memref<!tpu.dma_semaphore, #tpu.memory_space<semaphore_mem>>)
      %scan3A_64 = arith.constant 0 : i32
      %scan3A_65 = arith.constant 0 : i32
      %scan3A_66 = arith.constant 16 : i32
      %scan3A_67 = arith.addi %scan3A_65, %scan3A_66 : i32
      %scan3A_68 = arith.constant 1 : i32
      scf.for %scan3A_70 = %scan3A_65 to %scan3A_67 step %scan3A_68  : i32 {
        %jit3A = arith.constant 4 : i32
        %eq3A_71 = arith.constant 0 : i32
        %eq3A_72 = arith.cmpi eq, %jit3A, %eq3A_71 : i32
        %jit3A_73 = arith.constant 1 : i32
        %select_n3A = arith.select %eq3A_72, %jit3A_73, %jit3A : i32
        %rem3A = arith.remsi %scan3A_70, %select_n3A : i32
        %ne3A = arith.constant 0 : i32
        %ne3A_74 = arith.cmpi ne, %rem3A, %ne3A : i32
        %lt3A_75 = arith.constant 0 : i32
        %lt3A_76 = arith.cmpi slt, %rem3A, %lt3A_75 : i32
        %lt3A_77 = arith.constant 0 : i32
        %lt3A_78 = arith.cmpi slt, %select_n3A, %lt3A_77 : i32
        %ne3A_79 = arith.xori %lt3A_76, %lt3A_78 : i1
        %and3A = arith.andi %ne3A_79, %ne3A_74 : i1
        %add3A_80 = arith.addi %rem3A, %select_n3A : i32
        %select_n3A_81 = arith.select %and3A, %add3A_80, %rem3A : i32
        %eq3A_82 = arith.constant 0 : i32
        %eq3A_83 = arith.cmpi eq, %select_n3A_81, %eq3A_82 : i32
        %convert_element_type3A_84 = arith.extui %eq3A_83 : i1 to i32
        %cond3A_85 = arith.constant 0 : i32
        %cond3A_86 = arith.cmpi ne, %convert_element_type3A_84, %cond3A_85 : i32
        scf.if %cond3A_86 {
          %dma_wait3A = arith.constant 0 : i32
          %dma_wait3A_150 = tpu.memref_slice %arg6[%scan3A_70, %dma_wait3A] : memref<16x64xi32, #tpu.memory_space<vmem>> -> memref<1x64xi32, #tpu.memory_space<vmem>>
          %dma_wait3A_151 = tpu.memref_squeeze %dma_wait3A_150 : memref<1x64xi32, #tpu.memory_space<vmem>> -> memref<64xi32, #tpu.memory_space<vmem>>
          %dma_wait3A_152 = arith.constant 0 : i32
          %dma_wait3A_153 = arith.constant 0 : i32
          %dma_wait3A_154 = tpu.memref_slice %arg2[%dma_wait3A_152, %dma_wait3A_153] : memref<20000x128xf32, #tpu.memory_space<hbm>> -> memref<20000x128xf32, #tpu.memory_space<hbm>>
          tpu.wait_indirect_dma semaphore(%arg13 : memref<!tpu.dma_semaphore, #tpu.memory_space<semaphore_mem>>) src(%dma_wait3A_154 : memref<20000x128xf32, #tpu.memory_space<hbm>>) dst(%arg8 : memref<64x128xf32, #tpu.memory_space<vmem>>)
          %add3A_155 = arith.constant 4 : i32
          %add3A_156 = arith.addi %scan3A_70, %add3A_155 : i32
          %sub3A = arith.constant 1 : i32
          %sub3A_157 = arith.subi %add3A_156, %sub3A : i32
          %lt3A_158 = arith.constant 16 : i32
          %lt3A_159 = arith.cmpi slt, %sub3A_157, %lt3A_158 : i32
          %convert_element_type3A_160 = arith.extui %lt3A_159 : i1 to i32
          %cond3A_161 = arith.constant 0 : i32
          %cond3A_162 = arith.cmpi ne, %convert_element_type3A_160, %cond3A_161 : i32
          scf.if %cond3A_162 {
            %dma_start3A_163 = arith.constant 0 : i32
            %dma_start3A_164 = tpu.memref_slice %arg6[%sub3A_157, %dma_start3A_163] : memref<16x64xi32, #tpu.memory_space<vmem>> -> memref<1x64xi32, #tpu.memory_space<vmem>>
            %dma_start3A_165 = tpu.memref_squeeze %dma_start3A_164 : memref<1x64xi32, #tpu.memory_space<vmem>> -> memref<64xi32, #tpu.memory_space<vmem>>
            %dma_start3A_166 = arith.constant 0 : i32
            %dma_start3A_167 = arith.constant 0 : i32
            %dma_start3A_168 = tpu.memref_slice %arg2[%dma_start3A_166, %dma_start3A_167] : memref<20000x128xf32, #tpu.memory_space<hbm>> -> memref<20000x128xf32, #tpu.memory_space<hbm>>
            tpu.enqueue_indirect_dma source(%dma_start3A_168 : memref<20000x128xf32, #tpu.memory_space<hbm>>) target(%arg11 : memref<64x128xf32, #tpu.memory_space<vmem>>) offsets(%dma_start3A_165 : memref<64xi32, #tpu.memory_space<vmem>>) semaphore(%arg16 : memref<!tpu.dma_semaphore, #tpu.memory_space<semaphore_mem>>)
          } else {
          }
          "tpu.region"() ({
            %run_scoped3A = tpu.sem_alloc : memref<!tpu.dma_semaphore, #tpu.memory_space<semaphore_mem>>
            %dma_start3A_163 = arith.constant 0 : i32
            %dma_start3A_164 = tpu.memref_slice %arg7[%scan3A_70, %dma_start3A_163] : memref<16x64xi32, #tpu.memory_space<vmem>> -> memref<1x64xi32, #tpu.memory_space<vmem>>
            %dma_start3A_165 = tpu.memref_squeeze %dma_start3A_164 : memref<1x64xi32, #tpu.memory_space<vmem>> -> memref<64xi32, #tpu.memory_space<vmem>>
            %dma_start3A_166 = arith.constant 0 : i32
            %dma_start3A_167 = arith.constant 0 : i32
            %dma_start3A_168 = tpu.memref_slice %arg12[%dma_start3A_166, %dma_start3A_167] : memref<10240x128xf32, #tpu.memory_space<vmem_shared>> -> memref<10240x128xf32, #tpu.memory_space<vmem_shared>>
            tpu.enqueue_indirect_dma source(%arg8 : memref<64x128xf32, #tpu.memory_space<vmem>>) target(%dma_start3A_168 : memref<10240x128xf32, #tpu.memory_space<vmem_shared>>) offsets(%dma_start3A_165 : memref<64xi32, #tpu.memory_space<vmem>>) semaphore(%run_scoped3A : memref<!tpu.dma_semaphore, #tpu.memory_space<semaphore_mem>>) {add = true}
            %dma_wait3A_169 = arith.constant 0 : i32
            %dma_wait3A_170 = tpu.memref_slice %arg7[%scan3A_70, %dma_wait3A_169] : memref<16x64xi32, #tpu.memory_space<vmem>> -> memref<1x64xi32, #tpu.memory_space<vmem>>
            %dma_wait3A_171 = tpu.memref_squeeze %dma_wait3A_170 : memref<1x64xi32, #tpu.memory_space<vmem>> -> memref<64xi32, #tpu.memory_space<vmem>>
            %dma_wait3A_172 = arith.constant 0 : i32
            %dma_wait3A_173 = arith.constant 0 : i32
            %dma_wait3A_174 = tpu.memref_slice %arg12[%dma_wait3A_172, %dma_wait3A_173] : memref<10240x128xf32, #tpu.memory_space<vmem_shared>> -> memref<10240x128xf32, #tpu.memory_space<vmem_shared>>
            tpu.wait_indirect_dma semaphore(%run_scoped3A : memref<!tpu.dma_semaphore, #tpu.memory_space<semaphore_mem>>) src(%arg8 : memref<64x128xf32, #tpu.memory_space<vmem>>) dst(%dma_wait3A_174 : memref<10240x128xf32, #tpu.memory_space<vmem_shared>>)
            tpu.yield
          }) : () -> ()
        } else {
        }
        %jit3A_87 = arith.constant 4 : i32
        %eq3A_88 = arith.constant 0 : i32
        %eq3A_89 = arith.cmpi eq, %jit3A_87, %eq3A_88 : i32
        %jit3A_90 = arith.constant 1 : i32
        %select_n3A_91 = arith.select %eq3A_89, %jit3A_90, %jit3A_87 : i32
        %rem3A_92 = arith.remsi %scan3A_70, %select_n3A_91 : i32
        %ne3A_93 = arith.constant 0 : i32
        %ne3A_94 = arith.cmpi ne, %rem3A_92, %ne3A_93 : i32
        %lt3A_95 = arith.constant 0 : i32
        %lt3A_96 = arith.cmpi slt, %rem3A_92, %lt3A_95 : i32
        %lt3A_97 = arith.constant 0 : i32
        %lt3A_98 = arith.cmpi slt, %select_n3A_91, %lt3A_97 : i32
        %ne3A_99 = arith.xori %lt3A_96, %lt3A_98 : i1
        %and3A_100 = arith.andi %ne3A_99, %ne3A_94 : i1
        %add3A_101 = arith.addi %rem3A_92, %select_n3A_91 : i32
        %select_n3A_102 = arith.select %and3A_100, %add3A_101, %rem3A_92 : i32
        %eq3A_103 = arith.constant 1 : i32
        %eq3A_104 = arith.cmpi eq, %select_n3A_102, %eq3A_103 : i32
        %convert_element_type3A_105 = arith.extui %eq3A_104 : i1 to i32
        %cond3A_106 = arith.constant 0 : i32
        %cond3A_107 = arith.cmpi ne, %convert_element_type3A_105, %cond3A_106 : i32
        scf.if %cond3A_107 {
          %dma_wait3A = arith.constant 0 : i32
          %dma_wait3A_150 = tpu.memref_slice %arg6[%scan3A_70, %dma_wait3A] : memref<16x64xi32, #tpu.memory_space<vmem>> -> memref<1x64xi32, #tpu.memory_space<vmem>>
          %dma_wait3A_151 = tpu.memref_squeeze %dma_wait3A_150 : memref<1x64xi32, #tpu.memory_space<vmem>> -> memref<64xi32, #tpu.memory_space<vmem>>
          %dma_wait3A_152 = arith.constant 0 : i32
          %dma_wait3A_153 = arith.constant 0 : i32
          %dma_wait3A_154 = tpu.memref_slice %arg2[%dma_wait3A_152, %dma_wait3A_153] : memref<20000x128xf32, #tpu.memory_space<hbm>> -> memref<20000x128xf32, #tpu.memory_space<hbm>>
          tpu.wait_indirect_dma semaphore(%arg14 : memref<!tpu.dma_semaphore, #tpu.memory_space<semaphore_mem>>) src(%dma_wait3A_154 : memref<20000x128xf32, #tpu.memory_space<hbm>>) dst(%arg9 : memref<64x128xf32, #tpu.memory_space<vmem>>)
          %add3A_155 = arith.constant 4 : i32
          %add3A_156 = arith.addi %scan3A_70, %add3A_155 : i32
          %sub3A = arith.constant 1 : i32
          %sub3A_157 = arith.subi %add3A_156, %sub3A : i32
          %lt3A_158 = arith.constant 16 : i32
          %lt3A_159 = arith.cmpi slt, %sub3A_157, %lt3A_158 : i32
          %convert_element_type3A_160 = arith.extui %lt3A_159 : i1 to i32
          %cond3A_161 = arith.constant 0 : i32
          %cond3A_162 = arith.cmpi ne, %convert_element_type3A_160, %cond3A_161 : i32
          scf.if %cond3A_162 {
            %dma_start3A_163 = arith.constant 0 : i32
            %dma_start3A_164 = tpu.memref_slice %arg6[%sub3A_157, %dma_start3A_163] : memref<16x64xi32, #tpu.memory_space<vmem>> -> memref<1x64xi32, #tpu.memory_space<vmem>>
            %dma_start3A_165 = tpu.memref_squeeze %dma_start3A_164 : memref<1x64xi32, #tpu.memory_space<vmem>> -> memref<64xi32, #tpu.memory_space<vmem>>
            %dma_start3A_166 = arith.constant 0 : i32
            %dma_start3A_167 = arith.constant 0 : i32
            %dma_start3A_168 = tpu.memref_slice %arg2[%dma_start3A_166, %dma_start3A_167] : memref<20000x128xf32, #tpu.memory_space<hbm>> -> memref<20000x128xf32, #tpu.memory_space<hbm>>
            tpu.enqueue_indirect_dma source(%dma_start3A_168 : memref<20000x128xf32, #tpu.memory_space<hbm>>) target(%arg8 : memref<64x128xf32, #tpu.memory_space<vmem>>) offsets(%dma_start3A_165 : memref<64xi32, #tpu.memory_space<vmem>>) semaphore(%arg13 : memref<!tpu.dma_semaphore, #tpu.memory_space<semaphore_mem>>)
          } else {
          }
          "tpu.region"() ({
            %run_scoped3A = tpu.sem_alloc : memref<!tpu.dma_semaphore, #tpu.memory_space<semaphore_mem>>
            %dma_start3A_163 = arith.constant 0 : i32
            %dma_start3A_164 = tpu.memref_slice %arg7[%scan3A_70, %dma_start3A_163] : memref<16x64xi32, #tpu.memory_space<vmem>> -> memref<1x64xi32, #tpu.memory_space<vmem>>
            %dma_start3A_165 = tpu.memref_squeeze %dma_start3A_164 : memref<1x64xi32, #tpu.memory_space<vmem>> -> memref<64xi32, #tpu.memory_space<vmem>>
            %dma_start3A_166 = arith.constant 0 : i32
            %dma_start3A_167 = arith.constant 0 : i32
            %dma_start3A_168 = tpu.memref_slice %arg12[%dma_start3A_166, %dma_start3A_167] : memref<10240x128xf32, #tpu.memory_space<vmem_shared>> -> memref<10240x128xf32, #tpu.memory_space<vmem_shared>>
            tpu.enqueue_indirect_dma source(%arg9 : memref<64x128xf32, #tpu.memory_space<vmem>>) target(%dma_start3A_168 : memref<10240x128xf32, #tpu.memory_space<vmem_shared>>) offsets(%dma_start3A_165 : memref<64xi32, #tpu.memory_space<vmem>>) semaphore(%run_scoped3A : memref<!tpu.dma_semaphore, #tpu.memory_space<semaphore_mem>>) {add = true}
            %dma_wait3A_169 = arith.constant 0 : i32
            %dma_wait3A_170 = tpu.memref_slice %arg7[%scan3A_70, %dma_wait3A_169] : memref<16x64xi32, #tpu.memory_space<vmem>> -> memref<1x64xi32, #tpu.memory_space<vmem>>
            %dma_wait3A_171 = tpu.memref_squeeze %dma_wait3A_170 : memref<1x64xi32, #tpu.memory_space<vmem>> -> memref<64xi32, #tpu.memory_space<vmem>>
            %dma_wait3A_172 = arith.constant 0 : i32
            %dma_wait3A_173 = arith.constant 0 : i32
            %dma_wait3A_174 = tpu.memref_slice %arg12[%dma_wait3A_172, %dma_wait3A_173] : memref<10240x128xf32, #tpu.memory_space<vmem_shared>> -> memref<10240x128xf32, #tpu.memory_space<vmem_shared>>
            tpu.wait_indirect_dma semaphore(%run_scoped3A : memref<!tpu.dma_semaphore, #tpu.memory_space<semaphore_mem>>) src(%arg9 : memref<64x128xf32, #tpu.memory_space<vmem>>) dst(%dma_wait3A_174 : memref<10240x128xf32, #tpu.memory_space<vmem_shared>>)
            tpu.yield
          }) : () -> ()
        } else {
        }
        %jit3A_108 = arith.constant 4 : i32
        %eq3A_109 = arith.constant 0 : i32
        %eq3A_110 = arith.cmpi eq, %jit3A_108, %eq3A_109 : i32
        %jit3A_111 = arith.constant 1 : i32
        %select_n3A_112 = arith.select %eq3A_110, %jit3A_111, %jit3A_108 : i32
        %rem3A_113 = arith.remsi %scan3A_70, %select_n3A_112 : i32
        %ne3A_114 = arith.constant 0 : i32
        %ne3A_115 = arith.cmpi ne, %rem3A_113, %ne3A_114 : i32
        %lt3A_116 = arith.constant 0 : i32
        %lt3A_117 = arith.cmpi slt, %rem3A_113, %lt3A_116 : i32
        %lt3A_118 = arith.constant 0 : i32
        %lt3A_119 = arith.cmpi slt, %select_n3A_112, %lt3A_118 : i32
        %ne3A_120 = arith.xori %lt3A_117, %lt3A_119 : i1
        %and3A_121 = arith.andi %ne3A_120, %ne3A_115 : i1
        %add3A_122 = arith.addi %rem3A_113, %select_n3A_112 : i32
        %select_n3A_123 = arith.select %and3A_121, %add3A_122, %rem3A_113 : i32
        %eq3A_124 = arith.constant 2 : i32
        %eq3A_125 = arith.cmpi eq, %select_n3A_123, %eq3A_124 : i32
        %convert_element_type3A_126 = arith.extui %eq3A_125 : i1 to i32
        %cond3A_127 = arith.constant 0 : i32
        %cond3A_128 = arith.cmpi ne, %convert_element_type3A_126, %cond3A_127 : i32
        scf.if %cond3A_128 {
          %dma_wait3A = arith.constant 0 : i32
          %dma_wait3A_150 = tpu.memref_slice %arg6[%scan3A_70, %dma_wait3A] : memref<16x64xi32, #tpu.memory_space<vmem>> -> memref<1x64xi32, #tpu.memory_space<vmem>>
          %dma_wait3A_151 = tpu.memref_squeeze %dma_wait3A_150 : memref<1x64xi32, #tpu.memory_space<vmem>> -> memref<64xi32, #tpu.memory_space<vmem>>
          %dma_wait3A_152 = arith.constant 0 : i32
          %dma_wait3A_153 = arith.constant 0 : i32
          %dma_wait3A_154 = tpu.memref_slice %arg2[%dma_wait3A_152, %dma_wait3A_153] : memref<20000x128xf32, #tpu.memory_space<hbm>> -> memref<20000x128xf32, #tpu.memory_space<hbm>>
          tpu.wait_indirect_dma semaphore(%arg15 : memref<!tpu.dma_semaphore, #tpu.memory_space<semaphore_mem>>) src(%dma_wait3A_154 : memref<20000x128xf32, #tpu.memory_space<hbm>>) dst(%arg10 : memref<64x128xf32, #tpu.memory_space<vmem>>)
          %add3A_155 = arith.constant 4 : i32
          %add3A_156 = arith.addi %scan3A_70, %add3A_155 : i32
          %sub3A = arith.constant 1 : i32
          %sub3A_157 = arith.subi %add3A_156, %sub3A : i32
          %lt3A_158 = arith.constant 16 : i32
          %lt3A_159 = arith.cmpi slt, %sub3A_157, %lt3A_158 : i32
          %convert_element_type3A_160 = arith.extui %lt3A_159 : i1 to i32
          %cond3A_161 = arith.constant 0 : i32
          %cond3A_162 = arith.cmpi ne, %convert_element_type3A_160, %cond3A_161 : i32
          scf.if %cond3A_162 {
            %dma_start3A_163 = arith.constant 0 : i32
            %dma_start3A_164 = tpu.memref_slice %arg6[%sub3A_157, %dma_start3A_163] : memref<16x64xi32, #tpu.memory_space<vmem>> -> memref<1x64xi32, #tpu.memory_space<vmem>>
            %dma_start3A_165 = tpu.memref_squeeze %dma_start3A_164 : memref<1x64xi32, #tpu.memory_space<vmem>> -> memref<64xi32, #tpu.memory_space<vmem>>
            %dma_start3A_166 = arith.constant 0 : i32
            %dma_start3A_167 = arith.constant 0 : i32
            %dma_start3A_168 = tpu.memref_slice %arg2[%dma_start3A_166, %dma_start3A_167] : memref<20000x128xf32, #tpu.memory_space<hbm>> -> memref<20000x128xf32, #tpu.memory_space<hbm>>
            tpu.enqueue_indirect_dma source(%dma_start3A_168 : memref<20000x128xf32, #tpu.memory_space<hbm>>) target(%arg9 : memref<64x128xf32, #tpu.memory_space<vmem>>) offsets(%dma_start3A_165 : memref<64xi32, #tpu.memory_space<vmem>>) semaphore(%arg14 : memref<!tpu.dma_semaphore, #tpu.memory_space<semaphore_mem>>)
          } else {
          }
          "tpu.region"() ({
            %run_scoped3A = tpu.sem_alloc : memref<!tpu.dma_semaphore, #tpu.memory_space<semaphore_mem>>
            %dma_start3A_163 = arith.constant 0 : i32
            %dma_start3A_164 = tpu.memref_slice %arg7[%scan3A_70, %dma_start3A_163] : memref<16x64xi32, #tpu.memory_space<vmem>> -> memref<1x64xi32, #tpu.memory_space<vmem>>
            %dma_start3A_165 = tpu.memref_squeeze %dma_start3A_164 : memref<1x64xi32, #tpu.memory_space<vmem>> -> memref<64xi32, #tpu.memory_space<vmem>>
            %dma_start3A_166 = arith.constant 0 : i32
            %dma_start3A_167 = arith.constant 0 : i32
            %dma_start3A_168 = tpu.memref_slice %arg12[%dma_start3A_166, %dma_start3A_167] : memref<10240x128xf32, #tpu.memory_space<vmem_shared>> -> memref<10240x128xf32, #tpu.memory_space<vmem_shared>>
            tpu.enqueue_indirect_dma source(%arg10 : memref<64x128xf32, #tpu.memory_space<vmem>>) target(%dma_start3A_168 : memref<10240x128xf32, #tpu.memory_space<vmem_shared>>) offsets(%dma_start3A_165 : memref<64xi32, #tpu.memory_space<vmem>>) semaphore(%run_scoped3A : memref<!tpu.dma_semaphore, #tpu.memory_space<semaphore_mem>>) {add = true}
            %dma_wait3A_169 = arith.constant 0 : i32
            %dma_wait3A_170 = tpu.memref_slice %arg7[%scan3A_70, %dma_wait3A_169] : memref<16x64xi32, #tpu.memory_space<vmem>> -> memref<1x64xi32, #tpu.memory_space<vmem>>
            %dma_wait3A_171 = tpu.memref_squeeze %dma_wait3A_170 : memref<1x64xi32, #tpu.memory_space<vmem>> -> memref<64xi32, #tpu.memory_space<vmem>>
            %dma_wait3A_172 = arith.constant 0 : i32
            %dma_wait3A_173 = arith.constant 0 : i32
            %dma_wait3A_174 = tpu.memref_slice %arg12[%dma_wait3A_172, %dma_wait3A_173] : memref<10240x128xf32, #tpu.memory_space<vmem_shared>> -> memref<10240x128xf32, #tpu.memory_space<vmem_shared>>
            tpu.wait_indirect_dma semaphore(%run_scoped3A : memref<!tpu.dma_semaphore, #tpu.memory_space<semaphore_mem>>) src(%arg10 : memref<64x128xf32, #tpu.memory_space<vmem>>) dst(%dma_wait3A_174 : memref<10240x128xf32, #tpu.memory_space<vmem_shared>>)
            tpu.yield
          }) : () -> ()
        } else {
        }
        %jit3A_129 = arith.constant 4 : i32
        %eq3A_130 = arith.constant 0 : i32
        %eq3A_131 = arith.cmpi eq, %jit3A_129, %eq3A_130 : i32
        %jit3A_132 = arith.constant 1 : i32
        %select_n3A_133 = arith.select %eq3A_131, %jit3A_132, %jit3A_129 : i32
        %rem3A_134 = arith.remsi %scan3A_70, %select_n3A_133 : i32
        %ne3A_135 = arith.constant 0 : i32
        %ne3A_136 = arith.cmpi ne, %rem3A_134, %ne3A_135 : i32
        %lt3A_137 = arith.constant 0 : i32
        %lt3A_138 = arith.cmpi slt, %rem3A_134, %lt3A_137 : i32
        %lt3A_139 = arith.constant 0 : i32
        %lt3A_140 = arith.cmpi slt, %select_n3A_133, %lt3A_139 : i32
        %ne3A_141 = arith.xori %lt3A_138, %lt3A_140 : i1
        %and3A_142 = arith.andi %ne3A_141, %ne3A_136 : i1
        %add3A_143 = arith.addi %rem3A_134, %select_n3A_133 : i32
        %select_n3A_144 = arith.select %and3A_142, %add3A_143, %rem3A_134 : i32
        %eq3A_145 = arith.constant 3 : i32
        %eq3A_146 = arith.cmpi eq, %select_n3A_144, %eq3A_145 : i32
        %convert_element_type3A_147 = arith.extui %eq3A_146 : i1 to i32
        %cond3A_148 = arith.constant 0 : i32
        %cond3A_149 = arith.cmpi ne, %convert_element_type3A_147, %cond3A_148 : i32
        scf.if %cond3A_149 {
          %dma_wait3A = arith.constant 0 : i32
          %dma_wait3A_150 = tpu.memref_slice %arg6[%scan3A_70, %dma_wait3A] : memref<16x64xi32, #tpu.memory_space<vmem>> -> memref<1x64xi32, #tpu.memory_space<vmem>>
          %dma_wait3A_151 = tpu.memref_squeeze %dma_wait3A_150 : memref<1x64xi32, #tpu.memory_space<vmem>> -> memref<64xi32, #tpu.memory_space<vmem>>
          %dma_wait3A_152 = arith.constant 0 : i32
          %dma_wait3A_153 = arith.constant 0 : i32
          %dma_wait3A_154 = tpu.memref_slice %arg2[%dma_wait3A_152, %dma_wait3A_153] : memref<20000x128xf32, #tpu.memory_space<hbm>> -> memref<20000x128xf32, #tpu.memory_space<hbm>>
          tpu.wait_indirect_dma semaphore(%arg16 : memref<!tpu.dma_semaphore, #tpu.memory_space<semaphore_mem>>) src(%dma_wait3A_154 : memref<20000x128xf32, #tpu.memory_space<hbm>>) dst(%arg11 : memref<64x128xf32, #tpu.memory_space<vmem>>)
          %add3A_155 = arith.constant 4 : i32
          %add3A_156 = arith.addi %scan3A_70, %add3A_155 : i32
          %sub3A = arith.constant 1 : i32
          %sub3A_157 = arith.subi %add3A_156, %sub3A : i32
          %lt3A_158 = arith.constant 16 : i32
          %lt3A_159 = arith.cmpi slt, %sub3A_157, %lt3A_158 : i32
          %convert_element_type3A_160 = arith.extui %lt3A_159 : i1 to i32
          %cond3A_161 = arith.constant 0 : i32
          %cond3A_162 = arith.cmpi ne, %convert_element_type3A_160, %cond3A_161 : i32
          scf.if %cond3A_162 {
            %dma_start3A_163 = arith.constant 0 : i32
            %dma_start3A_164 = tpu.memref_slice %arg6[%sub3A_157, %dma_start3A_163] : memref<16x64xi32, #tpu.memory_space<vmem>> -> memref<1x64xi32, #tpu.memory_space<vmem>>
            %dma_start3A_165 = tpu.memref_squeeze %dma_start3A_164 : memref<1x64xi32, #tpu.memory_space<vmem>> -> memref<64xi32, #tpu.memory_space<vmem>>
            %dma_start3A_166 = arith.constant 0 : i32
            %dma_start3A_167 = arith.constant 0 : i32
            %dma_start3A_168 = tpu.memref_slice %arg2[%dma_start3A_166, %dma_start3A_167] : memref<20000x128xf32, #tpu.memory_space<hbm>> -> memref<20000x128xf32, #tpu.memory_space<hbm>>
            tpu.enqueue_indirect_dma source(%dma_start3A_168 : memref<20000x128xf32, #tpu.memory_space<hbm>>) target(%arg10 : memref<64x128xf32, #tpu.memory_space<vmem>>) offsets(%dma_start3A_165 : memref<64xi32, #tpu.memory_space<vmem>>) semaphore(%arg15 : memref<!tpu.dma_semaphore, #tpu.memory_space<semaphore_mem>>)
          } else {
          }
          "tpu.region"() ({
            %run_scoped3A = tpu.sem_alloc : memref<!tpu.dma_semaphore, #tpu.memory_space<semaphore_mem>>
            %dma_start3A_163 = arith.constant 0 : i32
            %dma_start3A_164 = tpu.memref_slice %arg7[%scan3A_70, %dma_start3A_163] : memref<16x64xi32, #tpu.memory_space<vmem>> -> memref<1x64xi32, #tpu.memory_space<vmem>>
            %dma_start3A_165 = tpu.memref_squeeze %dma_start3A_164 : memref<1x64xi32, #tpu.memory_space<vmem>> -> memref<64xi32, #tpu.memory_space<vmem>>
            %dma_start3A_166 = arith.constant 0 : i32
            %dma_start3A_167 = arith.constant 0 : i32
            %dma_start3A_168 = tpu.memref_slice %arg12[%dma_start3A_166, %dma_start3A_167] : memref<10240x128xf32, #tpu.memory_space<vmem_shared>> -> memref<10240x128xf32, #tpu.memory_space<vmem_shared>>
            tpu.enqueue_indirect_dma source(%arg11 : memref<64x128xf32, #tpu.memory_space<vmem>>) target(%dma_start3A_168 : memref<10240x128xf32, #tpu.memory_space<vmem_shared>>) offsets(%dma_start3A_165 : memref<64xi32, #tpu.memory_space<vmem>>) semaphore(%run_scoped3A : memref<!tpu.dma_semaphore, #tpu.memory_space<semaphore_mem>>) {add = true}
            %dma_wait3A_169 = arith.constant 0 : i32
            %dma_wait3A_170 = tpu.memref_slice %arg7[%scan3A_70, %dma_wait3A_169] : memref<16x64xi32, #tpu.memory_space<vmem>> -> memref<1x64xi32, #tpu.memory_space<vmem>>
            %dma_wait3A_171 = tpu.memref_squeeze %dma_wait3A_170 : memref<1x64xi32, #tpu.memory_space<vmem>> -> memref<64xi32, #tpu.memory_space<vmem>>
            %dma_wait3A_172 = arith.constant 0 : i32
            %dma_wait3A_173 = arith.constant 0 : i32
            %dma_wait3A_174 = tpu.memref_slice %arg12[%dma_wait3A_172, %dma_wait3A_173] : memref<10240x128xf32, #tpu.memory_space<vmem_shared>> -> memref<10240x128xf32, #tpu.memory_space<vmem_shared>>
            tpu.wait_indirect_dma semaphore(%run_scoped3A : memref<!tpu.dma_semaphore, #tpu.memory_space<semaphore_mem>>) src(%arg11 : memref<64x128xf32, #tpu.memory_space<vmem>>) dst(%dma_wait3A_174 : memref<10240x128xf32, #tpu.memory_space<vmem_shared>>)
            tpu.yield
          }) : () -> ()
        } else {
        }
      }
      %scan3A_69 = arith.constant 16 : i32
    }
    %scan3A_31 = arith.constant 20 : i32
    %barrier3A_32 = arith.constant 0 : index
    tpu.barrier barrier_id(%barrier3A_32)
    %lt3A = arith.constant 15 : i32
    %lt3A_33 = arith.cmpi slt, %arg1, %lt3A : i32
    %convert_element_type3A = arith.extui %lt3A_33 : i1 to i32
    %cond3A = arith.constant 0 : i32
    %cond3A_34 = arith.cmpi ne, %convert_element_type3A, %cond3A : i32
    scf.if %cond3A_34 {
      %mul3A_39 = arith.constant 624 : i32
      %mul3A_40 = arith.muli %arg1, %mul3A_39 : i32
      %mul3A_41 = arith.constant 624 : i32
      %mul3A_42 = arith.muli %arg1, %mul3A_41 : i32
      "tpu.region"() ({
        %run_scoped3A = tpu.sem_alloc : memref<!tpu.dma_semaphore, #tpu.memory_space<semaphore_mem>>
        %dma_start3A = arith.constant 0 : i32
        %dma_start3A_43 = tpu.memref_slice %arg5[%arg0, %mul3A_42, %dma_start3A] : memref<2x10000x128xf32, #tpu.memory_space<hbm>> -> memref<1x624x128xf32, #tpu.memory_space<hbm>>
        %dma_start3A_44 = tpu.memref_squeeze %dma_start3A_43 : memref<1x624x128xf32, #tpu.memory_space<hbm>> -> memref<624x128xf32, #tpu.memory_space<hbm>>
        %dma_start3A_45 = arith.constant 0 : i32
        %dma_start3A_46 = tpu.memref_slice %arg12[%mul3A_40, %dma_start3A_45] : memref<10240x128xf32, #tpu.memory_space<vmem_shared>> -> memref<624x128xf32, #tpu.memory_space<vmem_shared>>
        tpu.enqueue_dma source(%dma_start3A_46 : memref<624x128xf32, #tpu.memory_space<vmem_shared>>) target(%dma_start3A_44 : memref<624x128xf32, #tpu.memory_space<hbm>>) target_semaphore(%run_scoped3A : memref<!tpu.dma_semaphore, #tpu.memory_space<semaphore_mem>>)
        %dma_wait3A = arith.constant 0 : i32
        %dma_wait3A_47 = tpu.memref_slice %arg5[%arg0, %mul3A_42, %dma_wait3A] : memref<2x10000x128xf32, #tpu.memory_space<hbm>> -> memref<1x624x128xf32, #tpu.memory_space<hbm>>
        %dma_wait3A_48 = tpu.memref_squeeze %dma_wait3A_47 : memref<1x624x128xf32, #tpu.memory_space<hbm>> -> memref<624x128xf32, #tpu.memory_space<hbm>>
        %dma_wait3A_49 = arith.constant 0 : i32
        %dma_wait3A_50 = tpu.memref_slice %arg12[%mul3A_40, %dma_wait3A_49] : memref<10240x128xf32, #tpu.memory_space<vmem_shared>> -> memref<624x128xf32, #tpu.memory_space<vmem_shared>>
        tpu.wait_dma2 semaphore(%run_scoped3A : memref<!tpu.dma_semaphore, #tpu.memory_space<semaphore_mem>>) src(%dma_wait3A_50 : memref<624x128xf32, #tpu.memory_space<vmem_shared>>) dst(%dma_wait3A_48 : memref<624x128xf32, #tpu.memory_space<hbm>>)
        tpu.yield
      }) : () -> ()
    } else {
    }
    %eq3A = arith.constant 15 : i32
    %eq3A_35 = arith.cmpi eq, %arg1, %eq3A : i32
    %convert_element_type3A_36 = arith.extui %eq3A_35 : i1 to i32
    %cond3A_37 = arith.constant 0 : i32
    %cond3A_38 = arith.cmpi ne, %convert_element_type3A_36, %cond3A_37 : i32
    scf.if %cond3A_38 {
      "tpu.region"() ({
        %run_scoped3A = tpu.sem_alloc : memref<!tpu.dma_semaphore, #tpu.memory_space<semaphore_mem>>
        %dma_start3A = arith.constant 9360 : i32
        %dma_start3A_39 = arith.constant 0 : i32
        %dma_start3A_40 = tpu.memref_slice %arg5[%arg0, %dma_start3A, %dma_start3A_39] : memref<2x10000x128xf32, #tpu.memory_space<hbm>> -> memref<1x640x128xf32, #tpu.memory_space<hbm>>
        %dma_start3A_41 = tpu.memref_squeeze %dma_start3A_40 : memref<1x640x128xf32, #tpu.memory_space<hbm>> -> memref<640x128xf32, #tpu.memory_space<hbm>>
        %dma_start3A_42 = arith.constant 9360 : i32
        %dma_start3A_43 = arith.constant 0 : i32
        %dma_start3A_44 = tpu.memref_slice %arg12[%dma_start3A_42, %dma_start3A_43] : memref<10240x128xf32, #tpu.memory_space<vmem_shared>> -> memref<640x128xf32, #tpu.memory_space<vmem_shared>>
        tpu.enqueue_dma source(%dma_start3A_44 : memref<640x128xf32, #tpu.memory_space<vmem_shared>>) target(%dma_start3A_41 : memref<640x128xf32, #tpu.memory_space<hbm>>) target_semaphore(%run_scoped3A : memref<!tpu.dma_semaphore, #tpu.memory_space<semaphore_mem>>)
        %dma_wait3A = arith.constant 9360 : i32
        %dma_wait3A_45 = arith.constant 0 : i32
        %dma_wait3A_46 = tpu.memref_slice %arg5[%arg0, %dma_wait3A, %dma_wait3A_45] : memref<2x10000x128xf32, #tpu.memory_space<hbm>> -> memref<1x640x128xf32, #tpu.memory_space<hbm>>
        %dma_wait3A_47 = tpu.memref_squeeze %dma_wait3A_46 : memref<1x640x128xf32, #tpu.memory_space<hbm>> -> memref<640x128xf32, #tpu.memory_space<hbm>>
        %dma_wait3A_48 = arith.constant 9360 : i32
        %dma_wait3A_49 = arith.constant 0 : i32
        %dma_wait3A_50 = tpu.memref_slice %arg12[%dma_wait3A_48, %dma_wait3A_49] : memref<10240x128xf32, #tpu.memory_space<vmem_shared>> -> memref<640x128xf32, #tpu.memory_space<vmem_shared>>
        tpu.wait_dma2 semaphore(%run_scoped3A : memref<!tpu.dma_semaphore, #tpu.memory_space<semaphore_mem>>) src(%dma_wait3A_50 : memref<640x128xf32, #tpu.memory_space<vmem_shared>>) dst(%dma_wait3A_47 : memref<640x128xf32, #tpu.memory_space<hbm>>)
        tpu.yield
      }) : () -> ()
    } else {
    }
    return
  }
}

#map = affine_map<(d0, d1) -> (0, 0)>
#map1 = affine_map<(d0, d1) -> (0, 0, 0, 0)>
#map2 = affine_map<(d0, d1) -> (0, 0, 0)>
module attributes {stable_mosaic.version = 14 : i64} {
  func.func @k(%arg0: i32, %arg1: i32, %arg2: memref<20000x128xf32, #tpu.memory_space<hbm>>, %arg3: memref<2x16x320x64xi32, #tpu.memory_space<hbm>>, %arg4: memref<16x320x64xi32, #tpu.memory_space<hbm>>, %arg5: memref<2x10000x128xf32, #tpu.memory_space<hbm>>, %arg6: memref<16x64xi32, #tpu.memory_space<vmem>>, %arg7: memref<16x64xi32, #tpu.memory_space<vmem>>, %arg8: memref<64x128xf32, #tpu.memory_space<vmem>>, %arg9: memref<64x128xf32, #tpu.memory_space<vmem>>, %arg10: memref<64x128xf32, #tpu.memory_space<vmem>>, %arg11: memref<64x128xf32, #tpu.memory_space<vmem>>, %arg12: memref<10240x128xf32, #tpu.memory_space<vmem_shared>>, %arg13: memref<!tpu.dma_semaphore, #tpu.memory_space<semaphore_mem>>, %arg14: memref<!tpu.dma_semaphore, #tpu.memory_space<semaphore_mem>>, %arg15: memref<!tpu.dma_semaphore, #tpu.memory_space<semaphore_mem>>, %arg16: memref<!tpu.dma_semaphore, #tpu.memory_space<semaphore_mem>>) attributes {dimension_semantics = [#tpu.dimension_semantics<core_parallel>, #tpu.dimension_semantics<subcore_parallel>], iteration_bounds = array<i64: 2, 16>, scalar_prefetch = 0 : i64, scratch_operands = 11 : i64, tpu.core_type = #tpu.core_type<sc_vector_subcore>, window_params = [{transform_indices = #map}, {transform_indices = #map1}, {transform_indices = #map2}, {transform_indices = #map2}]} {
    %broadcast_in_dim3A = arith.constant 0.000000e+00 : f32
    %broadcast_in_dim3A_0 = vector.broadcast %broadcast_in_dim3A : f32 to vector<16xf32>
    %scan3A = arith.constant 0 : i32
    %scan3A_1 = arith.constant 0 : i32
    %scan3A_2 = arith.constant 512 : i32
    %scan3A_3 = arith.addi %scan3A_1, %scan3A_2 : i32
    %scan3A_4 = arith.constant 1 : i32
    scf.for %scan3A_39 = %scan3A_1 to %scan3A_3 step %scan3A_4  : i32 {
      %jit3A = arith.constant 8 : i32
      %div3A = arith.divsi %scan3A_39, %jit3A : i32
      %sign3A = arith.constant 0 : i32
      %sign3A_40 = arith.cmpi sgt, %scan3A_39, %sign3A : i32
      %sign3A_41 = arith.extui %sign3A_40 : i1 to i32
      %sign3A_42 = arith.constant 0 : i32
      %sign3A_43 = arith.cmpi slt, %scan3A_39, %sign3A_42 : i32
      %sign3A_44 = arith.extui %sign3A_43 : i1 to i32
      %sign3A_45 = arith.subi %sign3A_41, %sign3A_44 : i32
      %sign3A_46 = arith.constant 0 : i32
      %sign3A_47 = arith.cmpi sgt, %jit3A, %sign3A_46 : i32
      %sign3A_48 = arith.extui %sign3A_47 : i1 to i32
      %sign3A_49 = arith.constant 0 : i32
      %sign3A_50 = arith.cmpi slt, %jit3A, %sign3A_49 : i32
      %sign3A_51 = arith.extui %sign3A_50 : i1 to i32
      %sign3A_52 = arith.subi %sign3A_48, %sign3A_51 : i32
      %ne3A = arith.cmpi ne, %sign3A_45, %sign3A_52 : i32
      %rem3A = arith.remsi %scan3A_39, %jit3A : i32
      %ne3A_53 = arith.constant 0 : i32
      %ne3A_54 = arith.cmpi ne, %rem3A, %ne3A_53 : i32
      %and3A = arith.andi %ne3A, %ne3A_54 : i1
      %sub3A = arith.constant 1 : i32
      %sub3A_55 = arith.subi %div3A, %sub3A : i32
      %select_n3A = arith.select %and3A, %sub3A_55, %div3A : i32
      %jit3A_56 = arith.constant 8 : i32
      %eq3A_57 = arith.constant 0 : i32
      %eq3A_58 = arith.cmpi eq, %jit3A_56, %eq3A_57 : i32
      %jit3A_59 = arith.constant 1 : i32
      %select_n3A_60 = arith.select %eq3A_58, %jit3A_59, %jit3A_56 : i32
      %rem3A_61 = arith.remsi %scan3A_39, %select_n3A_60 : i32
      %ne3A_62 = arith.constant 0 : i32
      %ne3A_63 = arith.cmpi ne, %rem3A_61, %ne3A_62 : i32
      %lt3A_64 = arith.constant 0 : i32
      %lt3A_65 = arith.cmpi slt, %rem3A_61, %lt3A_64 : i32
      %lt3A_66 = arith.constant 0 : i32
      %lt3A_67 = arith.cmpi slt, %select_n3A_60, %lt3A_66 : i32
      %ne3A_68 = arith.xori %lt3A_65, %lt3A_67 : i1
      %and3A_69 = arith.andi %ne3A_68, %ne3A_63 : i1
      %add3A_70 = arith.addi %rem3A_61, %select_n3A_60 : i32
      %select_n3A_71 = arith.select %and3A_69, %add3A_70, %rem3A_61 : i32
      %mul3A_72 = arith.constant 16 : i32
      %mul3A_73 = arith.muli %select_n3A_71, %mul3A_72 : i32
      %swap3A = arith.index_cast %select_n3A : i32 to index
      %swap3A_74 = arith.index_cast %mul3A_73 : i32 to index
      %swap3A_75 = tpu.vector_load %arg8[%swap3A, %swap3A_74] {strides = array<i32>} : memref<64x128xf32, #tpu.memory_space<vmem>>, vector<1x16xf32>,
      %swap3A_76 = vector.shape_cast %swap3A_75 : vector<1x16xf32> to vector<16xf32>
      %swap3A_77 = vector.shape_cast %broadcast_in_dim3A_0 : vector<16xf32> to vector<1x16xf32>
      tpu.vector_store %arg8[%swap3A, %swap3A_74], %swap3A_77 {strides = array<i32>} : memref<64x128xf32, #tpu.memory_space<vmem>>, vector<1x16xf32>,
    }
    %scan3A_5 = arith.constant 512 : i32
    %mul3A = arith.constant 640 : i32
    %mul3A_6 = arith.muli %arg1, %mul3A : i32
    %add3A = arith.constant 0 : i32
    %add3A_7 = arith.addi %mul3A_6, %add3A : i32
    "tpu.region"() ({
      %run_scoped3A = tpu.sem_alloc : memref<!tpu.dma_semaphore, #tpu.memory_space<semaphore_mem>>
      %dma_start3A = arith.constant 0 : i32
      %dma_start3A_39 = tpu.memref_slice %arg12[%add3A_7, %dma_start3A] : memref<10240x128xf32, #tpu.memory_space<vmem_shared>> -> memref<64x128xf32, #tpu.memory_space<vmem_shared>>
      %dma_start3A_40 = arith.constant 0 : i32
      %dma_start3A_41 = tpu.memref_slice %arg12[%add3A_7, %dma_start3A_40] : memref<10240x128xf32, #tpu.memory_space<vmem_shared>> -> memref<64x128xf32, #tpu.memory_space<vmem_shared>>
      tpu.enqueue_dma source(%arg8 : memref<64x128xf32, #tpu.memory_space<vmem>>) target(%dma_start3A_41 : memref<64x128xf32, #tpu.memory_space<vmem_shared>>) target_semaphore(%run_scoped3A : memref<!tpu.dma_semaphore, #tpu.memory_space<semaphore_mem>>)
      %dma_wait3A = arith.constant 0 : i32
      %dma_wait3A_42 = tpu.memref_slice %arg12[%add3A_7, %dma_wait3A] : memref<10240x128xf32, #tpu.memory_space<vmem_shared>> -> memref<64x128xf32, #tpu.memory_space<vmem_shared>>
      %dma_wait3A_43 = arith.constant 0 : i32
      %dma_wait3A_44 = tpu.memref_slice %arg12[%add3A_7, %dma_wait3A_43] : memref<10240x128xf32, #tpu.memory_space<vmem_shared>> -> memref<64x128xf32, #tpu.memory_space<vmem_shared>>
      tpu.wait_dma2 semaphore(%run_scoped3A : memref<!tpu.dma_semaphore, #tpu.memory_space<semaphore_mem>>) src(%arg8 : memref<64x128xf32, #tpu.memory_space<vmem>>) dst(%dma_wait3A_44 : memref<64x128xf32, #tpu.memory_space<vmem_shared>>)
      tpu.yield
    }) : () -> ()
    %add3A_8 = arith.constant 64 : i32
    %add3A_9 = arith.addi %mul3A_6, %add3A_8 : i32
    "tpu.region"() ({
      %run_scoped3A = tpu.sem_alloc : memref<!tpu.dma_semaphore, #tpu.memory_space<semaphore_mem>>
      %dma_start3A = arith.constant 0 : i32
      %dma_start3A_39 = tpu.memref_slice %arg12[%add3A_9, %dma_start3A] : memref<10240x128xf32, #tpu.memory_space<vmem_shared>> -> memref<64x128xf32, #tpu.memory_space<vmem_shared>>
      %dma_start3A_40 = arith.constant 0 : i32
      %dma_start3A_41 = tpu.memref_slice %arg12[%add3A_9, %dma_start3A_40] : memref<10240x128xf32, #tpu.memory_space<vmem_shared>> -> memref<64x128xf32, #tpu.memory_space<vmem_shared>>
      tpu.enqueue_dma source(%arg8 : memref<64x128xf32, #tpu.memory_space<vmem>>) target(%dma_start3A_41 : memref<64x128xf32, #tpu.memory_space<vmem_shared>>) target_semaphore(%run_scoped3A : memref<!tpu.dma_semaphore, #tpu.memory_space<semaphore_mem>>)
      %dma_wait3A = arith.constant 0 : i32
      %dma_wait3A_42 = tpu.memref_slice %arg12[%add3A_9, %dma_wait3A] : memref<10240x128xf32, #tpu.memory_space<vmem_shared>> -> memref<64x128xf32, #tpu.memory_space<vmem_shared>>
      %dma_wait3A_43 = arith.constant 0 : i32
      %dma_wait3A_44 = tpu.memref_slice %arg12[%add3A_9, %dma_wait3A_43] : memref<10240x128xf32, #tpu.memory_space<vmem_shared>> -> memref<64x128xf32, #tpu.memory_space<vmem_shared>>
      tpu.wait_dma2 semaphore(%run_scoped3A : memref<!tpu.dma_semaphore, #tpu.memory_space<semaphore_mem>>) src(%arg8 : memref<64x128xf32, #tpu.memory_space<vmem>>) dst(%dma_wait3A_44 : memref<64x128xf32, #tpu.memory_space<vmem_shared>>)
      tpu.yield
    }) : () -> ()
    %add3A_10 = arith.constant 128 : i32
    %add3A_11 = arith.addi %mul3A_6, %add3A_10 : i32
    "tpu.region"() ({
      %run_scoped3A = tpu.sem_alloc : memref<!tpu.dma_semaphore, #tpu.memory_space<semaphore_mem>>
      %dma_start3A = arith.constant 0 : i32
      %dma_start3A_39 = tpu.memref_slice %arg12[%add3A_11, %dma_start3A] : memref<10240x128xf32, #tpu.memory_space<vmem_shared>> -> memref<64x128xf32, #tpu.memory_space<vmem_shared>>
      %dma_start3A_40 = arith.constant 0 : i32
      %dma_start3A_41 = tpu.memref_slice %arg12[%add3A_11, %dma_start3A_40] : memref<10240x128xf32, #tpu.memory_space<vmem_shared>> -> memref<64x128xf32, #tpu.memory_space<vmem_shared>>
      tpu.enqueue_dma source(%arg8 : memref<64x128xf32, #tpu.memory_space<vmem>>) target(%dma_start3A_41 : memref<64x128xf32, #tpu.memory_space<vmem_shared>>) target_semaphore(%run_scoped3A : memref<!tpu.dma_semaphore, #tpu.memory_space<semaphore_mem>>)
      %dma_wait3A = arith.constant 0 : i32
      %dma_wait3A_42 = tpu.memref_slice %arg12[%add3A_11, %dma_wait3A] : memref<10240x128xf32, #tpu.memory_space<vmem_shared>> -> memref<64x128xf32, #tpu.memory_space<vmem_shared>>
      %dma_wait3A_43 = arith.constant 0 : i32
      %dma_wait3A_44 = tpu.memref_slice %arg12[%add3A_11, %dma_wait3A_43] : memref<10240x128xf32, #tpu.memory_space<vmem_shared>> -> memref<64x128xf32, #tpu.memory_space<vmem_shared>>
      tpu.wait_dma2 semaphore(%run_scoped3A : memref<!tpu.dma_semaphore, #tpu.memory_space<semaphore_mem>>) src(%arg8 : memref<64x128xf32, #tpu.memory_space<vmem>>) dst(%dma_wait3A_44 : memref<64x128xf32, #tpu.memory_space<vmem_shared>>)
      tpu.yield
    }) : () -> ()
    %add3A_12 = arith.constant 192 : i32
    %add3A_13 = arith.addi %mul3A_6, %add3A_12 : i32
    "tpu.region"() ({
      %run_scoped3A = tpu.sem_alloc : memref<!tpu.dma_semaphore, #tpu.memory_space<semaphore_mem>>
      %dma_start3A = arith.constant 0 : i32
      %dma_start3A_39 = tpu.memref_slice %arg12[%add3A_13, %dma_start3A] : memref<10240x128xf32, #tpu.memory_space<vmem_shared>> -> memref<64x128xf32, #tpu.memory_space<vmem_shared>>
      %dma_start3A_40 = arith.constant 0 : i32
      %dma_start3A_41 = tpu.memref_slice %arg12[%add3A_13, %dma_start3A_40] : memref<10240x128xf32, #tpu.memory_space<vmem_shared>> -> memref<64x128xf32, #tpu.memory_space<vmem_shared>>
      tpu.enqueue_dma source(%arg8 : memref<64x128xf32, #tpu.memory_space<vmem>>) target(%dma_start3A_41 : memref<64x128xf32, #tpu.memory_space<vmem_shared>>) target_semaphore(%run_scoped3A : memref<!tpu.dma_semaphore, #tpu.memory_space<semaphore_mem>>)
      %dma_wait3A = arith.constant 0 : i32
      %dma_wait3A_42 = tpu.memref_slice %arg12[%add3A_13, %dma_wait3A] : memref<10240x128xf32, #tpu.memory_space<vmem_shared>> -> memref<64x128xf32, #tpu.memory_space<vmem_shared>>
      %dma_wait3A_43 = arith.constant 0 : i32
      %dma_wait3A_44 = tpu.memref_slice %arg12[%add3A_13, %dma_wait3A_43] : memref<10240x128xf32, #tpu.memory_space<vmem_shared>> -> memref<64x128xf32, #tpu.memory_space<vmem_shared>>
      tpu.wait_dma2 semaphore(%run_scoped3A : memref<!tpu.dma_semaphore, #tpu.memory_space<semaphore_mem>>) src(%arg8 : memref<64x128xf32, #tpu.memory_space<vmem>>) dst(%dma_wait3A_44 : memref<64x128xf32, #tpu.memory_space<vmem_shared>>)
      tpu.yield
    }) : () -> ()
    %add3A_14 = arith.constant 256 : i32
    %add3A_15 = arith.addi %mul3A_6, %add3A_14 : i32
    "tpu.region"() ({
      %run_scoped3A = tpu.sem_alloc : memref<!tpu.dma_semaphore, #tpu.memory_space<semaphore_mem>>
      %dma_start3A = arith.constant 0 : i32
      %dma_start3A_39 = tpu.memref_slice %arg12[%add3A_15, %dma_start3A] : memref<10240x128xf32, #tpu.memory_space<vmem_shared>> -> memref<64x128xf32, #tpu.memory_space<vmem_shared>>
      %dma_start3A_40 = arith.constant 0 : i32
      %dma_start3A_41 = tpu.memref_slice %arg12[%add3A_15, %dma_start3A_40] : memref<10240x128xf32, #tpu.memory_space<vmem_shared>> -> memref<64x128xf32, #tpu.memory_space<vmem_shared>>
      tpu.enqueue_dma source(%arg8 : memref<64x128xf32, #tpu.memory_space<vmem>>) target(%dma_start3A_41 : memref<64x128xf32, #tpu.memory_space<vmem_shared>>) target_semaphore(%run_scoped3A : memref<!tpu.dma_semaphore, #tpu.memory_space<semaphore_mem>>)
      %dma_wait3A = arith.constant 0 : i32
      %dma_wait3A_42 = tpu.memref_slice %arg12[%add3A_15, %dma_wait3A] : memref<10240x128xf32, #tpu.memory_space<vmem_shared>> -> memref<64x128xf32, #tpu.memory_space<vmem_shared>>
      %dma_wait3A_43 = arith.constant 0 : i32
      %dma_wait3A_44 = tpu.memref_slice %arg12[%add3A_15, %dma_wait3A_43] : memref<10240x128xf32, #tpu.memory_space<vmem_shared>> -> memref<64x128xf32, #tpu.memory_space<vmem_shared>>
      tpu.wait_dma2 semaphore(%run_scoped3A : memref<!tpu.dma_semaphore, #tpu.memory_space<semaphore_mem>>) src(%arg8 : memref<64x128xf32, #tpu.memory_space<vmem>>) dst(%dma_wait3A_44 : memref<64x128xf32, #tpu.memory_space<vmem_shared>>)
      tpu.yield
    }) : () -> ()
    %add3A_16 = arith.constant 320 : i32
    %add3A_17 = arith.addi %mul3A_6, %add3A_16 : i32
    "tpu.region"() ({
      %run_scoped3A = tpu.sem_alloc : memref<!tpu.dma_semaphore, #tpu.memory_space<semaphore_mem>>
      %dma_start3A = arith.constant 0 : i32
      %dma_start3A_39 = tpu.memref_slice %arg12[%add3A_17, %dma_start3A] : memref<10240x128xf32, #tpu.memory_space<vmem_shared>> -> memref<64x128xf32, #tpu.memory_space<vmem_shared>>
      %dma_start3A_40 = arith.constant 0 : i32
      %dma_start3A_41 = tpu.memref_slice %arg12[%add3A_17, %dma_start3A_40] : memref<10240x128xf32, #tpu.memory_space<vmem_shared>> -> memref<64x128xf32, #tpu.memory_space<vmem_shared>>
      tpu.enqueue_dma source(%arg8 : memref<64x128xf32, #tpu.memory_space<vmem>>) target(%dma_start3A_41 : memref<64x128xf32, #tpu.memory_space<vmem_shared>>) target_semaphore(%run_scoped3A : memref<!tpu.dma_semaphore, #tpu.memory_space<semaphore_mem>>)
      %dma_wait3A = arith.constant 0 : i32
      %dma_wait3A_42 = tpu.memref_slice %arg12[%add3A_17, %dma_wait3A] : memref<10240x128xf32, #tpu.memory_space<vmem_shared>> -> memref<64x128xf32, #tpu.memory_space<vmem_shared>>
      %dma_wait3A_43 = arith.constant 0 : i32
      %dma_wait3A_44 = tpu.memref_slice %arg12[%add3A_17, %dma_wait3A_43] : memref<10240x128xf32, #tpu.memory_space<vmem_shared>> -> memref<64x128xf32, #tpu.memory_space<vmem_shared>>
      tpu.wait_dma2 semaphore(%run_scoped3A : memref<!tpu.dma_semaphore, #tpu.memory_space<semaphore_mem>>) src(%arg8 : memref<64x128xf32, #tpu.memory_space<vmem>>) dst(%dma_wait3A_44 : memref<64x128xf32, #tpu.memory_space<vmem_shared>>)
      tpu.yield
    }) : () -> ()
    %add3A_18 = arith.constant 384 : i32
    %add3A_19 = arith.addi %mul3A_6, %add3A_18 : i32
    "tpu.region"() ({
      %run_scoped3A = tpu.sem_alloc : memref<!tpu.dma_semaphore, #tpu.memory_space<semaphore_mem>>
      %dma_start3A = arith.constant 0 : i32
      %dma_start3A_39 = tpu.memref_slice %arg12[%add3A_19, %dma_start3A] : memref<10240x128xf32, #tpu.memory_space<vmem_shared>> -> memref<64x128xf32, #tpu.memory_space<vmem_shared>>
      %dma_start3A_40 = arith.constant 0 : i32
      %dma_start3A_41 = tpu.memref_slice %arg12[%add3A_19, %dma_start3A_40] : memref<10240x128xf32, #tpu.memory_space<vmem_shared>> -> memref<64x128xf32, #tpu.memory_space<vmem_shared>>
      tpu.enqueue_dma source(%arg8 : memref<64x128xf32, #tpu.memory_space<vmem>>) target(%dma_start3A_41 : memref<64x128xf32, #tpu.memory_space<vmem_shared>>) target_semaphore(%run_scoped3A : memref<!tpu.dma_semaphore, #tpu.memory_space<semaphore_mem>>)
      %dma_wait3A = arith.constant 0 : i32
      %dma_wait3A_42 = tpu.memref_slice %arg12[%add3A_19, %dma_wait3A] : memref<10240x128xf32, #tpu.memory_space<vmem_shared>> -> memref<64x128xf32, #tpu.memory_space<vmem_shared>>
      %dma_wait3A_43 = arith.constant 0 : i32
      %dma_wait3A_44 = tpu.memref_slice %arg12[%add3A_19, %dma_wait3A_43] : memref<10240x128xf32, #tpu.memory_space<vmem_shared>> -> memref<64x128xf32, #tpu.memory_space<vmem_shared>>
      tpu.wait_dma2 semaphore(%run_scoped3A : memref<!tpu.dma_semaphore, #tpu.memory_space<semaphore_mem>>) src(%arg8 : memref<64x128xf32, #tpu.memory_space<vmem>>) dst(%dma_wait3A_44 : memref<64x128xf32, #tpu.memory_space<vmem_shared>>)
      tpu.yield
    }) : () -> ()
    %add3A_20 = arith.constant 448 : i32
    %add3A_21 = arith.addi %mul3A_6, %add3A_20 : i32
    "tpu.region"() ({
      %run_scoped3A = tpu.sem_alloc : memref<!tpu.dma_semaphore, #tpu.memory_space<semaphore_mem>>
      %dma_start3A = arith.constant 0 : i32
      %dma_start3A_39 = tpu.memref_slice %arg12[%add3A_21, %dma_start3A] : memref<10240x128xf32, #tpu.memory_space<vmem_shared>> -> memref<64x128xf32, #tpu.memory_space<vmem_shared>>
      %dma_start3A_40 = arith.constant 0 : i32
      %dma_start3A_41 = tpu.memref_slice %arg12[%add3A_21, %dma_start3A_40] : memref<10240x128xf32, #tpu.memory_space<vmem_shared>> -> memref<64x128xf32, #tpu.memory_space<vmem_shared>>
      tpu.enqueue_dma source(%arg8 : memref<64x128xf32, #tpu.memory_space<vmem>>) target(%dma_start3A_41 : memref<64x128xf32, #tpu.memory_space<vmem_shared>>) target_semaphore(%run_scoped3A : memref<!tpu.dma_semaphore, #tpu.memory_space<semaphore_mem>>)
      %dma_wait3A = arith.constant 0 : i32
      %dma_wait3A_42 = tpu.memref_slice %arg12[%add3A_21, %dma_wait3A] : memref<10240x128xf32, #tpu.memory_space<vmem_shared>> -> memref<64x128xf32, #tpu.memory_space<vmem_shared>>
      %dma_wait3A_43 = arith.constant 0 : i32
      %dma_wait3A_44 = tpu.memref_slice %arg12[%add3A_21, %dma_wait3A_43] : memref<10240x128xf32, #tpu.memory_space<vmem_shared>> -> memref<64x128xf32, #tpu.memory_space<vmem_shared>>
      tpu.wait_dma2 semaphore(%run_scoped3A : memref<!tpu.dma_semaphore, #tpu.memory_space<semaphore_mem>>) src(%arg8 : memref<64x128xf32, #tpu.memory_space<vmem>>) dst(%dma_wait3A_44 : memref<64x128xf32, #tpu.memory_space<vmem_shared>>)
      tpu.yield
    }) : () -> ()
    %add3A_22 = arith.constant 512 : i32
    %add3A_23 = arith.addi %mul3A_6, %add3A_22 : i32
    "tpu.region"() ({
      %run_scoped3A = tpu.sem_alloc : memref<!tpu.dma_semaphore, #tpu.memory_space<semaphore_mem>>
      %dma_start3A = arith.constant 0 : i32
      %dma_start3A_39 = tpu.memref_slice %arg12[%add3A_23, %dma_start3A] : memref<10240x128xf32, #tpu.memory_space<vmem_shared>> -> memref<64x128xf32, #tpu.memory_space<vmem_shared>>
      %dma_start3A_40 = arith.constant 0 : i32
      %dma_start3A_41 = tpu.memref_slice %arg12[%add3A_23, %dma_start3A_40] : memref<10240x128xf32, #tpu.memory_space<vmem_shared>> -> memref<64x128xf32, #tpu.memory_space<vmem_shared>>
      tpu.enqueue_dma source(%arg8 : memref<64x128xf32, #tpu.memory_space<vmem>>) target(%dma_start3A_41 : memref<64x128xf32, #tpu.memory_space<vmem_shared>>) target_semaphore(%run_scoped3A : memref<!tpu.dma_semaphore, #tpu.memory_space<semaphore_mem>>)
      %dma_wait3A = arith.constant 0 : i32
      %dma_wait3A_42 = tpu.memref_slice %arg12[%add3A_23, %dma_wait3A] : memref<10240x128xf32, #tpu.memory_space<vmem_shared>> -> memref<64x128xf32, #tpu.memory_space<vmem_shared>>
      %dma_wait3A_43 = arith.constant 0 : i32
      %dma_wait3A_44 = tpu.memref_slice %arg12[%add3A_23, %dma_wait3A_43] : memref<10240x128xf32, #tpu.memory_space<vmem_shared>> -> memref<64x128xf32, #tpu.memory_space<vmem_shared>>
      tpu.wait_dma2 semaphore(%run_scoped3A : memref<!tpu.dma_semaphore, #tpu.memory_space<semaphore_mem>>) src(%arg8 : memref<64x128xf32, #tpu.memory_space<vmem>>) dst(%dma_wait3A_44 : memref<64x128xf32, #tpu.memory_space<vmem_shared>>)
      tpu.yield
    }) : () -> ()
    %add3A_24 = arith.constant 576 : i32
    %add3A_25 = arith.addi %mul3A_6, %add3A_24 : i32
    "tpu.region"() ({
      %run_scoped3A = tpu.sem_alloc : memref<!tpu.dma_semaphore, #tpu.memory_space<semaphore_mem>>
      %dma_start3A = arith.constant 0 : i32
      %dma_start3A_39 = tpu.memref_slice %arg12[%add3A_25, %dma_start3A] : memref<10240x128xf32, #tpu.memory_space<vmem_shared>> -> memref<64x128xf32, #tpu.memory_space<vmem_shared>>
      %dma_start3A_40 = arith.constant 0 : i32
      %dma_start3A_41 = tpu.memref_slice %arg12[%add3A_25, %dma_start3A_40] : memref<10240x128xf32, #tpu.memory_space<vmem_shared>> -> memref<64x128xf32, #tpu.memory_space<vmem_shared>>
      tpu.enqueue_dma source(%arg8 : memref<64x128xf32, #tpu.memory_space<vmem>>) target(%dma_start3A_41 : memref<64x128xf32, #tpu.memory_space<vmem_shared>>) target_semaphore(%run_scoped3A : memref<!tpu.dma_semaphore, #tpu.memory_space<semaphore_mem>>)
      %dma_wait3A = arith.constant 0 : i32
      %dma_wait3A_42 = tpu.memref_slice %arg12[%add3A_25, %dma_wait3A] : memref<10240x128xf32, #tpu.memory_space<vmem_shared>> -> memref<64x128xf32, #tpu.memory_space<vmem_shared>>
      %dma_wait3A_43 = arith.constant 0 : i32
      %dma_wait3A_44 = tpu.memref_slice %arg12[%add3A_25, %dma_wait3A_43] : memref<10240x128xf32, #tpu.memory_space<vmem_shared>> -> memref<64x128xf32, #tpu.memory_space<vmem_shared>>
      tpu.wait_dma2 semaphore(%run_scoped3A : memref<!tpu.dma_semaphore, #tpu.memory_space<semaphore_mem>>) src(%arg8 : memref<64x128xf32, #tpu.memory_space<vmem>>) dst(%dma_wait3A_44 : memref<64x128xf32, #tpu.memory_space<vmem_shared>>)
      tpu.yield
    }) : () -> ()
    %barrier3A = arith.constant 0 : index
    tpu.barrier barrier_id(%barrier3A)
    %scan3A_26 = arith.constant 0 : i32
    %scan3A_27 = arith.constant 0 : i32
    %scan3A_28 = arith.constant 20 : i32
    %scan3A_29 = arith.addi %scan3A_27, %scan3A_28 : i32
    %scan3A_30 = arith.constant 1 : i32
    scf.for %scan3A_39 = %scan3A_27 to %scan3A_29 step %scan3A_30  : i32 {
      %mul3A_40 = arith.constant 16 : i32
      %mul3A_41 = arith.muli %scan3A_39, %mul3A_40 : i32
      "tpu.region"() ({
        %run_scoped3A = tpu.sem_alloc : memref<!tpu.dma_semaphore, #tpu.memory_space<semaphore_mem>>
        %dma_start3A_70 = arith.constant 0 : i32
        %dma_start3A_71 = tpu.memref_slice %arg3[%arg0, %arg1, %mul3A_41, %dma_start3A_70] : memref<2x16x320x64xi32, #tpu.memory_space<hbm>> -> memref<1x1x16x64xi32, #tpu.memory_space<hbm>>
        %dma_start3A_72 = tpu.memref_squeeze %dma_start3A_71 : memref<1x1x16x64xi32, #tpu.memory_space<hbm>> -> memref<16x64xi32, #tpu.memory_space<hbm>>
        %dma_start3A_73 = arith.constant 0 : i32
        %dma_start3A_74 = tpu.memref_slice %arg3[%arg0, %arg1, %mul3A_41, %dma_start3A_73] : memref<2x16x320x64xi32, #tpu.memory_space<hbm>> -> memref<1x1x16x64xi32, #tpu.memory_space<hbm>>
        %dma_start3A_75 = tpu.memref_squeeze %dma_start3A_74 : memref<1x1x16x64xi32, #tpu.memory_space<hbm>> -> memref<16x64xi32, #tpu.memory_space<hbm>>
        tpu.enqueue_dma source(%dma_start3A_75 : memref<16x64xi32, #tpu.memory_space<hbm>>) target(%arg6 : memref<16x64xi32, #tpu.memory_space<vmem>>) target_semaphore(%run_scoped3A : memref<!tpu.dma_semaphore, #tpu.memory_space<semaphore_mem>>)
        %dma_wait3A = arith.constant 0 : i32
        %dma_wait3A_76 = tpu.memref_slice %arg3[%arg0, %arg1, %mul3A_41, %dma_wait3A] : memref<2x16x320x64xi32, #tpu.memory_space<hbm>> -> memref<1x1x16x64xi32, #tpu.memory_space<hbm>>
        %dma_wait3A_77 = tpu.memref_squeeze %dma_wait3A_76 : memref<1x1x16x64xi32, #tpu.memory_space<hbm>> -> memref<16x64xi32, #tpu.memory_space<hbm>>
        %dma_wait3A_78 = arith.constant 0 : i32
        %dma_wait3A_79 = tpu.memref_slice %arg3[%arg0, %arg1, %mul3A_41, %dma_wait3A_78] : memref<2x16x320x64xi32, #tpu.memory_space<hbm>> -> memref<1x1x16x64xi32, #tpu.memory_space<hbm>>
        %dma_wait3A_80 = tpu.memref_squeeze %dma_wait3A_79 : memref<1x1x16x64xi32, #tpu.memory_space<hbm>> -> memref<16x64xi32, #tpu.memory_space<hbm>>
        tpu.wait_dma2 semaphore(%run_scoped3A : memref<!tpu.dma_semaphore, #tpu.memory_space<semaphore_mem>>) src(%dma_wait3A_80 : memref<16x64xi32, #tpu.memory_space<hbm>>) dst(%arg6 : memref<16x64xi32, #tpu.memory_space<vmem>>)
        tpu.yield
      }) : () -> ()
      %mul3A_42 = arith.constant 16 : i32
      %mul3A_43 = arith.muli %scan3A_39, %mul3A_42 : i32
      "tpu.region"() ({
        %run_scoped3A = tpu.sem_alloc : memref<!tpu.dma_semaphore, #tpu.memory_space<semaphore_mem>>
        %dma_start3A_70 = arith.constant 0 : i32
        %dma_start3A_71 = tpu.memref_slice %arg4[%arg1, %mul3A_43, %dma_start3A_70] : memref<16x320x64xi32, #tpu.memory_space<hbm>> -> memref<1x16x64xi32, #tpu.memory_space<hbm>>
        %dma_start3A_72 = tpu.memref_squeeze %dma_start3A_71 : memref<1x16x64xi32, #tpu.memory_space<hbm>> -> memref<16x64xi32, #tpu.memory_space<hbm>>
        %dma_start3A_73 = arith.constant 0 : i32
        %dma_start3A_74 = tpu.memref_slice %arg4[%arg1, %mul3A_43, %dma_start3A_73] : memref<16x320x64xi32, #tpu.memory_space<hbm>> -> memref<1x16x64xi32, #tpu.memory_space<hbm>>
        %dma_start3A_75 = tpu.memref_squeeze %dma_start3A_74 : memref<1x16x64xi32, #tpu.memory_space<hbm>> -> memref<16x64xi32, #tpu.memory_space<hbm>>
        tpu.enqueue_dma source(%dma_start3A_75 : memref<16x64xi32, #tpu.memory_space<hbm>>) target(%arg7 : memref<16x64xi32, #tpu.memory_space<vmem>>) target_semaphore(%run_scoped3A : memref<!tpu.dma_semaphore, #tpu.memory_space<semaphore_mem>>)
        %dma_wait3A = arith.constant 0 : i32
        %dma_wait3A_76 = tpu.memref_slice %arg4[%arg1, %mul3A_43, %dma_wait3A] : memref<16x320x64xi32, #tpu.memory_space<hbm>> -> memref<1x16x64xi32, #tpu.memory_space<hbm>>
        %dma_wait3A_77 = tpu.memref_squeeze %dma_wait3A_76 : memref<1x16x64xi32, #tpu.memory_space<hbm>> -> memref<16x64xi32, #tpu.memory_space<hbm>>
        %dma_wait3A_78 = arith.constant 0 : i32
        %dma_wait3A_79 = tpu.memref_slice %arg4[%arg1, %mul3A_43, %dma_wait3A_78] : memref<16x320x64xi32, #tpu.memory_space<hbm>> -> memref<1x16x64xi32, #tpu.memory_space<hbm>>
        %dma_wait3A_80 = tpu.memref_squeeze %dma_wait3A_79 : memref<1x16x64xi32, #tpu.memory_space<hbm>> -> memref<16x64xi32, #tpu.memory_space<hbm>>
        tpu.wait_dma2 semaphore(%run_scoped3A : memref<!tpu.dma_semaphore, #tpu.memory_space<semaphore_mem>>) src(%dma_wait3A_80 : memref<16x64xi32, #tpu.memory_space<hbm>>) dst(%arg7 : memref<16x64xi32, #tpu.memory_space<vmem>>)
        tpu.yield
      }) : () -> ()
      %dma_start3A = arith.constant 0 : i32
      %dma_start3A_44 = arith.constant 0 : i32
      %dma_start3A_45 = tpu.memref_slice %arg6[%dma_start3A, %dma_start3A_44] : memref<16x64xi32, #tpu.memory_space<vmem>> -> memref<1x64xi32, #tpu.memory_space<vmem>>
      %dma_start3A_46 = tpu.memref_squeeze %dma_start3A_45 : memref<1x64xi32, #tpu.memory_space<vmem>> -> memref<64xi32, #tpu.memory_space<vmem>>
      %dma_start3A_47 = arith.constant 0 : i32
      %dma_start3A_48 = arith.constant 0 : i32
      %dma_start3A_49 = tpu.memref_slice %arg2[%dma_start3A_47, %dma_start3A_48] : memref<20000x128xf32, #tpu.memory_space<hbm>> -> memref<20000x128xf32, #tpu.memory_space<hbm>>
      tpu.enqueue_indirect_dma source(%dma_start3A_49 : memref<20000x128xf32, #tpu.memory_space<hbm>>) target(%arg8 : memref<64x128xf32, #tpu.memory_space<vmem>>) offsets(%dma_start3A_46 : memref<64xi32, #tpu.memory_space<vmem>>) semaphore(%arg13 : memref<!tpu.dma_semaphore, #tpu.memory_space<semaphore_mem>>)
      %dma_start3A_50 = arith.constant 1 : i32
      %dma_start3A_51 = arith.constant 0 : i32
      %dma_start3A_52 = tpu.memref_slice %arg6[%dma_start3A_50, %dma_start3A_51] : memref<16x64xi32, #tpu.memory_space<vmem>> -> memref<1x64xi32, #tpu.memory_space<vmem>>
      %dma_start3A_53 = tpu.memref_squeeze %dma_start3A_52 : memref<1x64xi32, #tpu.memory_space<vmem>> -> memref<64xi32, #tpu.memory_space<vmem>>
      %dma_start3A_54 = arith.constant 0 : i32
      %dma_start3A_55 = arith.constant 0 : i32
      %dma_start3A_56 = tpu.memref_slice %arg2[%dma_start3A_54, %dma_start3A_55] : memref<20000x128xf32, #tpu.memory_space<hbm>> -> memref<20000x128xf32, #tpu.memory_space<hbm>>
      tpu.enqueue_indirect_dma source(%dma_start3A_56 : memref<20000x128xf32, #tpu.memory_space<hbm>>) target(%arg9 : memref<64x128xf32, #tpu.memory_space<vmem>>) offsets(%dma_start3A_53 : memref<64xi32, #tpu.memory_space<vmem>>) semaphore(%arg14 : memref<!tpu.dma_semaphore, #tpu.memory_space<semaphore_mem>>)
      %dma_start3A_57 = arith.constant 2 : i32
      %dma_start3A_58 = arith.constant 0 : i32
      %dma_start3A_59 = tpu.memref_slice %arg6[%dma_start3A_57, %dma_start3A_58] : memref<16x64xi32, #tpu.memory_space<vmem>> -> memref<1x64xi32, #tpu.memory_space<vmem>>
      %dma_start3A_60 = tpu.memref_squeeze %dma_start3A_59 : memref<1x64xi32, #tpu.memory_space<vmem>> -> memref<64xi32, #tpu.memory_space<vmem>>
      %dma_start3A_61 = arith.constant 0 : i32
      %dma_start3A_62 = arith.constant 0 : i32
      %dma_start3A_63 = tpu.memref_slice %arg2[%dma_start3A_61, %dma_start3A_62] : memref<20000x128xf32, #tpu.memory_space<hbm>> -> memref<20000x128xf32, #tpu.memory_space<hbm>>
      tpu.enqueue_indirect_dma source(%dma_start3A_63 : memref<20000x128xf32, #tpu.memory_space<hbm>>) target(%arg10 : memref<64x128xf32, #tpu.memory_space<vmem>>) offsets(%dma_start3A_60 : memref<64xi32, #tpu.memory_space<vmem>>) semaphore(%arg15 : memref<!tpu.dma_semaphore, #tpu.memory_space<semaphore_mem>>)
      %scan3A_64 = arith.constant 0 : i32
      %scan3A_65 = arith.constant 0 : i32
      %scan3A_66 = arith.constant 16 : i32
      %scan3A_67 = arith.addi %scan3A_65, %scan3A_66 : i32
      %scan3A_68 = arith.constant 1 : i32
      scf.for %scan3A_70 = %scan3A_65 to %scan3A_67 step %scan3A_68  : i32 {
        %jit3A = arith.constant 4 : i32
        %eq3A_71 = arith.constant 0 : i32
        %eq3A_72 = arith.cmpi eq, %jit3A, %eq3A_71 : i32
        %jit3A_73 = arith.constant 1 : i32
        %select_n3A = arith.select %eq3A_72, %jit3A_73, %jit3A : i32
        %rem3A = arith.remsi %scan3A_70, %select_n3A : i32
        %ne3A = arith.constant 0 : i32
        %ne3A_74 = arith.cmpi ne, %rem3A, %ne3A : i32
        %lt3A_75 = arith.constant 0 : i32
        %lt3A_76 = arith.cmpi slt, %rem3A, %lt3A_75 : i32
        %lt3A_77 = arith.constant 0 : i32
        %lt3A_78 = arith.cmpi slt, %select_n3A, %lt3A_77 : i32
        %ne3A_79 = arith.xori %lt3A_76, %lt3A_78 : i1
        %and3A = arith.andi %ne3A_79, %ne3A_74 : i1
        %add3A_80 = arith.addi %rem3A, %select_n3A : i32
        %select_n3A_81 = arith.select %and3A, %add3A_80, %rem3A : i32
        %eq3A_82 = arith.constant 0 : i32
        %eq3A_83 = arith.cmpi eq, %select_n3A_81, %eq3A_82 : i32
        %convert_element_type3A_84 = arith.extui %eq3A_83 : i1 to i32
        %cond3A_85 = arith.constant 0 : i32
        %cond3A_86 = arith.cmpi ne, %convert_element_type3A_84, %cond3A_85 : i32
        scf.if %cond3A_86 {
          %dma_wait3A = arith.constant 0 : i32
          %dma_wait3A_150 = tpu.memref_slice %arg6[%scan3A_70, %dma_wait3A] : memref<16x64xi32, #tpu.memory_space<vmem>> -> memref<1x64xi32, #tpu.memory_space<vmem>>
          %dma_wait3A_151 = tpu.memref_squeeze %dma_wait3A_150 : memref<1x64xi32, #tpu.memory_space<vmem>> -> memref<64xi32, #tpu.memory_space<vmem>>
          %dma_wait3A_152 = arith.constant 0 : i32
          %dma_wait3A_153 = arith.constant 0 : i32
          %dma_wait3A_154 = tpu.memref_slice %arg2[%dma_wait3A_152, %dma_wait3A_153] : memref<20000x128xf32, #tpu.memory_space<hbm>> -> memref<20000x128xf32, #tpu.memory_space<hbm>>
          tpu.wait_indirect_dma semaphore(%arg13 : memref<!tpu.dma_semaphore, #tpu.memory_space<semaphore_mem>>) src(%dma_wait3A_154 : memref<20000x128xf32, #tpu.memory_space<hbm>>) dst(%arg8 : memref<64x128xf32, #tpu.memory_space<vmem>>)
          %add3A_155 = arith.constant 4 : i32
          %add3A_156 = arith.addi %scan3A_70, %add3A_155 : i32
          %sub3A = arith.constant 1 : i32
          %sub3A_157 = arith.subi %add3A_156, %sub3A : i32
          %lt3A_158 = arith.constant 16 : i32
          %lt3A_159 = arith.cmpi slt, %sub3A_157, %lt3A_158 : i32
          %convert_element_type3A_160 = arith.extui %lt3A_159 : i1 to i32
          %cond3A_161 = arith.constant 0 : i32
          %cond3A_162 = arith.cmpi ne, %convert_element_type3A_160, %cond3A_161 : i32
          scf.if %cond3A_162 {
            %dma_start3A_163 = arith.constant 0 : i32
            %dma_start3A_164 = tpu.memref_slice %arg6[%sub3A_157, %dma_start3A_163] : memref<16x64xi32, #tpu.memory_space<vmem>> -> memref<1x64xi32, #tpu.memory_space<vmem>>
            %dma_start3A_165 = tpu.memref_squeeze %dma_start3A_164 : memref<1x64xi32, #tpu.memory_space<vmem>> -> memref<64xi32, #tpu.memory_space<vmem>>
            %dma_start3A_166 = arith.constant 0 : i32
            %dma_start3A_167 = arith.constant 0 : i32
            %dma_start3A_168 = tpu.memref_slice %arg2[%dma_start3A_166, %dma_start3A_167] : memref<20000x128xf32, #tpu.memory_space<hbm>> -> memref<20000x128xf32, #tpu.memory_space<hbm>>
            tpu.enqueue_indirect_dma source(%dma_start3A_168 : memref<20000x128xf32, #tpu.memory_space<hbm>>) target(%arg11 : memref<64x128xf32, #tpu.memory_space<vmem>>) offsets(%dma_start3A_165 : memref<64xi32, #tpu.memory_space<vmem>>) semaphore(%arg16 : memref<!tpu.dma_semaphore, #tpu.memory_space<semaphore_mem>>)
          } else {
          }
          "tpu.region"() ({
            %run_scoped3A = tpu.sem_alloc : memref<!tpu.dma_semaphore, #tpu.memory_space<semaphore_mem>>
            %dma_start3A_163 = arith.constant 0 : i32
            %dma_start3A_164 = tpu.memref_slice %arg7[%scan3A_70, %dma_start3A_163] : memref<16x64xi32, #tpu.memory_space<vmem>> -> memref<1x64xi32, #tpu.memory_space<vmem>>
            %dma_start3A_165 = tpu.memref_squeeze %dma_start3A_164 : memref<1x64xi32, #tpu.memory_space<vmem>> -> memref<64xi32, #tpu.memory_space<vmem>>
            %dma_start3A_166 = arith.constant 0 : i32
            %dma_start3A_167 = arith.constant 0 : i32
            %dma_start3A_168 = tpu.memref_slice %arg12[%dma_start3A_166, %dma_start3A_167] : memref<10240x128xf32, #tpu.memory_space<vmem_shared>> -> memref<10240x128xf32, #tpu.memory_space<vmem_shared>>
            tpu.enqueue_indirect_dma source(%arg8 : memref<64x128xf32, #tpu.memory_space<vmem>>) target(%dma_start3A_168 : memref<10240x128xf32, #tpu.memory_space<vmem_shared>>) offsets(%dma_start3A_165 : memref<64xi32, #tpu.memory_space<vmem>>) semaphore(%run_scoped3A : memref<!tpu.dma_semaphore, #tpu.memory_space<semaphore_mem>>) {add = true}
            %dma_wait3A_169 = arith.constant 0 : i32
            %dma_wait3A_170 = tpu.memref_slice %arg7[%scan3A_70, %dma_wait3A_169] : memref<16x64xi32, #tpu.memory_space<vmem>> -> memref<1x64xi32, #tpu.memory_space<vmem>>
            %dma_wait3A_171 = tpu.memref_squeeze %dma_wait3A_170 : memref<1x64xi32, #tpu.memory_space<vmem>> -> memref<64xi32, #tpu.memory_space<vmem>>
            %dma_wait3A_172 = arith.constant 0 : i32
            %dma_wait3A_173 = arith.constant 0 : i32
            %dma_wait3A_174 = tpu.memref_slice %arg12[%dma_wait3A_172, %dma_wait3A_173] : memref<10240x128xf32, #tpu.memory_space<vmem_shared>> -> memref<10240x128xf32, #tpu.memory_space<vmem_shared>>
            tpu.wait_indirect_dma semaphore(%run_scoped3A : memref<!tpu.dma_semaphore, #tpu.memory_space<semaphore_mem>>) src(%arg8 : memref<64x128xf32, #tpu.memory_space<vmem>>) dst(%dma_wait3A_174 : memref<10240x128xf32, #tpu.memory_space<vmem_shared>>)
            tpu.yield
          }) : () -> ()
        } else {
        }
        %jit3A_87 = arith.constant 4 : i32
        %eq3A_88 = arith.constant 0 : i32
        %eq3A_89 = arith.cmpi eq, %jit3A_87, %eq3A_88 : i32
        %jit3A_90 = arith.constant 1 : i32
        %select_n3A_91 = arith.select %eq3A_89, %jit3A_90, %jit3A_87 : i32
        %rem3A_92 = arith.remsi %scan3A_70, %select_n3A_91 : i32
        %ne3A_93 = arith.constant 0 : i32
        %ne3A_94 = arith.cmpi ne, %rem3A_92, %ne3A_93 : i32
        %lt3A_95 = arith.constant 0 : i32
        %lt3A_96 = arith.cmpi slt, %rem3A_92, %lt3A_95 : i32
        %lt3A_97 = arith.constant 0 : i32
        %lt3A_98 = arith.cmpi slt, %select_n3A_91, %lt3A_97 : i32
        %ne3A_99 = arith.xori %lt3A_96, %lt3A_98 : i1
        %and3A_100 = arith.andi %ne3A_99, %ne3A_94 : i1
        %add3A_101 = arith.addi %rem3A_92, %select_n3A_91 : i32
        %select_n3A_102 = arith.select %and3A_100, %add3A_101, %rem3A_92 : i32
        %eq3A_103 = arith.constant 1 : i32
        %eq3A_104 = arith.cmpi eq, %select_n3A_102, %eq3A_103 : i32
        %convert_element_type3A_105 = arith.extui %eq3A_104 : i1 to i32
        %cond3A_106 = arith.constant 0 : i32
        %cond3A_107 = arith.cmpi ne, %convert_element_type3A_105, %cond3A_106 : i32
        scf.if %cond3A_107 {
          %dma_wait3A = arith.constant 0 : i32
          %dma_wait3A_150 = tpu.memref_slice %arg6[%scan3A_70, %dma_wait3A] : memref<16x64xi32, #tpu.memory_space<vmem>> -> memref<1x64xi32, #tpu.memory_space<vmem>>
          %dma_wait3A_151 = tpu.memref_squeeze %dma_wait3A_150 : memref<1x64xi32, #tpu.memory_space<vmem>> -> memref<64xi32, #tpu.memory_space<vmem>>
          %dma_wait3A_152 = arith.constant 0 : i32
          %dma_wait3A_153 = arith.constant 0 : i32
          %dma_wait3A_154 = tpu.memref_slice %arg2[%dma_wait3A_152, %dma_wait3A_153] : memref<20000x128xf32, #tpu.memory_space<hbm>> -> memref<20000x128xf32, #tpu.memory_space<hbm>>
          tpu.wait_indirect_dma semaphore(%arg14 : memref<!tpu.dma_semaphore, #tpu.memory_space<semaphore_mem>>) src(%dma_wait3A_154 : memref<20000x128xf32, #tpu.memory_space<hbm>>) dst(%arg9 : memref<64x128xf32, #tpu.memory_space<vmem>>)
          %add3A_155 = arith.constant 4 : i32
          %add3A_156 = arith.addi %scan3A_70, %add3A_155 : i32
          %sub3A = arith.constant 1 : i32
          %sub3A_157 = arith.subi %add3A_156, %sub3A : i32
          %lt3A_158 = arith.constant 16 : i32
          %lt3A_159 = arith.cmpi slt, %sub3A_157, %lt3A_158 : i32
          %convert_element_type3A_160 = arith.extui %lt3A_159 : i1 to i32
          %cond3A_161 = arith.constant 0 : i32
          %cond3A_162 = arith.cmpi ne, %convert_element_type3A_160, %cond3A_161 : i32
          scf.if %cond3A_162 {
            %dma_start3A_163 = arith.constant 0 : i32
            %dma_start3A_164 = tpu.memref_slice %arg6[%sub3A_157, %dma_start3A_163] : memref<16x64xi32, #tpu.memory_space<vmem>> -> memref<1x64xi32, #tpu.memory_space<vmem>>
            %dma_start3A_165 = tpu.memref_squeeze %dma_start3A_164 : memref<1x64xi32, #tpu.memory_space<vmem>> -> memref<64xi32, #tpu.memory_space<vmem>>
            %dma_start3A_166 = arith.constant 0 : i32
            %dma_start3A_167 = arith.constant 0 : i32
            %dma_start3A_168 = tpu.memref_slice %arg2[%dma_start3A_166, %dma_start3A_167] : memref<20000x128xf32, #tpu.memory_space<hbm>> -> memref<20000x128xf32, #tpu.memory_space<hbm>>
            tpu.enqueue_indirect_dma source(%dma_start3A_168 : memref<20000x128xf32, #tpu.memory_space<hbm>>) target(%arg8 : memref<64x128xf32, #tpu.memory_space<vmem>>) offsets(%dma_start3A_165 : memref<64xi32, #tpu.memory_space<vmem>>) semaphore(%arg13 : memref<!tpu.dma_semaphore, #tpu.memory_space<semaphore_mem>>)
          } else {
          }
          "tpu.region"() ({
            %run_scoped3A = tpu.sem_alloc : memref<!tpu.dma_semaphore, #tpu.memory_space<semaphore_mem>>
            %dma_start3A_163 = arith.constant 0 : i32
            %dma_start3A_164 = tpu.memref_slice %arg7[%scan3A_70, %dma_start3A_163] : memref<16x64xi32, #tpu.memory_space<vmem>> -> memref<1x64xi32, #tpu.memory_space<vmem>>
            %dma_start3A_165 = tpu.memref_squeeze %dma_start3A_164 : memref<1x64xi32, #tpu.memory_space<vmem>> -> memref<64xi32, #tpu.memory_space<vmem>>
            %dma_start3A_166 = arith.constant 0 : i32
            %dma_start3A_167 = arith.constant 0 : i32
            %dma_start3A_168 = tpu.memref_slice %arg12[%dma_start3A_166, %dma_start3A_167] : memref<10240x128xf32, #tpu.memory_space<vmem_shared>> -> memref<10240x128xf32, #tpu.memory_space<vmem_shared>>
            tpu.enqueue_indirect_dma source(%arg9 : memref<64x128xf32, #tpu.memory_space<vmem>>) target(%dma_start3A_168 : memref<10240x128xf32, #tpu.memory_space<vmem_shared>>) offsets(%dma_start3A_165 : memref<64xi32, #tpu.memory_space<vmem>>) semaphore(%run_scoped3A : memref<!tpu.dma_semaphore, #tpu.memory_space<semaphore_mem>>) {add = true}
            %dma_wait3A_169 = arith.constant 0 : i32
            %dma_wait3A_170 = tpu.memref_slice %arg7[%scan3A_70, %dma_wait3A_169] : memref<16x64xi32, #tpu.memory_space<vmem>> -> memref<1x64xi32, #tpu.memory_space<vmem>>
            %dma_wait3A_171 = tpu.memref_squeeze %dma_wait3A_170 : memref<1x64xi32, #tpu.memory_space<vmem>> -> memref<64xi32, #tpu.memory_space<vmem>>
            %dma_wait3A_172 = arith.constant 0 : i32
            %dma_wait3A_173 = arith.constant 0 : i32
            %dma_wait3A_174 = tpu.memref_slice %arg12[%dma_wait3A_172, %dma_wait3A_173] : memref<10240x128xf32, #tpu.memory_space<vmem_shared>> -> memref<10240x128xf32, #tpu.memory_space<vmem_shared>>
            tpu.wait_indirect_dma semaphore(%run_scoped3A : memref<!tpu.dma_semaphore, #tpu.memory_space<semaphore_mem>>) src(%arg9 : memref<64x128xf32, #tpu.memory_space<vmem>>) dst(%dma_wait3A_174 : memref<10240x128xf32, #tpu.memory_space<vmem_shared>>)
            tpu.yield
          }) : () -> ()
        } else {
        }
        %jit3A_108 = arith.constant 4 : i32
        %eq3A_109 = arith.constant 0 : i32
        %eq3A_110 = arith.cmpi eq, %jit3A_108, %eq3A_109 : i32
        %jit3A_111 = arith.constant 1 : i32
        %select_n3A_112 = arith.select %eq3A_110, %jit3A_111, %jit3A_108 : i32
        %rem3A_113 = arith.remsi %scan3A_70, %select_n3A_112 : i32
        %ne3A_114 = arith.constant 0 : i32
        %ne3A_115 = arith.cmpi ne, %rem3A_113, %ne3A_114 : i32
        %lt3A_116 = arith.constant 0 : i32
        %lt3A_117 = arith.cmpi slt, %rem3A_113, %lt3A_116 : i32
        %lt3A_118 = arith.constant 0 : i32
        %lt3A_119 = arith.cmpi slt, %select_n3A_112, %lt3A_118 : i32
        %ne3A_120 = arith.xori %lt3A_117, %lt3A_119 : i1
        %and3A_121 = arith.andi %ne3A_120, %ne3A_115 : i1
        %add3A_122 = arith.addi %rem3A_113, %select_n3A_112 : i32
        %select_n3A_123 = arith.select %and3A_121, %add3A_122, %rem3A_113 : i32
        %eq3A_124 = arith.constant 2 : i32
        %eq3A_125 = arith.cmpi eq, %select_n3A_123, %eq3A_124 : i32
        %convert_element_type3A_126 = arith.extui %eq3A_125 : i1 to i32
        %cond3A_127 = arith.constant 0 : i32
        %cond3A_128 = arith.cmpi ne, %convert_element_type3A_126, %cond3A_127 : i32
        scf.if %cond3A_128 {
          %dma_wait3A = arith.constant 0 : i32
          %dma_wait3A_150 = tpu.memref_slice %arg6[%scan3A_70, %dma_wait3A] : memref<16x64xi32, #tpu.memory_space<vmem>> -> memref<1x64xi32, #tpu.memory_space<vmem>>
          %dma_wait3A_151 = tpu.memref_squeeze %dma_wait3A_150 : memref<1x64xi32, #tpu.memory_space<vmem>> -> memref<64xi32, #tpu.memory_space<vmem>>
          %dma_wait3A_152 = arith.constant 0 : i32
          %dma_wait3A_153 = arith.constant 0 : i32
          %dma_wait3A_154 = tpu.memref_slice %arg2[%dma_wait3A_152, %dma_wait3A_153] : memref<20000x128xf32, #tpu.memory_space<hbm>> -> memref<20000x128xf32, #tpu.memory_space<hbm>>
          tpu.wait_indirect_dma semaphore(%arg15 : memref<!tpu.dma_semaphore, #tpu.memory_space<semaphore_mem>>) src(%dma_wait3A_154 : memref<20000x128xf32, #tpu.memory_space<hbm>>) dst(%arg10 : memref<64x128xf32, #tpu.memory_space<vmem>>)
          %add3A_155 = arith.constant 4 : i32
          %add3A_156 = arith.addi %scan3A_70, %add3A_155 : i32
          %sub3A = arith.constant 1 : i32
          %sub3A_157 = arith.subi %add3A_156, %sub3A : i32
          %lt3A_158 = arith.constant 16 : i32
          %lt3A_159 = arith.cmpi slt, %sub3A_157, %lt3A_158 : i32
          %convert_element_type3A_160 = arith.extui %lt3A_159 : i1 to i32
          %cond3A_161 = arith.constant 0 : i32
          %cond3A_162 = arith.cmpi ne, %convert_element_type3A_160, %cond3A_161 : i32
          scf.if %cond3A_162 {
            %dma_start3A_163 = arith.constant 0 : i32
            %dma_start3A_164 = tpu.memref_slice %arg6[%sub3A_157, %dma_start3A_163] : memref<16x64xi32, #tpu.memory_space<vmem>> -> memref<1x64xi32, #tpu.memory_space<vmem>>
            %dma_start3A_165 = tpu.memref_squeeze %dma_start3A_164 : memref<1x64xi32, #tpu.memory_space<vmem>> -> memref<64xi32, #tpu.memory_space<vmem>>
            %dma_start3A_166 = arith.constant 0 : i32
            %dma_start3A_167 = arith.constant 0 : i32
            %dma_start3A_168 = tpu.memref_slice %arg2[%dma_start3A_166, %dma_start3A_167] : memref<20000x128xf32, #tpu.memory_space<hbm>> -> memref<20000x128xf32, #tpu.memory_space<hbm>>
            tpu.enqueue_indirect_dma source(%dma_start3A_168 : memref<20000x128xf32, #tpu.memory_space<hbm>>) target(%arg9 : memref<64x128xf32, #tpu.memory_space<vmem>>) offsets(%dma_start3A_165 : memref<64xi32, #tpu.memory_space<vmem>>) semaphore(%arg14 : memref<!tpu.dma_semaphore, #tpu.memory_space<semaphore_mem>>)
          } else {
          }
          "tpu.region"() ({
            %run_scoped3A = tpu.sem_alloc : memref<!tpu.dma_semaphore, #tpu.memory_space<semaphore_mem>>
            %dma_start3A_163 = arith.constant 0 : i32
            %dma_start3A_164 = tpu.memref_slice %arg7[%scan3A_70, %dma_start3A_163] : memref<16x64xi32, #tpu.memory_space<vmem>> -> memref<1x64xi32, #tpu.memory_space<vmem>>
            %dma_start3A_165 = tpu.memref_squeeze %dma_start3A_164 : memref<1x64xi32, #tpu.memory_space<vmem>> -> memref<64xi32, #tpu.memory_space<vmem>>
            %dma_start3A_166 = arith.constant 0 : i32
            %dma_start3A_167 = arith.constant 0 : i32
            %dma_start3A_168 = tpu.memref_slice %arg12[%dma_start3A_166, %dma_start3A_167] : memref<10240x128xf32, #tpu.memory_space<vmem_shared>> -> memref<10240x128xf32, #tpu.memory_space<vmem_shared>>
            tpu.enqueue_indirect_dma source(%arg10 : memref<64x128xf32, #tpu.memory_space<vmem>>) target(%dma_start3A_168 : memref<10240x128xf32, #tpu.memory_space<vmem_shared>>) offsets(%dma_start3A_165 : memref<64xi32, #tpu.memory_space<vmem>>) semaphore(%run_scoped3A : memref<!tpu.dma_semaphore, #tpu.memory_space<semaphore_mem>>) {add = true}
            %dma_wait3A_169 = arith.constant 0 : i32
            %dma_wait3A_170 = tpu.memref_slice %arg7[%scan3A_70, %dma_wait3A_169] : memref<16x64xi32, #tpu.memory_space<vmem>> -> memref<1x64xi32, #tpu.memory_space<vmem>>
            %dma_wait3A_171 = tpu.memref_squeeze %dma_wait3A_170 : memref<1x64xi32, #tpu.memory_space<vmem>> -> memref<64xi32, #tpu.memory_space<vmem>>
            %dma_wait3A_172 = arith.constant 0 : i32
            %dma_wait3A_173 = arith.constant 0 : i32
            %dma_wait3A_174 = tpu.memref_slice %arg12[%dma_wait3A_172, %dma_wait3A_173] : memref<10240x128xf32, #tpu.memory_space<vmem_shared>> -> memref<10240x128xf32, #tpu.memory_space<vmem_shared>>
            tpu.wait_indirect_dma semaphore(%run_scoped3A : memref<!tpu.dma_semaphore, #tpu.memory_space<semaphore_mem>>) src(%arg10 : memref<64x128xf32, #tpu.memory_space<vmem>>) dst(%dma_wait3A_174 : memref<10240x128xf32, #tpu.memory_space<vmem_shared>>)
            tpu.yield
          }) : () -> ()
        } else {
        }
        %jit3A_129 = arith.constant 4 : i32
        %eq3A_130 = arith.constant 0 : i32
        %eq3A_131 = arith.cmpi eq, %jit3A_129, %eq3A_130 : i32
        %jit3A_132 = arith.constant 1 : i32
        %select_n3A_133 = arith.select %eq3A_131, %jit3A_132, %jit3A_129 : i32
        %rem3A_134 = arith.remsi %scan3A_70, %select_n3A_133 : i32
        %ne3A_135 = arith.constant 0 : i32
        %ne3A_136 = arith.cmpi ne, %rem3A_134, %ne3A_135 : i32
        %lt3A_137 = arith.constant 0 : i32
        %lt3A_138 = arith.cmpi slt, %rem3A_134, %lt3A_137 : i32
        %lt3A_139 = arith.constant 0 : i32
        %lt3A_140 = arith.cmpi slt, %select_n3A_133, %lt3A_139 : i32
        %ne3A_141 = arith.xori %lt3A_138, %lt3A_140 : i1
        %and3A_142 = arith.andi %ne3A_141, %ne3A_136 : i1
        %add3A_143 = arith.addi %rem3A_134, %select_n3A_133 : i32
        %select_n3A_144 = arith.select %and3A_142, %add3A_143, %rem3A_134 : i32
        %eq3A_145 = arith.constant 3 : i32
        %eq3A_146 = arith.cmpi eq, %select_n3A_144, %eq3A_145 : i32
        %convert_element_type3A_147 = arith.extui %eq3A_146 : i1 to i32
        %cond3A_148 = arith.constant 0 : i32
        %cond3A_149 = arith.cmpi ne, %convert_element_type3A_147, %cond3A_148 : i32
        scf.if %cond3A_149 {
          %dma_wait3A = arith.constant 0 : i32
          %dma_wait3A_150 = tpu.memref_slice %arg6[%scan3A_70, %dma_wait3A] : memref<16x64xi32, #tpu.memory_space<vmem>> -> memref<1x64xi32, #tpu.memory_space<vmem>>
          %dma_wait3A_151 = tpu.memref_squeeze %dma_wait3A_150 : memref<1x64xi32, #tpu.memory_space<vmem>> -> memref<64xi32, #tpu.memory_space<vmem>>
          %dma_wait3A_152 = arith.constant 0 : i32
          %dma_wait3A_153 = arith.constant 0 : i32
          %dma_wait3A_154 = tpu.memref_slice %arg2[%dma_wait3A_152, %dma_wait3A_153] : memref<20000x128xf32, #tpu.memory_space<hbm>> -> memref<20000x128xf32, #tpu.memory_space<hbm>>
          tpu.wait_indirect_dma semaphore(%arg16 : memref<!tpu.dma_semaphore, #tpu.memory_space<semaphore_mem>>) src(%dma_wait3A_154 : memref<20000x128xf32, #tpu.memory_space<hbm>>) dst(%arg11 : memref<64x128xf32, #tpu.memory_space<vmem>>)
          %add3A_155 = arith.constant 4 : i32
          %add3A_156 = arith.addi %scan3A_70, %add3A_155 : i32
          %sub3A = arith.constant 1 : i32
          %sub3A_157 = arith.subi %add3A_156, %sub3A : i32
          %lt3A_158 = arith.constant 16 : i32
          %lt3A_159 = arith.cmpi slt, %sub3A_157, %lt3A_158 : i32
          %convert_element_type3A_160 = arith.extui %lt3A_159 : i1 to i32
          %cond3A_161 = arith.constant 0 : i32
          %cond3A_162 = arith.cmpi ne, %convert_element_type3A_160, %cond3A_161 : i32
          scf.if %cond3A_162 {
            %dma_start3A_163 = arith.constant 0 : i32
            %dma_start3A_164 = tpu.memref_slice %arg6[%sub3A_157, %dma_start3A_163] : memref<16x64xi32, #tpu.memory_space<vmem>> -> memref<1x64xi32, #tpu.memory_space<vmem>>
            %dma_start3A_165 = tpu.memref_squeeze %dma_start3A_164 : memref<1x64xi32, #tpu.memory_space<vmem>> -> memref<64xi32, #tpu.memory_space<vmem>>
            %dma_start3A_166 = arith.constant 0 : i32
            %dma_start3A_167 = arith.constant 0 : i32
            %dma_start3A_168 = tpu.memref_slice %arg2[%dma_start3A_166, %dma_start3A_167] : memref<20000x128xf32, #tpu.memory_space<hbm>> -> memref<20000x128xf32, #tpu.memory_space<hbm>>
            tpu.enqueue_indirect_dma source(%dma_start3A_168 : memref<20000x128xf32, #tpu.memory_space<hbm>>) target(%arg10 : memref<64x128xf32, #tpu.memory_space<vmem>>) offsets(%dma_start3A_165 : memref<64xi32, #tpu.memory_space<vmem>>) semaphore(%arg15 : memref<!tpu.dma_semaphore, #tpu.memory_space<semaphore_mem>>)
          } else {
          }
          "tpu.region"() ({
            %run_scoped3A = tpu.sem_alloc : memref<!tpu.dma_semaphore, #tpu.memory_space<semaphore_mem>>
            %dma_start3A_163 = arith.constant 0 : i32
            %dma_start3A_164 = tpu.memref_slice %arg7[%scan3A_70, %dma_start3A_163] : memref<16x64xi32, #tpu.memory_space<vmem>> -> memref<1x64xi32, #tpu.memory_space<vmem>>
            %dma_start3A_165 = tpu.memref_squeeze %dma_start3A_164 : memref<1x64xi32, #tpu.memory_space<vmem>> -> memref<64xi32, #tpu.memory_space<vmem>>
            %dma_start3A_166 = arith.constant 0 : i32
            %dma_start3A_167 = arith.constant 0 : i32
            %dma_start3A_168 = tpu.memref_slice %arg12[%dma_start3A_166, %dma_start3A_167] : memref<10240x128xf32, #tpu.memory_space<vmem_shared>> -> memref<10240x128xf32, #tpu.memory_space<vmem_shared>>
            tpu.enqueue_indirect_dma source(%arg11 : memref<64x128xf32, #tpu.memory_space<vmem>>) target(%dma_start3A_168 : memref<10240x128xf32, #tpu.memory_space<vmem_shared>>) offsets(%dma_start3A_165 : memref<64xi32, #tpu.memory_space<vmem>>) semaphore(%run_scoped3A : memref<!tpu.dma_semaphore, #tpu.memory_space<semaphore_mem>>) {add = true}
            %dma_wait3A_169 = arith.constant 0 : i32
            %dma_wait3A_170 = tpu.memref_slice %arg7[%scan3A_70, %dma_wait3A_169] : memref<16x64xi32, #tpu.memory_space<vmem>> -> memref<1x64xi32, #tpu.memory_space<vmem>>
            %dma_wait3A_171 = tpu.memref_squeeze %dma_wait3A_170 : memref<1x64xi32, #tpu.memory_space<vmem>> -> memref<64xi32, #tpu.memory_space<vmem>>
            %dma_wait3A_172 = arith.constant 0 : i32
            %dma_wait3A_173 = arith.constant 0 : i32
            %dma_wait3A_174 = tpu.memref_slice %arg12[%dma_wait3A_172, %dma_wait3A_173] : memref<10240x128xf32, #tpu.memory_space<vmem_shared>> -> memref<10240x128xf32, #tpu.memory_space<vmem_shared>>
            tpu.wait_indirect_dma semaphore(%run_scoped3A : memref<!tpu.dma_semaphore, #tpu.memory_space<semaphore_mem>>) src(%arg11 : memref<64x128xf32, #tpu.memory_space<vmem>>) dst(%dma_wait3A_174 : memref<10240x128xf32, #tpu.memory_space<vmem_shared>>)
            tpu.yield
          }) : () -> ()
        } else {
        }
      }
      %scan3A_69 = arith.constant 16 : i32
    }
    %scan3A_31 = arith.constant 20 : i32
    %barrier3A_32 = arith.constant 0 : index
    tpu.barrier barrier_id(%barrier3A_32)
    %lt3A = arith.constant 15 : i32
    %lt3A_33 = arith.cmpi slt, %arg1, %lt3A : i32
    %convert_element_type3A = arith.extui %lt3A_33 : i1 to i32
    %cond3A = arith.constant 0 : i32
    %cond3A_34 = arith.cmpi ne, %convert_element_type3A, %cond3A : i32
    scf.if %cond3A_34 {
      %mul3A_39 = arith.constant 624 : i32
      %mul3A_40 = arith.muli %arg1, %mul3A_39 : i32
      %mul3A_41 = arith.constant 624 : i32
      %mul3A_42 = arith.muli %arg1, %mul3A_41 : i32
      "tpu.region"() ({
        %run_scoped3A = tpu.sem_alloc : memref<!tpu.dma_semaphore, #tpu.memory_space<semaphore_mem>>
        %dma_start3A = arith.constant 0 : i32
        %dma_start3A_43 = tpu.memref_slice %arg5[%arg0, %mul3A_42, %dma_start3A] : memref<2x10000x128xf32, #tpu.memory_space<hbm>> -> memref<1x624x128xf32, #tpu.memory_space<hbm>>
        %dma_start3A_44 = tpu.memref_squeeze %dma_start3A_43 : memref<1x624x128xf32, #tpu.memory_space<hbm>> -> memref<624x128xf32, #tpu.memory_space<hbm>>
        %dma_start3A_45 = arith.constant 0 : i32
        %dma_start3A_46 = tpu.memref_slice %arg12[%mul3A_40, %dma_start3A_45] : memref<10240x128xf32, #tpu.memory_space<vmem_shared>> -> memref<624x128xf32, #tpu.memory_space<vmem_shared>>
        tpu.enqueue_dma source(%dma_start3A_46 : memref<624x128xf32, #tpu.memory_space<vmem_shared>>) target(%dma_start3A_44 : memref<624x128xf32, #tpu.memory_space<hbm>>) target_semaphore(%run_scoped3A : memref<!tpu.dma_semaphore, #tpu.memory_space<semaphore_mem>>)
        %dma_wait3A = arith.constant 0 : i32
        %dma_wait3A_47 = tpu.memref_slice %arg5[%arg0, %mul3A_42, %dma_wait3A] : memref<2x10000x128xf32, #tpu.memory_space<hbm>> -> memref<1x624x128xf32, #tpu.memory_space<hbm>>
        %dma_wait3A_48 = tpu.memref_squeeze %dma_wait3A_47 : memref<1x624x128xf32, #tpu.memory_space<hbm>> -> memref<624x128xf32, #tpu.memory_space<hbm>>
        %dma_wait3A_49 = arith.constant 0 : i32
        %dma_wait3A_50 = tpu.memref_slice %arg12[%mul3A_40, %dma_wait3A_49] : memref<10240x128xf32, #tpu.memory_space<vmem_shared>> -> memref<624x128xf32, #tpu.memory_space<vmem_shared>>
        tpu.wait_dma2 semaphore(%run_scoped3A : memref<!tpu.dma_semaphore, #tpu.memory_space<semaphore_mem>>) src(%dma_wait3A_50 : memref<624x128xf32, #tpu.memory_space<vmem_shared>>) dst(%dma_wait3A_48 : memref<624x128xf32, #tpu.memory_space<hbm>>)
        tpu.yield
      }) : () -> ()
    } else {
    }
    %eq3A = arith.constant 15 : i32
    %eq3A_35 = arith.cmpi eq, %arg1, %eq3A : i32
    %convert_element_type3A_36 = arith.extui %eq3A_35 : i1 to i32
    %cond3A_37 = arith.constant 0 : i32
    %cond3A_38 = arith.cmpi ne, %convert_element_type3A_36, %cond3A_37 : i32
    scf.if %cond3A_38 {
      "tpu.region"() ({
        %run_scoped3A = tpu.sem_alloc : memref<!tpu.dma_semaphore, #tpu.memory_space<semaphore_mem>>
        %dma_start3A = arith.constant 9360 : i32
        %dma_start3A_39 = arith.constant 0 : i32
        %dma_start3A_40 = tpu.memref_slice %arg5[%arg0, %dma_start3A, %dma_start3A_39] : memref<2x10000x128xf32, #tpu.memory_space<hbm>> -> memref<1x640x128xf32, #tpu.memory_space<hbm>>
        %dma_start3A_41 = tpu.memref_squeeze %dma_start3A_40 : memref<1x640x128xf32, #tpu.memory_space<hbm>> -> memref<640x128xf32, #tpu.memory_space<hbm>>
        %dma_start3A_42 = arith.constant 9360 : i32
        %dma_start3A_43 = arith.constant 0 : i32
        %dma_start3A_44 = tpu.memref_slice %arg12[%dma_start3A_42, %dma_start3A_43] : memref<10240x128xf32, #tpu.memory_space<vmem_shared>> -> memref<640x128xf32, #tpu.memory_space<vmem_shared>>
        tpu.enqueue_dma source(%dma_start3A_44 : memref<640x128xf32, #tpu.memory_space<vmem_shared>>) target(%dma_start3A_41 : memref<640x128xf32, #tpu.memory_space<hbm>>) target_semaphore(%run_scoped3A : memref<!tpu.dma_semaphore, #tpu.memory_space<semaphore_mem>>)
        %dma_wait3A = arith.constant 9360 : i32
        %dma_wait3A_45 = arith.constant 0 : i32
        %dma_wait3A_46 = tpu.memref_slice %arg5[%arg0, %dma_wait3A, %dma_wait3A_45] : memref<2x10000x128xf32, #tpu.memory_space<hbm>> -> memref<1x640x128xf32, #tpu.memory_space<hbm>>
        %dma_wait3A_47 = tpu.memref_squeeze %dma_wait3A_46 : memref<1x640x128xf32, #tpu.memory_space<hbm>> -> memref<640x128xf32, #tpu.memory_space<hbm>>
        %dma_wait3A_48 = arith.constant 9360 : i32
        %dma_wait3A_49 = arith.constant 0 : i32
        %dma_wait3A_50 = tpu.memref_slice %arg12[%dma_wait3A_48, %dma_wait3A_49] : memref<10240x128xf32, #tpu.memory_space<vmem_shared>> -> memref<640x128xf32, #tpu.memory_space<vmem_shared>>
        tpu.wait_dma2 semaphore(%run_scoped3A : memref<!tpu.dma_semaphore, #tpu.memory_space<semaphore_mem>>) src(%dma_wait3A_50 : memref<640x128xf32, #tpu.memory_space<vmem_shared>>) dst(%dma_wait3A_47 : memref<640x128xf32, #tpu.memory_space<hbm>>)
        tpu.yield
      }) : () -> ()
    } else {
    }
    return
  }
}

#map = affine_map<(d0, d1) -> (0, 0)>
#map1 = affine_map<(d0, d1) -> (0, 0, 0, 0)>
#map2 = affine_map<(d0, d1) -> (0, 0, 0)>
module attributes {stable_mosaic.version = 14 : i64} {
  func.func @k(%arg0: i32, %arg1: i32, %arg2: memref<20000x128xf32, #tpu.memory_space<hbm>>, %arg3: memref<2x16x320x64xi32, #tpu.memory_space<hbm>>, %arg4: memref<16x320x64xi32, #tpu.memory_space<hbm>>, %arg5: memref<2x10000x128xf32, #tpu.memory_space<hbm>>, %arg6: memref<16x64xi32, #tpu.memory_space<vmem>>, %arg7: memref<16x64xi32, #tpu.memory_space<vmem>>, %arg8: memref<64x128xf32, #tpu.memory_space<vmem>>, %arg9: memref<64x128xf32, #tpu.memory_space<vmem>>, %arg10: memref<64x128xf32, #tpu.memory_space<vmem>>, %arg11: memref<64x128xf32, #tpu.memory_space<vmem>>, %arg12: memref<10240x128xf32, #tpu.memory_space<vmem_shared>>, %arg13: memref<!tpu.dma_semaphore, #tpu.memory_space<semaphore_mem>>, %arg14: memref<!tpu.dma_semaphore, #tpu.memory_space<semaphore_mem>>, %arg15: memref<!tpu.dma_semaphore, #tpu.memory_space<semaphore_mem>>, %arg16: memref<!tpu.dma_semaphore, #tpu.memory_space<semaphore_mem>>) attributes {dimension_semantics = [#tpu.dimension_semantics<core_parallel>, #tpu.dimension_semantics<subcore_parallel>], iteration_bounds = array<i64: 2, 16>, scalar_prefetch = 0 : i64, scratch_operands = 11 : i64, tpu.core_type = #tpu.core_type<sc_vector_subcore>, window_params = [{transform_indices = #map}, {transform_indices = #map1}, {transform_indices = #map2}, {transform_indices = #map2}]} {
    %broadcast_in_dim3A = arith.constant 0.000000e+00 : f32
    %broadcast_in_dim3A_0 = vector.broadcast %broadcast_in_dim3A : f32 to vector<16xf32>
    %scan3A = arith.constant 0 : i32
    %scan3A_1 = arith.constant 0 : i32
    %scan3A_2 = arith.constant 512 : i32
    %scan3A_3 = arith.addi %scan3A_1, %scan3A_2 : i32
    %scan3A_4 = arith.constant 1 : i32
    scf.for %scan3A_39 = %scan3A_1 to %scan3A_3 step %scan3A_4  : i32 {
      %jit3A = arith.constant 8 : i32
      %div3A = arith.divsi %scan3A_39, %jit3A : i32
      %sign3A = arith.constant 0 : i32
      %sign3A_40 = arith.cmpi sgt, %scan3A_39, %sign3A : i32
      %sign3A_41 = arith.extui %sign3A_40 : i1 to i32
      %sign3A_42 = arith.constant 0 : i32
      %sign3A_43 = arith.cmpi slt, %scan3A_39, %sign3A_42 : i32
      %sign3A_44 = arith.extui %sign3A_43 : i1 to i32
      %sign3A_45 = arith.subi %sign3A_41, %sign3A_44 : i32
      %sign3A_46 = arith.constant 0 : i32
      %sign3A_47 = arith.cmpi sgt, %jit3A, %sign3A_46 : i32
      %sign3A_48 = arith.extui %sign3A_47 : i1 to i32
      %sign3A_49 = arith.constant 0 : i32
      %sign3A_50 = arith.cmpi slt, %jit3A, %sign3A_49 : i32
      %sign3A_51 = arith.extui %sign3A_50 : i1 to i32
      %sign3A_52 = arith.subi %sign3A_48, %sign3A_51 : i32
      %ne3A = arith.cmpi ne, %sign3A_45, %sign3A_52 : i32
      %rem3A = arith.remsi %scan3A_39, %jit3A : i32
      %ne3A_53 = arith.constant 0 : i32
      %ne3A_54 = arith.cmpi ne, %rem3A, %ne3A_53 : i32
      %and3A = arith.andi %ne3A, %ne3A_54 : i1
      %sub3A = arith.constant 1 : i32
      %sub3A_55 = arith.subi %div3A, %sub3A : i32
      %select_n3A = arith.select %and3A, %sub3A_55, %div3A : i32
      %jit3A_56 = arith.constant 8 : i32
      %eq3A_57 = arith.constant 0 : i32
      %eq3A_58 = arith.cmpi eq, %jit3A_56, %eq3A_57 : i32
      %jit3A_59 = arith.constant 1 : i32
      %select_n3A_60 = arith.select %eq3A_58, %jit3A_59, %jit3A_56 : i32
      %rem3A_61 = arith.remsi %scan3A_39, %select_n3A_60 : i32
      %ne3A_62 = arith.constant 0 : i32
      %ne3A_63 = arith.cmpi ne, %rem3A_61, %ne3A_62 : i32
      %lt3A_64 = arith.constant 0 : i32
      %lt3A_65 = arith.cmpi slt, %rem3A_61, %lt3A_64 : i32
      %lt3A_66 = arith.constant 0 : i32
      %lt3A_67 = arith.cmpi slt, %select_n3A_60, %lt3A_66 : i32
      %ne3A_68 = arith.xori %lt3A_65, %lt3A_67 : i1
      %and3A_69 = arith.andi %ne3A_68, %ne3A_63 : i1
      %add3A_70 = arith.addi %rem3A_61, %select_n3A_60 : i32
      %select_n3A_71 = arith.select %and3A_69, %add3A_70, %rem3A_61 : i32
      %mul3A_72 = arith.constant 16 : i32
      %mul3A_73 = arith.muli %select_n3A_71, %mul3A_72 : i32
      %swap3A = arith.index_cast %select_n3A : i32 to index
      %swap3A_74 = arith.index_cast %mul3A_73 : i32 to index
      %swap3A_75 = tpu.vector_load %arg8[%swap3A, %swap3A_74] {strides = array<i32>} : memref<64x128xf32, #tpu.memory_space<vmem>>, vector<1x16xf32>,
      %swap3A_76 = vector.shape_cast %swap3A_75 : vector<1x16xf32> to vector<16xf32>
      %swap3A_77 = vector.shape_cast %broadcast_in_dim3A_0 : vector<16xf32> to vector<1x16xf32>
      tpu.vector_store %arg8[%swap3A, %swap3A_74], %swap3A_77 {strides = array<i32>} : memref<64x128xf32, #tpu.memory_space<vmem>>, vector<1x16xf32>,
    }
    %scan3A_5 = arith.constant 512 : i32
    %mul3A = arith.constant 640 : i32
    %mul3A_6 = arith.muli %arg1, %mul3A : i32
    %add3A = arith.constant 0 : i32
    %add3A_7 = arith.addi %mul3A_6, %add3A : i32
    "tpu.region"() ({
      %run_scoped3A = tpu.sem_alloc : memref<!tpu.dma_semaphore, #tpu.memory_space<semaphore_mem>>
      %dma_start3A = arith.constant 0 : i32
      %dma_start3A_39 = tpu.memref_slice %arg12[%add3A_7, %dma_start3A] : memref<10240x128xf32, #tpu.memory_space<vmem_shared>> -> memref<64x128xf32, #tpu.memory_space<vmem_shared>>
      %dma_start3A_40 = arith.constant 0 : i32
      %dma_start3A_41 = tpu.memref_slice %arg12[%add3A_7, %dma_start3A_40] : memref<10240x128xf32, #tpu.memory_space<vmem_shared>> -> memref<64x128xf32, #tpu.memory_space<vmem_shared>>
      tpu.enqueue_dma source(%arg8 : memref<64x128xf32, #tpu.memory_space<vmem>>) target(%dma_start3A_41 : memref<64x128xf32, #tpu.memory_space<vmem_shared>>) target_semaphore(%run_scoped3A : memref<!tpu.dma_semaphore, #tpu.memory_space<semaphore_mem>>)
      %dma_wait3A = arith.constant 0 : i32
      %dma_wait3A_42 = tpu.memref_slice %arg12[%add3A_7, %dma_wait3A] : memref<10240x128xf32, #tpu.memory_space<vmem_shared>> -> memref<64x128xf32, #tpu.memory_space<vmem_shared>>
      %dma_wait3A_43 = arith.constant 0 : i32
      %dma_wait3A_44 = tpu.memref_slice %arg12[%add3A_7, %dma_wait3A_43] : memref<10240x128xf32, #tpu.memory_space<vmem_shared>> -> memref<64x128xf32, #tpu.memory_space<vmem_shared>>
      tpu.wait_dma2 semaphore(%run_scoped3A : memref<!tpu.dma_semaphore, #tpu.memory_space<semaphore_mem>>) src(%arg8 : memref<64x128xf32, #tpu.memory_space<vmem>>) dst(%dma_wait3A_44 : memref<64x128xf32, #tpu.memory_space<vmem_shared>>)
      tpu.yield
    }) : () -> ()
    %add3A_8 = arith.constant 64 : i32
    %add3A_9 = arith.addi %mul3A_6, %add3A_8 : i32
    "tpu.region"() ({
      %run_scoped3A = tpu.sem_alloc : memref<!tpu.dma_semaphore, #tpu.memory_space<semaphore_mem>>
      %dma_start3A = arith.constant 0 : i32
      %dma_start3A_39 = tpu.memref_slice %arg12[%add3A_9, %dma_start3A] : memref<10240x128xf32, #tpu.memory_space<vmem_shared>> -> memref<64x128xf32, #tpu.memory_space<vmem_shared>>
      %dma_start3A_40 = arith.constant 0 : i32
      %dma_start3A_41 = tpu.memref_slice %arg12[%add3A_9, %dma_start3A_40] : memref<10240x128xf32, #tpu.memory_space<vmem_shared>> -> memref<64x128xf32, #tpu.memory_space<vmem_shared>>
      tpu.enqueue_dma source(%arg8 : memref<64x128xf32, #tpu.memory_space<vmem>>) target(%dma_start3A_41 : memref<64x128xf32, #tpu.memory_space<vmem_shared>>) target_semaphore(%run_scoped3A : memref<!tpu.dma_semaphore, #tpu.memory_space<semaphore_mem>>)
      %dma_wait3A = arith.constant 0 : i32
      %dma_wait3A_42 = tpu.memref_slice %arg12[%add3A_9, %dma_wait3A] : memref<10240x128xf32, #tpu.memory_space<vmem_shared>> -> memref<64x128xf32, #tpu.memory_space<vmem_shared>>
      %dma_wait3A_43 = arith.constant 0 : i32
      %dma_wait3A_44 = tpu.memref_slice %arg12[%add3A_9, %dma_wait3A_43] : memref<10240x128xf32, #tpu.memory_space<vmem_shared>> -> memref<64x128xf32, #tpu.memory_space<vmem_shared>>
      tpu.wait_dma2 semaphore(%run_scoped3A : memref<!tpu.dma_semaphore, #tpu.memory_space<semaphore_mem>>) src(%arg8 : memref<64x128xf32, #tpu.memory_space<vmem>>) dst(%dma_wait3A_44 : memref<64x128xf32, #tpu.memory_space<vmem_shared>>)
      tpu.yield
    }) : () -> ()
    %add3A_10 = arith.constant 128 : i32
    %add3A_11 = arith.addi %mul3A_6, %add3A_10 : i32
    "tpu.region"() ({
      %run_scoped3A = tpu.sem_alloc : memref<!tpu.dma_semaphore, #tpu.memory_space<semaphore_mem>>
      %dma_start3A = arith.constant 0 : i32
      %dma_start3A_39 = tpu.memref_slice %arg12[%add3A_11, %dma_start3A] : memref<10240x128xf32, #tpu.memory_space<vmem_shared>> -> memref<64x128xf32, #tpu.memory_space<vmem_shared>>
      %dma_start3A_40 = arith.constant 0 : i32
      %dma_start3A_41 = tpu.memref_slice %arg12[%add3A_11, %dma_start3A_40] : memref<10240x128xf32, #tpu.memory_space<vmem_shared>> -> memref<64x128xf32, #tpu.memory_space<vmem_shared>>
      tpu.enqueue_dma source(%arg8 : memref<64x128xf32, #tpu.memory_space<vmem>>) target(%dma_start3A_41 : memref<64x128xf32, #tpu.memory_space<vmem_shared>>) target_semaphore(%run_scoped3A : memref<!tpu.dma_semaphore, #tpu.memory_space<semaphore_mem>>)
      %dma_wait3A = arith.constant 0 : i32
      %dma_wait3A_42 = tpu.memref_slice %arg12[%add3A_11, %dma_wait3A] : memref<10240x128xf32, #tpu.memory_space<vmem_shared>> -> memref<64x128xf32, #tpu.memory_space<vmem_shared>>
      %dma_wait3A_43 = arith.constant 0 : i32
      %dma_wait3A_44 = tpu.memref_slice %arg12[%add3A_11, %dma_wait3A_43] : memref<10240x128xf32, #tpu.memory_space<vmem_shared>> -> memref<64x128xf32, #tpu.memory_space<vmem_shared>>
      tpu.wait_dma2 semaphore(%run_scoped3A : memref<!tpu.dma_semaphore, #tpu.memory_space<semaphore_mem>>) src(%arg8 : memref<64x128xf32, #tpu.memory_space<vmem>>) dst(%dma_wait3A_44 : memref<64x128xf32, #tpu.memory_space<vmem_shared>>)
      tpu.yield
    }) : () -> ()
    %add3A_12 = arith.constant 192 : i32
    %add3A_13 = arith.addi %mul3A_6, %add3A_12 : i32
    "tpu.region"() ({
      %run_scoped3A = tpu.sem_alloc : memref<!tpu.dma_semaphore, #tpu.memory_space<semaphore_mem>>
      %dma_start3A = arith.constant 0 : i32
      %dma_start3A_39 = tpu.memref_slice %arg12[%add3A_13, %dma_start3A] : memref<10240x128xf32, #tpu.memory_space<vmem_shared>> -> memref<64x128xf32, #tpu.memory_space<vmem_shared>>
      %dma_start3A_40 = arith.constant 0 : i32
      %dma_start3A_41 = tpu.memref_slice %arg12[%add3A_13, %dma_start3A_40] : memref<10240x128xf32, #tpu.memory_space<vmem_shared>> -> memref<64x128xf32, #tpu.memory_space<vmem_shared>>
      tpu.enqueue_dma source(%arg8 : memref<64x128xf32, #tpu.memory_space<vmem>>) target(%dma_start3A_41 : memref<64x128xf32, #tpu.memory_space<vmem_shared>>) target_semaphore(%run_scoped3A : memref<!tpu.dma_semaphore, #tpu.memory_space<semaphore_mem>>)
      %dma_wait3A = arith.constant 0 : i32
      %dma_wait3A_42 = tpu.memref_slice %arg12[%add3A_13, %dma_wait3A] : memref<10240x128xf32, #tpu.memory_space<vmem_shared>> -> memref<64x128xf32, #tpu.memory_space<vmem_shared>>
      %dma_wait3A_43 = arith.constant 0 : i32
      %dma_wait3A_44 = tpu.memref_slice %arg12[%add3A_13, %dma_wait3A_43] : memref<10240x128xf32, #tpu.memory_space<vmem_shared>> -> memref<64x128xf32, #tpu.memory_space<vmem_shared>>
      tpu.wait_dma2 semaphore(%run_scoped3A : memref<!tpu.dma_semaphore, #tpu.memory_space<semaphore_mem>>) src(%arg8 : memref<64x128xf32, #tpu.memory_space<vmem>>) dst(%dma_wait3A_44 : memref<64x128xf32, #tpu.memory_space<vmem_shared>>)
      tpu.yield
    }) : () -> ()
    %add3A_14 = arith.constant 256 : i32
    %add3A_15 = arith.addi %mul3A_6, %add3A_14 : i32
    "tpu.region"() ({
      %run_scoped3A = tpu.sem_alloc : memref<!tpu.dma_semaphore, #tpu.memory_space<semaphore_mem>>
      %dma_start3A = arith.constant 0 : i32
      %dma_start3A_39 = tpu.memref_slice %arg12[%add3A_15, %dma_start3A] : memref<10240x128xf32, #tpu.memory_space<vmem_shared>> -> memref<64x128xf32, #tpu.memory_space<vmem_shared>>
      %dma_start3A_40 = arith.constant 0 : i32
      %dma_start3A_41 = tpu.memref_slice %arg12[%add3A_15, %dma_start3A_40] : memref<10240x128xf32, #tpu.memory_space<vmem_shared>> -> memref<64x128xf32, #tpu.memory_space<vmem_shared>>
      tpu.enqueue_dma source(%arg8 : memref<64x128xf32, #tpu.memory_space<vmem>>) target(%dma_start3A_41 : memref<64x128xf32, #tpu.memory_space<vmem_shared>>) target_semaphore(%run_scoped3A : memref<!tpu.dma_semaphore, #tpu.memory_space<semaphore_mem>>)
      %dma_wait3A = arith.constant 0 : i32
      %dma_wait3A_42 = tpu.memref_slice %arg12[%add3A_15, %dma_wait3A] : memref<10240x128xf32, #tpu.memory_space<vmem_shared>> -> memref<64x128xf32, #tpu.memory_space<vmem_shared>>
      %dma_wait3A_43 = arith.constant 0 : i32
      %dma_wait3A_44 = tpu.memref_slice %arg12[%add3A_15, %dma_wait3A_43] : memref<10240x128xf32, #tpu.memory_space<vmem_shared>> -> memref<64x128xf32, #tpu.memory_space<vmem_shared>>
      tpu.wait_dma2 semaphore(%run_scoped3A : memref<!tpu.dma_semaphore, #tpu.memory_space<semaphore_mem>>) src(%arg8 : memref<64x128xf32, #tpu.memory_space<vmem>>) dst(%dma_wait3A_44 : memref<64x128xf32, #tpu.memory_space<vmem_shared>>)
      tpu.yield
    }) : () -> ()
    %add3A_16 = arith.constant 320 : i32
    %add3A_17 = arith.addi %mul3A_6, %add3A_16 : i32
    "tpu.region"() ({
      %run_scoped3A = tpu.sem_alloc : memref<!tpu.dma_semaphore, #tpu.memory_space<semaphore_mem>>
      %dma_start3A = arith.constant 0 : i32
      %dma_start3A_39 = tpu.memref_slice %arg12[%add3A_17, %dma_start3A] : memref<10240x128xf32, #tpu.memory_space<vmem_shared>> -> memref<64x128xf32, #tpu.memory_space<vmem_shared>>
      %dma_start3A_40 = arith.constant 0 : i32
      %dma_start3A_41 = tpu.memref_slice %arg12[%add3A_17, %dma_start3A_40] : memref<10240x128xf32, #tpu.memory_space<vmem_shared>> -> memref<64x128xf32, #tpu.memory_space<vmem_shared>>
      tpu.enqueue_dma source(%arg8 : memref<64x128xf32, #tpu.memory_space<vmem>>) target(%dma_start3A_41 : memref<64x128xf32, #tpu.memory_space<vmem_shared>>) target_semaphore(%run_scoped3A : memref<!tpu.dma_semaphore, #tpu.memory_space<semaphore_mem>>)
      %dma_wait3A = arith.constant 0 : i32
      %dma_wait3A_42 = tpu.memref_slice %arg12[%add3A_17, %dma_wait3A] : memref<10240x128xf32, #tpu.memory_space<vmem_shared>> -> memref<64x128xf32, #tpu.memory_space<vmem_shared>>
      %dma_wait3A_43 = arith.constant 0 : i32
      %dma_wait3A_44 = tpu.memref_slice %arg12[%add3A_17, %dma_wait3A_43] : memref<10240x128xf32, #tpu.memory_space<vmem_shared>> -> memref<64x128xf32, #tpu.memory_space<vmem_shared>>
      tpu.wait_dma2 semaphore(%run_scoped3A : memref<!tpu.dma_semaphore, #tpu.memory_space<semaphore_mem>>) src(%arg8 : memref<64x128xf32, #tpu.memory_space<vmem>>) dst(%dma_wait3A_44 : memref<64x128xf32, #tpu.memory_space<vmem_shared>>)
      tpu.yield
    }) : () -> ()
    %add3A_18 = arith.constant 384 : i32
    %add3A_19 = arith.addi %mul3A_6, %add3A_18 : i32
    "tpu.region"() ({
      %run_scoped3A = tpu.sem_alloc : memref<!tpu.dma_semaphore, #tpu.memory_space<semaphore_mem>>
      %dma_start3A = arith.constant 0 : i32
      %dma_start3A_39 = tpu.memref_slice %arg12[%add3A_19, %dma_start3A] : memref<10240x128xf32, #tpu.memory_space<vmem_shared>> -> memref<64x128xf32, #tpu.memory_space<vmem_shared>>
      %dma_start3A_40 = arith.constant 0 : i32
      %dma_start3A_41 = tpu.memref_slice %arg12[%add3A_19, %dma_start3A_40] : memref<10240x128xf32, #tpu.memory_space<vmem_shared>> -> memref<64x128xf32, #tpu.memory_space<vmem_shared>>
      tpu.enqueue_dma source(%arg8 : memref<64x128xf32, #tpu.memory_space<vmem>>) target(%dma_start3A_41 : memref<64x128xf32, #tpu.memory_space<vmem_shared>>) target_semaphore(%run_scoped3A : memref<!tpu.dma_semaphore, #tpu.memory_space<semaphore_mem>>)
      %dma_wait3A = arith.constant 0 : i32
      %dma_wait3A_42 = tpu.memref_slice %arg12[%add3A_19, %dma_wait3A] : memref<10240x128xf32, #tpu.memory_space<vmem_shared>> -> memref<64x128xf32, #tpu.memory_space<vmem_shared>>
      %dma_wait3A_43 = arith.constant 0 : i32
      %dma_wait3A_44 = tpu.memref_slice %arg12[%add3A_19, %dma_wait3A_43] : memref<10240x128xf32, #tpu.memory_space<vmem_shared>> -> memref<64x128xf32, #tpu.memory_space<vmem_shared>>
      tpu.wait_dma2 semaphore(%run_scoped3A : memref<!tpu.dma_semaphore, #tpu.memory_space<semaphore_mem>>) src(%arg8 : memref<64x128xf32, #tpu.memory_space<vmem>>) dst(%dma_wait3A_44 : memref<64x128xf32, #tpu.memory_space<vmem_shared>>)
      tpu.yield
    }) : () -> ()
    %add3A_20 = arith.constant 448 : i32
    %add3A_21 = arith.addi %mul3A_6, %add3A_20 : i32
    "tpu.region"() ({
      %run_scoped3A = tpu.sem_alloc : memref<!tpu.dma_semaphore, #tpu.memory_space<semaphore_mem>>
      %dma_start3A = arith.constant 0 : i32
      %dma_start3A_39 = tpu.memref_slice %arg12[%add3A_21, %dma_start3A] : memref<10240x128xf32, #tpu.memory_space<vmem_shared>> -> memref<64x128xf32, #tpu.memory_space<vmem_shared>>
      %dma_start3A_40 = arith.constant 0 : i32
      %dma_start3A_41 = tpu.memref_slice %arg12[%add3A_21, %dma_start3A_40] : memref<10240x128xf32, #tpu.memory_space<vmem_shared>> -> memref<64x128xf32, #tpu.memory_space<vmem_shared>>
      tpu.enqueue_dma source(%arg8 : memref<64x128xf32, #tpu.memory_space<vmem>>) target(%dma_start3A_41 : memref<64x128xf32, #tpu.memory_space<vmem_shared>>) target_semaphore(%run_scoped3A : memref<!tpu.dma_semaphore, #tpu.memory_space<semaphore_mem>>)
      %dma_wait3A = arith.constant 0 : i32
      %dma_wait3A_42 = tpu.memref_slice %arg12[%add3A_21, %dma_wait3A] : memref<10240x128xf32, #tpu.memory_space<vmem_shared>> -> memref<64x128xf32, #tpu.memory_space<vmem_shared>>
      %dma_wait3A_43 = arith.constant 0 : i32
      %dma_wait3A_44 = tpu.memref_slice %arg12[%add3A_21, %dma_wait3A_43] : memref<10240x128xf32, #tpu.memory_space<vmem_shared>> -> memref<64x128xf32, #tpu.memory_space<vmem_shared>>
      tpu.wait_dma2 semaphore(%run_scoped3A : memref<!tpu.dma_semaphore, #tpu.memory_space<semaphore_mem>>) src(%arg8 : memref<64x128xf32, #tpu.memory_space<vmem>>) dst(%dma_wait3A_44 : memref<64x128xf32, #tpu.memory_space<vmem_shared>>)
      tpu.yield
    }) : () -> ()
    %add3A_22 = arith.constant 512 : i32
    %add3A_23 = arith.addi %mul3A_6, %add3A_22 : i32
    "tpu.region"() ({
      %run_scoped3A = tpu.sem_alloc : memref<!tpu.dma_semaphore, #tpu.memory_space<semaphore_mem>>
      %dma_start3A = arith.constant 0 : i32
      %dma_start3A_39 = tpu.memref_slice %arg12[%add3A_23, %dma_start3A] : memref<10240x128xf32, #tpu.memory_space<vmem_shared>> -> memref<64x128xf32, #tpu.memory_space<vmem_shared>>
      %dma_start3A_40 = arith.constant 0 : i32
      %dma_start3A_41 = tpu.memref_slice %arg12[%add3A_23, %dma_start3A_40] : memref<10240x128xf32, #tpu.memory_space<vmem_shared>> -> memref<64x128xf32, #tpu.memory_space<vmem_shared>>
      tpu.enqueue_dma source(%arg8 : memref<64x128xf32, #tpu.memory_space<vmem>>) target(%dma_start3A_41 : memref<64x128xf32, #tpu.memory_space<vmem_shared>>) target_semaphore(%run_scoped3A : memref<!tpu.dma_semaphore, #tpu.memory_space<semaphore_mem>>)
      %dma_wait3A = arith.constant 0 : i32
      %dma_wait3A_42 = tpu.memref_slice %arg12[%add3A_23, %dma_wait3A] : memref<10240x128xf32, #tpu.memory_space<vmem_shared>> -> memref<64x128xf32, #tpu.memory_space<vmem_shared>>
      %dma_wait3A_43 = arith.constant 0 : i32
      %dma_wait3A_44 = tpu.memref_slice %arg12[%add3A_23, %dma_wait3A_43] : memref<10240x128xf32, #tpu.memory_space<vmem_shared>> -> memref<64x128xf32, #tpu.memory_space<vmem_shared>>
      tpu.wait_dma2 semaphore(%run_scoped3A : memref<!tpu.dma_semaphore, #tpu.memory_space<semaphore_mem>>) src(%arg8 : memref<64x128xf32, #tpu.memory_space<vmem>>) dst(%dma_wait3A_44 : memref<64x128xf32, #tpu.memory_space<vmem_shared>>)
      tpu.yield
    }) : () -> ()
    %add3A_24 = arith.constant 576 : i32
    %add3A_25 = arith.addi %mul3A_6, %add3A_24 : i32
    "tpu.region"() ({
      %run_scoped3A = tpu.sem_alloc : memref<!tpu.dma_semaphore, #tpu.memory_space<semaphore_mem>>
      %dma_start3A = arith.constant 0 : i32
      %dma_start3A_39 = tpu.memref_slice %arg12[%add3A_25, %dma_start3A] : memref<10240x128xf32, #tpu.memory_space<vmem_shared>> -> memref<64x128xf32, #tpu.memory_space<vmem_shared>>
      %dma_start3A_40 = arith.constant 0 : i32
      %dma_start3A_41 = tpu.memref_slice %arg12[%add3A_25, %dma_start3A_40] : memref<10240x128xf32, #tpu.memory_space<vmem_shared>> -> memref<64x128xf32, #tpu.memory_space<vmem_shared>>
      tpu.enqueue_dma source(%arg8 : memref<64x128xf32, #tpu.memory_space<vmem>>) target(%dma_start3A_41 : memref<64x128xf32, #tpu.memory_space<vmem_shared>>) target_semaphore(%run_scoped3A : memref<!tpu.dma_semaphore, #tpu.memory_space<semaphore_mem>>)
      %dma_wait3A = arith.constant 0 : i32
      %dma_wait3A_42 = tpu.memref_slice %arg12[%add3A_25, %dma_wait3A] : memref<10240x128xf32, #tpu.memory_space<vmem_shared>> -> memref<64x128xf32, #tpu.memory_space<vmem_shared>>
      %dma_wait3A_43 = arith.constant 0 : i32
      %dma_wait3A_44 = tpu.memref_slice %arg12[%add3A_25, %dma_wait3A_43] : memref<10240x128xf32, #tpu.memory_space<vmem_shared>> -> memref<64x128xf32, #tpu.memory_space<vmem_shared>>
      tpu.wait_dma2 semaphore(%run_scoped3A : memref<!tpu.dma_semaphore, #tpu.memory_space<semaphore_mem>>) src(%arg8 : memref<64x128xf32, #tpu.memory_space<vmem>>) dst(%dma_wait3A_44 : memref<64x128xf32, #tpu.memory_space<vmem_shared>>)
      tpu.yield
    }) : () -> ()
    %barrier3A = arith.constant 0 : index
    tpu.barrier barrier_id(%barrier3A)
    %scan3A_26 = arith.constant 0 : i32
    %scan3A_27 = arith.constant 0 : i32
    %scan3A_28 = arith.constant 20 : i32
    %scan3A_29 = arith.addi %scan3A_27, %scan3A_28 : i32
    %scan3A_30 = arith.constant 1 : i32
    scf.for %scan3A_39 = %scan3A_27 to %scan3A_29 step %scan3A_30  : i32 {
      %mul3A_40 = arith.constant 16 : i32
      %mul3A_41 = arith.muli %scan3A_39, %mul3A_40 : i32
      "tpu.region"() ({
        %run_scoped3A = tpu.sem_alloc : memref<!tpu.dma_semaphore, #tpu.memory_space<semaphore_mem>>
        %dma_start3A_70 = arith.constant 0 : i32
        %dma_start3A_71 = tpu.memref_slice %arg3[%arg0, %arg1, %mul3A_41, %dma_start3A_70] : memref<2x16x320x64xi32, #tpu.memory_space<hbm>> -> memref<1x1x16x64xi32, #tpu.memory_space<hbm>>
        %dma_start3A_72 = tpu.memref_squeeze %dma_start3A_71 : memref<1x1x16x64xi32, #tpu.memory_space<hbm>> -> memref<16x64xi32, #tpu.memory_space<hbm>>
        %dma_start3A_73 = arith.constant 0 : i32
        %dma_start3A_74 = tpu.memref_slice %arg3[%arg0, %arg1, %mul3A_41, %dma_start3A_73] : memref<2x16x320x64xi32, #tpu.memory_space<hbm>> -> memref<1x1x16x64xi32, #tpu.memory_space<hbm>>
        %dma_start3A_75 = tpu.memref_squeeze %dma_start3A_74 : memref<1x1x16x64xi32, #tpu.memory_space<hbm>> -> memref<16x64xi32, #tpu.memory_space<hbm>>
        tpu.enqueue_dma source(%dma_start3A_75 : memref<16x64xi32, #tpu.memory_space<hbm>>) target(%arg6 : memref<16x64xi32, #tpu.memory_space<vmem>>) target_semaphore(%run_scoped3A : memref<!tpu.dma_semaphore, #tpu.memory_space<semaphore_mem>>)
        %dma_wait3A = arith.constant 0 : i32
        %dma_wait3A_76 = tpu.memref_slice %arg3[%arg0, %arg1, %mul3A_41, %dma_wait3A] : memref<2x16x320x64xi32, #tpu.memory_space<hbm>> -> memref<1x1x16x64xi32, #tpu.memory_space<hbm>>
        %dma_wait3A_77 = tpu.memref_squeeze %dma_wait3A_76 : memref<1x1x16x64xi32, #tpu.memory_space<hbm>> -> memref<16x64xi32, #tpu.memory_space<hbm>>
        %dma_wait3A_78 = arith.constant 0 : i32
        %dma_wait3A_79 = tpu.memref_slice %arg3[%arg0, %arg1, %mul3A_41, %dma_wait3A_78] : memref<2x16x320x64xi32, #tpu.memory_space<hbm>> -> memref<1x1x16x64xi32, #tpu.memory_space<hbm>>
        %dma_wait3A_80 = tpu.memref_squeeze %dma_wait3A_79 : memref<1x1x16x64xi32, #tpu.memory_space<hbm>> -> memref<16x64xi32, #tpu.memory_space<hbm>>
        tpu.wait_dma2 semaphore(%run_scoped3A : memref<!tpu.dma_semaphore, #tpu.memory_space<semaphore_mem>>) src(%dma_wait3A_80 : memref<16x64xi32, #tpu.memory_space<hbm>>) dst(%arg6 : memref<16x64xi32, #tpu.memory_space<vmem>>)
        tpu.yield
      }) : () -> ()
      %mul3A_42 = arith.constant 16 : i32
      %mul3A_43 = arith.muli %scan3A_39, %mul3A_42 : i32
      "tpu.region"() ({
        %run_scoped3A = tpu.sem_alloc : memref<!tpu.dma_semaphore, #tpu.memory_space<semaphore_mem>>
        %dma_start3A_70 = arith.constant 0 : i32
        %dma_start3A_71 = tpu.memref_slice %arg4[%arg1, %mul3A_43, %dma_start3A_70] : memref<16x320x64xi32, #tpu.memory_space<hbm>> -> memref<1x16x64xi32, #tpu.memory_space<hbm>>
        %dma_start3A_72 = tpu.memref_squeeze %dma_start3A_71 : memref<1x16x64xi32, #tpu.memory_space<hbm>> -> memref<16x64xi32, #tpu.memory_space<hbm>>
        %dma_start3A_73 = arith.constant 0 : i32
        %dma_start3A_74 = tpu.memref_slice %arg4[%arg1, %mul3A_43, %dma_start3A_73] : memref<16x320x64xi32, #tpu.memory_space<hbm>> -> memref<1x16x64xi32, #tpu.memory_space<hbm>>
        %dma_start3A_75 = tpu.memref_squeeze %dma_start3A_74 : memref<1x16x64xi32, #tpu.memory_space<hbm>> -> memref<16x64xi32, #tpu.memory_space<hbm>>
        tpu.enqueue_dma source(%dma_start3A_75 : memref<16x64xi32, #tpu.memory_space<hbm>>) target(%arg7 : memref<16x64xi32, #tpu.memory_space<vmem>>) target_semaphore(%run_scoped3A : memref<!tpu.dma_semaphore, #tpu.memory_space<semaphore_mem>>)
        %dma_wait3A = arith.constant 0 : i32
        %dma_wait3A_76 = tpu.memref_slice %arg4[%arg1, %mul3A_43, %dma_wait3A] : memref<16x320x64xi32, #tpu.memory_space<hbm>> -> memref<1x16x64xi32, #tpu.memory_space<hbm>>
        %dma_wait3A_77 = tpu.memref_squeeze %dma_wait3A_76 : memref<1x16x64xi32, #tpu.memory_space<hbm>> -> memref<16x64xi32, #tpu.memory_space<hbm>>
        %dma_wait3A_78 = arith.constant 0 : i32
        %dma_wait3A_79 = tpu.memref_slice %arg4[%arg1, %mul3A_43, %dma_wait3A_78] : memref<16x320x64xi32, #tpu.memory_space<hbm>> -> memref<1x16x64xi32, #tpu.memory_space<hbm>>
        %dma_wait3A_80 = tpu.memref_squeeze %dma_wait3A_79 : memref<1x16x64xi32, #tpu.memory_space<hbm>> -> memref<16x64xi32, #tpu.memory_space<hbm>>
        tpu.wait_dma2 semaphore(%run_scoped3A : memref<!tpu.dma_semaphore, #tpu.memory_space<semaphore_mem>>) src(%dma_wait3A_80 : memref<16x64xi32, #tpu.memory_space<hbm>>) dst(%arg7 : memref<16x64xi32, #tpu.memory_space<vmem>>)
        tpu.yield
      }) : () -> ()
      %dma_start3A = arith.constant 0 : i32
      %dma_start3A_44 = arith.constant 0 : i32
      %dma_start3A_45 = tpu.memref_slice %arg6[%dma_start3A, %dma_start3A_44] : memref<16x64xi32, #tpu.memory_space<vmem>> -> memref<1x64xi32, #tpu.memory_space<vmem>>
      %dma_start3A_46 = tpu.memref_squeeze %dma_start3A_45 : memref<1x64xi32, #tpu.memory_space<vmem>> -> memref<64xi32, #tpu.memory_space<vmem>>
      %dma_start3A_47 = arith.constant 0 : i32
      %dma_start3A_48 = arith.constant 0 : i32
      %dma_start3A_49 = tpu.memref_slice %arg2[%dma_start3A_47, %dma_start3A_48] : memref<20000x128xf32, #tpu.memory_space<hbm>> -> memref<20000x128xf32, #tpu.memory_space<hbm>>
      tpu.enqueue_indirect_dma source(%dma_start3A_49 : memref<20000x128xf32, #tpu.memory_space<hbm>>) target(%arg8 : memref<64x128xf32, #tpu.memory_space<vmem>>) offsets(%dma_start3A_46 : memref<64xi32, #tpu.memory_space<vmem>>) semaphore(%arg13 : memref<!tpu.dma_semaphore, #tpu.memory_space<semaphore_mem>>)
      %dma_start3A_50 = arith.constant 1 : i32
      %dma_start3A_51 = arith.constant 0 : i32
      %dma_start3A_52 = tpu.memref_slice %arg6[%dma_start3A_50, %dma_start3A_51] : memref<16x64xi32, #tpu.memory_space<vmem>> -> memref<1x64xi32, #tpu.memory_space<vmem>>
      %dma_start3A_53 = tpu.memref_squeeze %dma_start3A_52 : memref<1x64xi32, #tpu.memory_space<vmem>> -> memref<64xi32, #tpu.memory_space<vmem>>
      %dma_start3A_54 = arith.constant 0 : i32
      %dma_start3A_55 = arith.constant 0 : i32
      %dma_start3A_56 = tpu.memref_slice %arg2[%dma_start3A_54, %dma_start3A_55] : memref<20000x128xf32, #tpu.memory_space<hbm>> -> memref<20000x128xf32, #tpu.memory_space<hbm>>
      tpu.enqueue_indirect_dma source(%dma_start3A_56 : memref<20000x128xf32, #tpu.memory_space<hbm>>) target(%arg9 : memref<64x128xf32, #tpu.memory_space<vmem>>) offsets(%dma_start3A_53 : memref<64xi32, #tpu.memory_space<vmem>>) semaphore(%arg14 : memref<!tpu.dma_semaphore, #tpu.memory_space<semaphore_mem>>)
      %dma_start3A_57 = arith.constant 2 : i32
      %dma_start3A_58 = arith.constant 0 : i32
      %dma_start3A_59 = tpu.memref_slice %arg6[%dma_start3A_57, %dma_start3A_58] : memref<16x64xi32, #tpu.memory_space<vmem>> -> memref<1x64xi32, #tpu.memory_space<vmem>>
      %dma_start3A_60 = tpu.memref_squeeze %dma_start3A_59 : memref<1x64xi32, #tpu.memory_space<vmem>> -> memref<64xi32, #tpu.memory_space<vmem>>
      %dma_start3A_61 = arith.constant 0 : i32
      %dma_start3A_62 = arith.constant 0 : i32
      %dma_start3A_63 = tpu.memref_slice %arg2[%dma_start3A_61, %dma_start3A_62] : memref<20000x128xf32, #tpu.memory_space<hbm>> -> memref<20000x128xf32, #tpu.memory_space<hbm>>
      tpu.enqueue_indirect_dma source(%dma_start3A_63 : memref<20000x128xf32, #tpu.memory_space<hbm>>) target(%arg10 : memref<64x128xf32, #tpu.memory_space<vmem>>) offsets(%dma_start3A_60 : memref<64xi32, #tpu.memory_space<vmem>>) semaphore(%arg15 : memref<!tpu.dma_semaphore, #tpu.memory_space<semaphore_mem>>)
      %scan3A_64 = arith.constant 0 : i32
      %scan3A_65 = arith.constant 0 : i32
      %scan3A_66 = arith.constant 16 : i32
      %scan3A_67 = arith.addi %scan3A_65, %scan3A_66 : i32
      %scan3A_68 = arith.constant 1 : i32
      scf.for %scan3A_70 = %scan3A_65 to %scan3A_67 step %scan3A_68  : i32 {
        %jit3A = arith.constant 4 : i32
        %eq3A_71 = arith.constant 0 : i32
        %eq3A_72 = arith.cmpi eq, %jit3A, %eq3A_71 : i32
        %jit3A_73 = arith.constant 1 : i32
        %select_n3A = arith.select %eq3A_72, %jit3A_73, %jit3A : i32
        %rem3A = arith.remsi %scan3A_70, %select_n3A : i32
        %ne3A = arith.constant 0 : i32
        %ne3A_74 = arith.cmpi ne, %rem3A, %ne3A : i32
        %lt3A_75 = arith.constant 0 : i32
        %lt3A_76 = arith.cmpi slt, %rem3A, %lt3A_75 : i32
        %lt3A_77 = arith.constant 0 : i32
        %lt3A_78 = arith.cmpi slt, %select_n3A, %lt3A_77 : i32
        %ne3A_79 = arith.xori %lt3A_76, %lt3A_78 : i1
        %and3A = arith.andi %ne3A_79, %ne3A_74 : i1
        %add3A_80 = arith.addi %rem3A, %select_n3A : i32
        %select_n3A_81 = arith.select %and3A, %add3A_80, %rem3A : i32
        %eq3A_82 = arith.constant 0 : i32
        %eq3A_83 = arith.cmpi eq, %select_n3A_81, %eq3A_82 : i32
        %convert_element_type3A_84 = arith.extui %eq3A_83 : i1 to i32
        %cond3A_85 = arith.constant 0 : i32
        %cond3A_86 = arith.cmpi ne, %convert_element_type3A_84, %cond3A_85 : i32
        scf.if %cond3A_86 {
          %dma_wait3A = arith.constant 0 : i32
          %dma_wait3A_150 = tpu.memref_slice %arg6[%scan3A_70, %dma_wait3A] : memref<16x64xi32, #tpu.memory_space<vmem>> -> memref<1x64xi32, #tpu.memory_space<vmem>>
          %dma_wait3A_151 = tpu.memref_squeeze %dma_wait3A_150 : memref<1x64xi32, #tpu.memory_space<vmem>> -> memref<64xi32, #tpu.memory_space<vmem>>
          %dma_wait3A_152 = arith.constant 0 : i32
          %dma_wait3A_153 = arith.constant 0 : i32
          %dma_wait3A_154 = tpu.memref_slice %arg2[%dma_wait3A_152, %dma_wait3A_153] : memref<20000x128xf32, #tpu.memory_space<hbm>> -> memref<20000x128xf32, #tpu.memory_space<hbm>>
          tpu.wait_indirect_dma semaphore(%arg13 : memref<!tpu.dma_semaphore, #tpu.memory_space<semaphore_mem>>) src(%dma_wait3A_154 : memref<20000x128xf32, #tpu.memory_space<hbm>>) dst(%arg8 : memref<64x128xf32, #tpu.memory_space<vmem>>)
          %add3A_155 = arith.constant 4 : i32
          %add3A_156 = arith.addi %scan3A_70, %add3A_155 : i32
          %sub3A = arith.constant 1 : i32
          %sub3A_157 = arith.subi %add3A_156, %sub3A : i32
          %lt3A_158 = arith.constant 16 : i32
          %lt3A_159 = arith.cmpi slt, %sub3A_157, %lt3A_158 : i32
          %convert_element_type3A_160 = arith.extui %lt3A_159 : i1 to i32
          %cond3A_161 = arith.constant 0 : i32
          %cond3A_162 = arith.cmpi ne, %convert_element_type3A_160, %cond3A_161 : i32
          scf.if %cond3A_162 {
            %dma_start3A_163 = arith.constant 0 : i32
            %dma_start3A_164 = tpu.memref_slice %arg6[%sub3A_157, %dma_start3A_163] : memref<16x64xi32, #tpu.memory_space<vmem>> -> memref<1x64xi32, #tpu.memory_space<vmem>>
            %dma_start3A_165 = tpu.memref_squeeze %dma_start3A_164 : memref<1x64xi32, #tpu.memory_space<vmem>> -> memref<64xi32, #tpu.memory_space<vmem>>
            %dma_start3A_166 = arith.constant 0 : i32
            %dma_start3A_167 = arith.constant 0 : i32
            %dma_start3A_168 = tpu.memref_slice %arg2[%dma_start3A_166, %dma_start3A_167] : memref<20000x128xf32, #tpu.memory_space<hbm>> -> memref<20000x128xf32, #tpu.memory_space<hbm>>
            tpu.enqueue_indirect_dma source(%dma_start3A_168 : memref<20000x128xf32, #tpu.memory_space<hbm>>) target(%arg11 : memref<64x128xf32, #tpu.memory_space<vmem>>) offsets(%dma_start3A_165 : memref<64xi32, #tpu.memory_space<vmem>>) semaphore(%arg16 : memref<!tpu.dma_semaphore, #tpu.memory_space<semaphore_mem>>)
          } else {
          }
          "tpu.region"() ({
            %run_scoped3A = tpu.sem_alloc : memref<!tpu.dma_semaphore, #tpu.memory_space<semaphore_mem>>
            %dma_start3A_163 = arith.constant 0 : i32
            %dma_start3A_164 = tpu.memref_slice %arg7[%scan3A_70, %dma_start3A_163] : memref<16x64xi32, #tpu.memory_space<vmem>> -> memref<1x64xi32, #tpu.memory_space<vmem>>
            %dma_start3A_165 = tpu.memref_squeeze %dma_start3A_164 : memref<1x64xi32, #tpu.memory_space<vmem>> -> memref<64xi32, #tpu.memory_space<vmem>>
            %dma_start3A_166 = arith.constant 0 : i32
            %dma_start3A_167 = arith.constant 0 : i32
            %dma_start3A_168 = tpu.memref_slice %arg12[%dma_start3A_166, %dma_start3A_167] : memref<10240x128xf32, #tpu.memory_space<vmem_shared>> -> memref<10240x128xf32, #tpu.memory_space<vmem_shared>>
            tpu.enqueue_indirect_dma source(%arg8 : memref<64x128xf32, #tpu.memory_space<vmem>>) target(%dma_start3A_168 : memref<10240x128xf32, #tpu.memory_space<vmem_shared>>) offsets(%dma_start3A_165 : memref<64xi32, #tpu.memory_space<vmem>>) semaphore(%run_scoped3A : memref<!tpu.dma_semaphore, #tpu.memory_space<semaphore_mem>>) {add = true}
            %dma_wait3A_169 = arith.constant 0 : i32
            %dma_wait3A_170 = tpu.memref_slice %arg7[%scan3A_70, %dma_wait3A_169] : memref<16x64xi32, #tpu.memory_space<vmem>> -> memref<1x64xi32, #tpu.memory_space<vmem>>
            %dma_wait3A_171 = tpu.memref_squeeze %dma_wait3A_170 : memref<1x64xi32, #tpu.memory_space<vmem>> -> memref<64xi32, #tpu.memory_space<vmem>>
            %dma_wait3A_172 = arith.constant 0 : i32
            %dma_wait3A_173 = arith.constant 0 : i32
            %dma_wait3A_174 = tpu.memref_slice %arg12[%dma_wait3A_172, %dma_wait3A_173] : memref<10240x128xf32, #tpu.memory_space<vmem_shared>> -> memref<10240x128xf32, #tpu.memory_space<vmem_shared>>
            tpu.wait_indirect_dma semaphore(%run_scoped3A : memref<!tpu.dma_semaphore, #tpu.memory_space<semaphore_mem>>) src(%arg8 : memref<64x128xf32, #tpu.memory_space<vmem>>) dst(%dma_wait3A_174 : memref<10240x128xf32, #tpu.memory_space<vmem_shared>>)
            tpu.yield
          }) : () -> ()
        } else {
        }
        %jit3A_87 = arith.constant 4 : i32
        %eq3A_88 = arith.constant 0 : i32
        %eq3A_89 = arith.cmpi eq, %jit3A_87, %eq3A_88 : i32
        %jit3A_90 = arith.constant 1 : i32
        %select_n3A_91 = arith.select %eq3A_89, %jit3A_90, %jit3A_87 : i32
        %rem3A_92 = arith.remsi %scan3A_70, %select_n3A_91 : i32
        %ne3A_93 = arith.constant 0 : i32
        %ne3A_94 = arith.cmpi ne, %rem3A_92, %ne3A_93 : i32
        %lt3A_95 = arith.constant 0 : i32
        %lt3A_96 = arith.cmpi slt, %rem3A_92, %lt3A_95 : i32
        %lt3A_97 = arith.constant 0 : i32
        %lt3A_98 = arith.cmpi slt, %select_n3A_91, %lt3A_97 : i32
        %ne3A_99 = arith.xori %lt3A_96, %lt3A_98 : i1
        %and3A_100 = arith.andi %ne3A_99, %ne3A_94 : i1
        %add3A_101 = arith.addi %rem3A_92, %select_n3A_91 : i32
        %select_n3A_102 = arith.select %and3A_100, %add3A_101, %rem3A_92 : i32
        %eq3A_103 = arith.constant 1 : i32
        %eq3A_104 = arith.cmpi eq, %select_n3A_102, %eq3A_103 : i32
        %convert_element_type3A_105 = arith.extui %eq3A_104 : i1 to i32
        %cond3A_106 = arith.constant 0 : i32
        %cond3A_107 = arith.cmpi ne, %convert_element_type3A_105, %cond3A_106 : i32
        scf.if %cond3A_107 {
          %dma_wait3A = arith.constant 0 : i32
          %dma_wait3A_150 = tpu.memref_slice %arg6[%scan3A_70, %dma_wait3A] : memref<16x64xi32, #tpu.memory_space<vmem>> -> memref<1x64xi32, #tpu.memory_space<vmem>>
          %dma_wait3A_151 = tpu.memref_squeeze %dma_wait3A_150 : memref<1x64xi32, #tpu.memory_space<vmem>> -> memref<64xi32, #tpu.memory_space<vmem>>
          %dma_wait3A_152 = arith.constant 0 : i32
          %dma_wait3A_153 = arith.constant 0 : i32
          %dma_wait3A_154 = tpu.memref_slice %arg2[%dma_wait3A_152, %dma_wait3A_153] : memref<20000x128xf32, #tpu.memory_space<hbm>> -> memref<20000x128xf32, #tpu.memory_space<hbm>>
          tpu.wait_indirect_dma semaphore(%arg14 : memref<!tpu.dma_semaphore, #tpu.memory_space<semaphore_mem>>) src(%dma_wait3A_154 : memref<20000x128xf32, #tpu.memory_space<hbm>>) dst(%arg9 : memref<64x128xf32, #tpu.memory_space<vmem>>)
          %add3A_155 = arith.constant 4 : i32
          %add3A_156 = arith.addi %scan3A_70, %add3A_155 : i32
          %sub3A = arith.constant 1 : i32
          %sub3A_157 = arith.subi %add3A_156, %sub3A : i32
          %lt3A_158 = arith.constant 16 : i32
          %lt3A_159 = arith.cmpi slt, %sub3A_157, %lt3A_158 : i32
          %convert_element_type3A_160 = arith.extui %lt3A_159 : i1 to i32
          %cond3A_161 = arith.constant 0 : i32
          %cond3A_162 = arith.cmpi ne, %convert_element_type3A_160, %cond3A_161 : i32
          scf.if %cond3A_162 {
            %dma_start3A_163 = arith.constant 0 : i32
            %dma_start3A_164 = tpu.memref_slice %arg6[%sub3A_157, %dma_start3A_163] : memref<16x64xi32, #tpu.memory_space<vmem>> -> memref<1x64xi32, #tpu.memory_space<vmem>>
            %dma_start3A_165 = tpu.memref_squeeze %dma_start3A_164 : memref<1x64xi32, #tpu.memory_space<vmem>> -> memref<64xi32, #tpu.memory_space<vmem>>
            %dma_start3A_166 = arith.constant 0 : i32
            %dma_start3A_167 = arith.constant 0 : i32
            %dma_start3A_168 = tpu.memref_slice %arg2[%dma_start3A_166, %dma_start3A_167] : memref<20000x128xf32, #tpu.memory_space<hbm>> -> memref<20000x128xf32, #tpu.memory_space<hbm>>
            tpu.enqueue_indirect_dma source(%dma_start3A_168 : memref<20000x128xf32, #tpu.memory_space<hbm>>) target(%arg8 : memref<64x128xf32, #tpu.memory_space<vmem>>) offsets(%dma_start3A_165 : memref<64xi32, #tpu.memory_space<vmem>>) semaphore(%arg13 : memref<!tpu.dma_semaphore, #tpu.memory_space<semaphore_mem>>)
          } else {
          }
          "tpu.region"() ({
            %run_scoped3A = tpu.sem_alloc : memref<!tpu.dma_semaphore, #tpu.memory_space<semaphore_mem>>
            %dma_start3A_163 = arith.constant 0 : i32
            %dma_start3A_164 = tpu.memref_slice %arg7[%scan3A_70, %dma_start3A_163] : memref<16x64xi32, #tpu.memory_space<vmem>> -> memref<1x64xi32, #tpu.memory_space<vmem>>
            %dma_start3A_165 = tpu.memref_squeeze %dma_start3A_164 : memref<1x64xi32, #tpu.memory_space<vmem>> -> memref<64xi32, #tpu.memory_space<vmem>>
            %dma_start3A_166 = arith.constant 0 : i32
            %dma_start3A_167 = arith.constant 0 : i32
            %dma_start3A_168 = tpu.memref_slice %arg12[%dma_start3A_166, %dma_start3A_167] : memref<10240x128xf32, #tpu.memory_space<vmem_shared>> -> memref<10240x128xf32, #tpu.memory_space<vmem_shared>>
            tpu.enqueue_indirect_dma source(%arg9 : memref<64x128xf32, #tpu.memory_space<vmem>>) target(%dma_start3A_168 : memref<10240x128xf32, #tpu.memory_space<vmem_shared>>) offsets(%dma_start3A_165 : memref<64xi32, #tpu.memory_space<vmem>>) semaphore(%run_scoped3A : memref<!tpu.dma_semaphore, #tpu.memory_space<semaphore_mem>>) {add = true}
            %dma_wait3A_169 = arith.constant 0 : i32
            %dma_wait3A_170 = tpu.memref_slice %arg7[%scan3A_70, %dma_wait3A_169] : memref<16x64xi32, #tpu.memory_space<vmem>> -> memref<1x64xi32, #tpu.memory_space<vmem>>
            %dma_wait3A_171 = tpu.memref_squeeze %dma_wait3A_170 : memref<1x64xi32, #tpu.memory_space<vmem>> -> memref<64xi32, #tpu.memory_space<vmem>>
            %dma_wait3A_172 = arith.constant 0 : i32
            %dma_wait3A_173 = arith.constant 0 : i32
            %dma_wait3A_174 = tpu.memref_slice %arg12[%dma_wait3A_172, %dma_wait3A_173] : memref<10240x128xf32, #tpu.memory_space<vmem_shared>> -> memref<10240x128xf32, #tpu.memory_space<vmem_shared>>
            tpu.wait_indirect_dma semaphore(%run_scoped3A : memref<!tpu.dma_semaphore, #tpu.memory_space<semaphore_mem>>) src(%arg9 : memref<64x128xf32, #tpu.memory_space<vmem>>) dst(%dma_wait3A_174 : memref<10240x128xf32, #tpu.memory_space<vmem_shared>>)
            tpu.yield
          }) : () -> ()
        } else {
        }
        %jit3A_108 = arith.constant 4 : i32
        %eq3A_109 = arith.constant 0 : i32
        %eq3A_110 = arith.cmpi eq, %jit3A_108, %eq3A_109 : i32
        %jit3A_111 = arith.constant 1 : i32
        %select_n3A_112 = arith.select %eq3A_110, %jit3A_111, %jit3A_108 : i32
        %rem3A_113 = arith.remsi %scan3A_70, %select_n3A_112 : i32
        %ne3A_114 = arith.constant 0 : i32
        %ne3A_115 = arith.cmpi ne, %rem3A_113, %ne3A_114 : i32
        %lt3A_116 = arith.constant 0 : i32
        %lt3A_117 = arith.cmpi slt, %rem3A_113, %lt3A_116 : i32
        %lt3A_118 = arith.constant 0 : i32
        %lt3A_119 = arith.cmpi slt, %select_n3A_112, %lt3A_118 : i32
        %ne3A_120 = arith.xori %lt3A_117, %lt3A_119 : i1
        %and3A_121 = arith.andi %ne3A_120, %ne3A_115 : i1
        %add3A_122 = arith.addi %rem3A_113, %select_n3A_112 : i32
        %select_n3A_123 = arith.select %and3A_121, %add3A_122, %rem3A_113 : i32
        %eq3A_124 = arith.constant 2 : i32
        %eq3A_125 = arith.cmpi eq, %select_n3A_123, %eq3A_124 : i32
        %convert_element_type3A_126 = arith.extui %eq3A_125 : i1 to i32
        %cond3A_127 = arith.constant 0 : i32
        %cond3A_128 = arith.cmpi ne, %convert_element_type3A_126, %cond3A_127 : i32
        scf.if %cond3A_128 {
          %dma_wait3A = arith.constant 0 : i32
          %dma_wait3A_150 = tpu.memref_slice %arg6[%scan3A_70, %dma_wait3A] : memref<16x64xi32, #tpu.memory_space<vmem>> -> memref<1x64xi32, #tpu.memory_space<vmem>>
          %dma_wait3A_151 = tpu.memref_squeeze %dma_wait3A_150 : memref<1x64xi32, #tpu.memory_space<vmem>> -> memref<64xi32, #tpu.memory_space<vmem>>
          %dma_wait3A_152 = arith.constant 0 : i32
          %dma_wait3A_153 = arith.constant 0 : i32
          %dma_wait3A_154 = tpu.memref_slice %arg2[%dma_wait3A_152, %dma_wait3A_153] : memref<20000x128xf32, #tpu.memory_space<hbm>> -> memref<20000x128xf32, #tpu.memory_space<hbm>>
          tpu.wait_indirect_dma semaphore(%arg15 : memref<!tpu.dma_semaphore, #tpu.memory_space<semaphore_mem>>) src(%dma_wait3A_154 : memref<20000x128xf32, #tpu.memory_space<hbm>>) dst(%arg10 : memref<64x128xf32, #tpu.memory_space<vmem>>)
          %add3A_155 = arith.constant 4 : i32
          %add3A_156 = arith.addi %scan3A_70, %add3A_155 : i32
          %sub3A = arith.constant 1 : i32
          %sub3A_157 = arith.subi %add3A_156, %sub3A : i32
          %lt3A_158 = arith.constant 16 : i32
          %lt3A_159 = arith.cmpi slt, %sub3A_157, %lt3A_158 : i32
          %convert_element_type3A_160 = arith.extui %lt3A_159 : i1 to i32
          %cond3A_161 = arith.constant 0 : i32
          %cond3A_162 = arith.cmpi ne, %convert_element_type3A_160, %cond3A_161 : i32
          scf.if %cond3A_162 {
            %dma_start3A_163 = arith.constant 0 : i32
            %dma_start3A_164 = tpu.memref_slice %arg6[%sub3A_157, %dma_start3A_163] : memref<16x64xi32, #tpu.memory_space<vmem>> -> memref<1x64xi32, #tpu.memory_space<vmem>>
            %dma_start3A_165 = tpu.memref_squeeze %dma_start3A_164 : memref<1x64xi32, #tpu.memory_space<vmem>> -> memref<64xi32, #tpu.memory_space<vmem>>
            %dma_start3A_166 = arith.constant 0 : i32
            %dma_start3A_167 = arith.constant 0 : i32
            %dma_start3A_168 = tpu.memref_slice %arg2[%dma_start3A_166, %dma_start3A_167] : memref<20000x128xf32, #tpu.memory_space<hbm>> -> memref<20000x128xf32, #tpu.memory_space<hbm>>
            tpu.enqueue_indirect_dma source(%dma_start3A_168 : memref<20000x128xf32, #tpu.memory_space<hbm>>) target(%arg9 : memref<64x128xf32, #tpu.memory_space<vmem>>) offsets(%dma_start3A_165 : memref<64xi32, #tpu.memory_space<vmem>>) semaphore(%arg14 : memref<!tpu.dma_semaphore, #tpu.memory_space<semaphore_mem>>)
          } else {
          }
          "tpu.region"() ({
            %run_scoped3A = tpu.sem_alloc : memref<!tpu.dma_semaphore, #tpu.memory_space<semaphore_mem>>
            %dma_start3A_163 = arith.constant 0 : i32
            %dma_start3A_164 = tpu.memref_slice %arg7[%scan3A_70, %dma_start3A_163] : memref<16x64xi32, #tpu.memory_space<vmem>> -> memref<1x64xi32, #tpu.memory_space<vmem>>
            %dma_start3A_165 = tpu.memref_squeeze %dma_start3A_164 : memref<1x64xi32, #tpu.memory_space<vmem>> -> memref<64xi32, #tpu.memory_space<vmem>>
            %dma_start3A_166 = arith.constant 0 : i32
            %dma_start3A_167 = arith.constant 0 : i32
            %dma_start3A_168 = tpu.memref_slice %arg12[%dma_start3A_166, %dma_start3A_167] : memref<10240x128xf32, #tpu.memory_space<vmem_shared>> -> memref<10240x128xf32, #tpu.memory_space<vmem_shared>>
            tpu.enqueue_indirect_dma source(%arg10 : memref<64x128xf32, #tpu.memory_space<vmem>>) target(%dma_start3A_168 : memref<10240x128xf32, #tpu.memory_space<vmem_shared>>) offsets(%dma_start3A_165 : memref<64xi32, #tpu.memory_space<vmem>>) semaphore(%run_scoped3A : memref<!tpu.dma_semaphore, #tpu.memory_space<semaphore_mem>>) {add = true}
            %dma_wait3A_169 = arith.constant 0 : i32
            %dma_wait3A_170 = tpu.memref_slice %arg7[%scan3A_70, %dma_wait3A_169] : memref<16x64xi32, #tpu.memory_space<vmem>> -> memref<1x64xi32, #tpu.memory_space<vmem>>
            %dma_wait3A_171 = tpu.memref_squeeze %dma_wait3A_170 : memref<1x64xi32, #tpu.memory_space<vmem>> -> memref<64xi32, #tpu.memory_space<vmem>>
            %dma_wait3A_172 = arith.constant 0 : i32
            %dma_wait3A_173 = arith.constant 0 : i32
            %dma_wait3A_174 = tpu.memref_slice %arg12[%dma_wait3A_172, %dma_wait3A_173] : memref<10240x128xf32, #tpu.memory_space<vmem_shared>> -> memref<10240x128xf32, #tpu.memory_space<vmem_shared>>
            tpu.wait_indirect_dma semaphore(%run_scoped3A : memref<!tpu.dma_semaphore, #tpu.memory_space<semaphore_mem>>) src(%arg10 : memref<64x128xf32, #tpu.memory_space<vmem>>) dst(%dma_wait3A_174 : memref<10240x128xf32, #tpu.memory_space<vmem_shared>>)
            tpu.yield
          }) : () -> ()
        } else {
        }
        %jit3A_129 = arith.constant 4 : i32
        %eq3A_130 = arith.constant 0 : i32
        %eq3A_131 = arith.cmpi eq, %jit3A_129, %eq3A_130 : i32
        %jit3A_132 = arith.constant 1 : i32
        %select_n3A_133 = arith.select %eq3A_131, %jit3A_132, %jit3A_129 : i32
        %rem3A_134 = arith.remsi %scan3A_70, %select_n3A_133 : i32
        %ne3A_135 = arith.constant 0 : i32
        %ne3A_136 = arith.cmpi ne, %rem3A_134, %ne3A_135 : i32
        %lt3A_137 = arith.constant 0 : i32
        %lt3A_138 = arith.cmpi slt, %rem3A_134, %lt3A_137 : i32
        %lt3A_139 = arith.constant 0 : i32
        %lt3A_140 = arith.cmpi slt, %select_n3A_133, %lt3A_139 : i32
        %ne3A_141 = arith.xori %lt3A_138, %lt3A_140 : i1
        %and3A_142 = arith.andi %ne3A_141, %ne3A_136 : i1
        %add3A_143 = arith.addi %rem3A_134, %select_n3A_133 : i32
        %select_n3A_144 = arith.select %and3A_142, %add3A_143, %rem3A_134 : i32
        %eq3A_145 = arith.constant 3 : i32
        %eq3A_146 = arith.cmpi eq, %select_n3A_144, %eq3A_145 : i32
        %convert_element_type3A_147 = arith.extui %eq3A_146 : i1 to i32
        %cond3A_148 = arith.constant 0 : i32
        %cond3A_149 = arith.cmpi ne, %convert_element_type3A_147, %cond3A_148 : i32
        scf.if %cond3A_149 {
          %dma_wait3A = arith.constant 0 : i32
          %dma_wait3A_150 = tpu.memref_slice %arg6[%scan3A_70, %dma_wait3A] : memref<16x64xi32, #tpu.memory_space<vmem>> -> memref<1x64xi32, #tpu.memory_space<vmem>>
          %dma_wait3A_151 = tpu.memref_squeeze %dma_wait3A_150 : memref<1x64xi32, #tpu.memory_space<vmem>> -> memref<64xi32, #tpu.memory_space<vmem>>
          %dma_wait3A_152 = arith.constant 0 : i32
          %dma_wait3A_153 = arith.constant 0 : i32
          %dma_wait3A_154 = tpu.memref_slice %arg2[%dma_wait3A_152, %dma_wait3A_153] : memref<20000x128xf32, #tpu.memory_space<hbm>> -> memref<20000x128xf32, #tpu.memory_space<hbm>>
          tpu.wait_indirect_dma semaphore(%arg16 : memref<!tpu.dma_semaphore, #tpu.memory_space<semaphore_mem>>) src(%dma_wait3A_154 : memref<20000x128xf32, #tpu.memory_space<hbm>>) dst(%arg11 : memref<64x128xf32, #tpu.memory_space<vmem>>)
          %add3A_155 = arith.constant 4 : i32
          %add3A_156 = arith.addi %scan3A_70, %add3A_155 : i32
          %sub3A = arith.constant 1 : i32
          %sub3A_157 = arith.subi %add3A_156, %sub3A : i32
          %lt3A_158 = arith.constant 16 : i32
          %lt3A_159 = arith.cmpi slt, %sub3A_157, %lt3A_158 : i32
          %convert_element_type3A_160 = arith.extui %lt3A_159 : i1 to i32
          %cond3A_161 = arith.constant 0 : i32
          %cond3A_162 = arith.cmpi ne, %convert_element_type3A_160, %cond3A_161 : i32
          scf.if %cond3A_162 {
            %dma_start3A_163 = arith.constant 0 : i32
            %dma_start3A_164 = tpu.memref_slice %arg6[%sub3A_157, %dma_start3A_163] : memref<16x64xi32, #tpu.memory_space<vmem>> -> memref<1x64xi32, #tpu.memory_space<vmem>>
            %dma_start3A_165 = tpu.memref_squeeze %dma_start3A_164 : memref<1x64xi32, #tpu.memory_space<vmem>> -> memref<64xi32, #tpu.memory_space<vmem>>
            %dma_start3A_166 = arith.constant 0 : i32
            %dma_start3A_167 = arith.constant 0 : i32
            %dma_start3A_168 = tpu.memref_slice %arg2[%dma_start3A_166, %dma_start3A_167] : memref<20000x128xf32, #tpu.memory_space<hbm>> -> memref<20000x128xf32, #tpu.memory_space<hbm>>
            tpu.enqueue_indirect_dma source(%dma_start3A_168 : memref<20000x128xf32, #tpu.memory_space<hbm>>) target(%arg10 : memref<64x128xf32, #tpu.memory_space<vmem>>) offsets(%dma_start3A_165 : memref<64xi32, #tpu.memory_space<vmem>>) semaphore(%arg15 : memref<!tpu.dma_semaphore, #tpu.memory_space<semaphore_mem>>)
          } else {
          }
          "tpu.region"() ({
            %run_scoped3A = tpu.sem_alloc : memref<!tpu.dma_semaphore, #tpu.memory_space<semaphore_mem>>
            %dma_start3A_163 = arith.constant 0 : i32
            %dma_start3A_164 = tpu.memref_slice %arg7[%scan3A_70, %dma_start3A_163] : memref<16x64xi32, #tpu.memory_space<vmem>> -> memref<1x64xi32, #tpu.memory_space<vmem>>
            %dma_start3A_165 = tpu.memref_squeeze %dma_start3A_164 : memref<1x64xi32, #tpu.memory_space<vmem>> -> memref<64xi32, #tpu.memory_space<vmem>>
            %dma_start3A_166 = arith.constant 0 : i32
            %dma_start3A_167 = arith.constant 0 : i32
            %dma_start3A_168 = tpu.memref_slice %arg12[%dma_start3A_166, %dma_start3A_167] : memref<10240x128xf32, #tpu.memory_space<vmem_shared>> -> memref<10240x128xf32, #tpu.memory_space<vmem_shared>>
            tpu.enqueue_indirect_dma source(%arg11 : memref<64x128xf32, #tpu.memory_space<vmem>>) target(%dma_start3A_168 : memref<10240x128xf32, #tpu.memory_space<vmem_shared>>) offsets(%dma_start3A_165 : memref<64xi32, #tpu.memory_space<vmem>>) semaphore(%run_scoped3A : memref<!tpu.dma_semaphore, #tpu.memory_space<semaphore_mem>>) {add = true}
            %dma_wait3A_169 = arith.constant 0 : i32
            %dma_wait3A_170 = tpu.memref_slice %arg7[%scan3A_70, %dma_wait3A_169] : memref<16x64xi32, #tpu.memory_space<vmem>> -> memref<1x64xi32, #tpu.memory_space<vmem>>
            %dma_wait3A_171 = tpu.memref_squeeze %dma_wait3A_170 : memref<1x64xi32, #tpu.memory_space<vmem>> -> memref<64xi32, #tpu.memory_space<vmem>>
            %dma_wait3A_172 = arith.constant 0 : i32
            %dma_wait3A_173 = arith.constant 0 : i32
            %dma_wait3A_174 = tpu.memref_slice %arg12[%dma_wait3A_172, %dma_wait3A_173] : memref<10240x128xf32, #tpu.memory_space<vmem_shared>> -> memref<10240x128xf32, #tpu.memory_space<vmem_shared>>
            tpu.wait_indirect_dma semaphore(%run_scoped3A : memref<!tpu.dma_semaphore, #tpu.memory_space<semaphore_mem>>) src(%arg11 : memref<64x128xf32, #tpu.memory_space<vmem>>) dst(%dma_wait3A_174 : memref<10240x128xf32, #tpu.memory_space<vmem_shared>>)
            tpu.yield
          }) : () -> ()
        } else {
        }
      }
      %scan3A_69 = arith.constant 16 : i32
    }
    %scan3A_31 = arith.constant 20 : i32
    %barrier3A_32 = arith.constant 0 : index
    tpu.barrier barrier_id(%barrier3A_32)
    %lt3A = arith.constant 15 : i32
    %lt3A_33 = arith.cmpi slt, %arg1, %lt3A : i32
    %convert_element_type3A = arith.extui %lt3A_33 : i1 to i32
    %cond3A = arith.constant 0 : i32
    %cond3A_34 = arith.cmpi ne, %convert_element_type3A, %cond3A : i32
    scf.if %cond3A_34 {
      %mul3A_39 = arith.constant 624 : i32
      %mul3A_40 = arith.muli %arg1, %mul3A_39 : i32
      %mul3A_41 = arith.constant 624 : i32
      %mul3A_42 = arith.muli %arg1, %mul3A_41 : i32
      "tpu.region"() ({
        %run_scoped3A = tpu.sem_alloc : memref<!tpu.dma_semaphore, #tpu.memory_space<semaphore_mem>>
        %dma_start3A = arith.constant 0 : i32
        %dma_start3A_43 = tpu.memref_slice %arg5[%arg0, %mul3A_42, %dma_start3A] : memref<2x10000x128xf32, #tpu.memory_space<hbm>> -> memref<1x624x128xf32, #tpu.memory_space<hbm>>
        %dma_start3A_44 = tpu.memref_squeeze %dma_start3A_43 : memref<1x624x128xf32, #tpu.memory_space<hbm>> -> memref<624x128xf32, #tpu.memory_space<hbm>>
        %dma_start3A_45 = arith.constant 0 : i32
        %dma_start3A_46 = tpu.memref_slice %arg12[%mul3A_40, %dma_start3A_45] : memref<10240x128xf32, #tpu.memory_space<vmem_shared>> -> memref<624x128xf32, #tpu.memory_space<vmem_shared>>
        tpu.enqueue_dma source(%dma_start3A_46 : memref<624x128xf32, #tpu.memory_space<vmem_shared>>) target(%dma_start3A_44 : memref<624x128xf32, #tpu.memory_space<hbm>>) target_semaphore(%run_scoped3A : memref<!tpu.dma_semaphore, #tpu.memory_space<semaphore_mem>>)
        %dma_wait3A = arith.constant 0 : i32
        %dma_wait3A_47 = tpu.memref_slice %arg5[%arg0, %mul3A_42, %dma_wait3A] : memref<2x10000x128xf32, #tpu.memory_space<hbm>> -> memref<1x624x128xf32, #tpu.memory_space<hbm>>
        %dma_wait3A_48 = tpu.memref_squeeze %dma_wait3A_47 : memref<1x624x128xf32, #tpu.memory_space<hbm>> -> memref<624x128xf32, #tpu.memory_space<hbm>>
        %dma_wait3A_49 = arith.constant 0 : i32
        %dma_wait3A_50 = tpu.memref_slice %arg12[%mul3A_40, %dma_wait3A_49] : memref<10240x128xf32, #tpu.memory_space<vmem_shared>> -> memref<624x128xf32, #tpu.memory_space<vmem_shared>>
        tpu.wait_dma2 semaphore(%run_scoped3A : memref<!tpu.dma_semaphore, #tpu.memory_space<semaphore_mem>>) src(%dma_wait3A_50 : memref<624x128xf32, #tpu.memory_space<vmem_shared>>) dst(%dma_wait3A_48 : memref<624x128xf32, #tpu.memory_space<hbm>>)
        tpu.yield
      }) : () -> ()
    } else {
    }
    %eq3A = arith.constant 15 : i32
    %eq3A_35 = arith.cmpi eq, %arg1, %eq3A : i32
    %convert_element_type3A_36 = arith.extui %eq3A_35 : i1 to i32
    %cond3A_37 = arith.constant 0 : i32
    %cond3A_38 = arith.cmpi ne, %convert_element_type3A_36, %cond3A_37 : i32
    scf.if %cond3A_38 {
      "tpu.region"() ({
        %run_scoped3A = tpu.sem_alloc : memref<!tpu.dma_semaphore, #tpu.memory_space<semaphore_mem>>
        %dma_start3A = arith.constant 9360 : i32
        %dma_start3A_39 = arith.constant 0 : i32
        %dma_start3A_40 = tpu.memref_slice %arg5[%arg0, %dma_start3A, %dma_start3A_39] : memref<2x10000x128xf32, #tpu.memory_space<hbm>> -> memref<1x640x128xf32, #tpu.memory_space<hbm>>
        %dma_start3A_41 = tpu.memref_squeeze %dma_start3A_40 : memref<1x640x128xf32, #tpu.memory_space<hbm>> -> memref<640x128xf32, #tpu.memory_space<hbm>>
        %dma_start3A_42 = arith.constant 9360 : i32
        %dma_start3A_43 = arith.constant 0 : i32
        %dma_start3A_44 = tpu.memref_slice %arg12[%dma_start3A_42, %dma_start3A_43] : memref<10240x128xf32, #tpu.memory_space<vmem_shared>> -> memref<640x128xf32, #tpu.memory_space<vmem_shared>>
        tpu.enqueue_dma source(%dma_start3A_44 : memref<640x128xf32, #tpu.memory_space<vmem_shared>>) target(%dma_start3A_41 : memref<640x128xf32, #tpu.memory_space<hbm>>) target_semaphore(%run_scoped3A : memref<!tpu.dma_semaphore, #tpu.memory_space<semaphore_mem>>)
        %dma_wait3A = arith.constant 9360 : i32
        %dma_wait3A_45 = arith.constant 0 : i32
        %dma_wait3A_46 = tpu.memref_slice %arg5[%arg0, %dma_wait3A, %dma_wait3A_45] : memref<2x10000x128xf32, #tpu.memory_space<hbm>> -> memref<1x640x128xf32, #tpu.memory_space<hbm>>
        %dma_wait3A_47 = tpu.memref_squeeze %dma_wait3A_46 : memref<1x640x128xf32, #tpu.memory_space<hbm>> -> memref<640x128xf32, #tpu.memory_space<hbm>>
        %dma_wait3A_48 = arith.constant 9360 : i32
        %dma_wait3A_49 = arith.constant 0 : i32
        %dma_wait3A_50 = tpu.memref_slice %arg12[%dma_wait3A_48, %dma_wait3A_49] : memref<10240x128xf32, #tpu.memory_space<vmem_shared>> -> memref<640x128xf32, #tpu.memory_space<vmem_shared>>
        tpu.wait_dma2 semaphore(%run_scoped3A : memref<!tpu.dma_semaphore, #tpu.memory_space<semaphore_mem>>) src(%dma_wait3A_50 : memref<640x128xf32, #tpu.memory_space<vmem_shared>>) dst(%dma_wait3A_47 : memref<640x128xf32, #tpu.memory_space<hbm>>)
        tpu.yield
      }) : () -> ()
    } else {
    }
    return
  }
}

#map = affine_map<(d0, d1) -> (0, 0)>
#map1 = affine_map<(d0, d1) -> (0, 0, 0, 0)>
#map2 = affine_map<(d0, d1) -> (0, 0, 0)>
module attributes {stable_mosaic.version = 14 : i64} {
  func.func @k(%arg0: i32, %arg1: i32, %arg2: memref<20000x128xf32, #tpu.memory_space<hbm>>, %arg3: memref<2x16x320x64xi32, #tpu.memory_space<hbm>>, %arg4: memref<16x320x64xi32, #tpu.memory_space<hbm>>, %arg5: memref<2x10000x128xf32, #tpu.memory_space<hbm>>, %arg6: memref<16x64xi32, #tpu.memory_space<vmem>>, %arg7: memref<16x64xi32, #tpu.memory_space<vmem>>, %arg8: memref<64x128xf32, #tpu.memory_space<vmem>>, %arg9: memref<64x128xf32, #tpu.memory_space<vmem>>, %arg10: memref<64x128xf32, #tpu.memory_space<vmem>>, %arg11: memref<64x128xf32, #tpu.memory_space<vmem>>, %arg12: memref<10240x128xf32, #tpu.memory_space<vmem_shared>>, %arg13: memref<!tpu.dma_semaphore, #tpu.memory_space<semaphore_mem>>, %arg14: memref<!tpu.dma_semaphore, #tpu.memory_space<semaphore_mem>>, %arg15: memref<!tpu.dma_semaphore, #tpu.memory_space<semaphore_mem>>, %arg16: memref<!tpu.dma_semaphore, #tpu.memory_space<semaphore_mem>>) attributes {dimension_semantics = [#tpu.dimension_semantics<core_parallel>, #tpu.dimension_semantics<subcore_parallel>], iteration_bounds = array<i64: 2, 16>, scalar_prefetch = 0 : i64, scratch_operands = 11 : i64, tpu.core_type = #tpu.core_type<sc_vector_subcore>, window_params = [{transform_indices = #map}, {transform_indices = #map1}, {transform_indices = #map2}, {transform_indices = #map2}]} {
    %broadcast_in_dim3A = arith.constant 0.000000e+00 : f32
    %broadcast_in_dim3A_0 = vector.broadcast %broadcast_in_dim3A : f32 to vector<16xf32>
    %scan3A = arith.constant 0 : i32
    %scan3A_1 = arith.constant 0 : i32
    %scan3A_2 = arith.constant 512 : i32
    %scan3A_3 = arith.addi %scan3A_1, %scan3A_2 : i32
    %scan3A_4 = arith.constant 1 : i32
    scf.for %scan3A_39 = %scan3A_1 to %scan3A_3 step %scan3A_4  : i32 {
      %jit3A = arith.constant 8 : i32
      %div3A = arith.divsi %scan3A_39, %jit3A : i32
      %sign3A = arith.constant 0 : i32
      %sign3A_40 = arith.cmpi sgt, %scan3A_39, %sign3A : i32
      %sign3A_41 = arith.extui %sign3A_40 : i1 to i32
      %sign3A_42 = arith.constant 0 : i32
      %sign3A_43 = arith.cmpi slt, %scan3A_39, %sign3A_42 : i32
      %sign3A_44 = arith.extui %sign3A_43 : i1 to i32
      %sign3A_45 = arith.subi %sign3A_41, %sign3A_44 : i32
      %sign3A_46 = arith.constant 0 : i32
      %sign3A_47 = arith.cmpi sgt, %jit3A, %sign3A_46 : i32
      %sign3A_48 = arith.extui %sign3A_47 : i1 to i32
      %sign3A_49 = arith.constant 0 : i32
      %sign3A_50 = arith.cmpi slt, %jit3A, %sign3A_49 : i32
      %sign3A_51 = arith.extui %sign3A_50 : i1 to i32
      %sign3A_52 = arith.subi %sign3A_48, %sign3A_51 : i32
      %ne3A = arith.cmpi ne, %sign3A_45, %sign3A_52 : i32
      %rem3A = arith.remsi %scan3A_39, %jit3A : i32
      %ne3A_53 = arith.constant 0 : i32
      %ne3A_54 = arith.cmpi ne, %rem3A, %ne3A_53 : i32
      %and3A = arith.andi %ne3A, %ne3A_54 : i1
      %sub3A = arith.constant 1 : i32
      %sub3A_55 = arith.subi %div3A, %sub3A : i32
      %select_n3A = arith.select %and3A, %sub3A_55, %div3A : i32
      %jit3A_56 = arith.constant 8 : i32
      %eq3A_57 = arith.constant 0 : i32
      %eq3A_58 = arith.cmpi eq, %jit3A_56, %eq3A_57 : i32
      %jit3A_59 = arith.constant 1 : i32
      %select_n3A_60 = arith.select %eq3A_58, %jit3A_59, %jit3A_56 : i32
      %rem3A_61 = arith.remsi %scan3A_39, %select_n3A_60 : i32
      %ne3A_62 = arith.constant 0 : i32
      %ne3A_63 = arith.cmpi ne, %rem3A_61, %ne3A_62 : i32
      %lt3A_64 = arith.constant 0 : i32
      %lt3A_65 = arith.cmpi slt, %rem3A_61, %lt3A_64 : i32
      %lt3A_66 = arith.constant 0 : i32
      %lt3A_67 = arith.cmpi slt, %select_n3A_60, %lt3A_66 : i32
      %ne3A_68 = arith.xori %lt3A_65, %lt3A_67 : i1
      %and3A_69 = arith.andi %ne3A_68, %ne3A_63 : i1
      %add3A_70 = arith.addi %rem3A_61, %select_n3A_60 : i32
      %select_n3A_71 = arith.select %and3A_69, %add3A_70, %rem3A_61 : i32
      %mul3A_72 = arith.constant 16 : i32
      %mul3A_73 = arith.muli %select_n3A_71, %mul3A_72 : i32
      %swap3A = arith.index_cast %select_n3A : i32 to index
      %swap3A_74 = arith.index_cast %mul3A_73 : i32 to index
      %swap3A_75 = tpu.vector_load %arg8[%swap3A, %swap3A_74] {strides = array<i32>} : memref<64x128xf32, #tpu.memory_space<vmem>>, vector<1x16xf32>,
      %swap3A_76 = vector.shape_cast %swap3A_75 : vector<1x16xf32> to vector<16xf32>
      %swap3A_77 = vector.shape_cast %broadcast_in_dim3A_0 : vector<16xf32> to vector<1x16xf32>
      tpu.vector_store %arg8[%swap3A, %swap3A_74], %swap3A_77 {strides = array<i32>} : memref<64x128xf32, #tpu.memory_space<vmem>>, vector<1x16xf32>,
    }
    %scan3A_5 = arith.constant 512 : i32
    %mul3A = arith.constant 640 : i32
    %mul3A_6 = arith.muli %arg1, %mul3A : i32
    %add3A = arith.constant 0 : i32
    %add3A_7 = arith.addi %mul3A_6, %add3A : i32
    "tpu.region"() ({
      %run_scoped3A = tpu.sem_alloc : memref<!tpu.dma_semaphore, #tpu.memory_space<semaphore_mem>>
      %dma_start3A = arith.constant 0 : i32
      %dma_start3A_39 = tpu.memref_slice %arg12[%add3A_7, %dma_start3A] : memref<10240x128xf32, #tpu.memory_space<vmem_shared>> -> memref<64x128xf32, #tpu.memory_space<vmem_shared>>
      %dma_start3A_40 = arith.constant 0 : i32
      %dma_start3A_41 = tpu.memref_slice %arg12[%add3A_7, %dma_start3A_40] : memref<10240x128xf32, #tpu.memory_space<vmem_shared>> -> memref<64x128xf32, #tpu.memory_space<vmem_shared>>
      tpu.enqueue_dma source(%arg8 : memref<64x128xf32, #tpu.memory_space<vmem>>) target(%dma_start3A_41 : memref<64x128xf32, #tpu.memory_space<vmem_shared>>) target_semaphore(%run_scoped3A : memref<!tpu.dma_semaphore, #tpu.memory_space<semaphore_mem>>)
      %dma_wait3A = arith.constant 0 : i32
      %dma_wait3A_42 = tpu.memref_slice %arg12[%add3A_7, %dma_wait3A] : memref<10240x128xf32, #tpu.memory_space<vmem_shared>> -> memref<64x128xf32, #tpu.memory_space<vmem_shared>>
      %dma_wait3A_43 = arith.constant 0 : i32
      %dma_wait3A_44 = tpu.memref_slice %arg12[%add3A_7, %dma_wait3A_43] : memref<10240x128xf32, #tpu.memory_space<vmem_shared>> -> memref<64x128xf32, #tpu.memory_space<vmem_shared>>
      tpu.wait_dma2 semaphore(%run_scoped3A : memref<!tpu.dma_semaphore, #tpu.memory_space<semaphore_mem>>) src(%arg8 : memref<64x128xf32, #tpu.memory_space<vmem>>) dst(%dma_wait3A_44 : memref<64x128xf32, #tpu.memory_space<vmem_shared>>)
      tpu.yield
    }) : () -> ()
    %add3A_8 = arith.constant 64 : i32
    %add3A_9 = arith.addi %mul3A_6, %add3A_8 : i32
    "tpu.region"() ({
      %run_scoped3A = tpu.sem_alloc : memref<!tpu.dma_semaphore, #tpu.memory_space<semaphore_mem>>
      %dma_start3A = arith.constant 0 : i32
      %dma_start3A_39 = tpu.memref_slice %arg12[%add3A_9, %dma_start3A] : memref<10240x128xf32, #tpu.memory_space<vmem_shared>> -> memref<64x128xf32, #tpu.memory_space<vmem_shared>>
      %dma_start3A_40 = arith.constant 0 : i32
      %dma_start3A_41 = tpu.memref_slice %arg12[%add3A_9, %dma_start3A_40] : memref<10240x128xf32, #tpu.memory_space<vmem_shared>> -> memref<64x128xf32, #tpu.memory_space<vmem_shared>>
      tpu.enqueue_dma source(%arg8 : memref<64x128xf32, #tpu.memory_space<vmem>>) target(%dma_start3A_41 : memref<64x128xf32, #tpu.memory_space<vmem_shared>>) target_semaphore(%run_scoped3A : memref<!tpu.dma_semaphore, #tpu.memory_space<semaphore_mem>>)
      %dma_wait3A = arith.constant 0 : i32
      %dma_wait3A_42 = tpu.memref_slice %arg12[%add3A_9, %dma_wait3A] : memref<10240x128xf32, #tpu.memory_space<vmem_shared>> -> memref<64x128xf32, #tpu.memory_space<vmem_shared>>
      %dma_wait3A_43 = arith.constant 0 : i32
      %dma_wait3A_44 = tpu.memref_slice %arg12[%add3A_9, %dma_wait3A_43] : memref<10240x128xf32, #tpu.memory_space<vmem_shared>> -> memref<64x128xf32, #tpu.memory_space<vmem_shared>>
      tpu.wait_dma2 semaphore(%run_scoped3A : memref<!tpu.dma_semaphore, #tpu.memory_space<semaphore_mem>>) src(%arg8 : memref<64x128xf32, #tpu.memory_space<vmem>>) dst(%dma_wait3A_44 : memref<64x128xf32, #tpu.memory_space<vmem_shared>>)
      tpu.yield
    }) : () -> ()
    %add3A_10 = arith.constant 128 : i32
    %add3A_11 = arith.addi %mul3A_6, %add3A_10 : i32
    "tpu.region"() ({
      %run_scoped3A = tpu.sem_alloc : memref<!tpu.dma_semaphore, #tpu.memory_space<semaphore_mem>>
      %dma_start3A = arith.constant 0 : i32
      %dma_start3A_39 = tpu.memref_slice %arg12[%add3A_11, %dma_start3A] : memref<10240x128xf32, #tpu.memory_space<vmem_shared>> -> memref<64x128xf32, #tpu.memory_space<vmem_shared>>
      %dma_start3A_40 = arith.constant 0 : i32
      %dma_start3A_41 = tpu.memref_slice %arg12[%add3A_11, %dma_start3A_40] : memref<10240x128xf32, #tpu.memory_space<vmem_shared>> -> memref<64x128xf32, #tpu.memory_space<vmem_shared>>
      tpu.enqueue_dma source(%arg8 : memref<64x128xf32, #tpu.memory_space<vmem>>) target(%dma_start3A_41 : memref<64x128xf32, #tpu.memory_space<vmem_shared>>) target_semaphore(%run_scoped3A : memref<!tpu.dma_semaphore, #tpu.memory_space<semaphore_mem>>)
      %dma_wait3A = arith.constant 0 : i32
      %dma_wait3A_42 = tpu.memref_slice %arg12[%add3A_11, %dma_wait3A] : memref<10240x128xf32, #tpu.memory_space<vmem_shared>> -> memref<64x128xf32, #tpu.memory_space<vmem_shared>>
      %dma_wait3A_43 = arith.constant 0 : i32
      %dma_wait3A_44 = tpu.memref_slice %arg12[%add3A_11, %dma_wait3A_43] : memref<10240x128xf32, #tpu.memory_space<vmem_shared>> -> memref<64x128xf32, #tpu.memory_space<vmem_shared>>
      tpu.wait_dma2 semaphore(%run_scoped3A : memref<!tpu.dma_semaphore, #tpu.memory_space<semaphore_mem>>) src(%arg8 : memref<64x128xf32, #tpu.memory_space<vmem>>) dst(%dma_wait3A_44 : memref<64x128xf32, #tpu.memory_space<vmem_shared>>)
      tpu.yield
    }) : () -> ()
    %add3A_12 = arith.constant 192 : i32
    %add3A_13 = arith.addi %mul3A_6, %add3A_12 : i32
    "tpu.region"() ({
      %run_scoped3A = tpu.sem_alloc : memref<!tpu.dma_semaphore, #tpu.memory_space<semaphore_mem>>
      %dma_start3A = arith.constant 0 : i32
      %dma_start3A_39 = tpu.memref_slice %arg12[%add3A_13, %dma_start3A] : memref<10240x128xf32, #tpu.memory_space<vmem_shared>> -> memref<64x128xf32, #tpu.memory_space<vmem_shared>>
      %dma_start3A_40 = arith.constant 0 : i32
      %dma_start3A_41 = tpu.memref_slice %arg12[%add3A_13, %dma_start3A_40] : memref<10240x128xf32, #tpu.memory_space<vmem_shared>> -> memref<64x128xf32, #tpu.memory_space<vmem_shared>>
      tpu.enqueue_dma source(%arg8 : memref<64x128xf32, #tpu.memory_space<vmem>>) target(%dma_start3A_41 : memref<64x128xf32, #tpu.memory_space<vmem_shared>>) target_semaphore(%run_scoped3A : memref<!tpu.dma_semaphore, #tpu.memory_space<semaphore_mem>>)
      %dma_wait3A = arith.constant 0 : i32
      %dma_wait3A_42 = tpu.memref_slice %arg12[%add3A_13, %dma_wait3A] : memref<10240x128xf32, #tpu.memory_space<vmem_shared>> -> memref<64x128xf32, #tpu.memory_space<vmem_shared>>
      %dma_wait3A_43 = arith.constant 0 : i32
      %dma_wait3A_44 = tpu.memref_slice %arg12[%add3A_13, %dma_wait3A_43] : memref<10240x128xf32, #tpu.memory_space<vmem_shared>> -> memref<64x128xf32, #tpu.memory_space<vmem_shared>>
      tpu.wait_dma2 semaphore(%run_scoped3A : memref<!tpu.dma_semaphore, #tpu.memory_space<semaphore_mem>>) src(%arg8 : memref<64x128xf32, #tpu.memory_space<vmem>>) dst(%dma_wait3A_44 : memref<64x128xf32, #tpu.memory_space<vmem_shared>>)
      tpu.yield
    }) : () -> ()
    %add3A_14 = arith.constant 256 : i32
    %add3A_15 = arith.addi %mul3A_6, %add3A_14 : i32
    "tpu.region"() ({
      %run_scoped3A = tpu.sem_alloc : memref<!tpu.dma_semaphore, #tpu.memory_space<semaphore_mem>>
      %dma_start3A = arith.constant 0 : i32
      %dma_start3A_39 = tpu.memref_slice %arg12[%add3A_15, %dma_start3A] : memref<10240x128xf32, #tpu.memory_space<vmem_shared>> -> memref<64x128xf32, #tpu.memory_space<vmem_shared>>
      %dma_start3A_40 = arith.constant 0 : i32
      %dma_start3A_41 = tpu.memref_slice %arg12[%add3A_15, %dma_start3A_40] : memref<10240x128xf32, #tpu.memory_space<vmem_shared>> -> memref<64x128xf32, #tpu.memory_space<vmem_shared>>
      tpu.enqueue_dma source(%arg8 : memref<64x128xf32, #tpu.memory_space<vmem>>) target(%dma_start3A_41 : memref<64x128xf32, #tpu.memory_space<vmem_shared>>) target_semaphore(%run_scoped3A : memref<!tpu.dma_semaphore, #tpu.memory_space<semaphore_mem>>)
      %dma_wait3A = arith.constant 0 : i32
      %dma_wait3A_42 = tpu.memref_slice %arg12[%add3A_15, %dma_wait3A] : memref<10240x128xf32, #tpu.memory_space<vmem_shared>> -> memref<64x128xf32, #tpu.memory_space<vmem_shared>>
      %dma_wait3A_43 = arith.constant 0 : i32
      %dma_wait3A_44 = tpu.memref_slice %arg12[%add3A_15, %dma_wait3A_43] : memref<10240x128xf32, #tpu.memory_space<vmem_shared>> -> memref<64x128xf32, #tpu.memory_space<vmem_shared>>
      tpu.wait_dma2 semaphore(%run_scoped3A : memref<!tpu.dma_semaphore, #tpu.memory_space<semaphore_mem>>) src(%arg8 : memref<64x128xf32, #tpu.memory_space<vmem>>) dst(%dma_wait3A_44 : memref<64x128xf32, #tpu.memory_space<vmem_shared>>)
      tpu.yield
    }) : () -> ()
    %add3A_16 = arith.constant 320 : i32
    %add3A_17 = arith.addi %mul3A_6, %add3A_16 : i32
    "tpu.region"() ({
      %run_scoped3A = tpu.sem_alloc : memref<!tpu.dma_semaphore, #tpu.memory_space<semaphore_mem>>
      %dma_start3A = arith.constant 0 : i32
      %dma_start3A_39 = tpu.memref_slice %arg12[%add3A_17, %dma_start3A] : memref<10240x128xf32, #tpu.memory_space<vmem_shared>> -> memref<64x128xf32, #tpu.memory_space<vmem_shared>>
      %dma_start3A_40 = arith.constant 0 : i32
      %dma_start3A_41 = tpu.memref_slice %arg12[%add3A_17, %dma_start3A_40] : memref<10240x128xf32, #tpu.memory_space<vmem_shared>> -> memref<64x128xf32, #tpu.memory_space<vmem_shared>>
      tpu.enqueue_dma source(%arg8 : memref<64x128xf32, #tpu.memory_space<vmem>>) target(%dma_start3A_41 : memref<64x128xf32, #tpu.memory_space<vmem_shared>>) target_semaphore(%run_scoped3A : memref<!tpu.dma_semaphore, #tpu.memory_space<semaphore_mem>>)
      %dma_wait3A = arith.constant 0 : i32
      %dma_wait3A_42 = tpu.memref_slice %arg12[%add3A_17, %dma_wait3A] : memref<10240x128xf32, #tpu.memory_space<vmem_shared>> -> memref<64x128xf32, #tpu.memory_space<vmem_shared>>
      %dma_wait3A_43 = arith.constant 0 : i32
      %dma_wait3A_44 = tpu.memref_slice %arg12[%add3A_17, %dma_wait3A_43] : memref<10240x128xf32, #tpu.memory_space<vmem_shared>> -> memref<64x128xf32, #tpu.memory_space<vmem_shared>>
      tpu.wait_dma2 semaphore(%run_scoped3A : memref<!tpu.dma_semaphore, #tpu.memory_space<semaphore_mem>>) src(%arg8 : memref<64x128xf32, #tpu.memory_space<vmem>>) dst(%dma_wait3A_44 : memref<64x128xf32, #tpu.memory_space<vmem_shared>>)
      tpu.yield
    }) : () -> ()
    %add3A_18 = arith.constant 384 : i32
    %add3A_19 = arith.addi %mul3A_6, %add3A_18 : i32
    "tpu.region"() ({
      %run_scoped3A = tpu.sem_alloc : memref<!tpu.dma_semaphore, #tpu.memory_space<semaphore_mem>>
      %dma_start3A = arith.constant 0 : i32
      %dma_start3A_39 = tpu.memref_slice %arg12[%add3A_19, %dma_start3A] : memref<10240x128xf32, #tpu.memory_space<vmem_shared>> -> memref<64x128xf32, #tpu.memory_space<vmem_shared>>
      %dma_start3A_40 = arith.constant 0 : i32
      %dma_start3A_41 = tpu.memref_slice %arg12[%add3A_19, %dma_start3A_40] : memref<10240x128xf32, #tpu.memory_space<vmem_shared>> -> memref<64x128xf32, #tpu.memory_space<vmem_shared>>
      tpu.enqueue_dma source(%arg8 : memref<64x128xf32, #tpu.memory_space<vmem>>) target(%dma_start3A_41 : memref<64x128xf32, #tpu.memory_space<vmem_shared>>) target_semaphore(%run_scoped3A : memref<!tpu.dma_semaphore, #tpu.memory_space<semaphore_mem>>)
      %dma_wait3A = arith.constant 0 : i32
      %dma_wait3A_42 = tpu.memref_slice %arg12[%add3A_19, %dma_wait3A] : memref<10240x128xf32, #tpu.memory_space<vmem_shared>> -> memref<64x128xf32, #tpu.memory_space<vmem_shared>>
      %dma_wait3A_43 = arith.constant 0 : i32
      %dma_wait3A_44 = tpu.memref_slice %arg12[%add3A_19, %dma_wait3A_43] : memref<10240x128xf32, #tpu.memory_space<vmem_shared>> -> memref<64x128xf32, #tpu.memory_space<vmem_shared>>
      tpu.wait_dma2 semaphore(%run_scoped3A : memref<!tpu.dma_semaphore, #tpu.memory_space<semaphore_mem>>) src(%arg8 : memref<64x128xf32, #tpu.memory_space<vmem>>) dst(%dma_wait3A_44 : memref<64x128xf32, #tpu.memory_space<vmem_shared>>)
      tpu.yield
    }) : () -> ()
    %add3A_20 = arith.constant 448 : i32
    %add3A_21 = arith.addi %mul3A_6, %add3A_20 : i32
    "tpu.region"() ({
      %run_scoped3A = tpu.sem_alloc : memref<!tpu.dma_semaphore, #tpu.memory_space<semaphore_mem>>
      %dma_start3A = arith.constant 0 : i32
      %dma_start3A_39 = tpu.memref_slice %arg12[%add3A_21, %dma_start3A] : memref<10240x128xf32, #tpu.memory_space<vmem_shared>> -> memref<64x128xf32, #tpu.memory_space<vmem_shared>>
      %dma_start3A_40 = arith.constant 0 : i32
      %dma_start3A_41 = tpu.memref_slice %arg12[%add3A_21, %dma_start3A_40] : memref<10240x128xf32, #tpu.memory_space<vmem_shared>> -> memref<64x128xf32, #tpu.memory_space<vmem_shared>>
      tpu.enqueue_dma source(%arg8 : memref<64x128xf32, #tpu.memory_space<vmem>>) target(%dma_start3A_41 : memref<64x128xf32, #tpu.memory_space<vmem_shared>>) target_semaphore(%run_scoped3A : memref<!tpu.dma_semaphore, #tpu.memory_space<semaphore_mem>>)
      %dma_wait3A = arith.constant 0 : i32
      %dma_wait3A_42 = tpu.memref_slice %arg12[%add3A_21, %dma_wait3A] : memref<10240x128xf32, #tpu.memory_space<vmem_shared>> -> memref<64x128xf32, #tpu.memory_space<vmem_shared>>
      %dma_wait3A_43 = arith.constant 0 : i32
      %dma_wait3A_44 = tpu.memref_slice %arg12[%add3A_21, %dma_wait3A_43] : memref<10240x128xf32, #tpu.memory_space<vmem_shared>> -> memref<64x128xf32, #tpu.memory_space<vmem_shared>>
      tpu.wait_dma2 semaphore(%run_scoped3A : memref<!tpu.dma_semaphore, #tpu.memory_space<semaphore_mem>>) src(%arg8 : memref<64x128xf32, #tpu.memory_space<vmem>>) dst(%dma_wait3A_44 : memref<64x128xf32, #tpu.memory_space<vmem_shared>>)
      tpu.yield
    }) : () -> ()
    %add3A_22 = arith.constant 512 : i32
    %add3A_23 = arith.addi %mul3A_6, %add3A_22 : i32
    "tpu.region"() ({
      %run_scoped3A = tpu.sem_alloc : memref<!tpu.dma_semaphore, #tpu.memory_space<semaphore_mem>>
      %dma_start3A = arith.constant 0 : i32
      %dma_start3A_39 = tpu.memref_slice %arg12[%add3A_23, %dma_start3A] : memref<10240x128xf32, #tpu.memory_space<vmem_shared>> -> memref<64x128xf32, #tpu.memory_space<vmem_shared>>
      %dma_start3A_40 = arith.constant 0 : i32
      %dma_start3A_41 = tpu.memref_slice %arg12[%add3A_23, %dma_start3A_40] : memref<10240x128xf32, #tpu.memory_space<vmem_shared>> -> memref<64x128xf32, #tpu.memory_space<vmem_shared>>
      tpu.enqueue_dma source(%arg8 : memref<64x128xf32, #tpu.memory_space<vmem>>) target(%dma_start3A_41 : memref<64x128xf32, #tpu.memory_space<vmem_shared>>) target_semaphore(%run_scoped3A : memref<!tpu.dma_semaphore, #tpu.memory_space<semaphore_mem>>)
      %dma_wait3A = arith.constant 0 : i32
      %dma_wait3A_42 = tpu.memref_slice %arg12[%add3A_23, %dma_wait3A] : memref<10240x128xf32, #tpu.memory_space<vmem_shared>> -> memref<64x128xf32, #tpu.memory_space<vmem_shared>>
      %dma_wait3A_43 = arith.constant 0 : i32
      %dma_wait3A_44 = tpu.memref_slice %arg12[%add3A_23, %dma_wait3A_43] : memref<10240x128xf32, #tpu.memory_space<vmem_shared>> -> memref<64x128xf32, #tpu.memory_space<vmem_shared>>
      tpu.wait_dma2 semaphore(%run_scoped3A : memref<!tpu.dma_semaphore, #tpu.memory_space<semaphore_mem>>) src(%arg8 : memref<64x128xf32, #tpu.memory_space<vmem>>) dst(%dma_wait3A_44 : memref<64x128xf32, #tpu.memory_space<vmem_shared>>)
      tpu.yield
    }) : () -> ()
    %add3A_24 = arith.constant 576 : i32
    %add3A_25 = arith.addi %mul3A_6, %add3A_24 : i32
    "tpu.region"() ({
      %run_scoped3A = tpu.sem_alloc : memref<!tpu.dma_semaphore, #tpu.memory_space<semaphore_mem>>
      %dma_start3A = arith.constant 0 : i32
      %dma_start3A_39 = tpu.memref_slice %arg12[%add3A_25, %dma_start3A] : memref<10240x128xf32, #tpu.memory_space<vmem_shared>> -> memref<64x128xf32, #tpu.memory_space<vmem_shared>>
      %dma_start3A_40 = arith.constant 0 : i32
      %dma_start3A_41 = tpu.memref_slice %arg12[%add3A_25, %dma_start3A_40] : memref<10240x128xf32, #tpu.memory_space<vmem_shared>> -> memref<64x128xf32, #tpu.memory_space<vmem_shared>>
      tpu.enqueue_dma source(%arg8 : memref<64x128xf32, #tpu.memory_space<vmem>>) target(%dma_start3A_41 : memref<64x128xf32, #tpu.memory_space<vmem_shared>>) target_semaphore(%run_scoped3A : memref<!tpu.dma_semaphore, #tpu.memory_space<semaphore_mem>>)
      %dma_wait3A = arith.constant 0 : i32
      %dma_wait3A_42 = tpu.memref_slice %arg12[%add3A_25, %dma_wait3A] : memref<10240x128xf32, #tpu.memory_space<vmem_shared>> -> memref<64x128xf32, #tpu.memory_space<vmem_shared>>
      %dma_wait3A_43 = arith.constant 0 : i32
      %dma_wait3A_44 = tpu.memref_slice %arg12[%add3A_25, %dma_wait3A_43] : memref<10240x128xf32, #tpu.memory_space<vmem_shared>> -> memref<64x128xf32, #tpu.memory_space<vmem_shared>>
      tpu.wait_dma2 semaphore(%run_scoped3A : memref<!tpu.dma_semaphore, #tpu.memory_space<semaphore_mem>>) src(%arg8 : memref<64x128xf32, #tpu.memory_space<vmem>>) dst(%dma_wait3A_44 : memref<64x128xf32, #tpu.memory_space<vmem_shared>>)
      tpu.yield
    }) : () -> ()
    %barrier3A = arith.constant 0 : index
    tpu.barrier barrier_id(%barrier3A)
    %scan3A_26 = arith.constant 0 : i32
    %scan3A_27 = arith.constant 0 : i32
    %scan3A_28 = arith.constant 20 : i32
    %scan3A_29 = arith.addi %scan3A_27, %scan3A_28 : i32
    %scan3A_30 = arith.constant 1 : i32
    scf.for %scan3A_39 = %scan3A_27 to %scan3A_29 step %scan3A_30  : i32 {
      %mul3A_40 = arith.constant 16 : i32
      %mul3A_41 = arith.muli %scan3A_39, %mul3A_40 : i32
      "tpu.region"() ({
        %run_scoped3A = tpu.sem_alloc : memref<!tpu.dma_semaphore, #tpu.memory_space<semaphore_mem>>
        %dma_start3A_70 = arith.constant 0 : i32
        %dma_start3A_71 = tpu.memref_slice %arg3[%arg0, %arg1, %mul3A_41, %dma_start3A_70] : memref<2x16x320x64xi32, #tpu.memory_space<hbm>> -> memref<1x1x16x64xi32, #tpu.memory_space<hbm>>
        %dma_start3A_72 = tpu.memref_squeeze %dma_start3A_71 : memref<1x1x16x64xi32, #tpu.memory_space<hbm>> -> memref<16x64xi32, #tpu.memory_space<hbm>>
        %dma_start3A_73 = arith.constant 0 : i32
        %dma_start3A_74 = tpu.memref_slice %arg3[%arg0, %arg1, %mul3A_41, %dma_start3A_73] : memref<2x16x320x64xi32, #tpu.memory_space<hbm>> -> memref<1x1x16x64xi32, #tpu.memory_space<hbm>>
        %dma_start3A_75 = tpu.memref_squeeze %dma_start3A_74 : memref<1x1x16x64xi32, #tpu.memory_space<hbm>> -> memref<16x64xi32, #tpu.memory_space<hbm>>
        tpu.enqueue_dma source(%dma_start3A_75 : memref<16x64xi32, #tpu.memory_space<hbm>>) target(%arg6 : memref<16x64xi32, #tpu.memory_space<vmem>>) target_semaphore(%run_scoped3A : memref<!tpu.dma_semaphore, #tpu.memory_space<semaphore_mem>>)
        %dma_wait3A = arith.constant 0 : i32
        %dma_wait3A_76 = tpu.memref_slice %arg3[%arg0, %arg1, %mul3A_41, %dma_wait3A] : memref<2x16x320x64xi32, #tpu.memory_space<hbm>> -> memref<1x1x16x64xi32, #tpu.memory_space<hbm>>
        %dma_wait3A_77 = tpu.memref_squeeze %dma_wait3A_76 : memref<1x1x16x64xi32, #tpu.memory_space<hbm>> -> memref<16x64xi32, #tpu.memory_space<hbm>>
        %dma_wait3A_78 = arith.constant 0 : i32
        %dma_wait3A_79 = tpu.memref_slice %arg3[%arg0, %arg1, %mul3A_41, %dma_wait3A_78] : memref<2x16x320x64xi32, #tpu.memory_space<hbm>> -> memref<1x1x16x64xi32, #tpu.memory_space<hbm>>
        %dma_wait3A_80 = tpu.memref_squeeze %dma_wait3A_79 : memref<1x1x16x64xi32, #tpu.memory_space<hbm>> -> memref<16x64xi32, #tpu.memory_space<hbm>>
        tpu.wait_dma2 semaphore(%run_scoped3A : memref<!tpu.dma_semaphore, #tpu.memory_space<semaphore_mem>>) src(%dma_wait3A_80 : memref<16x64xi32, #tpu.memory_space<hbm>>) dst(%arg6 : memref<16x64xi32, #tpu.memory_space<vmem>>)
        tpu.yield
      }) : () -> ()
      %mul3A_42 = arith.constant 16 : i32
      %mul3A_43 = arith.muli %scan3A_39, %mul3A_42 : i32
      "tpu.region"() ({
        %run_scoped3A = tpu.sem_alloc : memref<!tpu.dma_semaphore, #tpu.memory_space<semaphore_mem>>
        %dma_start3A_70 = arith.constant 0 : i32
        %dma_start3A_71 = tpu.memref_slice %arg4[%arg1, %mul3A_43, %dma_start3A_70] : memref<16x320x64xi32, #tpu.memory_space<hbm>> -> memref<1x16x64xi32, #tpu.memory_space<hbm>>
        %dma_start3A_72 = tpu.memref_squeeze %dma_start3A_71 : memref<1x16x64xi32, #tpu.memory_space<hbm>> -> memref<16x64xi32, #tpu.memory_space<hbm>>
        %dma_start3A_73 = arith.constant 0 : i32
        %dma_start3A_74 = tpu.memref_slice %arg4[%arg1, %mul3A_43, %dma_start3A_73] : memref<16x320x64xi32, #tpu.memory_space<hbm>> -> memref<1x16x64xi32, #tpu.memory_space<hbm>>
        %dma_start3A_75 = tpu.memref_squeeze %dma_start3A_74 : memref<1x16x64xi32, #tpu.memory_space<hbm>> -> memref<16x64xi32, #tpu.memory_space<hbm>>
        tpu.enqueue_dma source(%dma_start3A_75 : memref<16x64xi32, #tpu.memory_space<hbm>>) target(%arg7 : memref<16x64xi32, #tpu.memory_space<vmem>>) target_semaphore(%run_scoped3A : memref<!tpu.dma_semaphore, #tpu.memory_space<semaphore_mem>>)
        %dma_wait3A = arith.constant 0 : i32
        %dma_wait3A_76 = tpu.memref_slice %arg4[%arg1, %mul3A_43, %dma_wait3A] : memref<16x320x64xi32, #tpu.memory_space<hbm>> -> memref<1x16x64xi32, #tpu.memory_space<hbm>>
        %dma_wait3A_77 = tpu.memref_squeeze %dma_wait3A_76 : memref<1x16x64xi32, #tpu.memory_space<hbm>> -> memref<16x64xi32, #tpu.memory_space<hbm>>
        %dma_wait3A_78 = arith.constant 0 : i32
        %dma_wait3A_79 = tpu.memref_slice %arg4[%arg1, %mul3A_43, %dma_wait3A_78] : memref<16x320x64xi32, #tpu.memory_space<hbm>> -> memref<1x16x64xi32, #tpu.memory_space<hbm>>
        %dma_wait3A_80 = tpu.memref_squeeze %dma_wait3A_79 : memref<1x16x64xi32, #tpu.memory_space<hbm>> -> memref<16x64xi32, #tpu.memory_space<hbm>>
        tpu.wait_dma2 semaphore(%run_scoped3A : memref<!tpu.dma_semaphore, #tpu.memory_space<semaphore_mem>>) src(%dma_wait3A_80 : memref<16x64xi32, #tpu.memory_space<hbm>>) dst(%arg7 : memref<16x64xi32, #tpu.memory_space<vmem>>)
        tpu.yield
      }) : () -> ()
      %dma_start3A = arith.constant 0 : i32
      %dma_start3A_44 = arith.constant 0 : i32
      %dma_start3A_45 = tpu.memref_slice %arg6[%dma_start3A, %dma_start3A_44] : memref<16x64xi32, #tpu.memory_space<vmem>> -> memref<1x64xi32, #tpu.memory_space<vmem>>
      %dma_start3A_46 = tpu.memref_squeeze %dma_start3A_45 : memref<1x64xi32, #tpu.memory_space<vmem>> -> memref<64xi32, #tpu.memory_space<vmem>>
      %dma_start3A_47 = arith.constant 0 : i32
      %dma_start3A_48 = arith.constant 0 : i32
      %dma_start3A_49 = tpu.memref_slice %arg2[%dma_start3A_47, %dma_start3A_48] : memref<20000x128xf32, #tpu.memory_space<hbm>> -> memref<20000x128xf32, #tpu.memory_space<hbm>>
      tpu.enqueue_indirect_dma source(%dma_start3A_49 : memref<20000x128xf32, #tpu.memory_space<hbm>>) target(%arg8 : memref<64x128xf32, #tpu.memory_space<vmem>>) offsets(%dma_start3A_46 : memref<64xi32, #tpu.memory_space<vmem>>) semaphore(%arg13 : memref<!tpu.dma_semaphore, #tpu.memory_space<semaphore_mem>>)
      %dma_start3A_50 = arith.constant 1 : i32
      %dma_start3A_51 = arith.constant 0 : i32
      %dma_start3A_52 = tpu.memref_slice %arg6[%dma_start3A_50, %dma_start3A_51] : memref<16x64xi32, #tpu.memory_space<vmem>> -> memref<1x64xi32, #tpu.memory_space<vmem>>
      %dma_start3A_53 = tpu.memref_squeeze %dma_start3A_52 : memref<1x64xi32, #tpu.memory_space<vmem>> -> memref<64xi32, #tpu.memory_space<vmem>>
      %dma_start3A_54 = arith.constant 0 : i32
      %dma_start3A_55 = arith.constant 0 : i32
      %dma_start3A_56 = tpu.memref_slice %arg2[%dma_start3A_54, %dma_start3A_55] : memref<20000x128xf32, #tpu.memory_space<hbm>> -> memref<20000x128xf32, #tpu.memory_space<hbm>>
      tpu.enqueue_indirect_dma source(%dma_start3A_56 : memref<20000x128xf32, #tpu.memory_space<hbm>>) target(%arg9 : memref<64x128xf32, #tpu.memory_space<vmem>>) offsets(%dma_start3A_53 : memref<64xi32, #tpu.memory_space<vmem>>) semaphore(%arg14 : memref<!tpu.dma_semaphore, #tpu.memory_space<semaphore_mem>>)
      %dma_start3A_57 = arith.constant 2 : i32
      %dma_start3A_58 = arith.constant 0 : i32
      %dma_start3A_59 = tpu.memref_slice %arg6[%dma_start3A_57, %dma_start3A_58] : memref<16x64xi32, #tpu.memory_space<vmem>> -> memref<1x64xi32, #tpu.memory_space<vmem>>
      %dma_start3A_60 = tpu.memref_squeeze %dma_start3A_59 : memref<1x64xi32, #tpu.memory_space<vmem>> -> memref<64xi32, #tpu.memory_space<vmem>>
      %dma_start3A_61 = arith.constant 0 : i32
      %dma_start3A_62 = arith.constant 0 : i32
      %dma_start3A_63 = tpu.memref_slice %arg2[%dma_start3A_61, %dma_start3A_62] : memref<20000x128xf32, #tpu.memory_space<hbm>> -> memref<20000x128xf32, #tpu.memory_space<hbm>>
      tpu.enqueue_indirect_dma source(%dma_start3A_63 : memref<20000x128xf32, #tpu.memory_space<hbm>>) target(%arg10 : memref<64x128xf32, #tpu.memory_space<vmem>>) offsets(%dma_start3A_60 : memref<64xi32, #tpu.memory_space<vmem>>) semaphore(%arg15 : memref<!tpu.dma_semaphore, #tpu.memory_space<semaphore_mem>>)
      %scan3A_64 = arith.constant 0 : i32
      %scan3A_65 = arith.constant 0 : i32
      %scan3A_66 = arith.constant 16 : i32
      %scan3A_67 = arith.addi %scan3A_65, %scan3A_66 : i32
      %scan3A_68 = arith.constant 1 : i32
      scf.for %scan3A_70 = %scan3A_65 to %scan3A_67 step %scan3A_68  : i32 {
        %jit3A = arith.constant 4 : i32
        %eq3A_71 = arith.constant 0 : i32
        %eq3A_72 = arith.cmpi eq, %jit3A, %eq3A_71 : i32
        %jit3A_73 = arith.constant 1 : i32
        %select_n3A = arith.select %eq3A_72, %jit3A_73, %jit3A : i32
        %rem3A = arith.remsi %scan3A_70, %select_n3A : i32
        %ne3A = arith.constant 0 : i32
        %ne3A_74 = arith.cmpi ne, %rem3A, %ne3A : i32
        %lt3A_75 = arith.constant 0 : i32
        %lt3A_76 = arith.cmpi slt, %rem3A, %lt3A_75 : i32
        %lt3A_77 = arith.constant 0 : i32
        %lt3A_78 = arith.cmpi slt, %select_n3A, %lt3A_77 : i32
        %ne3A_79 = arith.xori %lt3A_76, %lt3A_78 : i1
        %and3A = arith.andi %ne3A_79, %ne3A_74 : i1
        %add3A_80 = arith.addi %rem3A, %select_n3A : i32
        %select_n3A_81 = arith.select %and3A, %add3A_80, %rem3A : i32
        %eq3A_82 = arith.constant 0 : i32
        %eq3A_83 = arith.cmpi eq, %select_n3A_81, %eq3A_82 : i32
        %convert_element_type3A_84 = arith.extui %eq3A_83 : i1 to i32
        %cond3A_85 = arith.constant 0 : i32
        %cond3A_86 = arith.cmpi ne, %convert_element_type3A_84, %cond3A_85 : i32
        scf.if %cond3A_86 {
          %dma_wait3A = arith.constant 0 : i32
          %dma_wait3A_150 = tpu.memref_slice %arg6[%scan3A_70, %dma_wait3A] : memref<16x64xi32, #tpu.memory_space<vmem>> -> memref<1x64xi32, #tpu.memory_space<vmem>>
          %dma_wait3A_151 = tpu.memref_squeeze %dma_wait3A_150 : memref<1x64xi32, #tpu.memory_space<vmem>> -> memref<64xi32, #tpu.memory_space<vmem>>
          %dma_wait3A_152 = arith.constant 0 : i32
          %dma_wait3A_153 = arith.constant 0 : i32
          %dma_wait3A_154 = tpu.memref_slice %arg2[%dma_wait3A_152, %dma_wait3A_153] : memref<20000x128xf32, #tpu.memory_space<hbm>> -> memref<20000x128xf32, #tpu.memory_space<hbm>>
          tpu.wait_indirect_dma semaphore(%arg13 : memref<!tpu.dma_semaphore, #tpu.memory_space<semaphore_mem>>) src(%dma_wait3A_154 : memref<20000x128xf32, #tpu.memory_space<hbm>>) dst(%arg8 : memref<64x128xf32, #tpu.memory_space<vmem>>)
          %add3A_155 = arith.constant 4 : i32
          %add3A_156 = arith.addi %scan3A_70, %add3A_155 : i32
          %sub3A = arith.constant 1 : i32
          %sub3A_157 = arith.subi %add3A_156, %sub3A : i32
          %lt3A_158 = arith.constant 16 : i32
          %lt3A_159 = arith.cmpi slt, %sub3A_157, %lt3A_158 : i32
          %convert_element_type3A_160 = arith.extui %lt3A_159 : i1 to i32
          %cond3A_161 = arith.constant 0 : i32
          %cond3A_162 = arith.cmpi ne, %convert_element_type3A_160, %cond3A_161 : i32
          scf.if %cond3A_162 {
            %dma_start3A_163 = arith.constant 0 : i32
            %dma_start3A_164 = tpu.memref_slice %arg6[%sub3A_157, %dma_start3A_163] : memref<16x64xi32, #tpu.memory_space<vmem>> -> memref<1x64xi32, #tpu.memory_space<vmem>>
            %dma_start3A_165 = tpu.memref_squeeze %dma_start3A_164 : memref<1x64xi32, #tpu.memory_space<vmem>> -> memref<64xi32, #tpu.memory_space<vmem>>
            %dma_start3A_166 = arith.constant 0 : i32
            %dma_start3A_167 = arith.constant 0 : i32
            %dma_start3A_168 = tpu.memref_slice %arg2[%dma_start3A_166, %dma_start3A_167] : memref<20000x128xf32, #tpu.memory_space<hbm>> -> memref<20000x128xf32, #tpu.memory_space<hbm>>
            tpu.enqueue_indirect_dma source(%dma_start3A_168 : memref<20000x128xf32, #tpu.memory_space<hbm>>) target(%arg11 : memref<64x128xf32, #tpu.memory_space<vmem>>) offsets(%dma_start3A_165 : memref<64xi32, #tpu.memory_space<vmem>>) semaphore(%arg16 : memref<!tpu.dma_semaphore, #tpu.memory_space<semaphore_mem>>)
          } else {
          }
          "tpu.region"() ({
            %run_scoped3A = tpu.sem_alloc : memref<!tpu.dma_semaphore, #tpu.memory_space<semaphore_mem>>
            %dma_start3A_163 = arith.constant 0 : i32
            %dma_start3A_164 = tpu.memref_slice %arg7[%scan3A_70, %dma_start3A_163] : memref<16x64xi32, #tpu.memory_space<vmem>> -> memref<1x64xi32, #tpu.memory_space<vmem>>
            %dma_start3A_165 = tpu.memref_squeeze %dma_start3A_164 : memref<1x64xi32, #tpu.memory_space<vmem>> -> memref<64xi32, #tpu.memory_space<vmem>>
            %dma_start3A_166 = arith.constant 0 : i32
            %dma_start3A_167 = arith.constant 0 : i32
            %dma_start3A_168 = tpu.memref_slice %arg12[%dma_start3A_166, %dma_start3A_167] : memref<10240x128xf32, #tpu.memory_space<vmem_shared>> -> memref<10240x128xf32, #tpu.memory_space<vmem_shared>>
            tpu.enqueue_indirect_dma source(%arg8 : memref<64x128xf32, #tpu.memory_space<vmem>>) target(%dma_start3A_168 : memref<10240x128xf32, #tpu.memory_space<vmem_shared>>) offsets(%dma_start3A_165 : memref<64xi32, #tpu.memory_space<vmem>>) semaphore(%run_scoped3A : memref<!tpu.dma_semaphore, #tpu.memory_space<semaphore_mem>>) {add = true}
            %dma_wait3A_169 = arith.constant 0 : i32
            %dma_wait3A_170 = tpu.memref_slice %arg7[%scan3A_70, %dma_wait3A_169] : memref<16x64xi32, #tpu.memory_space<vmem>> -> memref<1x64xi32, #tpu.memory_space<vmem>>
            %dma_wait3A_171 = tpu.memref_squeeze %dma_wait3A_170 : memref<1x64xi32, #tpu.memory_space<vmem>> -> memref<64xi32, #tpu.memory_space<vmem>>
            %dma_wait3A_172 = arith.constant 0 : i32
            %dma_wait3A_173 = arith.constant 0 : i32
            %dma_wait3A_174 = tpu.memref_slice %arg12[%dma_wait3A_172, %dma_wait3A_173] : memref<10240x128xf32, #tpu.memory_space<vmem_shared>> -> memref<10240x128xf32, #tpu.memory_space<vmem_shared>>
            tpu.wait_indirect_dma semaphore(%run_scoped3A : memref<!tpu.dma_semaphore, #tpu.memory_space<semaphore_mem>>) src(%arg8 : memref<64x128xf32, #tpu.memory_space<vmem>>) dst(%dma_wait3A_174 : memref<10240x128xf32, #tpu.memory_space<vmem_shared>>)
            tpu.yield
          }) : () -> ()
        } else {
        }
        %jit3A_87 = arith.constant 4 : i32
        %eq3A_88 = arith.constant 0 : i32
        %eq3A_89 = arith.cmpi eq, %jit3A_87, %eq3A_88 : i32
        %jit3A_90 = arith.constant 1 : i32
        %select_n3A_91 = arith.select %eq3A_89, %jit3A_90, %jit3A_87 : i32
        %rem3A_92 = arith.remsi %scan3A_70, %select_n3A_91 : i32
        %ne3A_93 = arith.constant 0 : i32
        %ne3A_94 = arith.cmpi ne, %rem3A_92, %ne3A_93 : i32
        %lt3A_95 = arith.constant 0 : i32
        %lt3A_96 = arith.cmpi slt, %rem3A_92, %lt3A_95 : i32
        %lt3A_97 = arith.constant 0 : i32
        %lt3A_98 = arith.cmpi slt, %select_n3A_91, %lt3A_97 : i32
        %ne3A_99 = arith.xori %lt3A_96, %lt3A_98 : i1
        %and3A_100 = arith.andi %ne3A_99, %ne3A_94 : i1
        %add3A_101 = arith.addi %rem3A_92, %select_n3A_91 : i32
        %select_n3A_102 = arith.select %and3A_100, %add3A_101, %rem3A_92 : i32
        %eq3A_103 = arith.constant 1 : i32
        %eq3A_104 = arith.cmpi eq, %select_n3A_102, %eq3A_103 : i32
        %convert_element_type3A_105 = arith.extui %eq3A_104 : i1 to i32
        %cond3A_106 = arith.constant 0 : i32
        %cond3A_107 = arith.cmpi ne, %convert_element_type3A_105, %cond3A_106 : i32
        scf.if %cond3A_107 {
          %dma_wait3A = arith.constant 0 : i32
          %dma_wait3A_150 = tpu.memref_slice %arg6[%scan3A_70, %dma_wait3A] : memref<16x64xi32, #tpu.memory_space<vmem>> -> memref<1x64xi32, #tpu.memory_space<vmem>>
          %dma_wait3A_151 = tpu.memref_squeeze %dma_wait3A_150 : memref<1x64xi32, #tpu.memory_space<vmem>> -> memref<64xi32, #tpu.memory_space<vmem>>
          %dma_wait3A_152 = arith.constant 0 : i32
          %dma_wait3A_153 = arith.constant 0 : i32
          %dma_wait3A_154 = tpu.memref_slice %arg2[%dma_wait3A_152, %dma_wait3A_153] : memref<20000x128xf32, #tpu.memory_space<hbm>> -> memref<20000x128xf32, #tpu.memory_space<hbm>>
          tpu.wait_indirect_dma semaphore(%arg14 : memref<!tpu.dma_semaphore, #tpu.memory_space<semaphore_mem>>) src(%dma_wait3A_154 : memref<20000x128xf32, #tpu.memory_space<hbm>>) dst(%arg9 : memref<64x128xf32, #tpu.memory_space<vmem>>)
          %add3A_155 = arith.constant 4 : i32
          %add3A_156 = arith.addi %scan3A_70, %add3A_155 : i32
          %sub3A = arith.constant 1 : i32
          %sub3A_157 = arith.subi %add3A_156, %sub3A : i32
          %lt3A_158 = arith.constant 16 : i32
          %lt3A_159 = arith.cmpi slt, %sub3A_157, %lt3A_158 : i32
          %convert_element_type3A_160 = arith.extui %lt3A_159 : i1 to i32
          %cond3A_161 = arith.constant 0 : i32
          %cond3A_162 = arith.cmpi ne, %convert_element_type3A_160, %cond3A_161 : i32
          scf.if %cond3A_162 {
            %dma_start3A_163 = arith.constant 0 : i32
            %dma_start3A_164 = tpu.memref_slice %arg6[%sub3A_157, %dma_start3A_163] : memref<16x64xi32, #tpu.memory_space<vmem>> -> memref<1x64xi32, #tpu.memory_space<vmem>>
            %dma_start3A_165 = tpu.memref_squeeze %dma_start3A_164 : memref<1x64xi32, #tpu.memory_space<vmem>> -> memref<64xi32, #tpu.memory_space<vmem>>
            %dma_start3A_166 = arith.constant 0 : i32
            %dma_start3A_167 = arith.constant 0 : i32
            %dma_start3A_168 = tpu.memref_slice %arg2[%dma_start3A_166, %dma_start3A_167] : memref<20000x128xf32, #tpu.memory_space<hbm>> -> memref<20000x128xf32, #tpu.memory_space<hbm>>
            tpu.enqueue_indirect_dma source(%dma_start3A_168 : memref<20000x128xf32, #tpu.memory_space<hbm>>) target(%arg8 : memref<64x128xf32, #tpu.memory_space<vmem>>) offsets(%dma_start3A_165 : memref<64xi32, #tpu.memory_space<vmem>>) semaphore(%arg13 : memref<!tpu.dma_semaphore, #tpu.memory_space<semaphore_mem>>)
          } else {
          }
          "tpu.region"() ({
            %run_scoped3A = tpu.sem_alloc : memref<!tpu.dma_semaphore, #tpu.memory_space<semaphore_mem>>
            %dma_start3A_163 = arith.constant 0 : i32
            %dma_start3A_164 = tpu.memref_slice %arg7[%scan3A_70, %dma_start3A_163] : memref<16x64xi32, #tpu.memory_space<vmem>> -> memref<1x64xi32, #tpu.memory_space<vmem>>
            %dma_start3A_165 = tpu.memref_squeeze %dma_start3A_164 : memref<1x64xi32, #tpu.memory_space<vmem>> -> memref<64xi32, #tpu.memory_space<vmem>>
            %dma_start3A_166 = arith.constant 0 : i32
            %dma_start3A_167 = arith.constant 0 : i32
            %dma_start3A_168 = tpu.memref_slice %arg12[%dma_start3A_166, %dma_start3A_167] : memref<10240x128xf32, #tpu.memory_space<vmem_shared>> -> memref<10240x128xf32, #tpu.memory_space<vmem_shared>>
            tpu.enqueue_indirect_dma source(%arg9 : memref<64x128xf32, #tpu.memory_space<vmem>>) target(%dma_start3A_168 : memref<10240x128xf32, #tpu.memory_space<vmem_shared>>) offsets(%dma_start3A_165 : memref<64xi32, #tpu.memory_space<vmem>>) semaphore(%run_scoped3A : memref<!tpu.dma_semaphore, #tpu.memory_space<semaphore_mem>>) {add = true}
            %dma_wait3A_169 = arith.constant 0 : i32
            %dma_wait3A_170 = tpu.memref_slice %arg7[%scan3A_70, %dma_wait3A_169] : memref<16x64xi32, #tpu.memory_space<vmem>> -> memref<1x64xi32, #tpu.memory_space<vmem>>
            %dma_wait3A_171 = tpu.memref_squeeze %dma_wait3A_170 : memref<1x64xi32, #tpu.memory_space<vmem>> -> memref<64xi32, #tpu.memory_space<vmem>>
            %dma_wait3A_172 = arith.constant 0 : i32
            %dma_wait3A_173 = arith.constant 0 : i32
            %dma_wait3A_174 = tpu.memref_slice %arg12[%dma_wait3A_172, %dma_wait3A_173] : memref<10240x128xf32, #tpu.memory_space<vmem_shared>> -> memref<10240x128xf32, #tpu.memory_space<vmem_shared>>
            tpu.wait_indirect_dma semaphore(%run_scoped3A : memref<!tpu.dma_semaphore, #tpu.memory_space<semaphore_mem>>) src(%arg9 : memref<64x128xf32, #tpu.memory_space<vmem>>) dst(%dma_wait3A_174 : memref<10240x128xf32, #tpu.memory_space<vmem_shared>>)
            tpu.yield
          }) : () -> ()
        } else {
        }
        %jit3A_108 = arith.constant 4 : i32
        %eq3A_109 = arith.constant 0 : i32
        %eq3A_110 = arith.cmpi eq, %jit3A_108, %eq3A_109 : i32
        %jit3A_111 = arith.constant 1 : i32
        %select_n3A_112 = arith.select %eq3A_110, %jit3A_111, %jit3A_108 : i32
        %rem3A_113 = arith.remsi %scan3A_70, %select_n3A_112 : i32
        %ne3A_114 = arith.constant 0 : i32
        %ne3A_115 = arith.cmpi ne, %rem3A_113, %ne3A_114 : i32
        %lt3A_116 = arith.constant 0 : i32
        %lt3A_117 = arith.cmpi slt, %rem3A_113, %lt3A_116 : i32
        %lt3A_118 = arith.constant 0 : i32
        %lt3A_119 = arith.cmpi slt, %select_n3A_112, %lt3A_118 : i32
        %ne3A_120 = arith.xori %lt3A_117, %lt3A_119 : i1
        %and3A_121 = arith.andi %ne3A_120, %ne3A_115 : i1
        %add3A_122 = arith.addi %rem3A_113, %select_n3A_112 : i32
        %select_n3A_123 = arith.select %and3A_121, %add3A_122, %rem3A_113 : i32
        %eq3A_124 = arith.constant 2 : i32
        %eq3A_125 = arith.cmpi eq, %select_n3A_123, %eq3A_124 : i32
        %convert_element_type3A_126 = arith.extui %eq3A_125 : i1 to i32
        %cond3A_127 = arith.constant 0 : i32
        %cond3A_128 = arith.cmpi ne, %convert_element_type3A_126, %cond3A_127 : i32
        scf.if %cond3A_128 {
          %dma_wait3A = arith.constant 0 : i32
          %dma_wait3A_150 = tpu.memref_slice %arg6[%scan3A_70, %dma_wait3A] : memref<16x64xi32, #tpu.memory_space<vmem>> -> memref<1x64xi32, #tpu.memory_space<vmem>>
          %dma_wait3A_151 = tpu.memref_squeeze %dma_wait3A_150 : memref<1x64xi32, #tpu.memory_space<vmem>> -> memref<64xi32, #tpu.memory_space<vmem>>
          %dma_wait3A_152 = arith.constant 0 : i32
          %dma_wait3A_153 = arith.constant 0 : i32
          %dma_wait3A_154 = tpu.memref_slice %arg2[%dma_wait3A_152, %dma_wait3A_153] : memref<20000x128xf32, #tpu.memory_space<hbm>> -> memref<20000x128xf32, #tpu.memory_space<hbm>>
          tpu.wait_indirect_dma semaphore(%arg15 : memref<!tpu.dma_semaphore, #tpu.memory_space<semaphore_mem>>) src(%dma_wait3A_154 : memref<20000x128xf32, #tpu.memory_space<hbm>>) dst(%arg10 : memref<64x128xf32, #tpu.memory_space<vmem>>)
          %add3A_155 = arith.constant 4 : i32
          %add3A_156 = arith.addi %scan3A_70, %add3A_155 : i32
          %sub3A = arith.constant 1 : i32
          %sub3A_157 = arith.subi %add3A_156, %sub3A : i32
          %lt3A_158 = arith.constant 16 : i32
          %lt3A_159 = arith.cmpi slt, %sub3A_157, %lt3A_158 : i32
          %convert_element_type3A_160 = arith.extui %lt3A_159 : i1 to i32
          %cond3A_161 = arith.constant 0 : i32
          %cond3A_162 = arith.cmpi ne, %convert_element_type3A_160, %cond3A_161 : i32
          scf.if %cond3A_162 {
            %dma_start3A_163 = arith.constant 0 : i32
            %dma_start3A_164 = tpu.memref_slice %arg6[%sub3A_157, %dma_start3A_163] : memref<16x64xi32, #tpu.memory_space<vmem>> -> memref<1x64xi32, #tpu.memory_space<vmem>>
            %dma_start3A_165 = tpu.memref_squeeze %dma_start3A_164 : memref<1x64xi32, #tpu.memory_space<vmem>> -> memref<64xi32, #tpu.memory_space<vmem>>
            %dma_start3A_166 = arith.constant 0 : i32
            %dma_start3A_167 = arith.constant 0 : i32
            %dma_start3A_168 = tpu.memref_slice %arg2[%dma_start3A_166, %dma_start3A_167] : memref<20000x128xf32, #tpu.memory_space<hbm>> -> memref<20000x128xf32, #tpu.memory_space<hbm>>
            tpu.enqueue_indirect_dma source(%dma_start3A_168 : memref<20000x128xf32, #tpu.memory_space<hbm>>) target(%arg9 : memref<64x128xf32, #tpu.memory_space<vmem>>) offsets(%dma_start3A_165 : memref<64xi32, #tpu.memory_space<vmem>>) semaphore(%arg14 : memref<!tpu.dma_semaphore, #tpu.memory_space<semaphore_mem>>)
          } else {
          }
          "tpu.region"() ({
            %run_scoped3A = tpu.sem_alloc : memref<!tpu.dma_semaphore, #tpu.memory_space<semaphore_mem>>
            %dma_start3A_163 = arith.constant 0 : i32
            %dma_start3A_164 = tpu.memref_slice %arg7[%scan3A_70, %dma_start3A_163] : memref<16x64xi32, #tpu.memory_space<vmem>> -> memref<1x64xi32, #tpu.memory_space<vmem>>
            %dma_start3A_165 = tpu.memref_squeeze %dma_start3A_164 : memref<1x64xi32, #tpu.memory_space<vmem>> -> memref<64xi32, #tpu.memory_space<vmem>>
            %dma_start3A_166 = arith.constant 0 : i32
            %dma_start3A_167 = arith.constant 0 : i32
            %dma_start3A_168 = tpu.memref_slice %arg12[%dma_start3A_166, %dma_start3A_167] : memref<10240x128xf32, #tpu.memory_space<vmem_shared>> -> memref<10240x128xf32, #tpu.memory_space<vmem_shared>>
            tpu.enqueue_indirect_dma source(%arg10 : memref<64x128xf32, #tpu.memory_space<vmem>>) target(%dma_start3A_168 : memref<10240x128xf32, #tpu.memory_space<vmem_shared>>) offsets(%dma_start3A_165 : memref<64xi32, #tpu.memory_space<vmem>>) semaphore(%run_scoped3A : memref<!tpu.dma_semaphore, #tpu.memory_space<semaphore_mem>>) {add = true}
            %dma_wait3A_169 = arith.constant 0 : i32
            %dma_wait3A_170 = tpu.memref_slice %arg7[%scan3A_70, %dma_wait3A_169] : memref<16x64xi32, #tpu.memory_space<vmem>> -> memref<1x64xi32, #tpu.memory_space<vmem>>
            %dma_wait3A_171 = tpu.memref_squeeze %dma_wait3A_170 : memref<1x64xi32, #tpu.memory_space<vmem>> -> memref<64xi32, #tpu.memory_space<vmem>>
            %dma_wait3A_172 = arith.constant 0 : i32
            %dma_wait3A_173 = arith.constant 0 : i32
            %dma_wait3A_174 = tpu.memref_slice %arg12[%dma_wait3A_172, %dma_wait3A_173] : memref<10240x128xf32, #tpu.memory_space<vmem_shared>> -> memref<10240x128xf32, #tpu.memory_space<vmem_shared>>
            tpu.wait_indirect_dma semaphore(%run_scoped3A : memref<!tpu.dma_semaphore, #tpu.memory_space<semaphore_mem>>) src(%arg10 : memref<64x128xf32, #tpu.memory_space<vmem>>) dst(%dma_wait3A_174 : memref<10240x128xf32, #tpu.memory_space<vmem_shared>>)
            tpu.yield
          }) : () -> ()
        } else {
        }
        %jit3A_129 = arith.constant 4 : i32
        %eq3A_130 = arith.constant 0 : i32
        %eq3A_131 = arith.cmpi eq, %jit3A_129, %eq3A_130 : i32
        %jit3A_132 = arith.constant 1 : i32
        %select_n3A_133 = arith.select %eq3A_131, %jit3A_132, %jit3A_129 : i32
        %rem3A_134 = arith.remsi %scan3A_70, %select_n3A_133 : i32
        %ne3A_135 = arith.constant 0 : i32
        %ne3A_136 = arith.cmpi ne, %rem3A_134, %ne3A_135 : i32
        %lt3A_137 = arith.constant 0 : i32
        %lt3A_138 = arith.cmpi slt, %rem3A_134, %lt3A_137 : i32
        %lt3A_139 = arith.constant 0 : i32
        %lt3A_140 = arith.cmpi slt, %select_n3A_133, %lt3A_139 : i32
        %ne3A_141 = arith.xori %lt3A_138, %lt3A_140 : i1
        %and3A_142 = arith.andi %ne3A_141, %ne3A_136 : i1
        %add3A_143 = arith.addi %rem3A_134, %select_n3A_133 : i32
        %select_n3A_144 = arith.select %and3A_142, %add3A_143, %rem3A_134 : i32
        %eq3A_145 = arith.constant 3 : i32
        %eq3A_146 = arith.cmpi eq, %select_n3A_144, %eq3A_145 : i32
        %convert_element_type3A_147 = arith.extui %eq3A_146 : i1 to i32
        %cond3A_148 = arith.constant 0 : i32
        %cond3A_149 = arith.cmpi ne, %convert_element_type3A_147, %cond3A_148 : i32
        scf.if %cond3A_149 {
          %dma_wait3A = arith.constant 0 : i32
          %dma_wait3A_150 = tpu.memref_slice %arg6[%scan3A_70, %dma_wait3A] : memref<16x64xi32, #tpu.memory_space<vmem>> -> memref<1x64xi32, #tpu.memory_space<vmem>>
          %dma_wait3A_151 = tpu.memref_squeeze %dma_wait3A_150 : memref<1x64xi32, #tpu.memory_space<vmem>> -> memref<64xi32, #tpu.memory_space<vmem>>
          %dma_wait3A_152 = arith.constant 0 : i32
          %dma_wait3A_153 = arith.constant 0 : i32
          %dma_wait3A_154 = tpu.memref_slice %arg2[%dma_wait3A_152, %dma_wait3A_153] : memref<20000x128xf32, #tpu.memory_space<hbm>> -> memref<20000x128xf32, #tpu.memory_space<hbm>>
          tpu.wait_indirect_dma semaphore(%arg16 : memref<!tpu.dma_semaphore, #tpu.memory_space<semaphore_mem>>) src(%dma_wait3A_154 : memref<20000x128xf32, #tpu.memory_space<hbm>>) dst(%arg11 : memref<64x128xf32, #tpu.memory_space<vmem>>)
          %add3A_155 = arith.constant 4 : i32
          %add3A_156 = arith.addi %scan3A_70, %add3A_155 : i32
          %sub3A = arith.constant 1 : i32
          %sub3A_157 = arith.subi %add3A_156, %sub3A : i32
          %lt3A_158 = arith.constant 16 : i32
          %lt3A_159 = arith.cmpi slt, %sub3A_157, %lt3A_158 : i32
          %convert_element_type3A_160 = arith.extui %lt3A_159 : i1 to i32
          %cond3A_161 = arith.constant 0 : i32
          %cond3A_162 = arith.cmpi ne, %convert_element_type3A_160, %cond3A_161 : i32
          scf.if %cond3A_162 {
            %dma_start3A_163 = arith.constant 0 : i32
            %dma_start3A_164 = tpu.memref_slice %arg6[%sub3A_157, %dma_start3A_163] : memref<16x64xi32, #tpu.memory_space<vmem>> -> memref<1x64xi32, #tpu.memory_space<vmem>>
            %dma_start3A_165 = tpu.memref_squeeze %dma_start3A_164 : memref<1x64xi32, #tpu.memory_space<vmem>> -> memref<64xi32, #tpu.memory_space<vmem>>
            %dma_start3A_166 = arith.constant 0 : i32
            %dma_start3A_167 = arith.constant 0 : i32
            %dma_start3A_168 = tpu.memref_slice %arg2[%dma_start3A_166, %dma_start3A_167] : memref<20000x128xf32, #tpu.memory_space<hbm>> -> memref<20000x128xf32, #tpu.memory_space<hbm>>
            tpu.enqueue_indirect_dma source(%dma_start3A_168 : memref<20000x128xf32, #tpu.memory_space<hbm>>) target(%arg10 : memref<64x128xf32, #tpu.memory_space<vmem>>) offsets(%dma_start3A_165 : memref<64xi32, #tpu.memory_space<vmem>>) semaphore(%arg15 : memref<!tpu.dma_semaphore, #tpu.memory_space<semaphore_mem>>)
          } else {
          }
          "tpu.region"() ({
            %run_scoped3A = tpu.sem_alloc : memref<!tpu.dma_semaphore, #tpu.memory_space<semaphore_mem>>
            %dma_start3A_163 = arith.constant 0 : i32
            %dma_start3A_164 = tpu.memref_slice %arg7[%scan3A_70, %dma_start3A_163] : memref<16x64xi32, #tpu.memory_space<vmem>> -> memref<1x64xi32, #tpu.memory_space<vmem>>
            %dma_start3A_165 = tpu.memref_squeeze %dma_start3A_164 : memref<1x64xi32, #tpu.memory_space<vmem>> -> memref<64xi32, #tpu.memory_space<vmem>>
            %dma_start3A_166 = arith.constant 0 : i32
            %dma_start3A_167 = arith.constant 0 : i32
            %dma_start3A_168 = tpu.memref_slice %arg12[%dma_start3A_166, %dma_start3A_167] : memref<10240x128xf32, #tpu.memory_space<vmem_shared>> -> memref<10240x128xf32, #tpu.memory_space<vmem_shared>>
            tpu.enqueue_indirect_dma source(%arg11 : memref<64x128xf32, #tpu.memory_space<vmem>>) target(%dma_start3A_168 : memref<10240x128xf32, #tpu.memory_space<vmem_shared>>) offsets(%dma_start3A_165 : memref<64xi32, #tpu.memory_space<vmem>>) semaphore(%run_scoped3A : memref<!tpu.dma_semaphore, #tpu.memory_space<semaphore_mem>>) {add = true}
            %dma_wait3A_169 = arith.constant 0 : i32
            %dma_wait3A_170 = tpu.memref_slice %arg7[%scan3A_70, %dma_wait3A_169] : memref<16x64xi32, #tpu.memory_space<vmem>> -> memref<1x64xi32, #tpu.memory_space<vmem>>
            %dma_wait3A_171 = tpu.memref_squeeze %dma_wait3A_170 : memref<1x64xi32, #tpu.memory_space<vmem>> -> memref<64xi32, #tpu.memory_space<vmem>>
            %dma_wait3A_172 = arith.constant 0 : i32
            %dma_wait3A_173 = arith.constant 0 : i32
            %dma_wait3A_174 = tpu.memref_slice %arg12[%dma_wait3A_172, %dma_wait3A_173] : memref<10240x128xf32, #tpu.memory_space<vmem_shared>> -> memref<10240x128xf32, #tpu.memory_space<vmem_shared>>
            tpu.wait_indirect_dma semaphore(%run_scoped3A : memref<!tpu.dma_semaphore, #tpu.memory_space<semaphore_mem>>) src(%arg11 : memref<64x128xf32, #tpu.memory_space<vmem>>) dst(%dma_wait3A_174 : memref<10240x128xf32, #tpu.memory_space<vmem_shared>>)
            tpu.yield
          }) : () -> ()
        } else {
        }
      }
      %scan3A_69 = arith.constant 16 : i32
    }
    %scan3A_31 = arith.constant 20 : i32
    %barrier3A_32 = arith.constant 0 : index
    tpu.barrier barrier_id(%barrier3A_32)
    %lt3A = arith.constant 15 : i32
    %lt3A_33 = arith.cmpi slt, %arg1, %lt3A : i32
    %convert_element_type3A = arith.extui %lt3A_33 : i1 to i32
    %cond3A = arith.constant 0 : i32
    %cond3A_34 = arith.cmpi ne, %convert_element_type3A, %cond3A : i32
    scf.if %cond3A_34 {
      %mul3A_39 = arith.constant 624 : i32
      %mul3A_40 = arith.muli %arg1, %mul3A_39 : i32
      %mul3A_41 = arith.constant 624 : i32
      %mul3A_42 = arith.muli %arg1, %mul3A_41 : i32
      "tpu.region"() ({
        %run_scoped3A = tpu.sem_alloc : memref<!tpu.dma_semaphore, #tpu.memory_space<semaphore_mem>>
        %dma_start3A = arith.constant 0 : i32
        %dma_start3A_43 = tpu.memref_slice %arg5[%arg0, %mul3A_42, %dma_start3A] : memref<2x10000x128xf32, #tpu.memory_space<hbm>> -> memref<1x624x128xf32, #tpu.memory_space<hbm>>
        %dma_start3A_44 = tpu.memref_squeeze %dma_start3A_43 : memref<1x624x128xf32, #tpu.memory_space<hbm>> -> memref<624x128xf32, #tpu.memory_space<hbm>>
        %dma_start3A_45 = arith.constant 0 : i32
        %dma_start3A_46 = tpu.memref_slice %arg12[%mul3A_40, %dma_start3A_45] : memref<10240x128xf32, #tpu.memory_space<vmem_shared>> -> memref<624x128xf32, #tpu.memory_space<vmem_shared>>
        tpu.enqueue_dma source(%dma_start3A_46 : memref<624x128xf32, #tpu.memory_space<vmem_shared>>) target(%dma_start3A_44 : memref<624x128xf32, #tpu.memory_space<hbm>>) target_semaphore(%run_scoped3A : memref<!tpu.dma_semaphore, #tpu.memory_space<semaphore_mem>>)
        %dma_wait3A = arith.constant 0 : i32
        %dma_wait3A_47 = tpu.memref_slice %arg5[%arg0, %mul3A_42, %dma_wait3A] : memref<2x10000x128xf32, #tpu.memory_space<hbm>> -> memref<1x624x128xf32, #tpu.memory_space<hbm>>
        %dma_wait3A_48 = tpu.memref_squeeze %dma_wait3A_47 : memref<1x624x128xf32, #tpu.memory_space<hbm>> -> memref<624x128xf32, #tpu.memory_space<hbm>>
        %dma_wait3A_49 = arith.constant 0 : i32
        %dma_wait3A_50 = tpu.memref_slice %arg12[%mul3A_40, %dma_wait3A_49] : memref<10240x128xf32, #tpu.memory_space<vmem_shared>> -> memref<624x128xf32, #tpu.memory_space<vmem_shared>>
        tpu.wait_dma2 semaphore(%run_scoped3A : memref<!tpu.dma_semaphore, #tpu.memory_space<semaphore_mem>>) src(%dma_wait3A_50 : memref<624x128xf32, #tpu.memory_space<vmem_shared>>) dst(%dma_wait3A_48 : memref<624x128xf32, #tpu.memory_space<hbm>>)
        tpu.yield
      }) : () -> ()
    } else {
    }
    %eq3A = arith.constant 15 : i32
    %eq3A_35 = arith.cmpi eq, %arg1, %eq3A : i32
    %convert_element_type3A_36 = arith.extui %eq3A_35 : i1 to i32
    %cond3A_37 = arith.constant 0 : i32
    %cond3A_38 = arith.cmpi ne, %convert_element_type3A_36, %cond3A_37 : i32
    scf.if %cond3A_38 {
      "tpu.region"() ({
        %run_scoped3A = tpu.sem_alloc : memref<!tpu.dma_semaphore, #tpu.memory_space<semaphore_mem>>
        %dma_start3A = arith.constant 9360 : i32
        %dma_start3A_39 = arith.constant 0 : i32
        %dma_start3A_40 = tpu.memref_slice %arg5[%arg0, %dma_start3A, %dma_start3A_39] : memref<2x10000x128xf32, #tpu.memory_space<hbm>> -> memref<1x640x128xf32, #tpu.memory_space<hbm>>
        %dma_start3A_41 = tpu.memref_squeeze %dma_start3A_40 : memref<1x640x128xf32, #tpu.memory_space<hbm>> -> memref<640x128xf32, #tpu.memory_space<hbm>>
        %dma_start3A_42 = arith.constant 9360 : i32
        %dma_start3A_43 = arith.constant 0 : i32
        %dma_start3A_44 = tpu.memref_slice %arg12[%dma_start3A_42, %dma_start3A_43] : memref<10240x128xf32, #tpu.memory_space<vmem_shared>> -> memref<640x128xf32, #tpu.memory_space<vmem_shared>>
        tpu.enqueue_dma source(%dma_start3A_44 : memref<640x128xf32, #tpu.memory_space<vmem_shared>>) target(%dma_start3A_41 : memref<640x128xf32, #tpu.memory_space<hbm>>) target_semaphore(%run_scoped3A : memref<!tpu.dma_semaphore, #tpu.memory_space<semaphore_mem>>)
        %dma_wait3A = arith.constant 9360 : i32
        %dma_wait3A_45 = arith.constant 0 : i32
        %dma_wait3A_46 = tpu.memref_slice %arg5[%arg0, %dma_wait3A, %dma_wait3A_45] : memref<2x10000x128xf32, #tpu.memory_space<hbm>> -> memref<1x640x128xf32, #tpu.memory_space<hbm>>
        %dma_wait3A_47 = tpu.memref_squeeze %dma_wait3A_46 : memref<1x640x128xf32, #tpu.memory_space<hbm>> -> memref<640x128xf32, #tpu.memory_space<hbm>>
        %dma_wait3A_48 = arith.constant 9360 : i32
        %dma_wait3A_49 = arith.constant 0 : i32
        %dma_wait3A_50 = tpu.memref_slice %arg12[%dma_wait3A_48, %dma_wait3A_49] : memref<10240x128xf32, #tpu.memory_space<vmem_shared>> -> memref<640x128xf32, #tpu.memory_space<vmem_shared>>
        tpu.wait_dma2 semaphore(%run_scoped3A : memref<!tpu.dma_semaphore, #tpu.memory_space<semaphore_mem>>) src(%dma_wait3A_50 : memref<640x128xf32, #tpu.memory_space<vmem_shared>>) dst(%dma_wait3A_47 : memref<640x128xf32, #tpu.memory_space<hbm>>)
        tpu.yield
      }) : () -> ()
    } else {
    }
    return
  }
}

module attributes {stable_mosaic.version = 14 : i64} {
  func.func @body(%arg0: i32, %arg1: memref<1000x128xf32, #tpu.memory_space<vmem>>, %arg2: memref<2x1000x128xf32, #tpu.memory_space<vmem>>, %arg3: memref<128x256xf32, #tpu.memory_space<vmem>>, %arg4: memref<1x256xf32, #tpu.memory_space<vmem>>, %arg5: memref<256x256xf32, #tpu.memory_space<vmem>>, %arg6: memref<1x256xf32, #tpu.memory_space<vmem>>, %arg7: memref<2x1000x128xf32, #tpu.memory_space<vmem>>) attributes {dimension_semantics = [#tpu.dimension_semantics<arbitrary>], iteration_bounds = array<i64: 10>, scalar_prefetch = 0 : i64, scratch_operands = 0 : i64, tpu.core_type = #tpu.core_type<tc>, window_params = [{transform_indices = @transform_0, window_bounds = array<i64: 1000, 128>}, {transform_indices = @transform_1, window_bounds = array<i64: 2, 1000, 128>}, {pipeline_mode = #tpu.pipeline_mode<synchronous>, transform_indices = @transform_2, window_bounds = array<i64: 128, 256>}, {pipeline_mode = #tpu.pipeline_mode<synchronous>, transform_indices = @transform_3, window_bounds = array<i64: 1, 256>}, {pipeline_mode = #tpu.pipeline_mode<synchronous>, transform_indices = @transform_4, window_bounds = array<i64: 256, 256>}, {pipeline_mode = #tpu.pipeline_mode<synchronous>, transform_indices = @transform_5, window_bounds = array<i64: 1, 256>}, {transform_indices = @transform_6, window_bounds = array<i64: 2, 1000, 128>}]} {
    %get3A = arith.constant 0 : index
    %get3A_0 = arith.constant 0 : index
    %get3A_1 = vector.load %arg1[%get3A, %get3A_0] : memref<1000x128xf32, #tpu.memory_space<vmem>>, vector<1000x128xf32>
    %get3A_2 = arith.constant 0 : index
    %get3A_3 = arith.constant 0 : index
    %get3A_4 = arith.constant 0 : index
    %get3A_5 = vector.load %arg2[%get3A_2, %get3A_3, %get3A_4] : memref<2x1000x128xf32, #tpu.memory_space<vmem>>, vector<1x1000x128xf32>
    %get3A_6 = vector.shape_cast %get3A_5 : vector<1x1000x128xf32> to vector<1000x128xf32>
    %add3A = arith.addf %get3A_1, %get3A_6 : vector<1000x128xf32>
    %get3A_7 = arith.constant 1 : index
    %get3A_8 = arith.constant 0 : index
    %get3A_9 = arith.constant 0 : index
    %get3A_10 = vector.load %arg2[%get3A_7, %get3A_8, %get3A_9] : memref<2x1000x128xf32, #tpu.memory_space<vmem>>, vector<1x1000x128xf32>
    %get3A_11 = vector.shape_cast %get3A_10 : vector<1x1000x128xf32> to vector<1000x128xf32>
    %add3A_12 = arith.addf %add3A, %get3A_11 : vector<1000x128xf32>
    %get3A_13 = arith.constant 0 : index
    %get3A_14 = arith.constant 0 : index
    %get3A_15 = vector.load %arg3[%get3A_13, %get3A_14] : memref<128x256xf32, #tpu.memory_space<vmem>>, vector<128x256xf32>
    %dot_general3A = arith.constant dense<0.000000e+00> : vector<1000x256xf32>
    %dot_general3A_16 = tpu.matmul %add3A_12, %get3A_15, %dot_general3A {dimension_numbers = #tpu.dot_dimension_numbers<[1], [0], [0], [1], [0, 0, 1, 1], [], []>, transpose_lhs_hint = false} : vector<1000x128xf32>, vector<128x256xf32>, vector<1000x256xf32> -> vector<1000x256xf32>
    %get3A_17 = arith.constant 0 : index
    %get3A_18 = arith.constant 0 : index
    %get3A_19 = vector.load %arg4[%get3A_17, %get3A_18] : memref<1x256xf32, #tpu.memory_space<vmem>>, vector<1x256xf32>
    %add3A_20 = vector.broadcast %get3A_19 : vector<1x256xf32> to vector<1000x256xf32>
    %add3A_21 = arith.addf %dot_general3A_16, %add3A_20 : vector<1000x256xf32>
    %max3A = arith.constant 0.000000e+00 : f32
    %max3A_22 = vector.broadcast %max3A : f32 to vector<1000x256xf32>
    %max3A_23 = arith.maximumf %add3A_21, %max3A_22 : vector<1000x256xf32>
    %get3A_24 = arith.constant 0 : index
    %get3A_25 = arith.constant 0 : index
    %get3A_26 = vector.load %arg5[%get3A_24, %get3A_25] : memref<256x256xf32, #tpu.memory_space<vmem>>, vector<256x256xf32>
    %dot_general3A_27 = arith.constant dense<0.000000e+00> : vector<1000x256xf32>
    %dot_general3A_28 = tpu.matmul %max3A_23, %get3A_26, %dot_general3A_27 {dimension_numbers = #tpu.dot_dimension_numbers<[1], [0], [0], [1], [0, 0, 1, 1], [], []>, transpose_lhs_hint = false} : vector<1000x256xf32>, vector<256x256xf32>, vector<1000x256xf32> -> vector<1000x256xf32>
    %get3A_29 = arith.constant 0 : index
    %get3A_30 = arith.constant 0 : index
    %get3A_31 = vector.load %arg6[%get3A_29, %get3A_30] : memref<1x256xf32, #tpu.memory_space<vmem>>, vector<1x256xf32>
    %add3A_32 = vector.broadcast %get3A_31 : vector<1x256xf32> to vector<1000x256xf32>
    %add3A_33 = arith.addf %dot_general3A_28, %add3A_32 : vector<1000x256xf32>
    %ge3A = arith.constant 0.000000e+00 : f32
    %ge3A_34 = vector.broadcast %ge3A : f32 to vector<1000x256xf32>
    %ge3A_35 = arith.cmpf oge, %add3A_33, %ge3A_34 : vector<1000x256xf32>
    %mul3A = arith.constant 0.229166672 : f32
    %mul3A_36 = vector.broadcast %mul3A : f32 to vector<1000x256xf32>
    %mul3A_37 = arith.mulf %add3A_33, %mul3A_36 : vector<1000x256xf32>
    %select_n3A = arith.select %ge3A_35, %add3A_33, %mul3A_37 : vector<1000x256xi1>, vector<1000x256xf32>
    %slice3A = vector.extract_strided_slice %select_n3A {offsets = [0, 0], sizes = [1000, 128], strides = [1, 1]} : vector<1000x256xf32> to vector<1000x128xf32>
    %swap3A = arith.constant 0 : index
    %swap3A_38 = arith.constant 0 : index
    %swap3A_39 = arith.constant 0 : index
    %swap3A_40 = vector.load %arg7[%swap3A, %swap3A_38, %swap3A_39] : memref<2x1000x128xf32, #tpu.memory_space<vmem>>, vector<1x1000x128xf32>
    %swap3A_41 = vector.shape_cast %swap3A_40 : vector<1x1000x128xf32> to vector<1000x128xf32>
    %swap3A_42 = vector.shape_cast %slice3A : vector<1000x128xf32> to vector<1x1000x128xf32>
    tpu.vector_store %arg7[%swap3A, %swap3A_38, %swap3A_39], %swap3A_42 {strides = array<i32>} : memref<2x1000x128xf32, #tpu.memory_space<vmem>>, vector<1x1000x128xf32>,
    %slice3A_43 = vector.extract_strided_slice %select_n3A {offsets = [0, 128], sizes = [1000, 128], strides = [1, 1]} : vector<1000x256xf32> to vector<1000x128xf32>
    %swap3A_44 = arith.constant 1 : index
    %swap3A_45 = arith.constant 0 : index
    %swap3A_46 = arith.constant 0 : index
    %swap3A_47 = vector.load %arg7[%swap3A_44, %swap3A_45, %swap3A_46] : memref<2x1000x128xf32, #tpu.memory_space<vmem>>, vector<1x1000x128xf32>
    %swap3A_48 = vector.shape_cast %swap3A_47 : vector<1x1000x128xf32> to vector<1000x128xf32>
    %swap3A_49 = vector.shape_cast %slice3A_43 : vector<1000x128xf32> to vector<1x1000x128xf32>
    tpu.vector_store %arg7[%swap3A_44, %swap3A_45, %swap3A_46], %swap3A_49 {strides = array<i32>} : memref<2x1000x128xf32, #tpu.memory_space<vmem>>, vector<1x1000x128xf32>,
    return
  }
  func.func @transform_0(%arg0: i32) -> (i32, i32) {
    %c0_i32 = arith.constant 0 : i32
    %c0_i32_0 = arith.constant 0 : i32
    return %arg0, %c0_i32 : i32, i32
  }
  func.func @transform_1(%arg0: i32) -> (i32, i32, i32) {
    %c0_i32 = arith.constant 0 : i32
    %c0_i32_0 = arith.constant 0 : i32
    %c0_i32_1 = arith.constant 0 : i32
    return %c0_i32, %arg0, %c0_i32_0 : i32, i32, i32
  }
  func.func @transform_2(%arg0: i32) -> (i32, i32) {
    %c0_i32 = arith.constant 0 : i32
    %c0_i32_0 = arith.constant 0 : i32
    %c0_i32_1 = arith.constant 0 : i32
    return %c0_i32, %c0_i32_0 : i32, i32
  }
  func.func @transform_3(%arg0: i32) -> (i32, i32) {
    %c0_i32 = arith.constant 0 : i32
    %c0_i32_0 = arith.constant 0 : i32
    %c0_i32_1 = arith.constant 0 : i32
    return %c0_i32, %c0_i32_0 : i32, i32
  }
  func.func @transform_4(%arg0: i32) -> (i32, i32) {
    %c0_i32 = arith.constant 0 : i32
    %c0_i32_0 = arith.constant 0 : i32
    %c0_i32_1 = arith.constant 0 : i32
    return %c0_i32, %c0_i32_0 : i32, i32
  }
  func.func @transform_5(%arg0: i32) -> (i32, i32) {
    %c0_i32 = arith.constant 0 : i32
    %c0_i32_0 = arith.constant 0 : i32
    %c0_i32_1 = arith.constant 0 : i32
    return %c0_i32, %c0_i32_0 : i32, i32
  }
  func.func @transform_6(%arg0: i32) -> (i32, i32, i32) {
    %c0_i32 = arith.constant 0 : i32
    %c0_i32_0 = arith.constant 0 : i32
    %c0_i32_1 = arith.constant 0 : i32
    return %c0_i32, %arg0, %c0_i32_0 : i32, i32, i32
  }
}

module attributes {stable_mosaic.version = 14 : i64} {
  func.func @body(%arg0: i32, %arg1: memref<2x1000x128xf32, #tpu.memory_space<vmem>>, %arg2: memref<2x1000x128xf32, #tpu.memory_space<vmem>>, %arg3: memref<256x256xf32, #tpu.memory_space<vmem>>, %arg4: memref<1x256xf32, #tpu.memory_space<vmem>>, %arg5: memref<256x256xf32, #tpu.memory_space<vmem>>, %arg6: memref<1x256xf32, #tpu.memory_space<vmem>>, %arg7: memref<2x1000x128xf32, #tpu.memory_space<vmem>>) attributes {dimension_semantics = [#tpu.dimension_semantics<arbitrary>], iteration_bounds = array<i64: 10>, scalar_prefetch = 0 : i64, scratch_operands = 0 : i64, tpu.core_type = #tpu.core_type<tc>, window_params = [{transform_indices = @transform_0, window_bounds = array<i64: 2, 1000, 128>}, {transform_indices = @transform_1, window_bounds = array<i64: 2, 1000, 128>}, {pipeline_mode = #tpu.pipeline_mode<synchronous>, transform_indices = @transform_2, window_bounds = array<i64: 256, 256>}, {pipeline_mode = #tpu.pipeline_mode<synchronous>, transform_indices = @transform_3, window_bounds = array<i64: 1, 256>}, {pipeline_mode = #tpu.pipeline_mode<synchronous>, transform_indices = @transform_4, window_bounds = array<i64: 256, 256>}, {pipeline_mode = #tpu.pipeline_mode<synchronous>, transform_indices = @transform_5, window_bounds = array<i64: 1, 256>}, {transform_indices = @transform_6, window_bounds = array<i64: 2, 1000, 128>}]} {
    %get3A = arith.constant 0 : index
    %get3A_0 = arith.constant 0 : index
    %get3A_1 = arith.constant 0 : index
    %get3A_2 = vector.load %arg1[%get3A, %get3A_0, %get3A_1] : memref<2x1000x128xf32, #tpu.memory_space<vmem>>, vector<1x1000x128xf32>
    %get3A_3 = vector.shape_cast %get3A_2 : vector<1x1000x128xf32> to vector<1000x128xf32>
    %get3A_4 = arith.constant 1 : index
    %get3A_5 = arith.constant 0 : index
    %get3A_6 = arith.constant 0 : index
    %get3A_7 = vector.load %arg1[%get3A_4, %get3A_5, %get3A_6] : memref<2x1000x128xf32, #tpu.memory_space<vmem>>, vector<1x1000x128xf32>
    %get3A_8 = vector.shape_cast %get3A_7 : vector<1x1000x128xf32> to vector<1000x128xf32>
    %concatenate3A = tpu.concatenate %get3A_3, %get3A_8 in 1 : vector<1000x128xf32>, vector<1000x128xf32> -> vector<1000x256xf32>
    %get3A_9 = arith.constant 0 : index
    %get3A_10 = arith.constant 0 : index
    %get3A_11 = arith.constant 0 : index
    %get3A_12 = vector.load %arg2[%get3A_9, %get3A_10, %get3A_11] : memref<2x1000x128xf32, #tpu.memory_space<vmem>>, vector<1x1000x128xf32>
    %get3A_13 = vector.shape_cast %get3A_12 : vector<1x1000x128xf32> to vector<1000x128xf32>
    %get3A_14 = arith.constant 1 : index
    %get3A_15 = arith.constant 0 : index
    %get3A_16 = arith.constant 0 : index
    %get3A_17 = vector.load %arg2[%get3A_14, %get3A_15, %get3A_16] : memref<2x1000x128xf32, #tpu.memory_space<vmem>>, vector<1x1000x128xf32>
    %get3A_18 = vector.shape_cast %get3A_17 : vector<1x1000x128xf32> to vector<1000x128xf32>
    %concatenate3A_19 = tpu.concatenate %get3A_13, %get3A_18 in 1 : vector<1000x128xf32>, vector<1000x128xf32> -> vector<1000x256xf32>
    %add3A = arith.addf %concatenate3A, %concatenate3A_19 : vector<1000x256xf32>
    %get3A_20 = arith.constant 0 : index
    %get3A_21 = arith.constant 0 : index
    %get3A_22 = vector.load %arg3[%get3A_20, %get3A_21] : memref<256x256xf32, #tpu.memory_space<vmem>>, vector<256x256xf32>
    %dot_general3A = arith.constant dense<0.000000e+00> : vector<1000x256xf32>
    %dot_general3A_23 = tpu.matmul %add3A, %get3A_22, %dot_general3A {dimension_numbers = #tpu.dot_dimension_numbers<[1], [0], [0], [1], [0, 0, 1, 1], [], []>, transpose_lhs_hint = false} : vector<1000x256xf32>, vector<256x256xf32>, vector<1000x256xf32> -> vector<1000x256xf32>
    %get3A_24 = arith.constant 0 : index
    %get3A_25 = arith.constant 0 : index
    %get3A_26 = vector.load %arg4[%get3A_24, %get3A_25] : memref<1x256xf32, #tpu.memory_space<vmem>>, vector<1x256xf32>
    %add3A_27 = vector.broadcast %get3A_26 : vector<1x256xf32> to vector<1000x256xf32>
    %add3A_28 = arith.addf %dot_general3A_23, %add3A_27 : vector<1000x256xf32>
    %max3A = arith.constant 0.000000e+00 : f32
    %max3A_29 = vector.broadcast %max3A : f32 to vector<1000x256xf32>
    %max3A_30 = arith.maximumf %add3A_28, %max3A_29 : vector<1000x256xf32>
    %get3A_31 = arith.constant 0 : index
    %get3A_32 = arith.constant 0 : index
    %get3A_33 = vector.load %arg5[%get3A_31, %get3A_32] : memref<256x256xf32, #tpu.memory_space<vmem>>, vector<256x256xf32>
    %dot_general3A_34 = arith.constant dense<0.000000e+00> : vector<1000x256xf32>
    %dot_general3A_35 = tpu.matmul %max3A_30, %get3A_33, %dot_general3A_34 {dimension_numbers = #tpu.dot_dimension_numbers<[1], [0], [0], [1], [0, 0, 1, 1], [], []>, transpose_lhs_hint = false} : vector<1000x256xf32>, vector<256x256xf32>, vector<1000x256xf32> -> vector<1000x256xf32>
    %get3A_36 = arith.constant 0 : index
    %get3A_37 = arith.constant 0 : index
    %get3A_38 = vector.load %arg6[%get3A_36, %get3A_37] : memref<1x256xf32, #tpu.memory_space<vmem>>, vector<1x256xf32>
    %add3A_39 = vector.broadcast %get3A_38 : vector<1x256xf32> to vector<1000x256xf32>
    %add3A_40 = arith.addf %dot_general3A_35, %add3A_39 : vector<1000x256xf32>
    %ge3A = arith.constant 0.000000e+00 : f32
    %ge3A_41 = vector.broadcast %ge3A : f32 to vector<1000x256xf32>
    %ge3A_42 = arith.cmpf oge, %add3A_40, %ge3A_41 : vector<1000x256xf32>
    %mul3A = arith.constant 0.229166672 : f32
    %mul3A_43 = vector.broadcast %mul3A : f32 to vector<1000x256xf32>
    %mul3A_44 = arith.mulf %add3A_40, %mul3A_43 : vector<1000x256xf32>
    %select_n3A = arith.select %ge3A_42, %add3A_40, %mul3A_44 : vector<1000x256xi1>, vector<1000x256xf32>
    %slice3A = vector.extract_strided_slice %select_n3A {offsets = [0, 0], sizes = [1000, 128], strides = [1, 1]} : vector<1000x256xf32> to vector<1000x128xf32>
    %swap3A = arith.constant 0 : index
    %swap3A_45 = arith.constant 0 : index
    %swap3A_46 = arith.constant 0 : index
    %swap3A_47 = vector.load %arg7[%swap3A, %swap3A_45, %swap3A_46] : memref<2x1000x128xf32, #tpu.memory_space<vmem>>, vector<1x1000x128xf32>
    %swap3A_48 = vector.shape_cast %swap3A_47 : vector<1x1000x128xf32> to vector<1000x128xf32>
    %swap3A_49 = vector.shape_cast %slice3A : vector<1000x128xf32> to vector<1x1000x128xf32>
    tpu.vector_store %arg7[%swap3A, %swap3A_45, %swap3A_46], %swap3A_49 {strides = array<i32>} : memref<2x1000x128xf32, #tpu.memory_space<vmem>>, vector<1x1000x128xf32>,
    %slice3A_50 = vector.extract_strided_slice %select_n3A {offsets = [0, 128], sizes = [1000, 128], strides = [1, 1]} : vector<1000x256xf32> to vector<1000x128xf32>
    %swap3A_51 = arith.constant 1 : index
    %swap3A_52 = arith.constant 0 : index
    %swap3A_53 = arith.constant 0 : index
    %swap3A_54 = vector.load %arg7[%swap3A_51, %swap3A_52, %swap3A_53] : memref<2x1000x128xf32, #tpu.memory_space<vmem>>, vector<1x1000x128xf32>
    %swap3A_55 = vector.shape_cast %swap3A_54 : vector<1x1000x128xf32> to vector<1000x128xf32>
    %swap3A_56 = vector.shape_cast %slice3A_50 : vector<1000x128xf32> to vector<1x1000x128xf32>
    tpu.vector_store %arg7[%swap3A_51, %swap3A_52, %swap3A_53], %swap3A_56 {strides = array<i32>} : memref<2x1000x128xf32, #tpu.memory_space<vmem>>, vector<1x1000x128xf32>,
    return
  }
  func.func @transform_0(%arg0: i32) -> (i32, i32, i32) {
    %c0_i32 = arith.constant 0 : i32
    %c0_i32_0 = arith.constant 0 : i32
    %c0_i32_1 = arith.constant 0 : i32
    return %c0_i32, %arg0, %c0_i32_0 : i32, i32, i32
  }
  func.func @transform_1(%arg0: i32) -> (i32, i32, i32) {
    %c0_i32 = arith.constant 0 : i32
    %c0_i32_0 = arith.constant 0 : i32
    %c0_i32_1 = arith.constant 0 : i32
    return %c0_i32, %arg0, %c0_i32_0 : i32, i32, i32
  }
  func.func @transform_2(%arg0: i32) -> (i32, i32) {
    %c0_i32 = arith.constant 0 : i32
    %c0_i32_0 = arith.constant 0 : i32
    %c0_i32_1 = arith.constant 0 : i32
    return %c0_i32, %c0_i32_0 : i32, i32
  }
  func.func @transform_3(%arg0: i32) -> (i32, i32) {
    %c0_i32 = arith.constant 0 : i32
    %c0_i32_0 = arith.constant 0 : i32
    %c0_i32_1 = arith.constant 0 : i32
    return %c0_i32, %c0_i32_0 : i32, i32
  }
  func.func @transform_4(%arg0: i32) -> (i32, i32) {
    %c0_i32 = arith.constant 0 : i32
    %c0_i32_0 = arith.constant 0 : i32
    %c0_i32_1 = arith.constant 0 : i32
    return %c0_i32, %c0_i32_0 : i32, i32
  }
  func.func @transform_5(%arg0: i32) -> (i32, i32) {
    %c0_i32 = arith.constant 0 : i32
    %c0_i32_0 = arith.constant 0 : i32
    %c0_i32_1 = arith.constant 0 : i32
    return %c0_i32, %c0_i32_0 : i32, i32
  }
  func.func @transform_6(%arg0: i32) -> (i32, i32, i32) {
    %c0_i32 = arith.constant 0 : i32
    %c0_i32_0 = arith.constant 0 : i32
    %c0_i32_1 = arith.constant 0 : i32
    return %c0_i32, %arg0, %c0_i32_0 : i32, i32, i32
  }
}

module attributes {stable_mosaic.version = 14 : i64} {
  func.func @body(%arg0: i32, %arg1: memref<2x1000x128xf32, #tpu.memory_space<vmem>>, %arg2: memref<1000x1xi32, #tpu.memory_space<vmem>>, %arg3: memref<256x120xf32, #tpu.memory_space<vmem>>, %arg4: memref<1x120xf32, #tpu.memory_space<vmem>>, %arg5: memref<1x120xf32, #tpu.memory_space<vmem>>, %arg6: memref<1x120xf32, #tpu.memory_space<vmem>>, %arg7: memref<120x256xf32, #tpu.memory_space<vmem>>, %arg8: memref<1x256xf32, #tpu.memory_space<vmem>>, %arg9: memref<256x120xf32, #tpu.memory_space<vmem>>, %arg10: memref<1x120xf32, #tpu.memory_space<vmem>>, %arg11: memref<64x120xf32, #tpu.memory_space<vmem>>, %arg12: memref<64x256xf32, #tpu.memory_space<vmem>>, %arg13: memref<64x8xf32, #tpu.memory_space<vmem>>) attributes {dimension_semantics = [#tpu.dimension_semantics<arbitrary>], iteration_bounds = array<i64: 10>, scalar_prefetch = 0 : i64, scratch_operands = 2 : i64, tpu.core_type = #tpu.core_type<tc>, window_params = [{transform_indices = @transform_0, window_bounds = array<i64: 2, 1000, 128>}, {transform_indices = @transform_1, window_bounds = array<i64: 1000, 1>}, {pipeline_mode = #tpu.pipeline_mode<synchronous>, transform_indices = @transform_2, window_bounds = array<i64: 256, 120>}, {pipeline_mode = #tpu.pipeline_mode<synchronous>, transform_indices = @transform_3, window_bounds = array<i64: 1, 120>}, {pipeline_mode = #tpu.pipeline_mode<synchronous>, transform_indices = @transform_4, window_bounds = array<i64: 1, 120>}, {pipeline_mode = #tpu.pipeline_mode<synchronous>, transform_indices = @transform_5, window_bounds = array<i64: 1, 120>}, {pipeline_mode = #tpu.pipeline_mode<synchronous>, transform_indices = @transform_6, window_bounds = array<i64: 120, 256>}, {pipeline_mode = #tpu.pipeline_mode<synchronous>, transform_indices = @transform_7, window_bounds = array<i64: 1, 256>}, {pipeline_mode = #tpu.pipeline_mode<synchronous>, transform_indices = @transform_8, window_bounds = array<i64: 256, 120>}, {pipeline_mode = #tpu.pipeline_mode<synchronous>, transform_indices = @transform_9, window_bounds = array<i64: 1, 120>}, {pipeline_mode = #tpu.pipeline_mode<synchronous>, transform_indices = @transform_10, window_bounds = array<i64: 64, 120>}]} {
    %get3A = arith.constant 0 : index
    %get3A_0 = arith.constant 0 : index
    %get3A_1 = arith.constant 0 : index
    %get3A_2 = vector.load %arg1[%get3A, %get3A_0, %get3A_1] : memref<2x1000x128xf32, #tpu.memory_space<vmem>>, vector<1x1000x128xf32>
    %get3A_3 = vector.shape_cast %get3A_2 : vector<1x1000x128xf32> to vector<1000x128xf32>
    %get3A_4 = arith.constant 1 : index
    %get3A_5 = arith.constant 0 : index
    %get3A_6 = arith.constant 0 : index
    %get3A_7 = vector.load %arg1[%get3A_4, %get3A_5, %get3A_6] : memref<2x1000x128xf32, #tpu.memory_space<vmem>>, vector<1x1000x128xf32>
    %get3A_8 = vector.shape_cast %get3A_7 : vector<1x1000x128xf32> to vector<1000x128xf32>
    %concatenate3A = tpu.concatenate %get3A_3, %get3A_8 in 1 : vector<1000x128xf32>, vector<1000x128xf32> -> vector<1000x256xf32>
    %get3A_9 = arith.constant 0 : index
    %get3A_10 = arith.constant 0 : index
    %get3A_11 = vector.load %arg2[%get3A_9, %get3A_10] : memref<1000x1xi32, #tpu.memory_space<vmem>>, vector<1000x1xi32>
    %iota3A = tpu.iota {dimensions = array<i32: 1>} : vector<1000x64xi32>
    %eq3A = vector.broadcast %get3A_11 : vector<1000x1xi32> to vector<1000x64xi32>
    %eq3A_12 = arith.cmpi eq, %eq3A, %iota3A : vector<1000x64xi32>
    %convert_element_type3A = arith.extui %eq3A_12 : vector<1000x64xi1> to vector<1000x64xi32>
    %convert_element_type3A_13 = arith.sitofp %convert_element_type3A : vector<1000x64xi32> to vector<1000x64xf32>
    %dot_general3A = arith.constant dense<0.000000e+00> : vector<64x256xf32>
    %dot_general3A_14 = tpu.matmul %convert_element_type3A_13, %concatenate3A, %dot_general3A {dimension_numbers = #tpu.dot_dimension_numbers<[0], [0], [1], [1], [0, 1, 1, 1], [], []>, transpose_lhs_hint = false} : vector<1000x64xf32>, vector<1000x256xf32>, vector<64x256xf32> -> vector<64x256xf32>
    %broadcast_in_dim3A = arith.constant 1.000000e+00 : f32
    %broadcast_in_dim3A_15 = vector.broadcast %broadcast_in_dim3A : f32 to vector<1000x8xf32>
    %dot_general3A_16 = arith.constant dense<0.000000e+00> : vector<64x8xf32>
    %dot_general3A_17 = tpu.matmul %convert_element_type3A_13, %broadcast_in_dim3A_15, %dot_general3A_16 {dimension_numbers = #tpu.dot_dimension_numbers<[0], [0], [1], [1], [0, 1, 1, 1], [], []>, transpose_lhs_hint = false} : vector<1000x64xf32>, vector<1000x8xf32>, vector<64x8xf32> -> vector<64x8xf32>
    %eq3A_18 = arith.constant 0 : i32
    %eq3A_19 = arith.cmpi eq, %arg0, %eq3A_18 : i32
    %convert_element_type3A_20 = arith.extui %eq3A_19 : i1 to i32
    %cond3A = arith.constant 0 : i32
    %cond3A_21 = arith.cmpi ne, %convert_element_type3A_20, %cond3A : i32
    scf.if %cond3A_21 {
      %swap3A = arith.constant 0 : index
      %swap3A_31 = arith.constant 0 : index
      %swap3A_32 = vector.load %arg12[%swap3A, %swap3A_31] : memref<64x256xf32, #tpu.memory_space<vmem>>, vector<64x256xf32>
      tpu.vector_store %arg12[%swap3A, %swap3A_31], %dot_general3A_14 {strides = array<i32>} : memref<64x256xf32, #tpu.memory_space<vmem>>, vector<64x256xf32>,
      %swap3A_33 = arith.constant 0 : index
      %swap3A_34 = arith.constant 0 : index
      %swap3A_35 = vector.load %arg13[%swap3A_33, %swap3A_34] : memref<64x8xf32, #tpu.memory_space<vmem>>, vector<64x8xf32>
      tpu.vector_store %arg13[%swap3A_33, %swap3A_34], %dot_general3A_17 {strides = array<i32>} : memref<64x8xf32, #tpu.memory_space<vmem>>, vector<64x8xf32>,
    } else {
    }
    %gt3A = arith.constant 0 : i32
    %gt3A_22 = arith.cmpi sgt, %arg0, %gt3A : i32
    %convert_element_type3A_23 = arith.extui %gt3A_22 : i1 to i32
    %cond3A_24 = arith.constant 0 : i32
    %cond3A_25 = arith.cmpi ne, %convert_element_type3A_23, %cond3A_24 : i32
    scf.if %cond3A_25 {
      %get3A_31 = arith.constant 0 : index
      %get3A_32 = arith.constant 0 : index
      %get3A_33 = vector.load %arg12[%get3A_31, %get3A_32] : memref<64x256xf32, #tpu.memory_space<vmem>>, vector<64x256xf32>
      %add3A = arith.addf %get3A_33, %dot_general3A_14 : vector<64x256xf32>
      %swap3A = arith.constant 0 : index
      %swap3A_34 = arith.constant 0 : index
      %swap3A_35 = vector.load %arg12[%swap3A, %swap3A_34] : memref<64x256xf32, #tpu.memory_space<vmem>>, vector<64x256xf32>
      tpu.vector_store %arg12[%swap3A, %swap3A_34], %add3A {strides = array<i32>} : memref<64x256xf32, #tpu.memory_space<vmem>>, vector<64x256xf32>,
      %get3A_36 = arith.constant 0 : index
      %get3A_37 = arith.constant 0 : index
      %get3A_38 = vector.load %arg13[%get3A_36, %get3A_37] : memref<64x8xf32, #tpu.memory_space<vmem>>, vector<64x8xf32>
      %add3A_39 = arith.addf %get3A_38, %dot_general3A_17 : vector<64x8xf32>
      %swap3A_40 = arith.constant 0 : index
      %swap3A_41 = arith.constant 0 : index
      %swap3A_42 = vector.load %arg13[%swap3A_40, %swap3A_41] : memref<64x8xf32, #tpu.memory_space<vmem>>, vector<64x8xf32>
      tpu.vector_store %arg13[%swap3A_40, %swap3A_41], %add3A_39 {strides = array<i32>} : memref<64x8xf32, #tpu.memory_space<vmem>>, vector<64x8xf32>,
    } else {
    }
    %eq3A_26 = arith.constant 9 : i32
    %eq3A_27 = arith.cmpi eq, %arg0, %eq3A_26 : i32
    %convert_element_type3A_28 = arith.extui %eq3A_27 : i1 to i32
    %cond3A_29 = arith.constant 0 : i32
    %cond3A_30 = arith.cmpi ne, %convert_element_type3A_28, %cond3A_29 : i32
    scf.if %cond3A_30 {
      %get3A_31 = arith.constant 0 : index
      %get3A_32 = arith.constant 0 : index
      %get3A_33 = vector.load %arg12[%get3A_31, %get3A_32] : memref<64x256xf32, #tpu.memory_space<vmem>>, vector<64x256xf32>
      %get3A_34 = arith.constant 0 : index
      %get3A_35 = arith.constant 0 : index
      %get3A_36 = vector.load %arg3[%get3A_34, %get3A_35] : memref<256x120xf32, #tpu.memory_space<vmem>>, vector<256x120xf32>
      %dot_general3A_37 = arith.constant dense<0.000000e+00> : vector<64x120xf32>
      %dot_general3A_38 = tpu.matmul %get3A_33, %get3A_36, %dot_general3A_37 {dimension_numbers = #tpu.dot_dimension_numbers<[1], [0], [0], [1], [0, 0, 1, 1], [], []>, transpose_lhs_hint = false} : vector<64x256xf32>, vector<256x120xf32>, vector<64x120xf32> -> vector<64x120xf32>
      %get3A_39 = arith.constant 0 : index
      %get3A_40 = arith.constant 0 : index
      %get3A_41 = vector.load %arg13[%get3A_39, %get3A_40] : memref<64x8xf32, #tpu.memory_space<vmem>>, vector<64x8xf32>
      %slice3A = vector.extract_strided_slice %get3A_41 {offsets = [0, 0], sizes = [64, 1], strides = [1, 1]} : vector<64x8xf32> to vector<64x1xf32>
      %get3A_42 = arith.constant 0 : index
      %get3A_43 = arith.constant 0 : index
      %get3A_44 = vector.load %arg4[%get3A_42, %get3A_43] : memref<1x120xf32, #tpu.memory_space<vmem>>, vector<1x120xf32>
      %mul3A = vector.broadcast %slice3A : vector<64x1xf32> to vector<64x120xf32>
      %mul3A_45 = vector.broadcast %get3A_44 : vector<1x120xf32> to vector<64x120xf32>
      %mul3A_46 = arith.mulf %mul3A, %mul3A_45 : vector<64x120xf32>
      %add3A = arith.addf %dot_general3A_38, %mul3A_46 : vector<64x120xf32>
      %reduce_sum3A = arith.constant dense<0.000000e+00> : vector<64xf32>
      %reduce_sum3A_47 = vector.multi_reduction <add>, %add3A, %reduce_sum3A [1] : vector<64x120xf32> to vector<64xf32>
      %broadcast_in_dim3A_48 = vector.shape_cast %reduce_sum3A_47 : vector<64xf32> to vector<64x1xf32>
      %div3A = arith.constant 1.200000e+02 : f32
      %div3A_49 = vector.broadcast %div3A : f32 to vector<64x1xf32>
      %div3A_50 = arith.divf %broadcast_in_dim3A_48, %div3A_49 : vector<64x1xf32>
      %sub3A = vector.broadcast %div3A_50 : vector<64x1xf32> to vector<64x120xf32>
      %sub3A_51 = arith.subf %add3A, %sub3A : vector<64x120xf32>
      %integer_pow3A = arith.mulf %sub3A_51, %sub3A_51 : vector<64x120xf32>
      %reduce_sum3A_52 = arith.constant dense<0.000000e+00> : vector<64xf32>
      %reduce_sum3A_53 = vector.multi_reduction <add>, %integer_pow3A, %reduce_sum3A_52 [1] : vector<64x120xf32> to vector<64xf32>
      %broadcast_in_dim3A_54 = vector.shape_cast %reduce_sum3A_53 : vector<64xf32> to vector<64x1xf32>
      %div3A_55 = arith.constant 1.200000e+02 : f32
      %div3A_56 = vector.broadcast %div3A_55 : f32 to vector<64x1xf32>
      %div3A_57 = arith.divf %broadcast_in_dim3A_54, %div3A_56 : vector<64x1xf32>
      %sub3A_58 = vector.broadcast %div3A_50 : vector<64x1xf32> to vector<64x120xf32>
      %sub3A_59 = arith.subf %add3A, %sub3A_58 : vector<64x120xf32>
      %add3A_60 = arith.constant 9.99999974E-6 : f32
      %add3A_61 = vector.broadcast %add3A_60 : f32 to vector<64x1xf32>
      %add3A_62 = arith.addf %div3A_57, %add3A_61 : vector<64x1xf32>
      %sqrt3A = math.sqrt %add3A_62 : vector<64x1xf32>
      %div3A_63 = vector.broadcast %sqrt3A : vector<64x1xf32> to vector<64x120xf32>
      %div3A_64 = arith.divf %sub3A_59, %div3A_63 : vector<64x120xf32>
      %get3A_65 = arith.constant 0 : index
      %get3A_66 = arith.constant 0 : index
      %get3A_67 = vector.load %arg5[%get3A_65, %get3A_66] : memref<1x120xf32, #tpu.memory_space<vmem>>, vector<1x120xf32>
      %mul3A_68 = vector.broadcast %get3A_67 : vector<1x120xf32> to vector<64x120xf32>
      %mul3A_69 = arith.mulf %div3A_64, %mul3A_68 : vector<64x120xf32>
      %get3A_70 = arith.constant 0 : index
      %get3A_71 = arith.constant 0 : index
      %get3A_72 = vector.load %arg6[%get3A_70, %get3A_71] : memref<1x120xf32, #tpu.memory_space<vmem>>, vector<1x120xf32>
      %add3A_73 = vector.broadcast %get3A_72 : vector<1x120xf32> to vector<64x120xf32>
      %add3A_74 = arith.addf %mul3A_69, %add3A_73 : vector<64x120xf32>
      %get3A_75 = arith.constant 0 : index
      %get3A_76 = arith.constant 0 : index
      %get3A_77 = vector.load %arg7[%get3A_75, %get3A_76] : memref<120x256xf32, #tpu.memory_space<vmem>>, vector<120x256xf32>
      %dot_general3A_78 = arith.constant dense<0.000000e+00> : vector<64x256xf32>
      %dot_general3A_79 = tpu.matmul %add3A_74, %get3A_77, %dot_general3A_78 {dimension_numbers = #tpu.dot_dimension_numbers<[1], [0], [0], [1], [0, 0, 1, 1], [], []>, transpose_lhs_hint = false} : vector<64x120xf32>, vector<120x256xf32>, vector<64x256xf32> -> vector<64x256xf32>
      %get3A_80 = arith.constant 0 : index
      %get3A_81 = arith.constant 0 : index
      %get3A_82 = vector.load %arg8[%get3A_80, %get3A_81] : memref<1x256xf32, #tpu.memory_space<vmem>>, vector<1x256xf32>
      %add3A_83 = vector.broadcast %get3A_82 : vector<1x256xf32> to vector<64x256xf32>
      %add3A_84 = arith.addf %dot_general3A_79, %add3A_83 : vector<64x256xf32>
      %ge3A = arith.constant 0.000000e+00 : f32
      %ge3A_85 = vector.broadcast %ge3A : f32 to vector<64x256xf32>
      %ge3A_86 = arith.cmpf oge, %add3A_84, %ge3A_85 : vector<64x256xf32>
      %mul3A_87 = arith.constant 0.229166672 : f32
      %mul3A_88 = vector.broadcast %mul3A_87 : f32 to vector<64x256xf32>
      %mul3A_89 = arith.mulf %add3A_84, %mul3A_88 : vector<64x256xf32>
      %select_n3A = arith.select %ge3A_86, %add3A_84, %mul3A_89 : vector<64x256xi1>, vector<64x256xf32>
      %get3A_90 = arith.constant 0 : index
      %get3A_91 = arith.constant 0 : index
      %get3A_92 = vector.load %arg9[%get3A_90, %get3A_91] : memref<256x120xf32, #tpu.memory_space<vmem>>, vector<256x120xf32>
      %dot_general3A_93 = arith.constant dense<0.000000e+00> : vector<64x120xf32>
      %dot_general3A_94 = tpu.matmul %select_n3A, %get3A_92, %dot_general3A_93 {dimension_numbers = #tpu.dot_dimension_numbers<[1], [0], [0], [1], [0, 0, 1, 1], [], []>, transpose_lhs_hint = false} : vector<64x256xf32>, vector<256x120xf32>, vector<64x120xf32> -> vector<64x120xf32>
      %get3A_95 = arith.constant 0 : index
      %get3A_96 = arith.constant 0 : index
      %get3A_97 = vector.load %arg10[%get3A_95, %get3A_96] : memref<1x120xf32, #tpu.memory_space<vmem>>, vector<1x120xf32>
      %add3A_98 = vector.broadcast %get3A_97 : vector<1x120xf32> to vector<64x120xf32>
      %add3A_99 = arith.addf %dot_general3A_94, %add3A_98 : vector<64x120xf32>
      %swap3A = arith.constant 0 : index
      %swap3A_100 = arith.constant 0 : index
      %swap3A_101 = vector.load %arg11[%swap3A, %swap3A_100] : memref<64x120xf32, #tpu.memory_space<vmem>>, vector<64x120xf32>
      tpu.vector_store %arg11[%swap3A, %swap3A_100], %add3A_99 {strides = array<i32>} : memref<64x120xf32, #tpu.memory_space<vmem>>, vector<64x120xf32>,
    } else {
    }
    return
  }
  func.func @transform_0(%arg0: i32) -> (i32, i32, i32) {
    %c0_i32 = arith.constant 0 : i32
    %c0_i32_0 = arith.constant 0 : i32
    %c0_i32_1 = arith.constant 0 : i32
    return %c0_i32, %arg0, %c0_i32_0 : i32, i32, i32
  }
  func.func @transform_1(%arg0: i32) -> (i32, i32) {
    %c0_i32 = arith.constant 0 : i32
    %c0_i32_0 = arith.constant 0 : i32
    return %arg0, %c0_i32 : i32, i32
  }
  func.func @transform_2(%arg0: i32) -> (i32, i32) {
    %c0_i32 = arith.constant 0 : i32
    %c0_i32_0 = arith.constant 0 : i32
    %c0_i32_1 = arith.constant 0 : i32
    return %c0_i32, %c0_i32_0 : i32, i32
  }
  func.func @transform_3(%arg0: i32) -> (i32, i32) {
    %c0_i32 = arith.constant 0 : i32
    %c0_i32_0 = arith.constant 0 : i32
    %c0_i32_1 = arith.constant 0 : i32
    return %c0_i32, %c0_i32_0 : i32, i32
  }
  func.func @transform_4(%arg0: i32) -> (i32, i32) {
    %c0_i32 = arith.constant 0 : i32
    %c0_i32_0 = arith.constant 0 : i32
    %c0_i32_1 = arith.constant 0 : i32
    return %c0_i32, %c0_i32_0 : i32, i32
  }
  func.func @transform_5(%arg0: i32) -> (i32, i32) {
    %c0_i32 = arith.constant 0 : i32
    %c0_i32_0 = arith.constant 0 : i32
    %c0_i32_1 = arith.constant 0 : i32
    return %c0_i32, %c0_i32_0 : i32, i32
  }
  func.func @transform_6(%arg0: i32) -> (i32, i32) {
    %c0_i32 = arith.constant 0 : i32
    %c0_i32_0 = arith.constant 0 : i32
    %c0_i32_1 = arith.constant 0 : i32
    return %c0_i32, %c0_i32_0 : i32, i32
  }
  func.func @transform_7(%arg0: i32) -> (i32, i32) {
    %c0_i32 = arith.constant 0 : i32
    %c0_i32_0 = arith.constant 0 : i32
    %c0_i32_1 = arith.constant 0 : i32
    return %c0_i32, %c0_i32_0 : i32, i32
  }
  func.func @transform_8(%arg0: i32) -> (i32, i32) {
    %c0_i32 = arith.constant 0 : i32
    %c0_i32_0 = arith.constant 0 : i32
    %c0_i32_1 = arith.constant 0 : i32
    return %c0_i32, %c0_i32_0 : i32, i32
  }
  func.func @transform_9(%arg0: i32) -> (i32, i32) {
    %c0_i32 = arith.constant 0 : i32
    %c0_i32_0 = arith.constant 0 : i32
    %c0_i32_1 = arith.constant 0 : i32
    return %c0_i32, %c0_i32_0 : i32, i32
  }
  func.func @transform_10(%arg0: i32) -> (i32, i32) {
    %c0_i32 = arith.constant 0 : i32
    %c0_i32_0 = arith.constant 0 : i32
    %c0_i32_1 = arith.constant 0 : i32
    return %c0_i32, %c0_i32_0 : i32, i32
  }
}

</mosaic_0001>

<sc_bundles>
// kernel: kernel.13.cloned.1.call-start
scs
__scs_entry_jumppad:
0x0: {  	(pc) =	sbr.rel $0x88, $3  }
0x1: {  	(tag) =	ssettag $0x0;
	lr =	simm.s32 $0x1  }
0x2: {  	[smem:$0x3F82] =	sst lr;
	_ =	strace $0xD0000000  }
0x3: {  	_ = 	snop  }
0x4: {  	_ = 	snop  }
0x5: {  	_ = 	snop  }
0x6: {  	_ = 	snop  }
0x7: {  	_ = 	snop  }
__scs_overlays_trampoline_lowered:
0x8: {  	[smem:$0x3F91] =	sst s0  }
0x9: {  	[smem:$0x3F92] =	sst s1  }
0xa: {  	[smem:$0x3F93] =	sst s2  }
0xb: {  	[smem:$0x3F94] =	sst s3  }
0xc: {  	[smem:$0x3F95] =	sst s4  }
0xd: {  	[smem:$0x3F96] =	sst s5  }
0xe: {  	[smem:$0x3F97] =	sst s6  }
0xf: {  	[smem:$0x3F98] =	sst s7  }
0x10: {  	[smem:$0x3F99] =	sst s8  }
0x11: {  	[smem:$0x3F9A] =	sst s9;
	s0 =	simm.s32 @!p0 $0x0  }
0x12: {  	s1 =	sld [smem:$0x3F80];
	s0 =	simm.s32 @p0 $0x1  }
0x13: {  	[smem:$0x3F9B] =	sst s0;
	s0 =	simm.s32 @!p1 $0x0  }
0x14: {  	s2 =	sld [smem:$0x3F7F];
	s0 =	simm.s32 @p1 $0x1  }
0x15: {  	[smem:$0x3F9C] =	sst s0;
	s0 =	simm.s32 @!p2 $0x0  }
0x16: {  	s3 =	sld [smem:$0x3FDB];
	s0 =	simm.s32 @p2 $0x1  }
0x17: {  	s4 =	simm.s32 $0x1BF5;
	[smem:$0x3F9E] =	sst s0  }
0x18: {  	s0 =	sld [smem:$0x3F81];
	_ =	swait.ge [sflag:s4], $0x0  }
0x19: {  	s7 =	sld [smem:$0x3F82]  }
0x1a: {  	s8 =	sadd.s32 $0xFFFFE003, lr  }
0x1b: {  	s9 =	sadd.s32 $0xFFFFFEF7, lr;
	s5 =	simm.s32 $0xFFFFFFFF;
	p2 =	slt.u32 s8, $0xFFFFF086  }
0x1c: {  	p1 =	slt.u32 s9, $0xF7A;
	s5 =	simm.s32 @!p2 $0x0  }
0x1d: {  	s5 =	simm.s32 @p1 $0x1;
	p0 =	seq.s32 s7, s2  }
0x1e: {  	s7 =	smul.u32 @!p0 $0xF7A, s2;
	p2 =	seq.s32 @!p0 s5, $0x0  }
0x1f: {  	s9 =	smul.u32 $0xF7A, s1;
	s8 =	simm.s32 @!p0 $0x1BF5;
	p2 =	por !p2, p0  }
0x20: {  	[sflag:s8] =	ssyncset.s32 @!p0 $0xFFFFF086;
	s6 =	sadd.s32 @!p0 s3, s7;
	s7 =	simm.s32 @!p0 $0x108  }
0x21: {  	s3 =	sadd.s32 s3, s9;
	s6 =	sadd.s32 @!p0 $0x88, s6;
	s7 =	simm.s32 @p2 $0x1082  }
0x22: {  	[simem:s7], [sflag:s8] =	dma.local @!p0 [hbm:s6], $0xF7A  }
0x23: {  	s9 =	sor.u32 $0xD0000000, s2;
	s6 =	simm.s32 $0x108;
	_ =	swait.ge @!p0 [sflag:s8], $0x0  }
0x24: {  	s3 =	sadd.s32 $0x88, s3;
	s6 =	simm.s32 @!p1 $0x1082;
	[sflag:s4] =	ssyncset.s32 $0xFFFFF086  }
0x25: {  	[simem:s6], [sflag:s4] =	dma.local [hbm:s3], $0xF7A  }
0x26: {  	[smem:$0x3F82] =	sst s1;
	(tag) =	ssettag s2;
	_ =	strace s9  }
0x27: {  	s1 =	sld [smem:$0x3F92]  }
0x28: {  	s2 =	sld [smem:$0x3F93]  }
0x29: {  	s4 =	sld [smem:$0x3F95]  }
0x2a: {  	p0 =	seq.s32 s5, $0x0;
	s5 =	sld [smem:$0x3F96]  }
0x2b: {  	s6 =	sld [smem:$0x3F97]  }
0x2c: {  	s7 =	sld [smem:$0x3F98]  }
0x2d: {  	s3 =	simm.s32 $0x108;
	s8 =	sld [smem:$0x3F99]  }
0x2e: {  	s3 =	simm.s32 @!p0 $0x1082;
	s9 =	sld [smem:$0x3F9A]  }
0x2f: {  	lr =	sadd.s32 s0, s3;
	s0 =	sld [smem:$0x3F91]  }
0x30: {  	s3 =	sld [smem:$0x3F94]  }
0x31: {  	[smem:$0x3F9D] =	sst s10  }
0x32: {  	s10 =	sld [smem:$0x3F9B];
	_ =	sdelay $0x3  }
0x33: {  	p0 =	seq.s32 s10, $0x1;
	s10 =	sld [smem:$0x3F9D];
	_ =	sdelay $0x3  }
0x34: {  	[smem:$0x3F9D] =	sst s10  }
0x35: {  	s10 =	sld [smem:$0x3F9C];
	_ =	sdelay $0x3  }
0x36: {  	p1 =	seq.s32 s10, $0x1;
	s10 =	sld [smem:$0x3F9D];
	_ =	sdelay $0x3  }
0x37: {  	[smem:$0x3F9D] =	sst s10  }
0x38: {  	s10 =	sld [smem:$0x3F9E]  }
0x39: {  	_ = 	snop;
	(pc) =	sbr.ind lr, $3  }
0x3a: {  	_ = 	snop  }
0x3b: {  	_ = 	snop  }
0x3c: {  	p2 =	seq.s32 s10, $0x1;
	s10 =	sld [smem:$0x3F9D]  }
0x3d: {  	_ =	shalt  }
0x3e: {  	_ =	shalt  }
0x3f: {  	_ =	shalt  }
0x40: {  	_ =	shalt  }
0x41: {  	_ =	shalt  }
0x42: {  	_ =	shalt  }
0x43: {  	_ =	shalt  }
0x44: {  	_ =	shalt  }
0x45: {  	_ =	shalt  }
0x46: {  	_ =	shalt  }
0x47: {  	_ =	shalt  }
0x48: {  	_ =	shalt  }
0x49: {  	_ =	shalt  }
0x4a: {  	_ =	shalt  }
0x4b: {  	_ =	shalt  }
0x4c: {  	_ =	shalt  }
0x4d: {  	_ =	shalt  }
0x4e: {  	_ =	shalt  }
0x4f: {  	_ =	shalt  }
0x50: {  	_ =	shalt  }
0x51: {  	_ =	shalt  }
0x52: {  	_ =	shalt  }
0x53: {  	_ =	shalt  }
0x54: {  	_ =	shalt  }
0x55: {  	_ =	shalt  }
0x56: {  	_ =	shalt  }
0x57: {  	_ =	shalt  }
0x58: {  	_ =	shalt  }
0x59: {  	_ =	shalt  }
0x5a: {  	_ =	shalt  }
0x5b: {  	_ =	shalt  }
0x5c: {  	_ =	shalt  }
0x5d: {  	_ =	shalt  }
0x5e: {  	_ =	shalt  }
0x5f: {  	_ =	shalt  }
0x60: {  	_ =	shalt  }
0x61: {  	_ =	shalt  }
0x62: {  	_ =	shalt  }
0x63: {  	_ =	shalt  }
0x64: {  	_ =	shalt  }
0x65: {  	_ =	shalt  }
0x66: {  	_ =	shalt  }
0x67: {  	_ =	shalt  }
0x68: {  	_ =	shalt  }
0x69: {  	_ =	shalt  }
0x6a: {  	_ =	shalt  }
0x6b: {  	_ =	shalt  }
0x6c: {  	_ =	shalt  }
0x6d: {  	_ =	shalt  }
0x6e: {  	_ =	shalt  }
0x6f: {  	_ =	shalt  }
0x70: {  	_ =	shalt  }
0x71: {  	_ =	shalt  }
0x72: {  	_ =	shalt  }
0x73: {  	_ =	shalt  }
0x74: {  	_ =	shalt  }
0x75: {  	_ =	shalt  }
0x76: {  	_ =	shalt  }
0x77: {  	_ =	shalt  }
0x78: {  	_ =	shalt  }
0x79: {  	_ =	shalt  }
0x7a: {  	_ =	shalt  }
0x7b: {  	_ =	shalt  }
0x7c: {  	_ =	shalt  }
0x7d: {  	_ =	shalt  }
0x7e: {  	_ =	shalt  }
0x7f: {  	_ =	shalt  }
0x80: {  	_ =	shalt  }
0x81: {  	_ =	shalt  }
0x82: {  	_ =	shalt  }
0x83: {  	_ =	shalt  }
0x84: {  	_ =	shalt  }
0x85: {  	_ =	shalt  }
0x86: {  	_ =	shalt  }
0x87: {  	_ =	shalt  }
.Lfunc_end0:
.L_simem_size_0:
called_computation_lowered:
.L_overlay_start_0:
0x88: {  	s2 =	sld [smem:$0x3FD9]  }
0x89: {  	s3 =	sld [smem:$0x3FFE];
	_ =	sdelay $0x1  }
0x8a: {  	s1 =	srdreg.scid  }
0x8b: {  	s0 =	sand.u32 $0x1, s1  }
0x8c: {  	s17 =	sshll.u32 s0, $0xA;
	s2 =	sadd.s32 s3, s2  }
0x8d: {  	s2 =	sadd.s32 s2, s17  }
0x8e: {  	[smem:$0x3FA9] =	sst s2  }
0x8f: {  	_ = 	snop  }
0x90: {  	s2 =	sld [smem:$0x3FC9];
	(tm) =	ssettm $0x1  }
0x91: {  	s18 =	sld [smem:$0x3FFB];
	_ =	sdelay $0x3  }
0x92: {  	_ =	strace s18  }
0x93: {  	s3 =	sld [smem:$0x3FFC];
	_ =	sdelay $0x3  }
0x94: {  	_ =	strace s3  }
0x95: {  	s3 =	sld [smem:$0x3FFD];
	_ =	sdelay $0x3  }
0x96: {  	_ =	strace s3  }
0x97: {  	_ =	strace $0x8FFFFFFF  }
0x98: {  	s19 =	sld [smem:$0x3FDB];
	_ =	sdelay $0x1  }
0x99: {  	s4 =	simm.s32 $_scs_section_size  }
0x9a: {  	s5 =	simm.s32 $_size__tile_overlayer_lowered;
	s6 =	simm.s32 $_tile_overlayer_lowered  }
0x9b: {  	s22 =	simm.s32 $0x1BFF;
	s21 =	sshll.u32 s6, $0x1;
	s3 =	sadd.s32 s4, s19  }
0x9c: {  	s7 =	simm.s32 $0x0;
	s20 =	sshll.u32 s5, $0x1;
	s5 =	sadd.s32 s21, s3  }
0x9d: {  	[timem:s7], [sflag:s22] =	dma.local [hbm:s5], s20  }
0x9e: {  	_ =	swait.ge [sflag:s22], s20  }
0x9f: {  	s4 =	ssub.s32 $0x0, s20;
	[sflag:s22] =	ssyncset.done $0x0  }
0xa0: {  	[sflag:s22] =	ssyncadd.s32 s4;
	_ =	sdelay $0x1  }
0xa1: {  	s23 =	simm.s32 $0x1B8B  }
0xa2: {  	_ =	swait.ge [sflag:s23], $0x1  }
0xa3: {  	[sflag:s23] =	ssyncset.done $0x0  }
0xa4: {  	s25 =	simm.s32 $0x1B8E;
	s24 =	sld [smem:$0x3FFE];
	[sflag:s23] =	ssyncadd.s32 $0xFFFFFFFF  }
0xa5: {  	s26 =	simm.s32 $execute0_lowered;
	[smem:$0x3FD2] =	sst s25  }
0xa6: {  	s5 =	sshll.u32 s26, $0x1;
	_ =	strace $0x80000046;
	[dreg:$0x1] =	wrdreg $0xFFFFFFFF  }
0xa7: {  	s28 =	simm.s32 $_size_execute0_lowered;
	s3 =	sadd.s32 s3, s5;
	[dreg:$0x0] =	wrdreg $0x0  }
0xa8: {  	s5 =	sshll.u32 s28, $0x1;
	[dreg:$0x2] =	wrdreg s3  }
0xa9: {  	[dreg:$0x3] =	wrdreg s5  }
0xaa: {  	[dreg:$0x4] =	wrdreg $0xC0  }
0xab: {  	_ =	task [dreg:s7], $0x5FFFF  }
0xac: {  	[dreg:$0x1] =	wrdreg $0xFFFFFFFF  }
0xad: {  	[dreg:$0x0] =	wrdreg $0x60  }
0xae: {  	[dreg:$0x2] =	wrdreg s2  }
0xaf: {  	[dreg:$0x3] =	wrdreg s24  }
0xb0: {  	[dreg:$0x4] =	wrdreg $0x90000  }
0xb1: {  	[dreg:$0x5] =	wrdreg $0x9  }
0xb2: {  	_ =	task.clear_ibuf [dreg:s7], $0x6FFFF;
	_ =	strace $0x90000046  }
0xb3: {  	s29 =	simm.s32 $0x9;
	_ =	strace $0x80000048  }
0xb4: {  	_ =	swait.ge [sflag:s29], $0x1  }
0xb5: {  	[sflag:s29] =	ssyncadd.s32 $0xFFFFFFFF  }
0xb6: {  	_ =	strace $0x90000048  }
0xb7: {  	_ =	sfence  }
0xb8: {  	s30 =	sld [smem:$0x0];
	_ =	sdelay $0x2  }
0xb9: {  	s31 =	sshll.u32 s1, $0xD;
	s1 =	sshrl.u32 s1, $0x2  }
0xba: {  	s3 =	sand.u32 $0x4000, s31;
	s1 =	sadd.s32 s1, s30  }
0xbb: {  	s0 =	sor.u32 s3, s0;
	s1 =	sshll.u32 s1, $0x11  }
0xbc: {  	s0 =	sor.u32 s1, s0  }
0xbd: {  	s0 =	sadd.s32 $0x8F2B, s0  }
0xbe: {  	[sflag:s0] =	ssyncadd.remote.s32 $0x1  }
0xbf: {  	_ =	sfence.sel $0xFFFF  }
0xc0: {  	[dreg:$0x0] =	wrdreg $0xFFFFFFFF;
	(pc) =	sbr.abs _section_cstart, $3  }
0xc1: {  	[dreg:$0x1] =	wrdreg $0xFFFFFFFF  }
0xc2: {  	_ =	task.clear_ibuf [dreg:s7], $0x2FFFF;
	_ =	strace $0x9FFFFFFF  }
0xc3: {  	(tm) =	ssettm $0x7FFFFFFF  }
tec
execute0_lowered:
.L_overlay_start_1:
0x0: {  	(tag) =	ssettag $0x1  }
0x1: {  	s1 =	rddreg [dreg:$0x0]  }
0x2: {  	s0 =	rddreg [dreg:$0x1]  }
0x3: {  	s3 =	rddreg [dreg:$0x2]  }
0x4: {  	s4 =	simm.s32 $0x0;
	s2 =	srdreg.scid;
	s11 =	stileid.u32  }
0x5: {  	s28 =	simm.s32 $0x3000;
	s29 =	simm.s32 $0x100;
	s30 =	simm.s32 $0x5000  }
0x6: {  	s31 =	simm.s32 $0x0;
	[smem:$0x7FF] =	sst s4;
	s2 =	sand.u32 $0x1, s2  }
0x7: {  	s18 =	smul.u32 $0x50000, s11;
	s5 =	sadd.s32 $0x8A00, s0;
	s6 =	sadd.s32 $0x1CA00, s0  }
0x8: {  	s0 =	sadd.s32 $0x30A00, s0;
	s24 =	smul.u32 $0x13800, s11;
	s7 =	ssub.s32 $0x2, s2  }
0x9: {  	s10 =	smul.u32 $0x5000, s11;
	s8 =	sshrl.u32 s7, $0x1;
	s4 =	sshrl.u32 s18, $0x2  }
0xa: {  	p0 =	seq.s32 s11, $0xF;
	s8 =	ssub.s32 s7, s8;
	s7 =	sadd.s32 s4, s3  }
0xb: {  	_ =	strace $0x80000047;
	s20 =	smul.u32 $0x50000, s2;
	s4 =	sadd.s32 $0x2000, s7  }
0xc: {  	s2 =	smul.u32 $0x138800, s2;
	s19 =	sadd.s32 $0x4000, s7;
	[dreg:$0x4] =	wrdreg s4  }
0xd: {  	s17 =	sadd.s32 s10, s20;
	s9 =	sadd.s32 $0x6000, s7;
	[dreg:$0x5] =	wrdreg s19  }
0xe: {  	s21 =	sadd.s32 $0x8000, s7;
	s22 =	sadd.s32 $0xA000, s7;
	[dreg:$0x6] =	wrdreg s9  }
0xf: {  	s23 =	sadd.s32 $0xC000, s7;
	s14 =	sadd.s32 $0xE000, s7;
	[dreg:$0x7] =	wrdreg s21  }
0x10: {  	s15 =	sadd.s32 $0x10000, s7;
	s16 =	sadd.s32 $0x12000, s7;
	[dreg:$0x8] =	wrdreg s22  }
0x11: {  	s20 =	smax.u32 s8, $0x1;
	[dreg:$0x9] =	wrdreg s23;
	s9 =	sadd.s32 s24, s2  }
0x12: {  	s19 =	smul.u32 $0x4E000, s11;
	s2 =	sshrl.u32 s2, $0x3;
	s21 =	simm.s32 $0x1000  }
0x13: {  	s22 =	simm.s32 $0x5;
	s23 =	simm.s32 $0x40;
	s25 =	sshrl.u32 s9, $0x3  }
0x14: {  	s18 =	sadd.s32 s0, s25;
	s26 =	sshrl.u32 s19, $0x2;
	s0 =	sadd.s32 s0, s2  }
0x15: {  	s2 =	sadd.s32 s26, s3;
	s19 =	sadd.s32 $0x24900, s0;
	s0 =	sadd.s32 $0x124800, s3  }
0x16: {  	v0 =	vimm.f32 $0.0e+00;
	s26 =	simm.s32 $0x80;
	s24 =	sshrl.u32 @p0 s0, $0x3;
	s25 =	sshrl.u32 @!p0 s2, $0x3  }
.LBB2_1:
0x17: {  	s2 =	simm.s32 $0x0  }
0x18: {  	s0 =	sand.u32 $0x7E00, s2  }
0x19: {  	s2 =	sand.u32 $0x70, s2;
	s4 =	sshrl.u32 s0, $0x2  }
0x1a: {  	s0 =	simm.s32 $0x40;
	s4 =	sor.u32 s2, s4;
	s2 =	simm.s32 $0x0  }
.LBB2_2:
0x1b: {  	p1 =	sne.s32 s0, $0x7FC0  }
0x1c: {  	[tilespmem:s4+$0x1000] =	vst v0;
	s2 =	sadd.s32 $0x10, s2;
	s4 =	smov.u32 s0;
	s0 =	sadd.s32 $0x40, s0  }
.Ltmp0:
0x1d: {  	(pc) =	sbr.rel @p1 .LBB2_2-.Ltmp0, $4  }
0x1e: {  	_ = 	snop  }
0x1f: {  	s4 =	sand.u32 $0x7E00, s4  }
0x20: {  	s8 =	sand.u32 $0x70, s2;
	s4 =	sshrl.u32 s4, $0x2  }
0x21: {  	s4 =	sor.u32 s8, s4  }
0x22: {  	[tilespmem:s4+$0x1000] =	vst v0  }
0x23: {  	[spmem:s7] =	stream.linear.scatter [tilespmem:s21], [sflag:$0x5], $0x2000, $0x38;
	[tilespmem:$0x1D000] =	vst v63  }
0x24: {  	_ =	swait.ge [sflag:s22], $0x2000  }
0x25: {  	[sflag:s22] =	ssyncset.done $0x0  }
0x26: {  	s0 =	rddreg [dreg:$0x4];
	[sflag:s22] =	ssyncadd.s32 $0xFFFFE000  }
0x27: {  	[spmem:s0] =	stream.linear.scatter [tilespmem:s21], [sflag:$0x5], $0x2000, $0x38;
	[tilespmem:$0x1D000] =	vst v63  }
0x28: {  	_ =	swait.ge [sflag:s22], $0x2000  }
0x29: {  	[sflag:s22] =	ssyncset.done $0x0  }
0x2a: {  	s9 =	rddreg [dreg:$0x5];
	[sflag:s22] =	ssyncadd.s32 $0xFFFFE000  }
0x2b: {  	[spmem:s9] =	stream.linear.scatter [tilespmem:s21], [sflag:$0x5], $0x2000, $0x38;
	[tilespmem:$0x1D000] =	vst v63  }
0x2c: {  	_ =	swait.ge [sflag:s22], $0x2000  }
0x2d: {  	[sflag:s22] =	ssyncset.done $0x0  }
0x2e: {  	s10 =	rddreg [dreg:$0x6];
	[sflag:s22] =	ssyncadd.s32 $0xFFFFE000  }
0x2f: {  	[spmem:s10] =	stream.linear.scatter [tilespmem:s21], [sflag:$0x5], $0x2000, $0x38;
	[tilespmem:$0x1D000] =	vst v63  }
0x30: {  	_ =	swait.ge [sflag:s22], $0x2000  }
0x31: {  	[sflag:s22] =	ssyncset.done $0x0  }
0x32: {  	s11 =	rddreg [dreg:$0x7];
	[sflag:s22] =	ssyncadd.s32 $0xFFFFE000  }
0x33: {  	[spmem:s11] =	stream.linear.scatter [tilespmem:s21], [sflag:$0x5], $0x2000, $0x38;
	[tilespmem:$0x1D000] =	vst v63  }
0x34: {  	_ =	swait.ge [sflag:s22], $0x2000  }
0x35: {  	[sflag:s22] =	ssyncset.done $0x0  }
0x36: {  	s12 =	rddreg [dreg:$0x8];
	[sflag:s22] =	ssyncadd.s32 $0xFFFFE000  }
0x37: {  	[spmem:s12] =	stream.linear.scatter [tilespmem:s21], [sflag:$0x5], $0x2000, $0x38;
	[tilespmem:$0x1D000] =	vst v63  }
0x38: {  	_ =	swait.ge [sflag:s22], $0x2000  }
0x39: {  	[sflag:s22] =	ssyncset.done $0x0  }
0x3a: {  	s13 =	rddreg [dreg:$0x9];
	[sflag:s22] =	ssyncadd.s32 $0xFFFFE000  }
0x3b: {  	[spmem:s13] =	stream.linear.scatter [tilespmem:s21], [sflag:$0x5], $0x2000, $0x38;
	[tilespmem:$0x1D000] =	vst v63  }
0x3c: {  	_ =	swait.ge [sflag:s22], $0x2000  }
0x3d: {  	[sflag:s22] =	ssyncset.done $0x0  }
0x3e: {  	[sflag:s22] =	ssyncadd.s32 $0xFFFFE000  }
0x3f: {  	[spmem:s14] =	stream.linear.scatter [tilespmem:s21], [sflag:$0x5], $0x2000, $0x38;
	[tilespmem:$0x1D000] =	vst v63  }
0x40: {  	_ =	swait.ge [sflag:s22], $0x2000  }
0x41: {  	[sflag:s22] =	ssyncset.done $0x0  }
0x42: {  	[sflag:s22] =	ssyncadd.s32 $0xFFFFE000  }
0x43: {  	[spmem:s15] =	stream.linear.scatter [tilespmem:s21], [sflag:$0x5], $0x2000, $0x38;
	[tilespmem:$0x1D000] =	vst v63  }
0x44: {  	_ =	swait.ge [sflag:s22], $0x2000  }
0x45: {  	[sflag:s22] =	ssyncset.done $0x0  }
0x46: {  	[sflag:s22] =	ssyncadd.s32 $0xFFFFE000  }
0x47: {  	[spmem:s16] =	stream.linear.scatter [tilespmem:s21], [sflag:$0x5], $0x2000, $0x38;
	[tilespmem:$0x1D000] =	vst v63  }
0x48: {  	_ =	swait.ge [sflag:s22], $0x2000  }
0x49: {  	[sflag:s22] =	ssyncset.done $0x0  }
0x4a: {  	[sflag:s22] =	ssyncadd.s32 $0xFFFFE000  }
0x4b: {  	s2 =	simm.s32 $0x0;
	s0 =	simm.s32 $0x0;
	[bflag:$0x0] =	sbarrier.arrive $0xFFFF  }
.LBB2_4:
0x4c: {  	s4 =	sshll.u32 s2, $0xB  }
0x4d: {  	s4 =	sadd.s32 s4, s17  }
0x4e: {  	s4 =	sshrl.u32 s4, $0x3  }
0x4f: {  	s8 =	sadd.s32 s5, s4  }
0x50: {  	[tilespmem:s0], [sflag:$0x5] =	stream.linear.gather [hbm4b:s8+s0], $0x800, $0x38;
	[tilespmem:$0x1D000] =	vst v63  }
0x51: {  	_ =	swait.ge [sflag:s22], $0x800  }
0x52: {  	[sflag:s22] =	ssyncset.done $0x0  }
0x53: {  	s13 =	sadd.s32 s6, s4;
	s4 =	simm.s32 $0x800;
	[sflag:s22] =	ssyncadd.s32 $0xFFFFF800  }
0x54: {  	[tilespmem:s4], [sflag:$0x5] =	stream.linear.gather [hbm4b:s13+s0], $0x800, $0x38;
	[tilespmem:$0x1D000] =	vst v63  }
0x55: {  	_ =	swait.ge [sflag:s22], $0x800  }
0x56: {  	[sflag:s22] =	ssyncset.done $0x0  }
0x57: {  	[sflag:s22] =	ssyncadd.s32 $0xFFFFF800  }
0x58: {  	[tilespmem:s21], [sflag:$0x1] =	stream.indirect.gather [hbm4b:s1+s23], $0x80, s0, s23, $0xb8;
	[tilespmem:$0x1D000] =	vst v63  }
0x59: {  	_ = 	snop  }
0x5a: {  	[tilespmem:s28], [sflag:$0x2] =	stream.indirect.gather [hbm4b:s1+s23], $0x80, s26, s23, $0xb8;
	[tilespmem:$0x1D000] =	vst v63  }
0x5b: {  	s9 =	simm.s32 $0x0;
	s8 =	simm.s32 $0x180  }
0x5c: {  	[tilespmem:s30], [sflag:$0x3] =	stream.indirect.gather [hbm4b:s1+s23], $0x80, s29, s23, $0xb8;
	[tilespmem:$0x1D000] =	vst v63  }
.LBB2_5:
0x5d: {  	s10 =	sand.u32 $0x3, s9  }
0x5e: {  	p1 =	sgt.s32 s10, $0x1  }
0x5f: {  	p3 =	seq.s32 @p1 s10, $0x2  }
0x60: {  	p2 =	por !p3, !p1  }
0x61: {  	p4 =	sgt.u32 @!p2 s9, $0xC;
	s11 =	simm.s32 @!p2 $0x3  }
0x62: {  	_ =	swait.ge @!p2 [sflag:s11], $0x2000;
	p4 =	por @p1 p4, !p3  }
0x63: {  	[sflag:s11] =	ssyncset.done @!p2 $0x0;
	p4 =	por p4, !p1  }
0x64: {  	[sflag:s11] =	ssyncadd.s32 @!p2 $0xFFFFE000;
	s11 =	simm.s32 @!p4 $0x40;
	s12 =	simm.s32 @!p4 $0x3000  }
0x65: {  	[tilespmem:s12], [sflag:$0x2] =	stream.indirect.gather @!p4 [hbm4b:s1+s11], $0x80, s8, s11, $0xb8;
	[tilespmem:$0x1D000] =	vst v63  }
0x66: {  	s11 =	simm.s32 @!p2 $0x40;
	s12 =	simm.s32 @!p2 $0x5000;
	p4 =	por p3, !p1  }
0x67: {  	[spmem:s3] =	stream.indirect.scatter.add.f32 @!p2 [tilespmem:s12], [sflag:$0x6], $0x80, s4, s11, $0xb8;
	[tilespmem:$0x1D000] =	vst v63  }
0x68: {  	p5 =	sgt.u32 @!p4 s9, $0xC;
	s11 =	simm.s32 @!p4 $0x4  }
0x69: {  	p3 =	por @p1 p5, p3;
	_ =	swait.ge @!p4 [sflag:s11], $0x2000  }
0x6a: {  	p3 =	por p3, !p1;
	[sflag:s11] =	ssyncset.done @!p4 $0x0  }
0x6b: {  	s12 =	simm.s32 @!p3 $0x5000;
	[sflag:s11] =	ssyncadd.s32 @!p4 $0xFFFFE000;
	s11 =	simm.s32 @!p3 $0x40  }
0x6c: {  	[tilespmem:s12], [sflag:$0x3] =	stream.indirect.gather @!p3 [hbm4b:s1+s11], $0x80, s8, s11, $0xb8;
	[tilespmem:$0x1D000] =	vst v63  }
0x6d: {  	s11 =	simm.s32 @!p4 $0x40;
	s12 =	simm.s32 @!p4 $0x7000  }
0x6e: {  	[spmem:s3] =	stream.indirect.scatter.add.f32 @!p4 [tilespmem:s12], [sflag:$0x5], $0x80, s4, s11, $0xb8;
	[tilespmem:$0x1D000] =	vst v63  }
0x6f: {  	p4 =	seq.s32 @!p1 s10, $0x0  }
0x70: {  	p3 =	por !p4, p1  }
0x71: {  	p5 =	sgt.u32 @!p3 s9, $0xC;
	s10 =	simm.s32 @!p3 $0x1  }
0x72: {  	_ =	swait.ge @!p3 [sflag:s10], $0x2000;
	p5 =	por @!p1 p5, !p4  }
0x73: {  	[sflag:s10] =	ssyncset.done @!p3 $0x0;
	p5 =	por p5, p1  }
0x74: {  	[sflag:s10] =	ssyncadd.s32 @!p3 $0xFFFFE000;
	s10 =	simm.s32 @!p5 $0x40;
	s11 =	simm.s32 @!p5 $0x7000  }
0x75: {  	[tilespmem:s11], [sflag:$0x4] =	stream.indirect.gather @!p5 [hbm4b:s1+s10], $0x80, s8, s10, $0xb8;
	[tilespmem:$0x1D000] =	vst v63  }
0x76: {  	s10 =	simm.s32 @!p3 $0x40;
	s11 =	simm.s32 @!p3 $0x1000;
	p5 =	por p4, p1  }
0x77: {  	[spmem:s3] =	stream.indirect.scatter.add.f32 @!p3 [tilespmem:s11], [sflag:$0x6], $0x80, s4, s10, $0xb8;
	[tilespmem:$0x1D000] =	vst v63  }
0x78: {  	p6 =	sgt.u32 @!p5 s9, $0xC;
	s10 =	simm.s32 @!p5 $0x2  }
0x79: {  	p4 =	por @!p1 p6, p4;
	_ =	swait.ge @!p5 [sflag:s10], $0x2000  }
0x7a: {  	p4 =	por p4, p1;
	[sflag:s10] =	ssyncset.done @!p5 $0x0  }
0x7b: {  	s12 =	simm.s32 @!p4 $0x1000;
	[sflag:s10] =	ssyncadd.s32 @!p5 $0xFFFFE000;
	s10 =	simm.s32 @!p4 $0x40  }
0x7c: {  	[tilespmem:s12], [sflag:$0x1] =	stream.indirect.gather @!p4 [hbm4b:s1+s10], $0x80, s8, s10, $0xb8;
	[tilespmem:$0x1D000] =	vst v63  }
0x7d: {  	s11 =	simm.s32 @!p2 $0x6;
	s10 =	simm.s32 @!p3 $0x6  }
0x7e: {  	s9 =	sadd.s32 $0x1, s9;
	s11 =	simm.s32 @p2 $0x5;
	s10 =	simm.s32 @p3 $0x6  }
0x7f: {  	s10 =	smov.u32 @p1 s11;
	p1 =	sne.s32 s9, $0x10  }
.Ltmp1:
0x80: {  	s13 =	simm.s32 @!p5 $0x3000;
	s12 =	simm.s32 @!p5 $0x40;
	(pc) =	sbr.rel @p1 .LBB2_5-.Ltmp1, $4  }
0x81: {  	[spmem:s3] =	stream.indirect.scatter.add.f32 @!p5 [tilespmem:s13], [sflag:$0x6], $0x80, s4, s12, $0xb8;
	[tilespmem:$0x1D000] =	vst v63  }
0x82: {  	_ =	swait.ge [sflag:s10], $0x2000  }
0x83: {  	[sflag:s10] =	ssyncset.done $0x0  }
0x84: {  	s8 =	sadd.s32 $0x80, s8;
	s4 =	sadd.s32 $0x80, s4;
	[sflag:s10] =	ssyncadd.s32 $0xFFFFE000  }
0x85: {  	s2 =	sadd.s32 $0x1, s2  }
0x86: {  	p1 =	sne.s32 s2, $0xA  }
.Ltmp2:
0x87: {  	_ = 	snop;
	(pc) =	sbr.rel @p1 .LBB2_4-.Ltmp2, $1  }
0x88: {  	_ =	sdelay $0x3  }
0x89: {  	[bflag:$0x0] =	sbarrier.arrive $0xFFFF;
	s0 =	simm.s32 @p0 $0x1FC5  }
0x8a: {  	[hbm:s19], [sflag:s0] =	dma.local @p0 [spmem:s24], $0x2800  }
0x8b: {  	s0 =	simm.s32 @p0 $0x5  }
0x8c: {  	s2 =	stileid.u32;
	_ =	swait.ge @p0 [sflag:s0], $0x2800  }
0x8d: {  	s31 =	sadd.s32 $0x1, s31;
	s2 =	sshll.u32 @!p0 s2, $0x6;
	[sflag:s0] =	ssyncset.done @p0 $0x0  }
0x8e: {  	p1 =	sne.s32 s31, s20;
	[sflag:s0] =	ssyncadd.s32 @p0 $0xFFFFD800;
	s0 =	sor.u32 @!p0 $0x1C05, s2  }
0x8f: {  	[hbm:s18], [sflag:s0] =	dma.local @!p0 [spmem:s25], $0x2700  }
.Ltmp3:
0x90: {  	_ = 	snop;
	(pc) =	sbr.rel @p1 .LBB2_1-.Ltmp3, $4  }
0x91: {  	s0 =	simm.s32 @!p0 $0x5  }
0x92: {  	_ =	swait.ge @!p0 [sflag:s0], $0x2700  }
0x93: {  	[sflag:s0] =	ssyncset.done @!p0 $0x0  }
0x94: {  	[sflag:s0] =	ssyncadd.s32 @!p0 $0xFFFFD900  }
0x95: {  	_ =	sfence.sel $0x180000  }
0x96: {  	[bflag:$0x0] =	sbarrier.arrive $0xFFFF  }
0x97: {  	_ =	strace $0x90000047  }
0x98: {  	s0 =	stileid.u32;
	[bflag:$0x2] =	sbarrier.arrive $0xFFFF  }
0x99: {  	p0 =	sne.s32 s0, $0x0;
	s0 =	rddreg [dreg:$0x3]  }
0x9a: {  	s0 =	sadd.s32 @!p0 $0x100000, s0  }
0x9b: {  	[sflag:s0] =	ssyncadd.tile.s32 @!p0 $0x1;
	_ =	shalt  }
.Lfunc_end2:
_tile_overlayer_lowered:
.L_overlay_start_2:
0x9c: {  	(tag) =	ssettag $0x2  }
0x9d: {  	s0 =	rddreg [dreg:$0x0];
	s2 =	stileid.u32  }
0x9e: {  	s1 =	rddreg [dreg:$0x1];
	p0 =	sne.s32 s2, $0x0  }
0x9f: {  	s3 =	rddreg [dreg:$0x2];
	[bflag:$0x3] =	sbarrier.arrive $0xFFFF;
	s2 =	simm.s32 @!p0 $0x1C05  }
0xa0: {  	[timem:s3], [sflag:s2] =	dma.local @!p0 [hbm:s0], s1  }
0xa1: {  	s0 =	simm.s32 @!p0 $0x5  }
0xa2: {  	_ =	swait.ge @!p0 [sflag:s0], s1  }
0xa3: {  	s1 =	ssub.s32 @!p0 $0x0, s1;
	[sflag:s0] =	ssyncset.done @!p0 $0x0  }
0xa4: {  	[sflag:s0] =	ssyncadd.s32 @!p0 s1  }
0xa5: {  	[bflag:$0x3] =	sbarrier.arrive $0xFFFF  }
0xa6: {  	_ =	shalt  }

// kernel: kernel.16.cloned.1.call-start
scs
__scs_entry_jumppad:
0x0: {  	(pc) =	sbr.rel $0x88, $3  }
0x1: {  	(tag) =	ssettag $0x0;
	lr =	simm.s32 $0x1  }
0x2: {  	[smem:$0x3F82] =	sst lr;
	_ =	strace $0xD0000000  }
0x3: {  	_ = 	snop  }
0x4: {  	_ = 	snop  }
0x5: {  	_ = 	snop  }
0x6: {  	_ = 	snop  }
0x7: {  	_ = 	snop  }
__scs_overlays_trampoline_lowered:
0x8: {  	[smem:$0x3F91] =	sst s0  }
0x9: {  	[smem:$0x3F92] =	sst s1  }
0xa: {  	[smem:$0x3F93] =	sst s2  }
0xb: {  	[smem:$0x3F94] =	sst s3  }
0xc: {  	[smem:$0x3F95] =	sst s4  }
0xd: {  	[smem:$0x3F96] =	sst s5  }
0xe: {  	[smem:$0x3F97] =	sst s6  }
0xf: {  	[smem:$0x3F98] =	sst s7  }
0x10: {  	[smem:$0x3F99] =	sst s8  }
0x11: {  	[smem:$0x3F9A] =	sst s9;
	s0 =	simm.s32 @!p0 $0x0  }
0x12: {  	s1 =	sld [smem:$0x3F80];
	s0 =	simm.s32 @p0 $0x1  }
0x13: {  	[smem:$0x3F9B] =	sst s0;
	s0 =	simm.s32 @!p1 $0x0  }
0x14: {  	s2 =	sld [smem:$0x3F7F];
	s0 =	simm.s32 @p1 $0x1  }
0x15: {  	[smem:$0x3F9C] =	sst s0;
	s0 =	simm.s32 @!p2 $0x0  }
0x16: {  	s3 =	sld [smem:$0x3FDB];
	s0 =	simm.s32 @p2 $0x1  }
0x17: {  	s4 =	simm.s32 $0x1BF5;
	[smem:$0x3F9E] =	sst s0  }
0x18: {  	s0 =	sld [smem:$0x3F81];
	_ =	swait.ge [sflag:s4], $0x0  }
0x19: {  	s7 =	sld [smem:$0x3F82]  }
0x1a: {  	s8 =	sadd.s32 $0xFFFFE003, lr  }
0x1b: {  	s9 =	sadd.s32 $0xFFFFFEF7, lr;
	s5 =	simm.s32 $0xFFFFFFFF;
	p2 =	slt.u32 s8, $0xFFFFF086  }
0x1c: {  	p1 =	slt.u32 s9, $0xF7A;
	s5 =	simm.s32 @!p2 $0x0  }
0x1d: {  	s5 =	simm.s32 @p1 $0x1;
	p0 =	seq.s32 s7, s2  }
0x1e: {  	s7 =	smul.u32 @!p0 $0xF7A, s2;
	p2 =	seq.s32 @!p0 s5, $0x0  }
0x1f: {  	s9 =	smul.u32 $0xF7A, s1;
	s8 =	simm.s32 @!p0 $0x1BF5;
	p2 =	por !p2, p0  }
0x20: {  	[sflag:s8] =	ssyncset.s32 @!p0 $0xFFFFF086;
	s6 =	sadd.s32 @!p0 s3, s7;
	s7 =	simm.s32 @!p0 $0x108  }
0x21: {  	s3 =	sadd.s32 s3, s9;
	s6 =	sadd.s32 @!p0 $0x88, s6;
	s7 =	simm.s32 @p2 $0x1082  }
0x22: {  	[simem:s7], [sflag:s8] =	dma.local @!p0 [hbm:s6], $0xF7A  }
0x23: {  	s9 =	sor.u32 $0xD0000000, s2;
	s6 =	simm.s32 $0x108;
	_ =	swait.ge @!p0 [sflag:s8], $0x0  }
0x24: {  	s3 =	sadd.s32 $0x88, s3;
	s6 =	simm.s32 @!p1 $0x1082;
	[sflag:s4] =	ssyncset.s32 $0xFFFFF086  }
0x25: {  	[simem:s6], [sflag:s4] =	dma.local [hbm:s3], $0xF7A  }
0x26: {  	[smem:$0x3F82] =	sst s1;
	(tag) =	ssettag s2;
	_ =	strace s9  }
0x27: {  	s1 =	sld [smem:$0x3F92]  }
0x28: {  	s2 =	sld [smem:$0x3F93]  }
0x29: {  	s4 =	sld [smem:$0x3F95]  }
0x2a: {  	p0 =	seq.s32 s5, $0x0;
	s5 =	sld [smem:$0x3F96]  }
0x2b: {  	s6 =	sld [smem:$0x3F97]  }
0x2c: {  	s7 =	sld [smem:$0x3F98]  }
0x2d: {  	s3 =	simm.s32 $0x108;
	s8 =	sld [smem:$0x3F99]  }
0x2e: {  	s3 =	simm.s32 @!p0 $0x1082;
	s9 =	sld [smem:$0x3F9A]  }
0x2f: {  	lr =	sadd.s32 s0, s3;
	s0 =	sld [smem:$0x3F91]  }
0x30: {  	s3 =	sld [smem:$0x3F94]  }
0x31: {  	[smem:$0x3F9D] =	sst s10  }
0x32: {  	s10 =	sld [smem:$0x3F9B];
	_ =	sdelay $0x3  }
0x33: {  	p0 =	seq.s32 s10, $0x1;
	s10 =	sld [smem:$0x3F9D];
	_ =	sdelay $0x3  }
0x34: {  	[smem:$0x3F9D] =	sst s10  }
0x35: {  	s10 =	sld [smem:$0x3F9C];
	_ =	sdelay $0x3  }
0x36: {  	p1 =	seq.s32 s10, $0x1;
	s10 =	sld [smem:$0x3F9D];
	_ =	sdelay $0x3  }
0x37: {  	[smem:$0x3F9D] =	sst s10  }
0x38: {  	s10 =	sld [smem:$0x3F9E]  }
0x39: {  	_ = 	snop;
	(pc) =	sbr.ind lr, $3  }
0x3a: {  	_ = 	snop  }
0x3b: {  	_ = 	snop  }
0x3c: {  	p2 =	seq.s32 s10, $0x1;
	s10 =	sld [smem:$0x3F9D]  }
0x3d: {  	_ =	shalt  }
0x3e: {  	_ =	shalt  }
0x3f: {  	_ =	shalt  }
0x40: {  	_ =	shalt  }
0x41: {  	_ =	shalt  }
0x42: {  	_ =	shalt  }
0x43: {  	_ =	shalt  }
0x44: {  	_ =	shalt  }
0x45: {  	_ =	shalt  }
0x46: {  	_ =	shalt  }
0x47: {  	_ =	shalt  }
0x48: {  	_ =	shalt  }
0x49: {  	_ =	shalt  }
0x4a: {  	_ =	shalt  }
0x4b: {  	_ =	shalt  }
0x4c: {  	_ =	shalt  }
0x4d: {  	_ =	shalt  }
0x4e: {  	_ =	shalt  }
0x4f: {  	_ =	shalt  }
0x50: {  	_ =	shalt  }
0x51: {  	_ =	shalt  }
0x52: {  	_ =	shalt  }
0x53: {  	_ =	shalt  }
0x54: {  	_ =	shalt  }
0x55: {  	_ =	shalt  }
0x56: {  	_ =	shalt  }
0x57: {  	_ =	shalt  }
0x58: {  	_ =	shalt  }
0x59: {  	_ =	shalt  }
0x5a: {  	_ =	shalt  }
0x5b: {  	_ =	shalt  }
0x5c: {  	_ =	shalt  }
0x5d: {  	_ =	shalt  }
0x5e: {  	_ =	shalt  }
0x5f: {  	_ =	shalt  }
0x60: {  	_ =	shalt  }
0x61: {  	_ =	shalt  }
0x62: {  	_ =	shalt  }
0x63: {  	_ =	shalt  }
0x64: {  	_ =	shalt  }
0x65: {  	_ =	shalt  }
0x66: {  	_ =	shalt  }
0x67: {  	_ =	shalt  }
0x68: {  	_ =	shalt  }
0x69: {  	_ =	shalt  }
0x6a: {  	_ =	shalt  }
0x6b: {  	_ =	shalt  }
0x6c: {  	_ =	shalt  }
0x6d: {  	_ =	shalt  }
0x6e: {  	_ =	shalt  }
0x6f: {  	_ =	shalt  }
0x70: {  	_ =	shalt  }
0x71: {  	_ =	shalt  }
0x72: {  	_ =	shalt  }
0x73: {  	_ =	shalt  }
0x74: {  	_ =	shalt  }
0x75: {  	_ =	shalt  }
0x76: {  	_ =	shalt  }
0x77: {  	_ =	shalt  }
0x78: {  	_ =	shalt  }
0x79: {  	_ =	shalt  }
0x7a: {  	_ =	shalt  }
0x7b: {  	_ =	shalt  }
0x7c: {  	_ =	shalt  }
0x7d: {  	_ =	shalt  }
0x7e: {  	_ =	shalt  }
0x7f: {  	_ =	shalt  }
0x80: {  	_ =	shalt  }
0x81: {  	_ =	shalt  }
0x82: {  	_ =	shalt  }
0x83: {  	_ =	shalt  }
0x84: {  	_ =	shalt  }
0x85: {  	_ =	shalt  }
0x86: {  	_ =	shalt  }
0x87: {  	_ =	shalt  }
.Lfunc_end0:
.L_simem_size_0:
called_computation.1_lowered:
.L_overlay_start_0:
0x88: {  	s2 =	sld [smem:$0x3FD9]  }
0x89: {  	s3 =	sld [smem:$0x3FFE];
	_ =	sdelay $0x1  }
0x8a: {  	s1 =	srdreg.scid  }
0x8b: {  	s0 =	sand.u32 $0x1, s1  }
0x8c: {  	s16 =	sshll.u32 s0, $0xA;
	s2 =	sadd.s32 s3, s2  }
0x8d: {  	s2 =	sadd.s32 s2, s16  }
0x8e: {  	[smem:$0x3FA9] =	sst s2  }
0x8f: {  	_ = 	snop  }
0x90: {  	(tm) =	ssettm $0x1  }
0x91: {  	s17 =	sld [smem:$0x3FFB];
	_ =	sdelay $0x3  }
0x92: {  	_ =	strace s17  }
0x93: {  	s2 =	sld [smem:$0x3FFC];
	_ =	sdelay $0x3  }
0x94: {  	_ =	strace s2  }
0x95: {  	s2 =	sld [smem:$0x3FFD];
	_ =	sdelay $0x3  }
0x96: {  	_ =	strace s2  }
0x97: {  	_ =	strace $0x8FFFFFFF  }
0x98: {  	s18 =	sld [smem:$0x3FDB];
	_ =	sdelay $0x1  }
0x99: {  	s19 =	simm.s32 $_scs_section_size  }
0x9a: {  	s4 =	simm.s32 $_size__tile_overlayer_lowered;
	s5 =	simm.s32 $_tile_overlayer_lowered  }
0x9b: {  	s22 =	simm.s32 $0x1BFF;
	s21 =	sshll.u32 s5, $0x1;
	s2 =	sadd.s32 s19, s18  }
0x9c: {  	s6 =	simm.s32 $0x0;
	s20 =	sshll.u32 s4, $0x1;
	s4 =	sadd.s32 s21, s2  }
0x9d: {  	[timem:s6], [sflag:s22] =	dma.local [hbm:s4], s20  }
0x9e: {  	_ =	swait.ge [sflag:s22], s20  }
0x9f: {  	s3 =	ssub.s32 $0x0, s20;
	[sflag:s22] =	ssyncset.done $0x0  }
0xa0: {  	[sflag:s22] =	ssyncadd.s32 s3;
	_ =	sdelay $0x1  }
0xa1: {  	s23 =	simm.s32 $0x1B8B  }
0xa2: {  	_ =	swait.ge [sflag:s23], $0x1  }
0xa3: {  	[sflag:s23] =	ssyncset.done $0x0  }
0xa4: {  	s25 =	simm.s32 $0x1B8E;
	s24 =	sld [smem:$0x3FFE];
	[sflag:s23] =	ssyncadd.s32 $0xFFFFFFFF  }
0xa5: {  	s26 =	simm.s32 $execute0_lowered;
	[smem:$0x3FD2] =	sst s25  }
0xa6: {  	s4 =	sshll.u32 s26, $0x1;
	_ =	strace $0x80000049;
	[dreg:$0x1] =	wrdreg $0xFFFFFFFF  }
0xa7: {  	s28 =	simm.s32 $_size_execute0_lowered;
	s2 =	sadd.s32 s2, s4;
	[dreg:$0x0] =	wrdreg $0x0  }
0xa8: {  	s4 =	sshll.u32 s28, $0x1;
	[dreg:$0x2] =	wrdreg s2  }
0xa9: {  	[dreg:$0x3] =	wrdreg s4  }
0xaa: {  	[dreg:$0x4] =	wrdreg $0xC0  }
0xab: {  	_ =	task [dreg:s6], $0x5FFFF  }
0xac: {  	[dreg:$0x1] =	wrdreg $0xFFFFFFFF  }
0xad: {  	[dreg:$0x0] =	wrdreg $0x60  }
0xae: {  	[dreg:$0x2] =	wrdreg s24  }
0xaf: {  	[dreg:$0x3] =	wrdreg $0x90000  }
0xb0: {  	[dreg:$0x4] =	wrdreg $0x9  }
0xb1: {  	_ =	task.clear_ibuf [dreg:s6], $0x5FFFF;
	_ =	strace $0x90000049  }
0xb2: {  	s29 =	simm.s32 $0x9;
	_ =	strace $0x8000004B  }
0xb3: {  	_ =	swait.ge [sflag:s29], $0x1  }
0xb4: {  	[sflag:s29] =	ssyncadd.s32 $0xFFFFFFFF  }
0xb5: {  	_ =	strace $0x9000004B  }
0xb6: {  	_ =	sfence  }
0xb7: {  	s30 =	sld [smem:$0x0];
	_ =	sdelay $0x2  }
0xb8: {  	s31 =	sshll.u32 s1, $0xD;
	s1 =	sshrl.u32 s1, $0x2  }
0xb9: {  	s3 =	sand.u32 $0x4000, s31;
	s1 =	sadd.s32 s1, s30  }
0xba: {  	s0 =	sor.u32 s3, s0;
	s1 =	sshll.u32 s1, $0x11  }
0xbb: {  	s0 =	sor.u32 s1, s0  }
0xbc: {  	s0 =	sadd.s32 $0x8F2B, s0  }
0xbd: {  	[sflag:s0] =	ssyncadd.remote.s32 $0x1  }
0xbe: {  	_ =	sfence.sel $0xFFFF  }
0xbf: {  	[dreg:$0x0] =	wrdreg $0xFFFFFFFF;
	(pc) =	sbr.abs _section_cstart, $3  }
0xc0: {  	[dreg:$0x1] =	wrdreg $0xFFFFFFFF  }
0xc1: {  	_ =	task.clear_ibuf [dreg:s6], $0x2FFFF;
	_ =	strace $0x9FFFFFFF  }
0xc2: {  	(tm) =	ssettm $0x7FFFFFFF  }
0xc3: {  	_ =	shalt  }
tec
execute0_lowered:
.L_overlay_start_1:
0x0: {  	(tag) =	ssettag $0x1  }
0x1: {  	s0 =	rddreg [dreg:$0x0]  }
0x2: {  	s1 =	rddreg [dreg:$0x1];
	s2 =	simm.s32 $0x0;
	s17 =	srdreg.scid  }
0x3: {  	s11 =	stileid.u32;
	s28 =	simm.s32 $0x80;
	s29 =	simm.s32 $0x3000  }
0x4: {  	s30 =	simm.s32 $0x100;
	s31 =	simm.s32 $0x5000;
	[smem:$0x7FF] =	sst s2  }
0x5: {  	s2 =	sand.u32 $0x1, s17;
	s3 =	smul.u32 $0x50000, s11;
	s4 =	sadd.s32 $0x8A00, s0  }
0x6: {  	s5 =	sadd.s32 $0x92C00, s0;
	s6 =	sadd.s32 $0x7EC00, s0;
	s7 =	ssub.s32 $0x2, s2  }
0x7: {  	s23 =	smul.u32 $0x13800, s11;
	s8 =	sshrl.u32 s7, $0x1;
	s3 =	sshrl.u32 s3, $0x2  }
0x8: {  	s16 =	smul.u32 $0xA000, s11;
	s8 =	ssub.s32 s7, s8;
	s7 =	sadd.s32 s3, s1  }
0x9: {  	s0 =	sadd.s32 $0xBAC00, s0;
	s24 =	smul.u32 $0x4E000, s11;
	s3 =	sadd.s32 $0x2000, s7  }
0xa: {  	_ =	strace $0x8000004A;
	s18 =	sadd.s32 $0x4000, s7;
	[dreg:$0x3] =	wrdreg s3  }
0xb: {  	p0 =	seq.s32 s11, $0xF;
	s9 =	sadd.s32 $0x6000, s7;
	[dreg:$0x4] =	wrdreg s18  }
0xc: {  	s19 =	smul.u32 $0xA0000, s2;
	s20 =	sadd.s32 $0x8000, s7;
	[dreg:$0x5] =	wrdreg s9  }
0xd: {  	s2 =	smul.u32 $0x138800, s2;
	s21 =	sadd.s32 $0xA000, s7;
	[dreg:$0x6] =	wrdreg s20  }
0xe: {  	s26 =	sshrl.u32 s24, $0x2;
	s22 =	sadd.s32 $0xC000, s7;
	[dreg:$0x7] =	wrdreg s21  }
0xf: {  	s10 =	sadd.s32 $0xE000, s7;
	s15 =	sadd.s32 $0x10000, s7;
	[dreg:$0x8] =	wrdreg s22  }
0x10: {  	s17 =	sadd.s32 $0x12000, s7;
	[dreg:$0x9] =	wrdreg s10;
	s9 =	sadd.s32 s23, s2  }
0x11: {  	s18 =	sadd.s32 s19, s16;
	s2 =	sshrl.u32 s2, $0x3;
	s21 =	smax.u32 s8, $0x1  }
0x12: {  	s22 =	simm.s32 $0x1000;
	s23 =	simm.s32 $0x5;
	s25 =	sshrl.u32 s9, $0x3  }
0x13: {  	s19 =	sadd.s32 s0, s25;
	s0 =	sadd.s32 s0, s2;
	s2 =	sadd.s32 s26, s1  }
0x14: {  	s26 =	simm.s32 $0x40;
	s20 =	sadd.s32 $0x24900, s0;
	s0 =	sadd.s32 $0x124800, s1  }
0x15: {  	v0 =	vimm.f32 $0.0e+00;
	s25 =	sshrl.u32 @!p0 s2, $0x3;
	s24 =	sshrl.u32 @p0 s0, $0x3;
	s0 =	simm.s32 $0x0  }
.LBB2_1:
0x16: {  	s3 =	simm.s32 $0x0  }
0x17: {  	s2 =	sand.u32 $0x7E00, s3  }
0x18: {  	s3 =	sand.u32 $0x70, s3;
	s8 =	sshrl.u32 s2, $0x2  }
0x19: {  	s2 =	simm.s32 $0x40;
	s8 =	sor.u32 s3, s8;
	s3 =	simm.s32 $0x0  }
.LBB2_2:
0x1a: {  	p1 =	sne.s32 s2, $0x7FC0  }
0x1b: {  	[tilespmem:s8+$0x1000] =	vst v0;
	s3 =	sadd.s32 $0x10, s3;
	s8 =	smov.u32 s2;
	s2 =	sadd.s32 $0x40, s2  }
.Ltmp0:
0x1c: {  	(pc) =	sbr.rel @p1 .LBB2_2-.Ltmp0, $4  }
0x1d: {  	_ = 	snop  }
0x1e: {  	s8 =	sand.u32 $0x7E00, s8  }
0x1f: {  	s9 =	sand.u32 $0x70, s3;
	s8 =	sshrl.u32 s8, $0x2  }
0x20: {  	s8 =	sor.u32 s9, s8  }
0x21: {  	[tilespmem:s8+$0x1000] =	vst v0  }
0x22: {  	[spmem:s7] =	stream.linear.scatter [tilespmem:s22], [sflag:$0x5], $0x2000, $0x38;
	[tilespmem:$0x1D000] =	vst v63  }
0x23: {  	_ =	swait.ge [sflag:s23], $0x2000  }
0x24: {  	[sflag:s23] =	ssyncset.done $0x0  }
0x25: {  	s2 =	rddreg [dreg:$0x3];
	[sflag:s23] =	ssyncadd.s32 $0xFFFFE000  }
0x26: {  	[spmem:s2] =	stream.linear.scatter [tilespmem:s22], [sflag:$0x5], $0x2000, $0x38;
	[tilespmem:$0x1D000] =	vst v63  }
0x27: {  	_ =	swait.ge [sflag:s23], $0x2000  }
0x28: {  	[sflag:s23] =	ssyncset.done $0x0  }
0x29: {  	s9 =	rddreg [dreg:$0x4];
	[sflag:s23] =	ssyncadd.s32 $0xFFFFE000  }
0x2a: {  	[spmem:s9] =	stream.linear.scatter [tilespmem:s22], [sflag:$0x5], $0x2000, $0x38;
	[tilespmem:$0x1D000] =	vst v63  }
0x2b: {  	_ =	swait.ge [sflag:s23], $0x2000  }
0x2c: {  	[sflag:s23] =	ssyncset.done $0x0  }
0x2d: {  	s10 =	rddreg [dreg:$0x5];
	[sflag:s23] =	ssyncadd.s32 $0xFFFFE000  }
0x2e: {  	[spmem:s10] =	stream.linear.scatter [tilespmem:s22], [sflag:$0x5], $0x2000, $0x38;
	[tilespmem:$0x1D000] =	vst v63  }
0x2f: {  	_ =	swait.ge [sflag:s23], $0x2000  }
0x30: {  	[sflag:s23] =	ssyncset.done $0x0  }
0x31: {  	s11 =	rddreg [dreg:$0x6];
	[sflag:s23] =	ssyncadd.s32 $0xFFFFE000  }
0x32: {  	[spmem:s11] =	stream.linear.scatter [tilespmem:s22], [sflag:$0x5], $0x2000, $0x38;
	[tilespmem:$0x1D000] =	vst v63  }
0x33: {  	_ =	swait.ge [sflag:s23], $0x2000  }
0x34: {  	[sflag:s23] =	ssyncset.done $0x0  }
0x35: {  	s12 =	rddreg [dreg:$0x7];
	[sflag:s23] =	ssyncadd.s32 $0xFFFFE000  }
0x36: {  	[spmem:s12] =	stream.linear.scatter [tilespmem:s22], [sflag:$0x5], $0x2000, $0x38;
	[tilespmem:$0x1D000] =	vst v63  }
0x37: {  	_ =	swait.ge [sflag:s23], $0x2000  }
0x38: {  	[sflag:s23] =	ssyncset.done $0x0  }
0x39: {  	s13 =	rddreg [dreg:$0x8];
	[sflag:s23] =	ssyncadd.s32 $0xFFFFE000  }
0x3a: {  	[spmem:s13] =	stream.linear.scatter [tilespmem:s22], [sflag:$0x5], $0x2000, $0x38;
	[tilespmem:$0x1D000] =	vst v63  }
0x3b: {  	_ =	swait.ge [sflag:s23], $0x2000  }
0x3c: {  	[sflag:s23] =	ssyncset.done $0x0  }
0x3d: {  	s14 =	rddreg [dreg:$0x9];
	[sflag:s23] =	ssyncadd.s32 $0xFFFFE000  }
0x3e: {  	[spmem:s14] =	stream.linear.scatter [tilespmem:s22], [sflag:$0x5], $0x2000, $0x38;
	[tilespmem:$0x1D000] =	vst v63  }
0x3f: {  	_ =	swait.ge [sflag:s23], $0x2000  }
0x40: {  	[sflag:s23] =	ssyncset.done $0x0  }
0x41: {  	[sflag:s23] =	ssyncadd.s32 $0xFFFFE000  }
0x42: {  	[spmem:s15] =	stream.linear.scatter [tilespmem:s22], [sflag:$0x5], $0x2000, $0x38;
	[tilespmem:$0x1D000] =	vst v63  }
0x43: {  	_ =	swait.ge [sflag:s23], $0x2000  }
0x44: {  	[sflag:s23] =	ssyncset.done $0x0  }
0x45: {  	[sflag:s23] =	ssyncadd.s32 $0xFFFFE000  }
0x46: {  	[spmem:s17] =	stream.linear.scatter [tilespmem:s22], [sflag:$0x5], $0x2000, $0x38;
	[tilespmem:$0x1D000] =	vst v63  }
0x47: {  	_ =	swait.ge [sflag:s23], $0x2000  }
0x48: {  	[sflag:s23] =	ssyncset.done $0x0  }
0x49: {  	[sflag:s23] =	ssyncadd.s32 $0xFFFFE000  }
0x4a: {  	s3 =	simm.s32 $0x0;
	s2 =	simm.s32 $0x0;
	[bflag:$0x0] =	sbarrier.arrive $0xFFFF  }
.LBB2_4:
0x4b: {  	s8 =	sshll.u32 s3, $0xB  }
0x4c: {  	s9 =	sadd.s32 s18, s8  }
0x4d: {  	s9 =	sshrl.u32 s9, $0x3  }
0x4e: {  	s9 =	sadd.s32 s5, s9  }
0x4f: {  	[tilespmem:s2], [sflag:$0x5] =	stream.linear.gather [hbm4b:s9+s2], $0x800, $0x38;
	[tilespmem:$0x1D000] =	vst v63  }
0x50: {  	s8 =	sadd.s32 s16, s8;
	_ =	swait.ge [sflag:s23], $0x800  }
0x51: {  	s8 =	sshrl.u32 s8, $0x3;
	[sflag:s23] =	ssyncset.done $0x0  }
0x52: {  	s14 =	sadd.s32 s6, s8;
	s8 =	simm.s32 $0x800;
	[sflag:s23] =	ssyncadd.s32 $0xFFFFF800  }
0x53: {  	[tilespmem:s8], [sflag:$0x5] =	stream.linear.gather [hbm4b:s14+s2], $0x800, $0x38;
	[tilespmem:$0x1D000] =	vst v63  }
0x54: {  	_ =	swait.ge [sflag:s23], $0x800  }
0x55: {  	[sflag:s23] =	ssyncset.done $0x0  }
0x56: {  	[sflag:s23] =	ssyncadd.s32 $0xFFFFF800  }
0x57: {  	[tilespmem:s22], [sflag:$0x1] =	stream.indirect.gather [hbm4b:s4+s26], $0x80, s2, s26, $0xb8;
	[tilespmem:$0x1D000] =	vst v63  }
0x58: {  	_ = 	snop  }
0x59: {  	[tilespmem:s29], [sflag:$0x2] =	stream.indirect.gather [hbm4b:s4+s26], $0x80, s28, s26, $0xb8;
	[tilespmem:$0x1D000] =	vst v63  }
0x5a: {  	s10 =	simm.s32 $0x0;
	s9 =	simm.s32 $0x180  }
0x5b: {  	[tilespmem:s31], [sflag:$0x3] =	stream.indirect.gather [hbm4b:s4+s26], $0x80, s30, s26, $0xb8;
	[tilespmem:$0x1D000] =	vst v63  }
.LBB2_5:
0x5c: {  	s11 =	sand.u32 $0x3, s10  }
0x5d: {  	p1 =	sgt.s32 s11, $0x1  }
0x5e: {  	p3 =	seq.s32 @p1 s11, $0x2  }
0x5f: {  	p2 =	por !p3, !p1  }
0x60: {  	p4 =	sgt.u32 @!p2 s10, $0xC;
	s12 =	simm.s32 @!p2 $0x3  }
0x61: {  	_ =	swait.ge @!p2 [sflag:s12], $0x2000;
	p4 =	por @p1 p4, !p3  }
0x62: {  	[sflag:s12] =	ssyncset.done @!p2 $0x0;
	p4 =	por p4, !p1  }
0x63: {  	[sflag:s12] =	ssyncadd.s32 @!p2 $0xFFFFE000;
	s12 =	simm.s32 @!p4 $0x40;
	s13 =	simm.s32 @!p4 $0x3000  }
0x64: {  	[tilespmem:s13], [sflag:$0x2] =	stream.indirect.gather @!p4 [hbm4b:s4+s12], $0x80, s9, s12, $0xb8;
	[tilespmem:$0x1D000] =	vst v63  }
0x65: {  	s12 =	simm.s32 @!p2 $0x40;
	s13 =	simm.s32 @!p2 $0x5000;
	p4 =	por p3, !p1  }
0x66: {  	[spmem:s1] =	stream.indirect.scatter.add.f32 @!p2 [tilespmem:s13], [sflag:$0x6], $0x80, s8, s12, $0xb8;
	[tilespmem:$0x1D000] =	vst v63  }
0x67: {  	p5 =	sgt.u32 @!p4 s10, $0xC;
	s12 =	simm.s32 @!p4 $0x4  }
0x68: {  	p3 =	por @p1 p5, p3;
	_ =	swait.ge @!p4 [sflag:s12], $0x2000  }
0x69: {  	p3 =	por p3, !p1;
	[sflag:s12] =	ssyncset.done @!p4 $0x0  }
0x6a: {  	s13 =	simm.s32 @!p3 $0x5000;
	[sflag:s12] =	ssyncadd.s32 @!p4 $0xFFFFE000;
	s12 =	simm.s32 @!p3 $0x40  }
0x6b: {  	[tilespmem:s13], [sflag:$0x3] =	stream.indirect.gather @!p3 [hbm4b:s4+s12], $0x80, s9, s12, $0xb8;
	[tilespmem:$0x1D000] =	vst v63  }
0x6c: {  	s12 =	simm.s32 @!p4 $0x40;
	s13 =	simm.s32 @!p4 $0x7000  }
0x6d: {  	[spmem:s1] =	stream.indirect.scatter.add.f32 @!p4 [tilespmem:s13], [sflag:$0x5], $0x80, s8, s12, $0xb8;
	[tilespmem:$0x1D000] =	vst v63  }
0x6e: {  	p4 =	seq.s32 @!p1 s11, $0x0  }
0x6f: {  	p3 =	por !p4, p1  }
0x70: {  	p5 =	sgt.u32 @!p3 s10, $0xC;
	s11 =	simm.s32 @!p3 $0x1  }
0x71: {  	_ =	swait.ge @!p3 [sflag:s11], $0x2000;
	p5 =	por @!p1 p5, !p4  }
0x72: {  	[sflag:s11] =	ssyncset.done @!p3 $0x0;
	p5 =	por p5, p1  }
0x73: {  	[sflag:s11] =	ssyncadd.s32 @!p3 $0xFFFFE000;
	s11 =	simm.s32 @!p5 $0x40;
	s12 =	simm.s32 @!p5 $0x7000  }
0x74: {  	[tilespmem:s12], [sflag:$0x4] =	stream.indirect.gather @!p5 [hbm4b:s4+s11], $0x80, s9, s11, $0xb8;
	[tilespmem:$0x1D000] =	vst v63  }
0x75: {  	s11 =	simm.s32 @!p3 $0x40;
	s12 =	simm.s32 @!p3 $0x1000;
	p5 =	por p4, p1  }
0x76: {  	[spmem:s1] =	stream.indirect.scatter.add.f32 @!p3 [tilespmem:s12], [sflag:$0x6], $0x80, s8, s11, $0xb8;
	[tilespmem:$0x1D000] =	vst v63  }
0x77: {  	p6 =	sgt.u32 @!p5 s10, $0xC;
	s11 =	simm.s32 @!p5 $0x2  }
0x78: {  	p4 =	por @!p1 p6, p4;
	_ =	swait.ge @!p5 [sflag:s11], $0x2000  }
0x79: {  	p4 =	por p4, p1;
	[sflag:s11] =	ssyncset.done @!p5 $0x0  }
0x7a: {  	s13 =	simm.s32 @!p4 $0x1000;
	[sflag:s11] =	ssyncadd.s32 @!p5 $0xFFFFE000;
	s11 =	simm.s32 @!p4 $0x40  }
0x7b: {  	[tilespmem:s13], [sflag:$0x1] =	stream.indirect.gather @!p4 [hbm4b:s4+s11], $0x80, s9, s11, $0xb8;
	[tilespmem:$0x1D000] =	vst v63  }
0x7c: {  	s12 =	simm.s32 @!p2 $0x6;
	s11 =	simm.s32 @!p3 $0x6  }
0x7d: {  	s10 =	sadd.s32 $0x1, s10;
	s12 =	simm.s32 @p2 $0x5;
	s11 =	simm.s32 @p3 $0x6  }
0x7e: {  	s11 =	smov.u32 @p1 s12;
	p1 =	sne.s32 s10, $0x10  }
.Ltmp1:
0x7f: {  	s14 =	simm.s32 @!p5 $0x3000;
	s13 =	simm.s32 @!p5 $0x40;
	(pc) =	sbr.rel @p1 .LBB2_5-.Ltmp1, $4  }
0x80: {  	[spmem:s1] =	stream.indirect.scatter.add.f32 @!p5 [tilespmem:s14], [sflag:$0x6], $0x80, s8, s13, $0xb8;
	[tilespmem:$0x1D000] =	vst v63  }
0x81: {  	_ =	swait.ge [sflag:s11], $0x2000  }
0x82: {  	[sflag:s11] =	ssyncset.done $0x0  }
0x83: {  	s9 =	sadd.s32 $0x80, s9;
	s8 =	sadd.s32 $0x80, s8;
	[sflag:s11] =	ssyncadd.s32 $0xFFFFE000  }
0x84: {  	s3 =	sadd.s32 $0x1, s3  }
0x85: {  	p1 =	sne.s32 s3, $0x14  }
.Ltmp2:
0x86: {  	_ = 	snop;
	(pc) =	sbr.rel @p1 .LBB2_4-.Ltmp2, $1  }
0x87: {  	_ =	sdelay $0x3  }
0x88: {  	[bflag:$0x0] =	sbarrier.arrive $0xFFFF;
	s2 =	simm.s32 @p0 $0x1FC5  }
0x89: {  	[hbm:s20], [sflag:s2] =	dma.local @p0 [spmem:s24], $0x2800  }
0x8a: {  	s2 =	simm.s32 @p0 $0x5  }
0x8b: {  	s3 =	stileid.u32;
	_ =	swait.ge @p0 [sflag:s2], $0x2800  }
0x8c: {  	s0 =	sadd.s32 $0x1, s0;
	s3 =	sshll.u32 @!p0 s3, $0x6;
	[sflag:s2] =	ssyncset.done @p0 $0x0  }
0x8d: {  	p1 =	sne.s32 s0, s21;
	[sflag:s2] =	ssyncadd.s32 @p0 $0xFFFFD800;
	s2 =	sor.u32 @!p0 $0x1C05, s3  }
0x8e: {  	[hbm:s19], [sflag:s2] =	dma.local @!p0 [spmem:s25], $0x2700  }
.Ltmp3:
0x8f: {  	_ = 	snop;
	(pc) =	sbr.rel @p1 .LBB2_1-.Ltmp3, $4  }
0x90: {  	s2 =	simm.s32 @!p0 $0x5  }
0x91: {  	_ =	swait.ge @!p0 [sflag:s2], $0x2700  }
0x92: {  	[sflag:s2] =	ssyncset.done @!p0 $0x0  }
0x93: {  	[sflag:s2] =	ssyncadd.s32 @!p0 $0xFFFFD900  }
0x94: {  	_ =	sfence.sel $0x180000  }
0x95: {  	[bflag:$0x0] =	sbarrier.arrive $0xFFFF  }
0x96: {  	_ =	strace $0x9000004A  }
0x97: {  	s0 =	stileid.u32;
	[bflag:$0x2] =	sbarrier.arrive $0xFFFF  }
0x98: {  	p0 =	sne.s32 s0, $0x0;
	s0 =	rddreg [dreg:$0x2]  }
0x99: {  	s0 =	sadd.s32 @!p0 $0x100000, s0  }
0x9a: {  	[sflag:s0] =	ssyncadd.tile.s32 @!p0 $0x1;
	_ =	shalt  }
.Lfunc_end2:
_tile_overlayer_lowered:
.L_overlay_start_2:
0x9b: {  	(tag) =	ssettag $0x2  }
0x9c: {  	s0 =	rddreg [dreg:$0x0];
	s2 =	stileid.u32  }
0x9d: {  	s1 =	rddreg [dreg:$0x1];
	p0 =	sne.s32 s2, $0x0  }
0x9e: {  	s3 =	rddreg [dreg:$0x2];
	[bflag:$0x3] =	sbarrier.arrive $0xFFFF;
	s2 =	simm.s32 @!p0 $0x1C05  }
0x9f: {  	[timem:s3], [sflag:s2] =	dma.local @!p0 [hbm:s0], s1  }
0xa0: {  	s0 =	simm.s32 @!p0 $0x5  }
0xa1: {  	_ =	swait.ge @!p0 [sflag:s0], s1  }
0xa2: {  	s1 =	ssub.s32 @!p0 $0x0, s1;
	[sflag:s0] =	ssyncset.done @!p0 $0x0  }
0xa3: {  	[sflag:s0] =	ssyncadd.s32 @!p0 s1  }
0xa4: {  	[bflag:$0x3] =	sbarrier.arrive $0xFFFF  }
0xa5: {  	_ =	shalt  }

// kernel: kernel.19.cloned.1.call-start
scs
__scs_entry_jumppad:
0x0: {  	(pc) =	sbr.rel $0x88, $3  }
0x1: {  	(tag) =	ssettag $0x0;
	lr =	simm.s32 $0x1  }
0x2: {  	[smem:$0x3F82] =	sst lr;
	_ =	strace $0xD0000000  }
0x3: {  	_ = 	snop  }
0x4: {  	_ = 	snop  }
0x5: {  	_ = 	snop  }
0x6: {  	_ = 	snop  }
0x7: {  	_ = 	snop  }
__scs_overlays_trampoline_lowered:
0x8: {  	[smem:$0x3F91] =	sst s0  }
0x9: {  	[smem:$0x3F92] =	sst s1  }
0xa: {  	[smem:$0x3F93] =	sst s2  }
0xb: {  	[smem:$0x3F94] =	sst s3  }
0xc: {  	[smem:$0x3F95] =	sst s4  }
0xd: {  	[smem:$0x3F96] =	sst s5  }
0xe: {  	[smem:$0x3F97] =	sst s6  }
0xf: {  	[smem:$0x3F98] =	sst s7  }
0x10: {  	[smem:$0x3F99] =	sst s8  }
0x11: {  	[smem:$0x3F9A] =	sst s9;
	s0 =	simm.s32 @!p0 $0x0  }
0x12: {  	s1 =	sld [smem:$0x3F80];
	s0 =	simm.s32 @p0 $0x1  }
0x13: {  	[smem:$0x3F9B] =	sst s0;
	s0 =	simm.s32 @!p1 $0x0  }
0x14: {  	s2 =	sld [smem:$0x3F7F];
	s0 =	simm.s32 @p1 $0x1  }
0x15: {  	[smem:$0x3F9C] =	sst s0;
	s0 =	simm.s32 @!p2 $0x0  }
0x16: {  	s3 =	sld [smem:$0x3FDB];
	s0 =	simm.s32 @p2 $0x1  }
0x17: {  	s4 =	simm.s32 $0x1BF5;
	[smem:$0x3F9E] =	sst s0  }
0x18: {  	s0 =	sld [smem:$0x3F81];
	_ =	swait.ge [sflag:s4], $0x0  }
0x19: {  	s7 =	sld [smem:$0x3F82]  }
0x1a: {  	s8 =	sadd.s32 $0xFFFFE003, lr  }
0x1b: {  	s9 =	sadd.s32 $0xFFFFFEF7, lr;
	s5 =	simm.s32 $0xFFFFFFFF;
	p2 =	slt.u32 s8, $0xFFFFF086  }
0x1c: {  	p1 =	slt.u32 s9, $0xF7A;
	s5 =	simm.s32 @!p2 $0x0  }
0x1d: {  	s5 =	simm.s32 @p1 $0x1;
	p0 =	seq.s32 s7, s2  }
0x1e: {  	s7 =	smul.u32 @!p0 $0xF7A, s2;
	p2 =	seq.s32 @!p0 s5, $0x0  }
0x1f: {  	s9 =	smul.u32 $0xF7A, s1;
	s8 =	simm.s32 @!p0 $0x1BF5;
	p2 =	por !p2, p0  }
0x20: {  	[sflag:s8] =	ssyncset.s32 @!p0 $0xFFFFF086;
	s6 =	sadd.s32 @!p0 s3, s7;
	s7 =	simm.s32 @!p0 $0x108  }
0x21: {  	s3 =	sadd.s32 s3, s9;
	s6 =	sadd.s32 @!p0 $0x88, s6;
	s7 =	simm.s32 @p2 $0x1082  }
0x22: {  	[simem:s7], [sflag:s8] =	dma.local @!p0 [hbm:s6], $0xF7A  }
0x23: {  	s9 =	sor.u32 $0xD0000000, s2;
	s6 =	simm.s32 $0x108;
	_ =	swait.ge @!p0 [sflag:s8], $0x0  }
0x24: {  	s3 =	sadd.s32 $0x88, s3;
	s6 =	simm.s32 @!p1 $0x1082;
	[sflag:s4] =	ssyncset.s32 $0xFFFFF086  }
0x25: {  	[simem:s6], [sflag:s4] =	dma.local [hbm:s3], $0xF7A  }
0x26: {  	[smem:$0x3F82] =	sst s1;
	(tag) =	ssettag s2;
	_ =	strace s9  }
0x27: {  	s1 =	sld [smem:$0x3F92]  }
0x28: {  	s2 =	sld [smem:$0x3F93]  }
0x29: {  	s4 =	sld [smem:$0x3F95]  }
0x2a: {  	p0 =	seq.s32 s5, $0x0;
	s5 =	sld [smem:$0x3F96]  }
0x2b: {  	s6 =	sld [smem:$0x3F97]  }
0x2c: {  	s7 =	sld [smem:$0x3F98]  }
0x2d: {  	s3 =	simm.s32 $0x108;
	s8 =	sld [smem:$0x3F99]  }
0x2e: {  	s3 =	simm.s32 @!p0 $0x1082;
	s9 =	sld [smem:$0x3F9A]  }
0x2f: {  	lr =	sadd.s32 s0, s3;
	s0 =	sld [smem:$0x3F91]  }
0x30: {  	s3 =	sld [smem:$0x3F94]  }
0x31: {  	[smem:$0x3F9D] =	sst s10  }
0x32: {  	s10 =	sld [smem:$0x3F9B];
	_ =	sdelay $0x3  }
0x33: {  	p0 =	seq.s32 s10, $0x1;
	s10 =	sld [smem:$0x3F9D];
	_ =	sdelay $0x3  }
0x34: {  	[smem:$0x3F9D] =	sst s10  }
0x35: {  	s10 =	sld [smem:$0x3F9C];
	_ =	sdelay $0x3  }
0x36: {  	p1 =	seq.s32 s10, $0x1;
	s10 =	sld [smem:$0x3F9D];
	_ =	sdelay $0x3  }
0x37: {  	[smem:$0x3F9D] =	sst s10  }
0x38: {  	s10 =	sld [smem:$0x3F9E]  }
0x39: {  	_ = 	snop;
	(pc) =	sbr.ind lr, $3  }
0x3a: {  	_ = 	snop  }
0x3b: {  	_ = 	snop  }
0x3c: {  	p2 =	seq.s32 s10, $0x1;
	s10 =	sld [smem:$0x3F9D]  }
0x3d: {  	_ =	shalt  }
0x3e: {  	_ =	shalt  }
0x3f: {  	_ =	shalt  }
0x40: {  	_ =	shalt  }
0x41: {  	_ =	shalt  }
0x42: {  	_ =	shalt  }
0x43: {  	_ =	shalt  }
0x44: {  	_ =	shalt  }
0x45: {  	_ =	shalt  }
0x46: {  	_ =	shalt  }
0x47: {  	_ =	shalt  }
0x48: {  	_ =	shalt  }
0x49: {  	_ =	shalt  }
0x4a: {  	_ =	shalt  }
0x4b: {  	_ =	shalt  }
0x4c: {  	_ =	shalt  }
0x4d: {  	_ =	shalt  }
0x4e: {  	_ =	shalt  }
0x4f: {  	_ =	shalt  }
0x50: {  	_ =	shalt  }
0x51: {  	_ =	shalt  }
0x52: {  	_ =	shalt  }
0x53: {  	_ =	shalt  }
0x54: {  	_ =	shalt  }
0x55: {  	_ =	shalt  }
0x56: {  	_ =	shalt  }
0x57: {  	_ =	shalt  }
0x58: {  	_ =	shalt  }
0x59: {  	_ =	shalt  }
0x5a: {  	_ =	shalt  }
0x5b: {  	_ =	shalt  }
0x5c: {  	_ =	shalt  }
0x5d: {  	_ =	shalt  }
0x5e: {  	_ =	shalt  }
0x5f: {  	_ =	shalt  }
0x60: {  	_ =	shalt  }
0x61: {  	_ =	shalt  }
0x62: {  	_ =	shalt  }
0x63: {  	_ =	shalt  }
0x64: {  	_ =	shalt  }
0x65: {  	_ =	shalt  }
0x66: {  	_ =	shalt  }
0x67: {  	_ =	shalt  }
0x68: {  	_ =	shalt  }
0x69: {  	_ =	shalt  }
0x6a: {  	_ =	shalt  }
0x6b: {  	_ =	shalt  }
0x6c: {  	_ =	shalt  }
0x6d: {  	_ =	shalt  }
0x6e: {  	_ =	shalt  }
0x6f: {  	_ =	shalt  }
0x70: {  	_ =	shalt  }
0x71: {  	_ =	shalt  }
0x72: {  	_ =	shalt  }
0x73: {  	_ =	shalt  }
0x74: {  	_ =	shalt  }
0x75: {  	_ =	shalt  }
0x76: {  	_ =	shalt  }
0x77: {  	_ =	shalt  }
0x78: {  	_ =	shalt  }
0x79: {  	_ =	shalt  }
0x7a: {  	_ =	shalt  }
0x7b: {  	_ =	shalt  }
0x7c: {  	_ =	shalt  }
0x7d: {  	_ =	shalt  }
0x7e: {  	_ =	shalt  }
0x7f: {  	_ =	shalt  }
0x80: {  	_ =	shalt  }
0x81: {  	_ =	shalt  }
0x82: {  	_ =	shalt  }
0x83: {  	_ =	shalt  }
0x84: {  	_ =	shalt  }
0x85: {  	_ =	shalt  }
0x86: {  	_ =	shalt  }
0x87: {  	_ =	shalt  }
.Lfunc_end0:
.L_simem_size_0:
called_computation.2_lowered:
.L_overlay_start_0:
0x88: {  	s2 =	sld [smem:$0x3FD9]  }
0x89: {  	s3 =	sld [smem:$0x3FFE];
	_ =	sdelay $0x1  }
0x8a: {  	s1 =	srdreg.scid  }
0x8b: {  	s0 =	sand.u32 $0x1, s1  }
0x8c: {  	s16 =	sshll.u32 s0, $0xA;
	s2 =	sadd.s32 s3, s2  }
0x8d: {  	s2 =	sadd.s32 s2, s16  }
0x8e: {  	[smem:$0x3FA9] =	sst s2  }
0x8f: {  	_ = 	snop  }
0x90: {  	(tm) =	ssettm $0x1  }
0x91: {  	s17 =	sld [smem:$0x3FFB];
	_ =	sdelay $0x3  }
0x92: {  	_ =	strace s17  }
0x93: {  	s2 =	sld [smem:$0x3FFC];
	_ =	sdelay $0x3  }
0x94: {  	_ =	strace s2  }
0x95: {  	s2 =	sld [smem:$0x3FFD];
	_ =	sdelay $0x3  }
0x96: {  	_ =	strace s2  }
0x97: {  	_ =	strace $0x8FFFFFFF  }
0x98: {  	s18 =	sld [smem:$0x3FDB];
	_ =	sdelay $0x1  }
0x99: {  	s19 =	simm.s32 $_scs_section_size  }
0x9a: {  	s4 =	simm.s32 $_size__tile_overlayer_lowered;
	s5 =	simm.s32 $_tile_overlayer_lowered  }
0x9b: {  	s22 =	simm.s32 $0x1BFF;
	s21 =	sshll.u32 s5, $0x1;
	s2 =	sadd.s32 s19, s18  }
0x9c: {  	s6 =	simm.s32 $0x0;
	s20 =	sshll.u32 s4, $0x1;
	s4 =	sadd.s32 s21, s2  }
0x9d: {  	[timem:s6], [sflag:s22] =	dma.local [hbm:s4], s20  }
0x9e: {  	_ =	swait.ge [sflag:s22], s20  }
0x9f: {  	s3 =	ssub.s32 $0x0, s20;
	[sflag:s22] =	ssyncset.done $0x0  }
0xa0: {  	[sflag:s22] =	ssyncadd.s32 s3;
	_ =	sdelay $0x1  }
0xa1: {  	s23 =	simm.s32 $0x1B8B  }
0xa2: {  	_ =	swait.ge [sflag:s23], $0x1  }
0xa3: {  	[sflag:s23] =	ssyncset.done $0x0  }
0xa4: {  	s25 =	simm.s32 $0x1B8E;
	s24 =	sld [smem:$0x3FFE];
	[sflag:s23] =	ssyncadd.s32 $0xFFFFFFFF  }
0xa5: {  	s26 =	simm.s32 $execute0_lowered;
	[smem:$0x3FD2] =	sst s25  }
0xa6: {  	s4 =	sshll.u32 s26, $0x1;
	_ =	strace $0x8000004C;
	[dreg:$0x1] =	wrdreg $0xFFFFFFFF  }
0xa7: {  	s28 =	simm.s32 $_size_execute0_lowered;
	s2 =	sadd.s32 s2, s4;
	[dreg:$0x0] =	wrdreg $0x0  }
0xa8: {  	s4 =	sshll.u32 s28, $0x1;
	[dreg:$0x2] =	wrdreg s2  }
0xa9: {  	[dreg:$0x3] =	wrdreg s4  }
0xaa: {  	[dreg:$0x4] =	wrdreg $0xC0  }
0xab: {  	_ =	task [dreg:s6], $0x5FFFF  }
0xac: {  	[dreg:$0x1] =	wrdreg $0xFFFFFFFF  }
0xad: {  	[dreg:$0x0] =	wrdreg $0x60  }
0xae: {  	[dreg:$0x2] =	wrdreg s24  }
0xaf: {  	[dreg:$0x3] =	wrdreg $0x90000  }
0xb0: {  	[dreg:$0x4] =	wrdreg $0x9  }
0xb1: {  	_ =	task.clear_ibuf [dreg:s6], $0x5FFFF;
	_ =	strace $0x9000004C  }
0xb2: {  	s29 =	simm.s32 $0x9;
	_ =	strace $0x8000004E  }
0xb3: {  	_ =	swait.ge [sflag:s29], $0x1  }
0xb4: {  	[sflag:s29] =	ssyncadd.s32 $0xFFFFFFFF  }
0xb5: {  	_ =	strace $0x9000004E  }
0xb6: {  	_ =	sfence  }
0xb7: {  	s30 =	sld [smem:$0x0];
	_ =	sdelay $0x2  }
0xb8: {  	s31 =	sshll.u32 s1, $0xD;
	s1 =	sshrl.u32 s1, $0x2  }
0xb9: {  	s3 =	sand.u32 $0x4000, s31;
	s1 =	sadd.s32 s1, s30  }
0xba: {  	s0 =	sor.u32 s3, s0;
	s1 =	sshll.u32 s1, $0x11  }
0xbb: {  	s0 =	sor.u32 s1, s0  }
0xbc: {  	s0 =	sadd.s32 $0x8F2B, s0  }
0xbd: {  	[sflag:s0] =	ssyncadd.remote.s32 $0x1  }
0xbe: {  	_ =	sfence.sel $0xFFFF  }
0xbf: {  	[dreg:$0x0] =	wrdreg $0xFFFFFFFF;
	(pc) =	sbr.abs _section_cstart, $3  }
0xc0: {  	[dreg:$0x1] =	wrdreg $0xFFFFFFFF  }
0xc1: {  	_ =	task.clear_ibuf [dreg:s6], $0x2FFFF;
	_ =	strace $0x9FFFFFFF  }
0xc2: {  	(tm) =	ssettm $0x7FFFFFFF  }
0xc3: {  	_ =	shalt  }
tec
execute0_lowered:
.L_overlay_start_1:
0x0: {  	(tag) =	ssettag $0x1  }
0x1: {  	s0 =	rddreg [dreg:$0x0]  }
0x2: {  	s1 =	rddreg [dreg:$0x1];
	s2 =	simm.s32 $0x0;
	s17 =	srdreg.scid  }
0x3: {  	s11 =	stileid.u32;
	s28 =	simm.s32 $0x80;
	s29 =	simm.s32 $0x3000  }
0x4: {  	s30 =	simm.s32 $0x100;
	s31 =	simm.s32 $0x5000;
	[smem:$0x7FF] =	sst s2  }
0x5: {  	s2 =	sand.u32 $0x1, s17;
	s3 =	smul.u32 $0x50000, s11;
	s4 =	sadd.s32 $0x8A00, s0  }
0x6: {  	s5 =	sadd.s32 $0x92C00, s0;
	s6 =	sadd.s32 $0x7EC00, s0;
	s7 =	ssub.s32 $0x2, s2  }
0x7: {  	s23 =	smul.u32 $0x13800, s11;
	s8 =	sshrl.u32 s7, $0x1;
	s3 =	sshrl.u32 s3, $0x2  }
0x8: {  	s16 =	smul.u32 $0xA000, s11;
	s8 =	ssub.s32 s7, s8;
	s7 =	sadd.s32 s3, s1  }
0x9: {  	s0 =	sadd.s32 $0xBAC00, s0;
	s24 =	smul.u32 $0x4E000, s11;
	s3 =	sadd.s32 $0x2000, s7  }
0xa: {  	_ =	strace $0x8000004D;
	s18 =	sadd.s32 $0x4000, s7;
	[dreg:$0x3] =	wrdreg s3  }
0xb: {  	p0 =	seq.s32 s11, $0xF;
	s9 =	sadd.s32 $0x6000, s7;
	[dreg:$0x4] =	wrdreg s18  }
0xc: {  	s19 =	smul.u32 $0xA0000, s2;
	s20 =	sadd.s32 $0x8000, s7;
	[dreg:$0x5] =	wrdreg s9  }
0xd: {  	s2 =	smul.u32 $0x138800, s2;
	s21 =	sadd.s32 $0xA000, s7;
	[dreg:$0x6] =	wrdreg s20  }
0xe: {  	s26 =	sshrl.u32 s24, $0x2;
	s22 =	sadd.s32 $0xC000, s7;
	[dreg:$0x7] =	wrdreg s21  }
0xf: {  	s10 =	sadd.s32 $0xE000, s7;
	s15 =	sadd.s32 $0x10000, s7;
	[dreg:$0x8] =	wrdreg s22  }
0x10: {  	s17 =	sadd.s32 $0x12000, s7;
	[dreg:$0x9] =	wrdreg s10;
	s9 =	sadd.s32 s23, s2  }
0x11: {  	s18 =	sadd.s32 s19, s16;
	s2 =	sshrl.u32 s2, $0x3;
	s21 =	smax.u32 s8, $0x1  }
0x12: {  	s22 =	simm.s32 $0x1000;
	s23 =	simm.s32 $0x5;
	s25 =	sshrl.u32 s9, $0x3  }
0x13: {  	s19 =	sadd.s32 s0, s25;
	s0 =	sadd.s32 s0, s2;
	s2 =	sadd.s32 s26, s1  }
0x14: {  	s26 =	simm.s32 $0x40;
	s20 =	sadd.s32 $0x24900, s0;
	s0 =	sadd.s32 $0x124800, s1  }
0x15: {  	v0 =	vimm.f32 $0.0e+00;
	s25 =	sshrl.u32 @!p0 s2, $0x3;
	s24 =	sshrl.u32 @p0 s0, $0x3;
	s0 =	simm.s32 $0x0  }
.LBB2_1:
0x16: {  	s3 =	simm.s32 $0x0  }
0x17: {  	s2 =	sand.u32 $0x7E00, s3  }
0x18: {  	s3 =	sand.u32 $0x70, s3;
	s8 =	sshrl.u32 s2, $0x2  }
0x19: {  	s2 =	simm.s32 $0x40;
	s8 =	sor.u32 s3, s8;
	s3 =	simm.s32 $0x0  }
.LBB2_2:
0x1a: {  	p1 =	sne.s32 s2, $0x7FC0  }
0x1b: {  	[tilespmem:s8+$0x1000] =	vst v0;
	s3 =	sadd.s32 $0x10, s3;
	s8 =	smov.u32 s2;
	s2 =	sadd.s32 $0x40, s2  }
.Ltmp0:
0x1c: {  	(pc) =	sbr.rel @p1 .LBB2_2-.Ltmp0, $4  }
0x1d: {  	_ = 	snop  }
0x1e: {  	s8 =	sand.u32 $0x7E00, s8  }
0x1f: {  	s9 =	sand.u32 $0x70, s3;
	s8 =	sshrl.u32 s8, $0x2  }
0x20: {  	s8 =	sor.u32 s9, s8  }
0x21: {  	[tilespmem:s8+$0x1000] =	vst v0  }
0x22: {  	[spmem:s7] =	stream.linear.scatter [tilespmem:s22], [sflag:$0x5], $0x2000, $0x38;
	[tilespmem:$0x1D000] =	vst v63  }
0x23: {  	_ =	swait.ge [sflag:s23], $0x2000  }
0x24: {  	[sflag:s23] =	ssyncset.done $0x0  }
0x25: {  	s2 =	rddreg [dreg:$0x3];
	[sflag:s23] =	ssyncadd.s32 $0xFFFFE000  }
0x26: {  	[spmem:s2] =	stream.linear.scatter [tilespmem:s22], [sflag:$0x5], $0x2000, $0x38;
	[tilespmem:$0x1D000] =	vst v63  }
0x27: {  	_ =	swait.ge [sflag:s23], $0x2000  }
0x28: {  	[sflag:s23] =	ssyncset.done $0x0  }
0x29: {  	s9 =	rddreg [dreg:$0x4];
	[sflag:s23] =	ssyncadd.s32 $0xFFFFE000  }
0x2a: {  	[spmem:s9] =	stream.linear.scatter [tilespmem:s22], [sflag:$0x5], $0x2000, $0x38;
	[tilespmem:$0x1D000] =	vst v63  }
0x2b: {  	_ =	swait.ge [sflag:s23], $0x2000  }
0x2c: {  	[sflag:s23] =	ssyncset.done $0x0  }
0x2d: {  	s10 =	rddreg [dreg:$0x5];
	[sflag:s23] =	ssyncadd.s32 $0xFFFFE000  }
0x2e: {  	[spmem:s10] =	stream.linear.scatter [tilespmem:s22], [sflag:$0x5], $0x2000, $0x38;
	[tilespmem:$0x1D000] =	vst v63  }
0x2f: {  	_ =	swait.ge [sflag:s23], $0x2000  }
0x30: {  	[sflag:s23] =	ssyncset.done $0x0  }
0x31: {  	s11 =	rddreg [dreg:$0x6];
	[sflag:s23] =	ssyncadd.s32 $0xFFFFE000  }
0x32: {  	[spmem:s11] =	stream.linear.scatter [tilespmem:s22], [sflag:$0x5], $0x2000, $0x38;
	[tilespmem:$0x1D000] =	vst v63  }
0x33: {  	_ =	swait.ge [sflag:s23], $0x2000  }
0x34: {  	[sflag:s23] =	ssyncset.done $0x0  }
0x35: {  	s12 =	rddreg [dreg:$0x7];
	[sflag:s23] =	ssyncadd.s32 $0xFFFFE000  }
0x36: {  	[spmem:s12] =	stream.linear.scatter [tilespmem:s22], [sflag:$0x5], $0x2000, $0x38;
	[tilespmem:$0x1D000] =	vst v63  }
0x37: {  	_ =	swait.ge [sflag:s23], $0x2000  }
0x38: {  	[sflag:s23] =	ssyncset.done $0x0  }
0x39: {  	s13 =	rddreg [dreg:$0x8];
	[sflag:s23] =	ssyncadd.s32 $0xFFFFE000  }
0x3a: {  	[spmem:s13] =	stream.linear.scatter [tilespmem:s22], [sflag:$0x5], $0x2000, $0x38;
	[tilespmem:$0x1D000] =	vst v63  }
0x3b: {  	_ =	swait.ge [sflag:s23], $0x2000  }
0x3c: {  	[sflag:s23] =	ssyncset.done $0x0  }
0x3d: {  	s14 =	rddreg [dreg:$0x9];
	[sflag:s23] =	ssyncadd.s32 $0xFFFFE000  }
0x3e: {  	[spmem:s14] =	stream.linear.scatter [tilespmem:s22], [sflag:$0x5], $0x2000, $0x38;
	[tilespmem:$0x1D000] =	vst v63  }
0x3f: {  	_ =	swait.ge [sflag:s23], $0x2000  }
0x40: {  	[sflag:s23] =	ssyncset.done $0x0  }
0x41: {  	[sflag:s23] =	ssyncadd.s32 $0xFFFFE000  }
0x42: {  	[spmem:s15] =	stream.linear.scatter [tilespmem:s22], [sflag:$0x5], $0x2000, $0x38;
	[tilespmem:$0x1D000] =	vst v63  }
0x43: {  	_ =	swait.ge [sflag:s23], $0x2000  }
0x44: {  	[sflag:s23] =	ssyncset.done $0x0  }
0x45: {  	[sflag:s23] =	ssyncadd.s32 $0xFFFFE000  }
0x46: {  	[spmem:s17] =	stream.linear.scatter [tilespmem:s22], [sflag:$0x5], $0x2000, $0x38;
	[tilespmem:$0x1D000] =	vst v63  }
0x47: {  	_ =	swait.ge [sflag:s23], $0x2000  }
0x48: {  	[sflag:s23] =	ssyncset.done $0x0  }
0x49: {  	[sflag:s23] =	ssyncadd.s32 $0xFFFFE000  }
0x4a: {  	s3 =	simm.s32 $0x0;
	s2 =	simm.s32 $0x0;
	[bflag:$0x0] =	sbarrier.arrive $0xFFFF  }
.LBB2_4:
0x4b: {  	s8 =	sshll.u32 s3, $0xB  }
0x4c: {  	s9 =	sadd.s32 s18, s8  }
0x4d: {  	s9 =	sshrl.u32 s9, $0x3  }
0x4e: {  	s9 =	sadd.s32 s5, s9  }
0x4f: {  	[tilespmem:s2], [sflag:$0x5] =	stream.linear.gather [hbm4b:s9+s2], $0x800, $0x38;
	[tilespmem:$0x1D000] =	vst v63  }
0x50: {  	s8 =	sadd.s32 s16, s8;
	_ =	swait.ge [sflag:s23], $0x800  }
0x51: {  	s8 =	sshrl.u32 s8, $0x3;
	[sflag:s23] =	ssyncset.done $0x0  }
0x52: {  	s14 =	sadd.s32 s6, s8;
	s8 =	simm.s32 $0x800;
	[sflag:s23] =	ssyncadd.s32 $0xFFFFF800  }
0x53: {  	[tilespmem:s8], [sflag:$0x5] =	stream.linear.gather [hbm4b:s14+s2], $0x800, $0x38;
	[tilespmem:$0x1D000] =	vst v63  }
0x54: {  	_ =	swait.ge [sflag:s23], $0x800  }
0x55: {  	[sflag:s23] =	ssyncset.done $0x0  }
0x56: {  	[sflag:s23] =	ssyncadd.s32 $0xFFFFF800  }
0x57: {  	[tilespmem:s22], [sflag:$0x1] =	stream.indirect.gather [hbm4b:s4+s26], $0x80, s2, s26, $0xb8;
	[tilespmem:$0x1D000] =	vst v63  }
0x58: {  	_ = 	snop  }
0x59: {  	[tilespmem:s29], [sflag:$0x2] =	stream.indirect.gather [hbm4b:s4+s26], $0x80, s28, s26, $0xb8;
	[tilespmem:$0x1D000] =	vst v63  }
0x5a: {  	s10 =	simm.s32 $0x0;
	s9 =	simm.s32 $0x180  }
0x5b: {  	[tilespmem:s31], [sflag:$0x3] =	stream.indirect.gather [hbm4b:s4+s26], $0x80, s30, s26, $0xb8;
	[tilespmem:$0x1D000] =	vst v63  }
.LBB2_5:
0x5c: {  	s11 =	sand.u32 $0x3, s10  }
0x5d: {  	p1 =	sgt.s32 s11, $0x1  }
0x5e: {  	p3 =	seq.s32 @p1 s11, $0x2  }
0x5f: {  	p2 =	por !p3, !p1  }
0x60: {  	p4 =	sgt.u32 @!p2 s10, $0xC;
	s12 =	simm.s32 @!p2 $0x3  }
0x61: {  	_ =	swait.ge @!p2 [sflag:s12], $0x2000;
	p4 =	por @p1 p4, !p3  }
0x62: {  	[sflag:s12] =	ssyncset.done @!p2 $0x0;
	p4 =	por p4, !p1  }
0x63: {  	[sflag:s12] =	ssyncadd.s32 @!p2 $0xFFFFE000;
	s12 =	simm.s32 @!p4 $0x40;
	s13 =	simm.s32 @!p4 $0x3000  }
0x64: {  	[tilespmem:s13], [sflag:$0x2] =	stream.indirect.gather @!p4 [hbm4b:s4+s12], $0x80, s9, s12, $0xb8;
	[tilespmem:$0x1D000] =	vst v63  }
0x65: {  	s12 =	simm.s32 @!p2 $0x40;
	s13 =	simm.s32 @!p2 $0x5000;
	p4 =	por p3, !p1  }
0x66: {  	[spmem:s1] =	stream.indirect.scatter.add.f32 @!p2 [tilespmem:s13], [sflag:$0x6], $0x80, s8, s12, $0xb8;
	[tilespmem:$0x1D000] =	vst v63  }
0x67: {  	p5 =	sgt.u32 @!p4 s10, $0xC;
	s12 =	simm.s32 @!p4 $0x4  }
0x68: {  	p3 =	por @p1 p5, p3;
	_ =	swait.ge @!p4 [sflag:s12], $0x2000  }
0x69: {  	p3 =	por p3, !p1;
	[sflag:s12] =	ssyncset.done @!p4 $0x0  }
0x6a: {  	s13 =	simm.s32 @!p3 $0x5000;
	[sflag:s12] =	ssyncadd.s32 @!p4 $0xFFFFE000;
	s12 =	simm.s32 @!p3 $0x40  }
0x6b: {  	[tilespmem:s13], [sflag:$0x3] =	stream.indirect.gather @!p3 [hbm4b:s4+s12], $0x80, s9, s12, $0xb8;
	[tilespmem:$0x1D000] =	vst v63  }
0x6c: {  	s12 =	simm.s32 @!p4 $0x40;
	s13 =	simm.s32 @!p4 $0x7000  }
0x6d: {  	[spmem:s1] =	stream.indirect.scatter.add.f32 @!p4 [tilespmem:s13], [sflag:$0x5], $0x80, s8, s12, $0xb8;
	[tilespmem:$0x1D000] =	vst v63  }
0x6e: {  	p4 =	seq.s32 @!p1 s11, $0x0  }
0x6f: {  	p3 =	por !p4, p1  }
0x70: {  	p5 =	sgt.u32 @!p3 s10, $0xC;
	s11 =	simm.s32 @!p3 $0x1  }
0x71: {  	_ =	swait.ge @!p3 [sflag:s11], $0x2000;
	p5 =	por @!p1 p5, !p4  }
0x72: {  	[sflag:s11] =	ssyncset.done @!p3 $0x0;
	p5 =	por p5, p1  }
0x73: {  	[sflag:s11] =	ssyncadd.s32 @!p3 $0xFFFFE000;
	s11 =	simm.s32 @!p5 $0x40;
	s12 =	simm.s32 @!p5 $0x7000  }
0x74: {  	[tilespmem:s12], [sflag:$0x4] =	stream.indirect.gather @!p5 [hbm4b:s4+s11], $0x80, s9, s11, $0xb8;
	[tilespmem:$0x1D000] =	vst v63  }
0x75: {  	s11 =	simm.s32 @!p3 $0x40;
	s12 =	simm.s32 @!p3 $0x1000;
	p5 =	por p4, p1  }
0x76: {  	[spmem:s1] =	stream.indirect.scatter.add.f32 @!p3 [tilespmem:s12], [sflag:$0x6], $0x80, s8, s11, $0xb8;
	[tilespmem:$0x1D000] =	vst v63  }
0x77: {  	p6 =	sgt.u32 @!p5 s10, $0xC;
	s11 =	simm.s32 @!p5 $0x2  }
0x78: {  	p4 =	por @!p1 p6, p4;
	_ =	swait.ge @!p5 [sflag:s11], $0x2000  }
0x79: {  	p4 =	por p4, p1;
	[sflag:s11] =	ssyncset.done @!p5 $0x0  }
0x7a: {  	s13 =	simm.s32 @!p4 $0x1000;
	[sflag:s11] =	ssyncadd.s32 @!p5 $0xFFFFE000;
	s11 =	simm.s32 @!p4 $0x40  }
0x7b: {  	[tilespmem:s13], [sflag:$0x1] =	stream.indirect.gather @!p4 [hbm4b:s4+s11], $0x80, s9, s11, $0xb8;
	[tilespmem:$0x1D000] =	vst v63  }
0x7c: {  	s12 =	simm.s32 @!p2 $0x6;
	s11 =	simm.s32 @!p3 $0x6  }
0x7d: {  	s10 =	sadd.s32 $0x1, s10;
	s12 =	simm.s32 @p2 $0x5;
	s11 =	simm.s32 @p3 $0x6  }
0x7e: {  	s11 =	smov.u32 @p1 s12;
	p1 =	sne.s32 s10, $0x10  }
.Ltmp1:
0x7f: {  	s14 =	simm.s32 @!p5 $0x3000;
	s13 =	simm.s32 @!p5 $0x40;
	(pc) =	sbr.rel @p1 .LBB2_5-.Ltmp1, $4  }
0x80: {  	[spmem:s1] =	stream.indirect.scatter.add.f32 @!p5 [tilespmem:s14], [sflag:$0x6], $0x80, s8, s13, $0xb8;
	[tilespmem:$0x1D000] =	vst v63  }
0x81: {  	_ =	swait.ge [sflag:s11], $0x2000  }
0x82: {  	[sflag:s11] =	ssyncset.done $0x0  }
0x83: {  	s9 =	sadd.s32 $0x80, s9;
	s8 =	sadd.s32 $0x80, s8;
	[sflag:s11] =	ssyncadd.s32 $0xFFFFE000  }
0x84: {  	s3 =	sadd.s32 $0x1, s3  }
0x85: {  	p1 =	sne.s32 s3, $0x14  }
.Ltmp2:
0x86: {  	_ = 	snop;
	(pc) =	sbr.rel @p1 .LBB2_4-.Ltmp2, $1  }
0x87: {  	_ =	sdelay $0x3  }
0x88: {  	[bflag:$0x0] =	sbarrier.arrive $0xFFFF;
	s2 =	simm.s32 @p0 $0x1FC5  }
0x89: {  	[hbm:s20], [sflag:s2] =	dma.local @p0 [spmem:s24], $0x2800  }
0x8a: {  	s2 =	simm.s32 @p0 $0x5  }
0x8b: {  	s3 =	stileid.u32;
	_ =	swait.ge @p0 [sflag:s2], $0x2800  }
0x8c: {  	s0 =	sadd.s32 $0x1, s0;
	s3 =	sshll.u32 @!p0 s3, $0x6;
	[sflag:s2] =	ssyncset.done @p0 $0x0  }
0x8d: {  	p1 =	sne.s32 s0, s21;
	[sflag:s2] =	ssyncadd.s32 @p0 $0xFFFFD800;
	s2 =	sor.u32 @!p0 $0x1C05, s3  }
0x8e: {  	[hbm:s19], [sflag:s2] =	dma.local @!p0 [spmem:s25], $0x2700  }
.Ltmp3:
0x8f: {  	_ = 	snop;
	(pc) =	sbr.rel @p1 .LBB2_1-.Ltmp3, $4  }
0x90: {  	s2 =	simm.s32 @!p0 $0x5  }
0x91: {  	_ =	swait.ge @!p0 [sflag:s2], $0x2700  }
0x92: {  	[sflag:s2] =	ssyncset.done @!p0 $0x0  }
0x93: {  	[sflag:s2] =	ssyncadd.s32 @!p0 $0xFFFFD900  }
0x94: {  	_ =	sfence.sel $0x180000  }
0x95: {  	[bflag:$0x0] =	sbarrier.arrive $0xFFFF  }
0x96: {  	_ =	strace $0x9000004D  }
0x97: {  	s0 =	stileid.u32;
	[bflag:$0x2] =	sbarrier.arrive $0xFFFF  }
0x98: {  	p0 =	sne.s32 s0, $0x0;
	s0 =	rddreg [dreg:$0x2]  }
0x99: {  	s0 =	sadd.s32 @!p0 $0x100000, s0  }
0x9a: {  	[sflag:s0] =	ssyncadd.tile.s32 @!p0 $0x1;
	_ =	shalt  }
.Lfunc_end2:
_tile_overlayer_lowered:
.L_overlay_start_2:
0x9b: {  	(tag) =	ssettag $0x2  }
0x9c: {  	s0 =	rddreg [dreg:$0x0];
	s2 =	stileid.u32  }
0x9d: {  	s1 =	rddreg [dreg:$0x1];
	p0 =	sne.s32 s2, $0x0  }
0x9e: {  	s3 =	rddreg [dreg:$0x2];
	[bflag:$0x3] =	sbarrier.arrive $0xFFFF;
	s2 =	simm.s32 @!p0 $0x1C05  }
0x9f: {  	[timem:s3], [sflag:s2] =	dma.local @!p0 [hbm:s0], s1  }
0xa0: {  	s0 =	simm.s32 @!p0 $0x5  }
0xa1: {  	_ =	swait.ge @!p0 [sflag:s0], s1  }
0xa2: {  	s1 =	ssub.s32 @!p0 $0x0, s1;
	[sflag:s0] =	ssyncset.done @!p0 $0x0  }
0xa3: {  	[sflag:s0] =	ssyncadd.s32 @!p0 s1  }
0xa4: {  	[bflag:$0x3] =	sbarrier.arrive $0xFFFF  }
0xa5: {  	_ =	shalt  }

// kernel: kernel.22.cloned.1.call-start
scs
__scs_entry_jumppad:
0x0: {  	(pc) =	sbr.rel $0x88, $3  }
0x1: {  	(tag) =	ssettag $0x0;
	lr =	simm.s32 $0x1  }
0x2: {  	[smem:$0x3F82] =	sst lr;
	_ =	strace $0xD0000000  }
0x3: {  	_ = 	snop  }
0x4: {  	_ = 	snop  }
0x5: {  	_ = 	snop  }
0x6: {  	_ = 	snop  }
0x7: {  	_ = 	snop  }
__scs_overlays_trampoline_lowered:
0x8: {  	[smem:$0x3F91] =	sst s0  }
0x9: {  	[smem:$0x3F92] =	sst s1  }
0xa: {  	[smem:$0x3F93] =	sst s2  }
0xb: {  	[smem:$0x3F94] =	sst s3  }
0xc: {  	[smem:$0x3F95] =	sst s4  }
0xd: {  	[smem:$0x3F96] =	sst s5  }
0xe: {  	[smem:$0x3F97] =	sst s6  }
0xf: {  	[smem:$0x3F98] =	sst s7  }
0x10: {  	[smem:$0x3F99] =	sst s8  }
0x11: {  	[smem:$0x3F9A] =	sst s9;
	s0 =	simm.s32 @!p0 $0x0  }
0x12: {  	s1 =	sld [smem:$0x3F80];
	s0 =	simm.s32 @p0 $0x1  }
0x13: {  	[smem:$0x3F9B] =	sst s0;
	s0 =	simm.s32 @!p1 $0x0  }
0x14: {  	s2 =	sld [smem:$0x3F7F];
	s0 =	simm.s32 @p1 $0x1  }
0x15: {  	[smem:$0x3F9C] =	sst s0;
	s0 =	simm.s32 @!p2 $0x0  }
0x16: {  	s3 =	sld [smem:$0x3FDB];
	s0 =	simm.s32 @p2 $0x1  }
0x17: {  	s4 =	simm.s32 $0x1BF5;
	[smem:$0x3F9E] =	sst s0  }
0x18: {  	s0 =	sld [smem:$0x3F81];
	_ =	swait.ge [sflag:s4], $0x0  }
0x19: {  	s7 =	sld [smem:$0x3F82]  }
0x1a: {  	s8 =	sadd.s32 $0xFFFFE003, lr  }
0x1b: {  	s9 =	sadd.s32 $0xFFFFFEF7, lr;
	s5 =	simm.s32 $0xFFFFFFFF;
	p2 =	slt.u32 s8, $0xFFFFF086  }
0x1c: {  	p1 =	slt.u32 s9, $0xF7A;
	s5 =	simm.s32 @!p2 $0x0  }
0x1d: {  	s5 =	simm.s32 @p1 $0x1;
	p0 =	seq.s32 s7, s2  }
0x1e: {  	s7 =	smul.u32 @!p0 $0xF7A, s2;
	p2 =	seq.s32 @!p0 s5, $0x0  }
0x1f: {  	s9 =	smul.u32 $0xF7A, s1;
	s8 =	simm.s32 @!p0 $0x1BF5;
	p2 =	por !p2, p0  }
0x20: {  	[sflag:s8] =	ssyncset.s32 @!p0 $0xFFFFF086;
	s6 =	sadd.s32 @!p0 s3, s7;
	s7 =	simm.s32 @!p0 $0x108  }
0x21: {  	s3 =	sadd.s32 s3, s9;
	s6 =	sadd.s32 @!p0 $0x88, s6;
	s7 =	simm.s32 @p2 $0x1082  }
0x22: {  	[simem:s7], [sflag:s8] =	dma.local @!p0 [hbm:s6], $0xF7A  }
0x23: {  	s9 =	sor.u32 $0xD0000000, s2;
	s6 =	simm.s32 $0x108;
	_ =	swait.ge @!p0 [sflag:s8], $0x0  }
0x24: {  	s3 =	sadd.s32 $0x88, s3;
	s6 =	simm.s32 @!p1 $0x1082;
	[sflag:s4] =	ssyncset.s32 $0xFFFFF086  }
0x25: {  	[simem:s6], [sflag:s4] =	dma.local [hbm:s3], $0xF7A  }
0x26: {  	[smem:$0x3F82] =	sst s1;
	(tag) =	ssettag s2;
	_ =	strace s9  }
0x27: {  	s1 =	sld [smem:$0x3F92]  }
0x28: {  	s2 =	sld [smem:$0x3F93]  }
0x29: {  	s4 =	sld [smem:$0x3F95]  }
0x2a: {  	p0 =	seq.s32 s5, $0x0;
	s5 =	sld [smem:$0x3F96]  }
0x2b: {  	s6 =	sld [smem:$0x3F97]  }
0x2c: {  	s7 =	sld [smem:$0x3F98]  }
0x2d: {  	s3 =	simm.s32 $0x108;
	s8 =	sld [smem:$0x3F99]  }
0x2e: {  	s3 =	simm.s32 @!p0 $0x1082;
	s9 =	sld [smem:$0x3F9A]  }
0x2f: {  	lr =	sadd.s32 s0, s3;
	s0 =	sld [smem:$0x3F91]  }
0x30: {  	s3 =	sld [smem:$0x3F94]  }
0x31: {  	[smem:$0x3F9D] =	sst s10  }
0x32: {  	s10 =	sld [smem:$0x3F9B];
	_ =	sdelay $0x3  }
0x33: {  	p0 =	seq.s32 s10, $0x1;
	s10 =	sld [smem:$0x3F9D];
	_ =	sdelay $0x3  }
0x34: {  	[smem:$0x3F9D] =	sst s10  }
0x35: {  	s10 =	sld [smem:$0x3F9C];
	_ =	sdelay $0x3  }
0x36: {  	p1 =	seq.s32 s10, $0x1;
	s10 =	sld [smem:$0x3F9D];
	_ =	sdelay $0x3  }
0x37: {  	[smem:$0x3F9D] =	sst s10  }
0x38: {  	s10 =	sld [smem:$0x3F9E]  }
0x39: {  	_ = 	snop;
	(pc) =	sbr.ind lr, $3  }
0x3a: {  	_ = 	snop  }
0x3b: {  	_ = 	snop  }
0x3c: {  	p2 =	seq.s32 s10, $0x1;
	s10 =	sld [smem:$0x3F9D]  }
0x3d: {  	_ =	shalt  }
0x3e: {  	_ =	shalt  }
0x3f: {  	_ =	shalt  }
0x40: {  	_ =	shalt  }
0x41: {  	_ =	shalt  }
0x42: {  	_ =	shalt  }
0x43: {  	_ =	shalt  }
0x44: {  	_ =	shalt  }
0x45: {  	_ =	shalt  }
0x46: {  	_ =	shalt  }
0x47: {  	_ =	shalt  }
0x48: {  	_ =	shalt  }
0x49: {  	_ =	shalt  }
0x4a: {  	_ =	shalt  }
0x4b: {  	_ =	shalt  }
0x4c: {  	_ =	shalt  }
0x4d: {  	_ =	shalt  }
0x4e: {  	_ =	shalt  }
0x4f: {  	_ =	shalt  }
0x50: {  	_ =	shalt  }
0x51: {  	_ =	shalt  }
0x52: {  	_ =	shalt  }
0x53: {  	_ =	shalt  }
0x54: {  	_ =	shalt  }
0x55: {  	_ =	shalt  }
0x56: {  	_ =	shalt  }
0x57: {  	_ =	shalt  }
0x58: {  	_ =	shalt  }
0x59: {  	_ =	shalt  }
0x5a: {  	_ =	shalt  }
0x5b: {  	_ =	shalt  }
0x5c: {  	_ =	shalt  }
0x5d: {  	_ =	shalt  }
0x5e: {  	_ =	shalt  }
0x5f: {  	_ =	shalt  }
0x60: {  	_ =	shalt  }
0x61: {  	_ =	shalt  }
0x62: {  	_ =	shalt  }
0x63: {  	_ =	shalt  }
0x64: {  	_ =	shalt  }
0x65: {  	_ =	shalt  }
0x66: {  	_ =	shalt  }
0x67: {  	_ =	shalt  }
0x68: {  	_ =	shalt  }
0x69: {  	_ =	shalt  }
0x6a: {  	_ =	shalt  }
0x6b: {  	_ =	shalt  }
0x6c: {  	_ =	shalt  }
0x6d: {  	_ =	shalt  }
0x6e: {  	_ =	shalt  }
0x6f: {  	_ =	shalt  }
0x70: {  	_ =	shalt  }
0x71: {  	_ =	shalt  }
0x72: {  	_ =	shalt  }
0x73: {  	_ =	shalt  }
0x74: {  	_ =	shalt  }
0x75: {  	_ =	shalt  }
0x76: {  	_ =	shalt  }
0x77: {  	_ =	shalt  }
0x78: {  	_ =	shalt  }
0x79: {  	_ =	shalt  }
0x7a: {  	_ =	shalt  }
0x7b: {  	_ =	shalt  }
0x7c: {  	_ =	shalt  }
0x7d: {  	_ =	shalt  }
0x7e: {  	_ =	shalt  }
0x7f: {  	_ =	shalt  }
0x80: {  	_ =	shalt  }
0x81: {  	_ =	shalt  }
0x82: {  	_ =	shalt  }
0x83: {  	_ =	shalt  }
0x84: {  	_ =	shalt  }
0x85: {  	_ =	shalt  }
0x86: {  	_ =	shalt  }
0x87: {  	_ =	shalt  }
.Lfunc_end0:
.L_simem_size_0:
called_computation.3_lowered:
.L_overlay_start_0:
0x88: {  	s2 =	sld [smem:$0x3FD9]  }
0x89: {  	s3 =	sld [smem:$0x3FFE];
	_ =	sdelay $0x1  }
0x8a: {  	s1 =	srdreg.scid  }
0x8b: {  	s0 =	sand.u32 $0x1, s1  }
0x8c: {  	s16 =	sshll.u32 s0, $0xA;
	s2 =	sadd.s32 s3, s2  }
0x8d: {  	s2 =	sadd.s32 s2, s16  }
0x8e: {  	[smem:$0x3FA9] =	sst s2  }
0x8f: {  	_ = 	snop  }
0x90: {  	(tm) =	ssettm $0x1  }
0x91: {  	s17 =	sld [smem:$0x3FFB];
	_ =	sdelay $0x3  }
0x92: {  	_ =	strace s17  }
0x93: {  	s2 =	sld [smem:$0x3FFC];
	_ =	sdelay $0x3  }
0x94: {  	_ =	strace s2  }
0x95: {  	s2 =	sld [smem:$0x3FFD];
	_ =	sdelay $0x3  }
0x96: {  	_ =	strace s2  }
0x97: {  	_ =	strace $0x8FFFFFFF  }
0x98: {  	s18 =	sld [smem:$0x3FDB];
	_ =	sdelay $0x1  }
0x99: {  	s19 =	simm.s32 $_scs_section_size  }
0x9a: {  	s4 =	simm.s32 $_size__tile_overlayer_lowered;
	s5 =	simm.s32 $_tile_overlayer_lowered  }
0x9b: {  	s22 =	simm.s32 $0x1BFF;
	s21 =	sshll.u32 s5, $0x1;
	s2 =	sadd.s32 s19, s18  }
0x9c: {  	s6 =	simm.s32 $0x0;
	s20 =	sshll.u32 s4, $0x1;
	s4 =	sadd.s32 s21, s2  }
0x9d: {  	[timem:s6], [sflag:s22] =	dma.local [hbm:s4], s20  }
0x9e: {  	_ =	swait.ge [sflag:s22], s20  }
0x9f: {  	s3 =	ssub.s32 $0x0, s20;
	[sflag:s22] =	ssyncset.done $0x0  }
0xa0: {  	[sflag:s22] =	ssyncadd.s32 s3;
	_ =	sdelay $0x1  }
0xa1: {  	s23 =	simm.s32 $0x1B8B  }
0xa2: {  	_ =	swait.ge [sflag:s23], $0x1  }
0xa3: {  	[sflag:s23] =	ssyncset.done $0x0  }
0xa4: {  	s25 =	simm.s32 $0x1B8E;
	s24 =	sld [smem:$0x3FFE];
	[sflag:s23] =	ssyncadd.s32 $0xFFFFFFFF  }
0xa5: {  	s26 =	simm.s32 $execute0_lowered;
	[smem:$0x3FD2] =	sst s25  }
0xa6: {  	s4 =	sshll.u32 s26, $0x1;
	_ =	strace $0x8000004F;
	[dreg:$0x1] =	wrdreg $0xFFFFFFFF  }
0xa7: {  	s28 =	simm.s32 $_size_execute0_lowered;
	s2 =	sadd.s32 s2, s4;
	[dreg:$0x0] =	wrdreg $0x0  }
0xa8: {  	s4 =	sshll.u32 s28, $0x1;
	[dreg:$0x2] =	wrdreg s2  }
0xa9: {  	[dreg:$0x3] =	wrdreg s4  }
0xaa: {  	[dreg:$0x4] =	wrdreg $0xC0  }
0xab: {  	_ =	task [dreg:s6], $0x5FFFF  }
0xac: {  	[dreg:$0x1] =	wrdreg $0xFFFFFFFF  }
0xad: {  	[dreg:$0x0] =	wrdreg $0x60  }
0xae: {  	[dreg:$0x2] =	wrdreg s24  }
0xaf: {  	[dreg:$0x3] =	wrdreg $0x90000  }
0xb0: {  	[dreg:$0x4] =	wrdreg $0x9  }
0xb1: {  	_ =	task.clear_ibuf [dreg:s6], $0x5FFFF;
	_ =	strace $0x9000004F  }
0xb2: {  	s29 =	simm.s32 $0x9;
	_ =	strace $0x80000051  }
0xb3: {  	_ =	swait.ge [sflag:s29], $0x1  }
0xb4: {  	[sflag:s29] =	ssyncadd.s32 $0xFFFFFFFF  }
0xb5: {  	_ =	strace $0x90000051  }
0xb6: {  	_ =	sfence  }
0xb7: {  	s30 =	sld [smem:$0x0];
	_ =	sdelay $0x2  }
0xb8: {  	s31 =	sshll.u32 s1, $0xD;
	s1 =	sshrl.u32 s1, $0x2  }
0xb9: {  	s3 =	sand.u32 $0x4000, s31;
	s1 =	sadd.s32 s1, s30  }
0xba: {  	s0 =	sor.u32 s3, s0;
	s1 =	sshll.u32 s1, $0x11  }
0xbb: {  	s0 =	sor.u32 s1, s0  }
0xbc: {  	s0 =	sadd.s32 $0x8F2B, s0  }
0xbd: {  	[sflag:s0] =	ssyncadd.remote.s32 $0x1  }
0xbe: {  	_ =	sfence.sel $0xFFFF  }
0xbf: {  	[dreg:$0x0] =	wrdreg $0xFFFFFFFF;
	(pc) =	sbr.abs _section_cstart, $3  }
0xc0: {  	[dreg:$0x1] =	wrdreg $0xFFFFFFFF  }
0xc1: {  	_ =	task.clear_ibuf [dreg:s6], $0x2FFFF;
	_ =	strace $0x9FFFFFFF  }
0xc2: {  	(tm) =	ssettm $0x7FFFFFFF  }
0xc3: {  	_ =	shalt  }
tec
execute0_lowered:
.L_overlay_start_1:
0x0: {  	(tag) =	ssettag $0x1  }
0x1: {  	s0 =	rddreg [dreg:$0x0]  }
0x2: {  	s1 =	rddreg [dreg:$0x1];
	s2 =	simm.s32 $0x0;
	s17 =	srdreg.scid  }
0x3: {  	s11 =	stileid.u32;
	s28 =	simm.s32 $0x80;
	s29 =	simm.s32 $0x3000  }
0x4: {  	s30 =	simm.s32 $0x100;
	s31 =	simm.s32 $0x5000;
	[smem:$0x7FF] =	sst s2  }
0x5: {  	s2 =	sand.u32 $0x1, s17;
	s3 =	smul.u32 $0x50000, s11;
	s4 =	sadd.s32 $0x8A00, s0  }
0x6: {  	s5 =	sadd.s32 $0x92C00, s0;
	s6 =	sadd.s32 $0x7EC00, s0;
	s7 =	ssub.s32 $0x2, s2  }
0x7: {  	s23 =	smul.u32 $0x13800, s11;
	s8 =	sshrl.u32 s7, $0x1;
	s3 =	sshrl.u32 s3, $0x2  }
0x8: {  	s16 =	smul.u32 $0xA000, s11;
	s8 =	ssub.s32 s7, s8;
	s7 =	sadd.s32 s3, s1  }
0x9: {  	s0 =	sadd.s32 $0xBAC00, s0;
	s24 =	smul.u32 $0x4E000, s11;
	s3 =	sadd.s32 $0x2000, s7  }
0xa: {  	_ =	strace $0x80000050;
	s18 =	sadd.s32 $0x4000, s7;
	[dreg:$0x3] =	wrdreg s3  }
0xb: {  	p0 =	seq.s32 s11, $0xF;
	s9 =	sadd.s32 $0x6000, s7;
	[dreg:$0x4] =	wrdreg s18  }
0xc: {  	s19 =	smul.u32 $0xA0000, s2;
	s20 =	sadd.s32 $0x8000, s7;
	[dreg:$0x5] =	wrdreg s9  }
0xd: {  	s2 =	smul.u32 $0x138800, s2;
	s21 =	sadd.s32 $0xA000, s7;
	[dreg:$0x6] =	wrdreg s20  }
0xe: {  	s26 =	sshrl.u32 s24, $0x2;
	s22 =	sadd.s32 $0xC000, s7;
	[dreg:$0x7] =	wrdreg s21  }
0xf: {  	s10 =	sadd.s32 $0xE000, s7;
	s15 =	sadd.s32 $0x10000, s7;
	[dreg:$0x8] =	wrdreg s22  }
0x10: {  	s17 =	sadd.s32 $0x12000, s7;
	[dreg:$0x9] =	wrdreg s10;
	s9 =	sadd.s32 s23, s2  }
0x11: {  	s18 =	sadd.s32 s19, s16;
	s2 =	sshrl.u32 s2, $0x3;
	s21 =	smax.u32 s8, $0x1  }
0x12: {  	s22 =	simm.s32 $0x1000;
	s23 =	simm.s32 $0x5;
	s25 =	sshrl.u32 s9, $0x3  }
0x13: {  	s19 =	sadd.s32 s0, s25;
	s0 =	sadd.s32 s0, s2;
	s2 =	sadd.s32 s26, s1  }
0x14: {  	s26 =	simm.s32 $0x40;
	s20 =	sadd.s32 $0x24900, s0;
	s0 =	sadd.s32 $0x124800, s1  }
0x15: {  	v0 =	vimm.f32 $0.0e+00;
	s25 =	sshrl.u32 @!p0 s2, $0x3;
	s24 =	sshrl.u32 @p0 s0, $0x3;
	s0 =	simm.s32 $0x0  }
.LBB2_1:
0x16: {  	s3 =	simm.s32 $0x0  }
0x17: {  	s2 =	sand.u32 $0x7E00, s3  }
0x18: {  	s3 =	sand.u32 $0x70, s3;
	s8 =	sshrl.u32 s2, $0x2  }
0x19: {  	s2 =	simm.s32 $0x40;
	s8 =	sor.u32 s3, s8;
	s3 =	simm.s32 $0x0  }
.LBB2_2:
0x1a: {  	p1 =	sne.s32 s2, $0x7FC0  }
0x1b: {  	[tilespmem:s8+$0x1000] =	vst v0;
	s3 =	sadd.s32 $0x10, s3;
	s8 =	smov.u32 s2;
	s2 =	sadd.s32 $0x40, s2  }
.Ltmp0:
0x1c: {  	(pc) =	sbr.rel @p1 .LBB2_2-.Ltmp0, $4  }
0x1d: {  	_ = 	snop  }
0x1e: {  	s8 =	sand.u32 $0x7E00, s8  }
0x1f: {  	s9 =	sand.u32 $0x70, s3;
	s8 =	sshrl.u32 s8, $0x2  }
0x20: {  	s8 =	sor.u32 s9, s8  }
0x21: {  	[tilespmem:s8+$0x1000] =	vst v0  }
0x22: {  	[spmem:s7] =	stream.linear.scatter [tilespmem:s22], [sflag:$0x5], $0x2000, $0x38;
	[tilespmem:$0x1D000] =	vst v63  }
0x23: {  	_ =	swait.ge [sflag:s23], $0x2000  }
0x24: {  	[sflag:s23] =	ssyncset.done $0x0  }
0x25: {  	s2 =	rddreg [dreg:$0x3];
	[sflag:s23] =	ssyncadd.s32 $0xFFFFE000  }
0x26: {  	[spmem:s2] =	stream.linear.scatter [tilespmem:s22], [sflag:$0x5], $0x2000, $0x38;
	[tilespmem:$0x1D000] =	vst v63  }
0x27: {  	_ =	swait.ge [sflag:s23], $0x2000  }
0x28: {  	[sflag:s23] =	ssyncset.done $0x0  }
0x29: {  	s9 =	rddreg [dreg:$0x4];
	[sflag:s23] =	ssyncadd.s32 $0xFFFFE000  }
0x2a: {  	[spmem:s9] =	stream.linear.scatter [tilespmem:s22], [sflag:$0x5], $0x2000, $0x38;
	[tilespmem:$0x1D000] =	vst v63  }
0x2b: {  	_ =	swait.ge [sflag:s23], $0x2000  }
0x2c: {  	[sflag:s23] =	ssyncset.done $0x0  }
0x2d: {  	s10 =	rddreg [dreg:$0x5];
	[sflag:s23] =	ssyncadd.s32 $0xFFFFE000  }
0x2e: {  	[spmem:s10] =	stream.linear.scatter [tilespmem:s22], [sflag:$0x5], $0x2000, $0x38;
	[tilespmem:$0x1D000] =	vst v63  }
0x2f: {  	_ =	swait.ge [sflag:s23], $0x2000  }
0x30: {  	[sflag:s23] =	ssyncset.done $0x0  }
0x31: {  	s11 =	rddreg [dreg:$0x6];
	[sflag:s23] =	ssyncadd.s32 $0xFFFFE000  }
0x32: {  	[spmem:s11] =	stream.linear.scatter [tilespmem:s22], [sflag:$0x5], $0x2000, $0x38;
	[tilespmem:$0x1D000] =	vst v63  }
0x33: {  	_ =	swait.ge [sflag:s23], $0x2000  }
0x34: {  	[sflag:s23] =	ssyncset.done $0x0  }
0x35: {  	s12 =	rddreg [dreg:$0x7];
	[sflag:s23] =	ssyncadd.s32 $0xFFFFE000  }
0x36: {  	[spmem:s12] =	stream.linear.scatter [tilespmem:s22], [sflag:$0x5], $0x2000, $0x38;
	[tilespmem:$0x1D000] =	vst v63  }
0x37: {  	_ =	swait.ge [sflag:s23], $0x2000  }
0x38: {  	[sflag:s23] =	ssyncset.done $0x0  }
0x39: {  	s13 =	rddreg [dreg:$0x8];
	[sflag:s23] =	ssyncadd.s32 $0xFFFFE000  }
0x3a: {  	[spmem:s13] =	stream.linear.scatter [tilespmem:s22], [sflag:$0x5], $0x2000, $0x38;
	[tilespmem:$0x1D000] =	vst v63  }
0x3b: {  	_ =	swait.ge [sflag:s23], $0x2000  }
0x3c: {  	[sflag:s23] =	ssyncset.done $0x0  }
0x3d: {  	s14 =	rddreg [dreg:$0x9];
	[sflag:s23] =	ssyncadd.s32 $0xFFFFE000  }
0x3e: {  	[spmem:s14] =	stream.linear.scatter [tilespmem:s22], [sflag:$0x5], $0x2000, $0x38;
	[tilespmem:$0x1D000] =	vst v63  }
0x3f: {  	_ =	swait.ge [sflag:s23], $0x2000  }
0x40: {  	[sflag:s23] =	ssyncset.done $0x0  }
0x41: {  	[sflag:s23] =	ssyncadd.s32 $0xFFFFE000  }
0x42: {  	[spmem:s15] =	stream.linear.scatter [tilespmem:s22], [sflag:$0x5], $0x2000, $0x38;
	[tilespmem:$0x1D000] =	vst v63  }
0x43: {  	_ =	swait.ge [sflag:s23], $0x2000  }
0x44: {  	[sflag:s23] =	ssyncset.done $0x0  }
0x45: {  	[sflag:s23] =	ssyncadd.s32 $0xFFFFE000  }
0x46: {  	[spmem:s17] =	stream.linear.scatter [tilespmem:s22], [sflag:$0x5], $0x2000, $0x38;
	[tilespmem:$0x1D000] =	vst v63  }
0x47: {  	_ =	swait.ge [sflag:s23], $0x2000  }
0x48: {  	[sflag:s23] =	ssyncset.done $0x0  }
0x49: {  	[sflag:s23] =	ssyncadd.s32 $0xFFFFE000  }
0x4a: {  	s3 =	simm.s32 $0x0;
	s2 =	simm.s32 $0x0;
	[bflag:$0x0] =	sbarrier.arrive $0xFFFF  }
.LBB2_4:
0x4b: {  	s8 =	sshll.u32 s3, $0xB  }
0x4c: {  	s9 =	sadd.s32 s18, s8  }
0x4d: {  	s9 =	sshrl.u32 s9, $0x3  }
0x4e: {  	s9 =	sadd.s32 s5, s9  }
0x4f: {  	[tilespmem:s2], [sflag:$0x5] =	stream.linear.gather [hbm4b:s9+s2], $0x800, $0x38;
	[tilespmem:$0x1D000] =	vst v63  }
0x50: {  	s8 =	sadd.s32 s16, s8;
	_ =	swait.ge [sflag:s23], $0x800  }
0x51: {  	s8 =	sshrl.u32 s8, $0x3;
	[sflag:s23] =	ssyncset.done $0x0  }
0x52: {  	s14 =	sadd.s32 s6, s8;
	s8 =	simm.s32 $0x800;
	[sflag:s23] =	ssyncadd.s32 $0xFFFFF800  }
0x53: {  	[tilespmem:s8], [sflag:$0x5] =	stream.linear.gather [hbm4b:s14+s2], $0x800, $0x38;
	[tilespmem:$0x1D000] =	vst v63  }
0x54: {  	_ =	swait.ge [sflag:s23], $0x800  }
0x55: {  	[sflag:s23] =	ssyncset.done $0x0  }
0x56: {  	[sflag:s23] =	ssyncadd.s32 $0xFFFFF800  }
0x57: {  	[tilespmem:s22], [sflag:$0x1] =	stream.indirect.gather [hbm4b:s4+s26], $0x80, s2, s26, $0xb8;
	[tilespmem:$0x1D000] =	vst v63  }
0x58: {  	_ = 	snop  }
0x59: {  	[tilespmem:s29], [sflag:$0x2] =	stream.indirect.gather [hbm4b:s4+s26], $0x80, s28, s26, $0xb8;
	[tilespmem:$0x1D000] =	vst v63  }
0x5a: {  	s10 =	simm.s32 $0x0;
	s9 =	simm.s32 $0x180  }
0x5b: {  	[tilespmem:s31], [sflag:$0x3] =	stream.indirect.gather [hbm4b:s4+s26], $0x80, s30, s26, $0xb8;
	[tilespmem:$0x1D000] =	vst v63  }
.LBB2_5:
0x5c: {  	s11 =	sand.u32 $0x3, s10  }
0x5d: {  	p1 =	sgt.s32 s11, $0x1  }
0x5e: {  	p3 =	seq.s32 @p1 s11, $0x2  }
0x5f: {  	p2 =	por !p3, !p1  }
0x60: {  	p4 =	sgt.u32 @!p2 s10, $0xC;
	s12 =	simm.s32 @!p2 $0x3  }
0x61: {  	_ =	swait.ge @!p2 [sflag:s12], $0x2000;
	p4 =	por @p1 p4, !p3  }
0x62: {  	[sflag:s12] =	ssyncset.done @!p2 $0x0;
	p4 =	por p4, !p1  }
0x63: {  	[sflag:s12] =	ssyncadd.s32 @!p2 $0xFFFFE000;
	s12 =	simm.s32 @!p4 $0x40;
	s13 =	simm.s32 @!p4 $0x3000  }
0x64: {  	[tilespmem:s13], [sflag:$0x2] =	stream.indirect.gather @!p4 [hbm4b:s4+s12], $0x80, s9, s12, $0xb8;
	[tilespmem:$0x1D000] =	vst v63  }
0x65: {  	s12 =	simm.s32 @!p2 $0x40;
	s13 =	simm.s32 @!p2 $0x5000;
	p4 =	por p3, !p1  }
0x66: {  	[spmem:s1] =	stream.indirect.scatter.add.f32 @!p2 [tilespmem:s13], [sflag:$0x6], $0x80, s8, s12, $0xb8;
	[tilespmem:$0x1D000] =	vst v63  }
0x67: {  	p5 =	sgt.u32 @!p4 s10, $0xC;
	s12 =	simm.s32 @!p4 $0x4  }
0x68: {  	p3 =	por @p1 p5, p3;
	_ =	swait.ge @!p4 [sflag:s12], $0x2000  }
0x69: {  	p3 =	por p3, !p1;
	[sflag:s12] =	ssyncset.done @!p4 $0x0  }
0x6a: {  	s13 =	simm.s32 @!p3 $0x5000;
	[sflag:s12] =	ssyncadd.s32 @!p4 $0xFFFFE000;
	s12 =	simm.s32 @!p3 $0x40  }
0x6b: {  	[tilespmem:s13], [sflag:$0x3] =	stream.indirect.gather @!p3 [hbm4b:s4+s12], $0x80, s9, s12, $0xb8;
	[tilespmem:$0x1D000] =	vst v63  }
0x6c: {  	s12 =	simm.s32 @!p4 $0x40;
	s13 =	simm.s32 @!p4 $0x7000  }
0x6d: {  	[spmem:s1] =	stream.indirect.scatter.add.f32 @!p4 [tilespmem:s13], [sflag:$0x5], $0x80, s8, s12, $0xb8;
	[tilespmem:$0x1D000] =	vst v63  }
0x6e: {  	p4 =	seq.s32 @!p1 s11, $0x0  }
0x6f: {  	p3 =	por !p4, p1  }
0x70: {  	p5 =	sgt.u32 @!p3 s10, $0xC;
	s11 =	simm.s32 @!p3 $0x1  }
0x71: {  	_ =	swait.ge @!p3 [sflag:s11], $0x2000;
	p5 =	por @!p1 p5, !p4  }
0x72: {  	[sflag:s11] =	ssyncset.done @!p3 $0x0;
	p5 =	por p5, p1  }
0x73: {  	[sflag:s11] =	ssyncadd.s32 @!p3 $0xFFFFE000;
	s11 =	simm.s32 @!p5 $0x40;
	s12 =	simm.s32 @!p5 $0x7000  }
0x74: {  	[tilespmem:s12], [sflag:$0x4] =	stream.indirect.gather @!p5 [hbm4b:s4+s11], $0x80, s9, s11, $0xb8;
	[tilespmem:$0x1D000] =	vst v63  }
0x75: {  	s11 =	simm.s32 @!p3 $0x40;
	s12 =	simm.s32 @!p3 $0x1000;
	p5 =	por p4, p1  }
0x76: {  	[spmem:s1] =	stream.indirect.scatter.add.f32 @!p3 [tilespmem:s12], [sflag:$0x6], $0x80, s8, s11, $0xb8;
	[tilespmem:$0x1D000] =	vst v63  }
0x77: {  	p6 =	sgt.u32 @!p5 s10, $0xC;
	s11 =	simm.s32 @!p5 $0x2  }
0x78: {  	p4 =	por @!p1 p6, p4;
	_ =	swait.ge @!p5 [sflag:s11], $0x2000  }
0x79: {  	p4 =	por p4, p1;
	[sflag:s11] =	ssyncset.done @!p5 $0x0  }
0x7a: {  	s13 =	simm.s32 @!p4 $0x1000;
	[sflag:s11] =	ssyncadd.s32 @!p5 $0xFFFFE000;
	s11 =	simm.s32 @!p4 $0x40  }
0x7b: {  	[tilespmem:s13], [sflag:$0x1] =	stream.indirect.gather @!p4 [hbm4b:s4+s11], $0x80, s9, s11, $0xb8;
	[tilespmem:$0x1D000] =	vst v63  }
0x7c: {  	s12 =	simm.s32 @!p2 $0x6;
	s11 =	simm.s32 @!p3 $0x6  }
0x7d: {  	s10 =	sadd.s32 $0x1, s10;
	s12 =	simm.s32 @p2 $0x5;
	s11 =	simm.s32 @p3 $0x6  }
0x7e: {  	s11 =	smov.u32 @p1 s12;
	p1 =	sne.s32 s10, $0x10  }
.Ltmp1:
0x7f: {  	s14 =	simm.s32 @!p5 $0x3000;
	s13 =	simm.s32 @!p5 $0x40;
	(pc) =	sbr.rel @p1 .LBB2_5-.Ltmp1, $4  }
0x80: {  	[spmem:s1] =	stream.indirect.scatter.add.f32 @!p5 [tilespmem:s14], [sflag:$0x6], $0x80, s8, s13, $0xb8;
	[tilespmem:$0x1D000] =	vst v63  }
0x81: {  	_ =	swait.ge [sflag:s11], $0x2000  }
0x82: {  	[sflag:s11] =	ssyncset.done $0x0  }
0x83: {  	s9 =	sadd.s32 $0x80, s9;
	s8 =	sadd.s32 $0x80, s8;
	[sflag:s11] =	ssyncadd.s32 $0xFFFFE000  }
0x84: {  	s3 =	sadd.s32 $0x1, s3  }
0x85: {  	p1 =	sne.s32 s3, $0x14  }
.Ltmp2:
0x86: {  	_ = 	snop;
	(pc) =	sbr.rel @p1 .LBB2_4-.Ltmp2, $1  }
0x87: {  	_ =	sdelay $0x3  }
0x88: {  	[bflag:$0x0] =	sbarrier.arrive $0xFFFF;
	s2 =	simm.s32 @p0 $0x1FC5  }
0x89: {  	[hbm:s20], [sflag:s2] =	dma.local @p0 [spmem:s24], $0x2800  }
0x8a: {  	s2 =	simm.s32 @p0 $0x5  }
0x8b: {  	s3 =	stileid.u32;
	_ =	swait.ge @p0 [sflag:s2], $0x2800  }
0x8c: {  	s0 =	sadd.s32 $0x1, s0;
	s3 =	sshll.u32 @!p0 s3, $0x6;
	[sflag:s2] =	ssyncset.done @p0 $0x0  }
0x8d: {  	p1 =	sne.s32 s0, s21;
	[sflag:s2] =	ssyncadd.s32 @p0 $0xFFFFD800;
	s2 =	sor.u32 @!p0 $0x1C05, s3  }
0x8e: {  	[hbm:s19], [sflag:s2] =	dma.local @!p0 [spmem:s25], $0x2700  }
.Ltmp3:
0x8f: {  	_ = 	snop;
	(pc) =	sbr.rel @p1 .LBB2_1-.Ltmp3, $4  }
0x90: {  	s2 =	simm.s32 @!p0 $0x5  }
0x91: {  	_ =	swait.ge @!p0 [sflag:s2], $0x2700  }
0x92: {  	[sflag:s2] =	ssyncset.done @!p0 $0x0  }
0x93: {  	[sflag:s2] =	ssyncadd.s32 @!p0 $0xFFFFD900  }
0x94: {  	_ =	sfence.sel $0x180000  }
0x95: {  	[bflag:$0x0] =	sbarrier.arrive $0xFFFF  }
0x96: {  	_ =	strace $0x90000050  }
0x97: {  	s0 =	stileid.u32;
	[bflag:$0x2] =	sbarrier.arrive $0xFFFF  }
0x98: {  	p0 =	sne.s32 s0, $0x0;
	s0 =	rddreg [dreg:$0x2]  }
0x99: {  	s0 =	sadd.s32 @!p0 $0x100000, s0  }
0x9a: {  	[sflag:s0] =	ssyncadd.tile.s32 @!p0 $0x1;
	_ =	shalt  }
.Lfunc_end2:
_tile_overlayer_lowered:
.L_overlay_start_2:
0x9b: {  	(tag) =	ssettag $0x2  }
0x9c: {  	s0 =	rddreg [dreg:$0x0];
	s2 =	stileid.u32  }
0x9d: {  	s1 =	rddreg [dreg:$0x1];
	p0 =	sne.s32 s2, $0x0  }
0x9e: {  	s3 =	rddreg [dreg:$0x2];
	[bflag:$0x3] =	sbarrier.arrive $0xFFFF;
	s2 =	simm.s32 @!p0 $0x1C05  }
0x9f: {  	[timem:s3], [sflag:s2] =	dma.local @!p0 [hbm:s0], s1  }
0xa0: {  	s0 =	simm.s32 @!p0 $0x5  }
0xa1: {  	_ =	swait.ge @!p0 [sflag:s0], s1  }
0xa2: {  	s1 =	ssub.s32 @!p0 $0x0, s1;
	[sflag:s0] =	ssyncset.done @!p0 $0x0  }
0xa3: {  	[sflag:s0] =	ssyncadd.s32 @!p0 s1  }
0xa4: {  	[bflag:$0x3] =	sbarrier.arrive $0xFFFF  }
0xa5: {  	_ =	shalt  }

// kernel: kernel.25.cloned.1.call-start
scs
__scs_entry_jumppad:
0x0: {  	(pc) =	sbr.rel $0x88, $3  }
0x1: {  	(tag) =	ssettag $0x0;
	lr =	simm.s32 $0x1  }
0x2: {  	[smem:$0x3F82] =	sst lr;
	_ =	strace $0xD0000000  }
0x3: {  	_ = 	snop  }
0x4: {  	_ = 	snop  }
0x5: {  	_ = 	snop  }
0x6: {  	_ = 	snop  }
0x7: {  	_ = 	snop  }
__scs_overlays_trampoline_lowered:
0x8: {  	[smem:$0x3F91] =	sst s0  }
0x9: {  	[smem:$0x3F92] =	sst s1  }
0xa: {  	[smem:$0x3F93] =	sst s2  }
0xb: {  	[smem:$0x3F94] =	sst s3  }
0xc: {  	[smem:$0x3F95] =	sst s4  }
0xd: {  	[smem:$0x3F96] =	sst s5  }
0xe: {  	[smem:$0x3F97] =	sst s6  }
0xf: {  	[smem:$0x3F98] =	sst s7  }
0x10: {  	[smem:$0x3F99] =	sst s8  }
0x11: {  	[smem:$0x3F9A] =	sst s9;
	s0 =	simm.s32 @!p0 $0x0  }
0x12: {  	s1 =	sld [smem:$0x3F80];
	s0 =	simm.s32 @p0 $0x1  }
0x13: {  	[smem:$0x3F9B] =	sst s0;
	s0 =	simm.s32 @!p1 $0x0  }
0x14: {  	s2 =	sld [smem:$0x3F7F];
	s0 =	simm.s32 @p1 $0x1  }
0x15: {  	[smem:$0x3F9C] =	sst s0;
	s0 =	simm.s32 @!p2 $0x0  }
0x16: {  	s3 =	sld [smem:$0x3FDB];
	s0 =	simm.s32 @p2 $0x1  }
0x17: {  	s4 =	simm.s32 $0x1BF5;
	[smem:$0x3F9E] =	sst s0  }
0x18: {  	s0 =	sld [smem:$0x3F81];
	_ =	swait.ge [sflag:s4], $0x0  }
0x19: {  	s7 =	sld [smem:$0x3F82]  }
0x1a: {  	s8 =	sadd.s32 $0xFFFFE003, lr  }
0x1b: {  	s9 =	sadd.s32 $0xFFFFFEF7, lr;
	s5 =	simm.s32 $0xFFFFFFFF;
	p2 =	slt.u32 s8, $0xFFFFF086  }
0x1c: {  	p1 =	slt.u32 s9, $0xF7A;
	s5 =	simm.s32 @!p2 $0x0  }
0x1d: {  	s5 =	simm.s32 @p1 $0x1;
	p0 =	seq.s32 s7, s2  }
0x1e: {  	s7 =	smul.u32 @!p0 $0xF7A, s2;
	p2 =	seq.s32 @!p0 s5, $0x0  }
0x1f: {  	s9 =	smul.u32 $0xF7A, s1;
	s8 =	simm.s32 @!p0 $0x1BF5;
	p2 =	por !p2, p0  }
0x20: {  	[sflag:s8] =	ssyncset.s32 @!p0 $0xFFFFF086;
	s6 =	sadd.s32 @!p0 s3, s7;
	s7 =	simm.s32 @!p0 $0x108  }
0x21: {  	s3 =	sadd.s32 s3, s9;
	s6 =	sadd.s32 @!p0 $0x88, s6;
	s7 =	simm.s32 @p2 $0x1082  }
0x22: {  	[simem:s7], [sflag:s8] =	dma.local @!p0 [hbm:s6], $0xF7A  }
0x23: {  	s9 =	sor.u32 $0xD0000000, s2;
	s6 =	simm.s32 $0x108;
	_ =	swait.ge @!p0 [sflag:s8], $0x0  }
0x24: {  	s3 =	sadd.s32 $0x88, s3;
	s6 =	simm.s32 @!p1 $0x1082;
	[sflag:s4] =	ssyncset.s32 $0xFFFFF086  }
0x25: {  	[simem:s6], [sflag:s4] =	dma.local [hbm:s3], $0xF7A  }
0x26: {  	[smem:$0x3F82] =	sst s1;
	(tag) =	ssettag s2;
	_ =	strace s9  }
0x27: {  	s1 =	sld [smem:$0x3F92]  }
0x28: {  	s2 =	sld [smem:$0x3F93]  }
0x29: {  	s4 =	sld [smem:$0x3F95]  }
0x2a: {  	p0 =	seq.s32 s5, $0x0;
	s5 =	sld [smem:$0x3F96]  }
0x2b: {  	s6 =	sld [smem:$0x3F97]  }
0x2c: {  	s7 =	sld [smem:$0x3F98]  }
0x2d: {  	s3 =	simm.s32 $0x108;
	s8 =	sld [smem:$0x3F99]  }
0x2e: {  	s3 =	simm.s32 @!p0 $0x1082;
	s9 =	sld [smem:$0x3F9A]  }
0x2f: {  	lr =	sadd.s32 s0, s3;
	s0 =	sld [smem:$0x3F91]  }
0x30: {  	s3 =	sld [smem:$0x3F94]  }
0x31: {  	[smem:$0x3F9D] =	sst s10  }
0x32: {  	s10 =	sld [smem:$0x3F9B];
	_ =	sdelay $0x3  }
0x33: {  	p0 =	seq.s32 s10, $0x1;
	s10 =	sld [smem:$0x3F9D];
	_ =	sdelay $0x3  }
0x34: {  	[smem:$0x3F9D] =	sst s10  }
0x35: {  	s10 =	sld [smem:$0x3F9C];
	_ =	sdelay $0x3  }
0x36: {  	p1 =	seq.s32 s10, $0x1;
	s10 =	sld [smem:$0x3F9D];
	_ =	sdelay $0x3  }
0x37: {  	[smem:$0x3F9D] =	sst s10  }
0x38: {  	s10 =	sld [smem:$0x3F9E]  }
0x39: {  	_ = 	snop;
	(pc) =	sbr.ind lr, $3  }
0x3a: {  	_ = 	snop  }
0x3b: {  	_ = 	snop  }
0x3c: {  	p2 =	seq.s32 s10, $0x1;
	s10 =	sld [smem:$0x3F9D]  }
0x3d: {  	_ =	shalt  }
0x3e: {  	_ =	shalt  }
0x3f: {  	_ =	shalt  }
0x40: {  	_ =	shalt  }
0x41: {  	_ =	shalt  }
0x42: {  	_ =	shalt  }
0x43: {  	_ =	shalt  }
0x44: {  	_ =	shalt  }
0x45: {  	_ =	shalt  }
0x46: {  	_ =	shalt  }
0x47: {  	_ =	shalt  }
0x48: {  	_ =	shalt  }
0x49: {  	_ =	shalt  }
0x4a: {  	_ =	shalt  }
0x4b: {  	_ =	shalt  }
0x4c: {  	_ =	shalt  }
0x4d: {  	_ =	shalt  }
0x4e: {  	_ =	shalt  }
0x4f: {  	_ =	shalt  }
0x50: {  	_ =	shalt  }
0x51: {  	_ =	shalt  }
0x52: {  	_ =	shalt  }
0x53: {  	_ =	shalt  }
0x54: {  	_ =	shalt  }
0x55: {  	_ =	shalt  }
0x56: {  	_ =	shalt  }
0x57: {  	_ =	shalt  }
0x58: {  	_ =	shalt  }
0x59: {  	_ =	shalt  }
0x5a: {  	_ =	shalt  }
0x5b: {  	_ =	shalt  }
0x5c: {  	_ =	shalt  }
0x5d: {  	_ =	shalt  }
0x5e: {  	_ =	shalt  }
0x5f: {  	_ =	shalt  }
0x60: {  	_ =	shalt  }
0x61: {  	_ =	shalt  }
0x62: {  	_ =	shalt  }
0x63: {  	_ =	shalt  }
0x64: {  	_ =	shalt  }
0x65: {  	_ =	shalt  }
0x66: {  	_ =	shalt  }
0x67: {  	_ =	shalt  }
0x68: {  	_ =	shalt  }
0x69: {  	_ =	shalt  }
0x6a: {  	_ =	shalt  }
0x6b: {  	_ =	shalt  }
0x6c: {  	_ =	shalt  }
0x6d: {  	_ =	shalt  }
0x6e: {  	_ =	shalt  }
0x6f: {  	_ =	shalt  }
0x70: {  	_ =	shalt  }
0x71: {  	_ =	shalt  }
0x72: {  	_ =	shalt  }
0x73: {  	_ =	shalt  }
0x74: {  	_ =	shalt  }
0x75: {  	_ =	shalt  }
0x76: {  	_ =	shalt  }
0x77: {  	_ =	shalt  }
0x78: {  	_ =	shalt  }
0x79: {  	_ =	shalt  }
0x7a: {  	_ =	shalt  }
0x7b: {  	_ =	shalt  }
0x7c: {  	_ =	shalt  }
0x7d: {  	_ =	shalt  }
0x7e: {  	_ =	shalt  }
0x7f: {  	_ =	shalt  }
0x80: {  	_ =	shalt  }
0x81: {  	_ =	shalt  }
0x82: {  	_ =	shalt  }
0x83: {  	_ =	shalt  }
0x84: {  	_ =	shalt  }
0x85: {  	_ =	shalt  }
0x86: {  	_ =	shalt  }
0x87: {  	_ =	shalt  }
.Lfunc_end0:
.L_simem_size_0:
called_computation.4_lowered:
.L_overlay_start_0:
0x88: {  	s2 =	sld [smem:$0x3FD9]  }
0x89: {  	s3 =	sld [smem:$0x3FFE];
	_ =	sdelay $0x1  }
0x8a: {  	s1 =	srdreg.scid  }
0x8b: {  	s0 =	sand.u32 $0x1, s1  }
0x8c: {  	s16 =	sshll.u32 s0, $0xA;
	s2 =	sadd.s32 s3, s2  }
0x8d: {  	s2 =	sadd.s32 s2, s16  }
0x8e: {  	[smem:$0x3FA9] =	sst s2  }
0x8f: {  	_ = 	snop  }
0x90: {  	(tm) =	ssettm $0x1  }
0x91: {  	s17 =	sld [smem:$0x3FFB];
	_ =	sdelay $0x3  }
0x92: {  	_ =	strace s17  }
0x93: {  	s2 =	sld [smem:$0x3FFC];
	_ =	sdelay $0x3  }
0x94: {  	_ =	strace s2  }
0x95: {  	s2 =	sld [smem:$0x3FFD];
	_ =	sdelay $0x3  }
0x96: {  	_ =	strace s2  }
0x97: {  	_ =	strace $0x8FFFFFFF  }
0x98: {  	s18 =	sld [smem:$0x3FDB];
	_ =	sdelay $0x1  }
0x99: {  	s19 =	simm.s32 $_scs_section_size  }
0x9a: {  	s4 =	simm.s32 $_size__tile_overlayer_lowered;
	s5 =	simm.s32 $_tile_overlayer_lowered  }
0x9b: {  	s22 =	simm.s32 $0x1BFF;
	s21 =	sshll.u32 s5, $0x1;
	s2 =	sadd.s32 s19, s18  }
0x9c: {  	s6 =	simm.s32 $0x0;
	s20 =	sshll.u32 s4, $0x1;
	s4 =	sadd.s32 s21, s2  }
0x9d: {  	[timem:s6], [sflag:s22] =	dma.local [hbm:s4], s20  }
0x9e: {  	_ =	swait.ge [sflag:s22], s20  }
0x9f: {  	s3 =	ssub.s32 $0x0, s20;
	[sflag:s22] =	ssyncset.done $0x0  }
0xa0: {  	[sflag:s22] =	ssyncadd.s32 s3;
	_ =	sdelay $0x1  }
0xa1: {  	s23 =	simm.s32 $0x1B8B  }
0xa2: {  	_ =	swait.ge [sflag:s23], $0x1  }
0xa3: {  	[sflag:s23] =	ssyncset.done $0x0  }
0xa4: {  	s25 =	simm.s32 $0x1B8E;
	s24 =	sld [smem:$0x3FFE];
	[sflag:s23] =	ssyncadd.s32 $0xFFFFFFFF  }
0xa5: {  	s26 =	simm.s32 $execute0_lowered;
	[smem:$0x3FD2] =	sst s25  }
0xa6: {  	s4 =	sshll.u32 s26, $0x1;
	_ =	strace $0x80000052;
	[dreg:$0x1] =	wrdreg $0xFFFFFFFF  }
0xa7: {  	s28 =	simm.s32 $_size_execute0_lowered;
	s2 =	sadd.s32 s2, s4;
	[dreg:$0x0] =	wrdreg $0x0  }
0xa8: {  	s4 =	sshll.u32 s28, $0x1;
	[dreg:$0x2] =	wrdreg s2  }
0xa9: {  	[dreg:$0x3] =	wrdreg s4  }
0xaa: {  	[dreg:$0x4] =	wrdreg $0xC0  }
0xab: {  	_ =	task [dreg:s6], $0x5FFFF  }
0xac: {  	[dreg:$0x1] =	wrdreg $0xFFFFFFFF  }
0xad: {  	[dreg:$0x0] =	wrdreg $0x60  }
0xae: {  	[dreg:$0x2] =	wrdreg s24  }
0xaf: {  	[dreg:$0x3] =	wrdreg $0x90000  }
0xb0: {  	[dreg:$0x4] =	wrdreg $0x9  }
0xb1: {  	_ =	task.clear_ibuf [dreg:s6], $0x5FFFF;
	_ =	strace $0x90000052  }
0xb2: {  	s29 =	simm.s32 $0x9;
	_ =	strace $0x80000054  }
0xb3: {  	_ =	swait.ge [sflag:s29], $0x1  }
0xb4: {  	[sflag:s29] =	ssyncadd.s32 $0xFFFFFFFF  }
0xb5: {  	_ =	strace $0x90000054  }
0xb6: {  	_ =	sfence  }
0xb7: {  	s30 =	sld [smem:$0x0];
	_ =	sdelay $0x2  }
0xb8: {  	s31 =	sshll.u32 s1, $0xD;
	s1 =	sshrl.u32 s1, $0x2  }
0xb9: {  	s3 =	sand.u32 $0x4000, s31;
	s1 =	sadd.s32 s1, s30  }
0xba: {  	s0 =	sor.u32 s3, s0;
	s1 =	sshll.u32 s1, $0x11  }
0xbb: {  	s0 =	sor.u32 s1, s0  }
0xbc: {  	s0 =	sadd.s32 $0x8F2B, s0  }
0xbd: {  	[sflag:s0] =	ssyncadd.remote.s32 $0x1  }
0xbe: {  	_ =	sfence.sel $0xFFFF  }
0xbf: {  	[dreg:$0x0] =	wrdreg $0xFFFFFFFF;
	(pc) =	sbr.abs _section_cstart, $3  }
0xc0: {  	[dreg:$0x1] =	wrdreg $0xFFFFFFFF  }
0xc1: {  	_ =	task.clear_ibuf [dreg:s6], $0x2FFFF;
	_ =	strace $0x9FFFFFFF  }
0xc2: {  	(tm) =	ssettm $0x7FFFFFFF  }
0xc3: {  	_ =	shalt  }
tec
execute0_lowered:
.L_overlay_start_1:
0x0: {  	(tag) =	ssettag $0x1  }
0x1: {  	s0 =	rddreg [dreg:$0x0]  }
0x2: {  	s1 =	rddreg [dreg:$0x1];
	s2 =	simm.s32 $0x0;
	s17 =	srdreg.scid  }
0x3: {  	s11 =	stileid.u32;
	s28 =	simm.s32 $0x80;
	s29 =	simm.s32 $0x3000  }
0x4: {  	s30 =	simm.s32 $0x100;
	s31 =	simm.s32 $0x5000;
	[smem:$0x7FF] =	sst s2  }
0x5: {  	s2 =	sand.u32 $0x1, s17;
	s3 =	smul.u32 $0x50000, s11;
	s4 =	sadd.s32 $0x8A00, s0  }
0x6: {  	s5 =	sadd.s32 $0x92C00, s0;
	s6 =	sadd.s32 $0x7EC00, s0;
	s7 =	ssub.s32 $0x2, s2  }
0x7: {  	s23 =	smul.u32 $0x13800, s11;
	s8 =	sshrl.u32 s7, $0x1;
	s3 =	sshrl.u32 s3, $0x2  }
0x8: {  	s16 =	smul.u32 $0xA000, s11;
	s8 =	ssub.s32 s7, s8;
	s7 =	sadd.s32 s3, s1  }
0x9: {  	s0 =	sadd.s32 $0xBAC00, s0;
	s24 =	smul.u32 $0x4E000, s11;
	s3 =	sadd.s32 $0x2000, s7  }
0xa: {  	_ =	strace $0x80000053;
	s18 =	sadd.s32 $0x4000, s7;
	[dreg:$0x3] =	wrdreg s3  }
0xb: {  	p0 =	seq.s32 s11, $0xF;
	s9 =	sadd.s32 $0x6000, s7;
	[dreg:$0x4] =	wrdreg s18  }
0xc: {  	s19 =	smul.u32 $0xA0000, s2;
	s20 =	sadd.s32 $0x8000, s7;
	[dreg:$0x5] =	wrdreg s9  }
0xd: {  	s2 =	smul.u32 $0x138800, s2;
	s21 =	sadd.s32 $0xA000, s7;
	[dreg:$0x6] =	wrdreg s20  }
0xe: {  	s26 =	sshrl.u32 s24, $0x2;
	s22 =	sadd.s32 $0xC000, s7;
	[dreg:$0x7] =	wrdreg s21  }
0xf: {  	s10 =	sadd.s32 $0xE000, s7;
	s15 =	sadd.s32 $0x10000, s7;
	[dreg:$0x8] =	wrdreg s22  }
0x10: {  	s17 =	sadd.s32 $0x12000, s7;
	[dreg:$0x9] =	wrdreg s10;
	s9 =	sadd.s32 s23, s2  }
0x11: {  	s18 =	sadd.s32 s19, s16;
	s2 =	sshrl.u32 s2, $0x3;
	s21 =	smax.u32 s8, $0x1  }
0x12: {  	s22 =	simm.s32 $0x1000;
	s23 =	simm.s32 $0x5;
	s25 =	sshrl.u32 s9, $0x3  }
0x13: {  	s19 =	sadd.s32 s0, s25;
	s0 =	sadd.s32 s0, s2;
	s2 =	sadd.s32 s26, s1  }
0x14: {  	s26 =	simm.s32 $0x40;
	s20 =	sadd.s32 $0x24900, s0;
	s0 =	sadd.s32 $0x124800, s1  }
0x15: {  	v0 =	vimm.f32 $0.0e+00;
	s25 =	sshrl.u32 @!p0 s2, $0x3;
	s24 =	sshrl.u32 @p0 s0, $0x3;
	s0 =	simm.s32 $0x0  }
.LBB2_1:
0x16: {  	s3 =	simm.s32 $0x0  }
0x17: {  	s2 =	sand.u32 $0x7E00, s3  }
0x18: {  	s3 =	sand.u32 $0x70, s3;
	s8 =	sshrl.u32 s2, $0x2  }
0x19: {  	s2 =	simm.s32 $0x40;
	s8 =	sor.u32 s3, s8;
	s3 =	simm.s32 $0x0  }
.LBB2_2:
0x1a: {  	p1 =	sne.s32 s2, $0x7FC0  }
0x1b: {  	[tilespmem:s8+$0x1000] =	vst v0;
	s3 =	sadd.s32 $0x10, s3;
	s8 =	smov.u32 s2;
	s2 =	sadd.s32 $0x40, s2  }
.Ltmp0:
0x1c: {  	(pc) =	sbr.rel @p1 .LBB2_2-.Ltmp0, $4  }
0x1d: {  	_ = 	snop  }
0x1e: {  	s8 =	sand.u32 $0x7E00, s8  }
0x1f: {  	s9 =	sand.u32 $0x70, s3;
	s8 =	sshrl.u32 s8, $0x2  }
0x20: {  	s8 =	sor.u32 s9, s8  }
0x21: {  	[tilespmem:s8+$0x1000] =	vst v0  }
0x22: {  	[spmem:s7] =	stream.linear.scatter [tilespmem:s22], [sflag:$0x5], $0x2000, $0x38;
	[tilespmem:$0x1D000] =	vst v63  }
0x23: {  	_ =	swait.ge [sflag:s23], $0x2000  }
0x24: {  	[sflag:s23] =	ssyncset.done $0x0  }
0x25: {  	s2 =	rddreg [dreg:$0x3];
	[sflag:s23] =	ssyncadd.s32 $0xFFFFE000  }
0x26: {  	[spmem:s2] =	stream.linear.scatter [tilespmem:s22], [sflag:$0x5], $0x2000, $0x38;
	[tilespmem:$0x1D000] =	vst v63  }
0x27: {  	_ =	swait.ge [sflag:s23], $0x2000  }
0x28: {  	[sflag:s23] =	ssyncset.done $0x0  }
0x29: {  	s9 =	rddreg [dreg:$0x4];
	[sflag:s23] =	ssyncadd.s32 $0xFFFFE000  }
0x2a: {  	[spmem:s9] =	stream.linear.scatter [tilespmem:s22], [sflag:$0x5], $0x2000, $0x38;
	[tilespmem:$0x1D000] =	vst v63  }
0x2b: {  	_ =	swait.ge [sflag:s23], $0x2000  }
0x2c: {  	[sflag:s23] =	ssyncset.done $0x0  }
0x2d: {  	s10 =	rddreg [dreg:$0x5];
	[sflag:s23] =	ssyncadd.s32 $0xFFFFE000  }
0x2e: {  	[spmem:s10] =	stream.linear.scatter [tilespmem:s22], [sflag:$0x5], $0x2000, $0x38;
	[tilespmem:$0x1D000] =	vst v63  }
0x2f: {  	_ =	swait.ge [sflag:s23], $0x2000  }
0x30: {  	[sflag:s23] =	ssyncset.done $0x0  }
0x31: {  	s11 =	rddreg [dreg:$0x6];
	[sflag:s23] =	ssyncadd.s32 $0xFFFFE000  }
0x32: {  	[spmem:s11] =	stream.linear.scatter [tilespmem:s22], [sflag:$0x5], $0x2000, $0x38;
	[tilespmem:$0x1D000] =	vst v63  }
0x33: {  	_ =	swait.ge [sflag:s23], $0x2000  }
0x34: {  	[sflag:s23] =	ssyncset.done $0x0  }
0x35: {  	s12 =	rddreg [dreg:$0x7];
	[sflag:s23] =	ssyncadd.s32 $0xFFFFE000  }
0x36: {  	[spmem:s12] =	stream.linear.scatter [tilespmem:s22], [sflag:$0x5], $0x2000, $0x38;
	[tilespmem:$0x1D000] =	vst v63  }
0x37: {  	_ =	swait.ge [sflag:s23], $0x2000  }
0x38: {  	[sflag:s23] =	ssyncset.done $0x0  }
0x39: {  	s13 =	rddreg [dreg:$0x8];
	[sflag:s23] =	ssyncadd.s32 $0xFFFFE000  }
0x3a: {  	[spmem:s13] =	stream.linear.scatter [tilespmem:s22], [sflag:$0x5], $0x2000, $0x38;
	[tilespmem:$0x1D000] =	vst v63  }
0x3b: {  	_ =	swait.ge [sflag:s23], $0x2000  }
0x3c: {  	[sflag:s23] =	ssyncset.done $0x0  }
0x3d: {  	s14 =	rddreg [dreg:$0x9];
	[sflag:s23] =	ssyncadd.s32 $0xFFFFE000  }
0x3e: {  	[spmem:s14] =	stream.linear.scatter [tilespmem:s22], [sflag:$0x5], $0x2000, $0x38;
	[tilespmem:$0x1D000] =	vst v63  }
0x3f: {  	_ =	swait.ge [sflag:s23], $0x2000  }
0x40: {  	[sflag:s23] =	ssyncset.done $0x0  }
0x41: {  	[sflag:s23] =	ssyncadd.s32 $0xFFFFE000  }
0x42: {  	[spmem:s15] =	stream.linear.scatter [tilespmem:s22], [sflag:$0x5], $0x2000, $0x38;
	[tilespmem:$0x1D000] =	vst v63  }
0x43: {  	_ =	swait.ge [sflag:s23], $0x2000  }
0x44: {  	[sflag:s23] =	ssyncset.done $0x0  }
0x45: {  	[sflag:s23] =	ssyncadd.s32 $0xFFFFE000  }
0x46: {  	[spmem:s17] =	stream.linear.scatter [tilespmem:s22], [sflag:$0x5], $0x2000, $0x38;
	[tilespmem:$0x1D000] =	vst v63  }
0x47: {  	_ =	swait.ge [sflag:s23], $0x2000  }
0x48: {  	[sflag:s23] =	ssyncset.done $0x0  }
0x49: {  	[sflag:s23] =	ssyncadd.s32 $0xFFFFE000  }
0x4a: {  	s3 =	simm.s32 $0x0;
	s2 =	simm.s32 $0x0;
	[bflag:$0x0] =	sbarrier.arrive $0xFFFF  }
.LBB2_4:
0x4b: {  	s8 =	sshll.u32 s3, $0xB  }
0x4c: {  	s9 =	sadd.s32 s18, s8  }
0x4d: {  	s9 =	sshrl.u32 s9, $0x3  }
0x4e: {  	s9 =	sadd.s32 s5, s9  }
0x4f: {  	[tilespmem:s2], [sflag:$0x5] =	stream.linear.gather [hbm4b:s9+s2], $0x800, $0x38;
	[tilespmem:$0x1D000] =	vst v63  }
0x50: {  	s8 =	sadd.s32 s16, s8;
	_ =	swait.ge [sflag:s23], $0x800  }
0x51: {  	s8 =	sshrl.u32 s8, $0x3;
	[sflag:s23] =	ssyncset.done $0x0  }
0x52: {  	s14 =	sadd.s32 s6, s8;
	s8 =	simm.s32 $0x800;
	[sflag:s23] =	ssyncadd.s32 $0xFFFFF800  }
0x53: {  	[tilespmem:s8], [sflag:$0x5] =	stream.linear.gather [hbm4b:s14+s2], $0x800, $0x38;
	[tilespmem:$0x1D000] =	vst v63  }
0x54: {  	_ =	swait.ge [sflag:s23], $0x800  }
0x55: {  	[sflag:s23] =	ssyncset.done $0x0  }
0x56: {  	[sflag:s23] =	ssyncadd.s32 $0xFFFFF800  }
0x57: {  	[tilespmem:s22], [sflag:$0x1] =	stream.indirect.gather [hbm4b:s4+s26], $0x80, s2, s26, $0xb8;
	[tilespmem:$0x1D000] =	vst v63  }
0x58: {  	_ = 	snop  }
0x59: {  	[tilespmem:s29], [sflag:$0x2] =	stream.indirect.gather [hbm4b:s4+s26], $0x80, s28, s26, $0xb8;
	[tilespmem:$0x1D000] =	vst v63  }
0x5a: {  	s10 =	simm.s32 $0x0;
	s9 =	simm.s32 $0x180  }
0x5b: {  	[tilespmem:s31], [sflag:$0x3] =	stream.indirect.gather [hbm4b:s4+s26], $0x80, s30, s26, $0xb8;
	[tilespmem:$0x1D000] =	vst v63  }
.LBB2_5:
0x5c: {  	s11 =	sand.u32 $0x3, s10  }
0x5d: {  	p1 =	sgt.s32 s11, $0x1  }
0x5e: {  	p3 =	seq.s32 @p1 s11, $0x2  }
0x5f: {  	p2 =	por !p3, !p1  }
0x60: {  	p4 =	sgt.u32 @!p2 s10, $0xC;
	s12 =	simm.s32 @!p2 $0x3  }
0x61: {  	_ =	swait.ge @!p2 [sflag:s12], $0x2000;
	p4 =	por @p1 p4, !p3  }
0x62: {  	[sflag:s12] =	ssyncset.done @!p2 $0x0;
	p4 =	por p4, !p1  }
0x63: {  	[sflag:s12] =	ssyncadd.s32 @!p2 $0xFFFFE000;
	s12 =	simm.s32 @!p4 $0x40;
	s13 =	simm.s32 @!p4 $0x3000  }
0x64: {  	[tilespmem:s13], [sflag:$0x2] =	stream.indirect.gather @!p4 [hbm4b:s4+s12], $0x80, s9, s12, $0xb8;
	[tilespmem:$0x1D000] =	vst v63  }
0x65: {  	s12 =	simm.s32 @!p2 $0x40;
	s13 =	simm.s32 @!p2 $0x5000;
	p4 =	por p3, !p1  }
0x66: {  	[spmem:s1] =	stream.indirect.scatter.add.f32 @!p2 [tilespmem:s13], [sflag:$0x6], $0x80, s8, s12, $0xb8;
	[tilespmem:$0x1D000] =	vst v63  }
0x67: {  	p5 =	sgt.u32 @!p4 s10, $0xC;
	s12 =	simm.s32 @!p4 $0x4  }
0x68: {  	p3 =	por @p1 p5, p3;
	_ =	swait.ge @!p4 [sflag:s12], $0x2000  }
0x69: {  	p3 =	por p3, !p1;
	[sflag:s12] =	ssyncset.done @!p4 $0x0  }
0x6a: {  	s13 =	simm.s32 @!p3 $0x5000;
	[sflag:s12] =	ssyncadd.s32 @!p4 $0xFFFFE000;
	s12 =	simm.s32 @!p3 $0x40  }
0x6b: {  	[tilespmem:s13], [sflag:$0x3] =	stream.indirect.gather @!p3 [hbm4b:s4+s12], $0x80, s9, s12, $0xb8;
	[tilespmem:$0x1D000] =	vst v63  }
0x6c: {  	s12 =	simm.s32 @!p4 $0x40;
	s13 =	simm.s32 @!p4 $0x7000  }
0x6d: {  	[spmem:s1] =	stream.indirect.scatter.add.f32 @!p4 [tilespmem:s13], [sflag:$0x5], $0x80, s8, s12, $0xb8;
	[tilespmem:$0x1D000] =	vst v63  }
0x6e: {  	p4 =	seq.s32 @!p1 s11, $0x0  }
0x6f: {  	p3 =	por !p4, p1  }
0x70: {  	p5 =	sgt.u32 @!p3 s10, $0xC;
	s11 =	simm.s32 @!p3 $0x1  }
0x71: {  	_ =	swait.ge @!p3 [sflag:s11], $0x2000;
	p5 =	por @!p1 p5, !p4  }
0x72: {  	[sflag:s11] =	ssyncset.done @!p3 $0x0;
	p5 =	por p5, p1  }
0x73: {  	[sflag:s11] =	ssyncadd.s32 @!p3 $0xFFFFE000;
	s11 =	simm.s32 @!p5 $0x40;
	s12 =	simm.s32 @!p5 $0x7000  }
0x74: {  	[tilespmem:s12], [sflag:$0x4] =	stream.indirect.gather @!p5 [hbm4b:s4+s11], $0x80, s9, s11, $0xb8;
	[tilespmem:$0x1D000] =	vst v63  }
0x75: {  	s11 =	simm.s32 @!p3 $0x40;
	s12 =	simm.s32 @!p3 $0x1000;
	p5 =	por p4, p1  }
0x76: {  	[spmem:s1] =	stream.indirect.scatter.add.f32 @!p3 [tilespmem:s12], [sflag:$0x6], $0x80, s8, s11, $0xb8;
	[tilespmem:$0x1D000] =	vst v63  }
0x77: {  	p6 =	sgt.u32 @!p5 s10, $0xC;
	s11 =	simm.s32 @!p5 $0x2  }
0x78: {  	p4 =	por @!p1 p6, p4;
	_ =	swait.ge @!p5 [sflag:s11], $0x2000  }
0x79: {  	p4 =	por p4, p1;
	[sflag:s11] =	ssyncset.done @!p5 $0x0  }
0x7a: {  	s13 =	simm.s32 @!p4 $0x1000;
	[sflag:s11] =	ssyncadd.s32 @!p5 $0xFFFFE000;
	s11 =	simm.s32 @!p4 $0x40  }
0x7b: {  	[tilespmem:s13], [sflag:$0x1] =	stream.indirect.gather @!p4 [hbm4b:s4+s11], $0x80, s9, s11, $0xb8;
	[tilespmem:$0x1D000] =	vst v63  }
0x7c: {  	s12 =	simm.s32 @!p2 $0x6;
	s11 =	simm.s32 @!p3 $0x6  }
0x7d: {  	s10 =	sadd.s32 $0x1, s10;
	s12 =	simm.s32 @p2 $0x5;
	s11 =	simm.s32 @p3 $0x6  }
0x7e: {  	s11 =	smov.u32 @p1 s12;
	p1 =	sne.s32 s10, $0x10  }
.Ltmp1:
0x7f: {  	s14 =	simm.s32 @!p5 $0x3000;
	s13 =	simm.s32 @!p5 $0x40;
	(pc) =	sbr.rel @p1 .LBB2_5-.Ltmp1, $4  }
0x80: {  	[spmem:s1] =	stream.indirect.scatter.add.f32 @!p5 [tilespmem:s14], [sflag:$0x6], $0x80, s8, s13, $0xb8;
	[tilespmem:$0x1D000] =	vst v63  }
0x81: {  	_ =	swait.ge [sflag:s11], $0x2000  }
0x82: {  	[sflag:s11] =	ssyncset.done $0x0  }
0x83: {  	s9 =	sadd.s32 $0x80, s9;
	s8 =	sadd.s32 $0x80, s8;
	[sflag:s11] =	ssyncadd.s32 $0xFFFFE000  }
0x84: {  	s3 =	sadd.s32 $0x1, s3  }
0x85: {  	p1 =	sne.s32 s3, $0x14  }
.Ltmp2:
0x86: {  	_ = 	snop;
	(pc) =	sbr.rel @p1 .LBB2_4-.Ltmp2, $1  }
0x87: {  	_ =	sdelay $0x3  }
0x88: {  	[bflag:$0x0] =	sbarrier.arrive $0xFFFF;
	s2 =	simm.s32 @p0 $0x1FC5  }
0x89: {  	[hbm:s20], [sflag:s2] =	dma.local @p0 [spmem:s24], $0x2800  }
0x8a: {  	s2 =	simm.s32 @p0 $0x5  }
0x8b: {  	s3 =	stileid.u32;
	_ =	swait.ge @p0 [sflag:s2], $0x2800  }
0x8c: {  	s0 =	sadd.s32 $0x1, s0;
	s3 =	sshll.u32 @!p0 s3, $0x6;
	[sflag:s2] =	ssyncset.done @p0 $0x0  }
0x8d: {  	p1 =	sne.s32 s0, s21;
	[sflag:s2] =	ssyncadd.s32 @p0 $0xFFFFD800;
	s2 =	sor.u32 @!p0 $0x1C05, s3  }
0x8e: {  	[hbm:s19], [sflag:s2] =	dma.local @!p0 [spmem:s25], $0x2700  }
.Ltmp3:
0x8f: {  	_ = 	snop;
	(pc) =	sbr.rel @p1 .LBB2_1-.Ltmp3, $4  }
0x90: {  	s2 =	simm.s32 @!p0 $0x5  }
0x91: {  	_ =	swait.ge @!p0 [sflag:s2], $0x2700  }
0x92: {  	[sflag:s2] =	ssyncset.done @!p0 $0x0  }
0x93: {  	[sflag:s2] =	ssyncadd.s32 @!p0 $0xFFFFD900  }
0x94: {  	_ =	sfence.sel $0x180000  }
0x95: {  	[bflag:$0x0] =	sbarrier.arrive $0xFFFF  }
0x96: {  	_ =	strace $0x90000053  }
0x97: {  	s0 =	stileid.u32;
	[bflag:$0x2] =	sbarrier.arrive $0xFFFF  }
0x98: {  	p0 =	sne.s32 s0, $0x0;
	s0 =	rddreg [dreg:$0x2]  }
0x99: {  	s0 =	sadd.s32 @!p0 $0x100000, s0  }
0x9a: {  	[sflag:s0] =	ssyncadd.tile.s32 @!p0 $0x1;
	_ =	shalt  }
.Lfunc_end2:
_tile_overlayer_lowered:
.L_overlay_start_2:
0x9b: {  	(tag) =	ssettag $0x2  }
0x9c: {  	s0 =	rddreg [dreg:$0x0];
	s2 =	stileid.u32  }
0x9d: {  	s1 =	rddreg [dreg:$0x1];
	p0 =	sne.s32 s2, $0x0  }
0x9e: {  	s3 =	rddreg [dreg:$0x2];
	[bflag:$0x3] =	sbarrier.arrive $0xFFFF;
	s2 =	simm.s32 @!p0 $0x1C05  }
0x9f: {  	[timem:s3], [sflag:s2] =	dma.local @!p0 [hbm:s0], s1  }
0xa0: {  	s0 =	simm.s32 @!p0 $0x5  }
0xa1: {  	_ =	swait.ge @!p0 [sflag:s0], s1  }
0xa2: {  	s1 =	ssub.s32 @!p0 $0x0, s1;
	[sflag:s0] =	ssyncset.done @!p0 $0x0  }
0xa3: {  	[sflag:s0] =	ssyncadd.s32 @!p0 s1  }
0xa4: {  	[bflag:$0x3] =	sbarrier.arrive $0xFFFF  }
0xa5: {  	_ =	shalt  }

</sc_bundles>
